<compile_context>
chip_gen: v7x
topology: tpu7x:2x2x1
jax: 0.10.2.dev20260603
libtpu: 0.0.44.dev20260713+nightly
codegen_flags: <defaults>
</compile_context>

<pallas_src>
import jax
import jax.numpy as jnp
from jax import lax
from jax.experimental import pallas as pl
from jax.experimental.pallas import tpu as pltpu
from jax.experimental.pallas import tpu_sc as plsc

N = 10000
E = 160000
B = 128
DT = 128
DF = 256
H = 256
OUT = 256
NC = 10

NSUB = 16
LANES = 16
D2 = 128
NP_ = 10240
CK = 128
NCH = 80
EP = NSUB * NCH * CK
STRIPE = NP_ // NSUB
NBUF = 2
CPS1 = 40
NST1 = NCH // CPS1
S0 = NST1
CPS2 = 40
NST2 = NCH // CPS2

_MESH = dict(core_axis_name="c", subcore_axis_name="s")


def _common_scratch(cps):
    return ([
        pltpu.VMEM((cps, CK), jnp.int32),
        pltpu.VMEM((cps, CK), jnp.int32),
    ] + [pltpu.VMEM((CK, D2), jnp.float32) for _ in range(NBUF)]
      + [pltpu.VMEM_SHARED((NP_, D2), jnp.float32)]
      + [pltpu.SemaphoreType.DMA for _ in range(NBUF)])


def _fill(ref, nrows, val):
    v16 = jnp.full((LANES,), val, jnp.float32)

    def row(i, c):
        for k in range(D2 // LANES):
            ref[i, pl.ds(k * LANES, LANES)] = v16
        return c
    lax.fori_loop(0, nrows, row, 0)


def _zero_acc(acc, zbuf, base):
    for k in range(STRIPE // CK):
        pltpu.sync_copy(zbuf, acc.at[pl.ds(base + k * CK, CK)])


def _scatter_pass(x_hbm, srcs_h, dsts_h, sid, src_v, dst_v, bufs, acc,
                  gsems, cps, s_lo, s_hi):
    for s in range(s_lo, s_hi):
        pltpu.sync_copy(srcs_h.at[sid, pl.ds(s * cps, cps)], src_v)
        pltpu.sync_copy(dsts_h.at[sid, pl.ds(s * cps, cps)], dst_v)
        pltpu.async_copy(x_hbm.at[src_v.at[0]], bufs[0], gsems[0])

        def pair(p, c):
            j0 = 2 * p
            j1 = j0 + 1
            pltpu.make_async_copy(x_hbm.at[src_v.at[j0]], bufs[0],
                                  gsems[0]).wait()
            pltpu.async_copy(x_hbm.at[src_v.at[j1]], bufs[1], gsems[1])
            pltpu.sync_copy(bufs[0], acc.at[dst_v.at[j0]], add=True)
            pltpu.make_async_copy(x_hbm.at[src_v.at[j1]], bufs[1],
                                  gsems[1]).wait()

            @pl.when(p + 1 < cps // 2)
            def _():
                pltpu.async_copy(x_hbm.at[src_v.at[j0 + 2]], bufs[0],
                                 gsems[0])
            pltpu.sync_copy(bufs[1], acc.at[dst_v.at[j1]], add=True)
            return c
        lax.fori_loop(0, cps // 2, pair, 0)


def _ones_pass(ones, dsts_h, sid, dst_v, acc, cps, s_lo, s_hi):
    for s in range(s_lo, s_hi):
        pltpu.sync_copy(dsts_h.at[sid, pl.ds(s * cps, cps)], dst_v)

        def chunk(j, c):
            pltpu.sync_copy(ones, acc.at[dst_v.at[j]], add=True)
            return c
        lax.fori_loop(0, cps, chunk, 0)


def _segsum_pass1(topo_p, srcs, dsts):
    out_type = [jax.ShapeDtypeStruct((NP_, D2), jnp.float32)] * 3

    def body(x_h, srcs_h, dsts_h, out0, out1, dg, src_v, dst_v,
             b0, b1, acc, g0, g1):
        bufs = (b0, b1)
        gsems = (g0, g1)
        cid = lax.axis_index("c")
        sid = lax.axis_index("s")
        base = sid * STRIPE

        def stripe_out(dst_h):
            pltpu.sync_copy(acc.at[pl.ds(base, STRIPE)],
                            dst_h.at[pl.ds(base, STRIPE)])

        @pl.when(cid == 0)
        def _():
            _fill(b0, CK, 0.0)
            _zero_acc(acc, b0, base)
            plsc.subcore_barrier()
            _scatter_pass(x_h, srcs_h, dsts_h, sid, src_v, dst_v, bufs, acc,
                          gsems, CPS1, 0, S0)
            plsc.subcore_barrier()
            stripe_out(out0)

        @pl.when(cid == 1)
        def _():
            _fill(b0, CK, 0.0)
            _fill(b1, CK, 1.0)
            _zero_acc(acc, b0, base)
            plsc.subcore_barrier()
            _ones_pass(b1, dsts_h, sid, dst_v, acc, CPS1, 0, NST1)
            plsc.subcore_barrier()
            stripe_out(dg)
            _zero_acc(acc, b0, base)
            plsc.subcore_barrier()
            _scatter_pass(x_h, srcs_h, dsts_h, sid, src_v, dst_v, bufs, acc,
                          gsems, CPS1, S0, NST1)
            plsc.subcore_barrier()
            stripe_out(out1)

    return pl.kernel(body, out_type=out_type,
                     mesh=plsc.VectorSubcoreMesh(**_MESH),
                     scratch_types=_common_scratch(CPS1))(topo_p, srcs, dsts)


def _make_segsum(n_aggs):
    out_type = [jax.ShapeDtypeStruct((NP_, D2), jnp.float32)
                for _ in range(2 * n_aggs)]

    def body(*refs):
        xs = refs[:2 * n_aggs]
        srcs_h = refs[2 * n_aggs]
        dsts_h = refs[2 * n_aggs + 1]
        outs = refs[2 * n_aggs + 2:4 * n_aggs + 2]
        src_v, dst_v, b0, b1, acc, g0, g1 = refs[4 * n_aggs + 2:]
        bufs = (b0, b1)
        gsems = (g0, g1)

        cid = lax.axis_index("c")
        sid = lax.axis_index("s")
        base = sid * STRIPE

        for a in range(n_aggs):
            if a > 0:
                plsc.subcore_barrier()
            _fill(b0, CK, 0.0)
            _zero_acc(acc, b0, base)
            plsc.subcore_barrier()

            @pl.when(cid == 0)
            def _(a=a):
                _scatter_pass(xs[2 * a], srcs_h, dsts_h, sid, src_v, dst_v,
                              bufs, acc, gsems, CPS2, 0, NST2)

            @pl.when(cid == 1)
            def _(a=a):
                _scatter_pass(xs[2 * a + 1], srcs_h, dsts_h, sid, src_v,
                              dst_v, bufs, acc, gsems, CPS2, 0, NST2)

            plsc.subcore_barrier()

            @pl.when(cid == 0)
            def _(a=a):
                pltpu.sync_copy(acc.at[pl.ds(base, STRIPE)],
                                outs[2 * a].at[pl.ds(base, STRIPE)])

            @pl.when(cid == 1)
            def _(a=a):
                pltpu.sync_copy(acc.at[pl.ds(base, STRIPE)],
                                outs[2 * a + 1].at[pl.ds(base, STRIPE)])

    return pl.kernel(body, out_type=out_type,
                     mesh=plsc.VectorSubcoreMesh(**_MESH),
                     scratch_types=_common_scratch(CPS2))


RB = 1024
NB = NP_ // RB

_row = lambda i: (i, 0)
_full = lambda i: (0, 0)


def _tc1(st0, st1, deg128, topo_p, feat_p, Ws1l, Ws1r, bs1):

    def body(ag0, ag1, dg, tp, ft, wl, wr, b1, h1L, h1R, y1L, y1R):
        deg0 = dg[:, 0:1]
        cnt = jnp.maximum(deg0, 1.0)
        mean = (ag0[...] + ag1[...]) / cnt
        h1 = jnp.maximum(
            jnp.dot(mean, wl[...], preferred_element_type=jnp.float32)
            + jnp.dot(tp[...], wr[...], preferred_element_type=jnp.float32)
            + b1[...], 0.0)
        dinv = lax.rsqrt(deg0 + 1.0)
        y1 = ft[...] * dinv
        h1L[...] = h1[:, :H // 2]
        h1R[...] = h1[:, H // 2:]
        y1L[...] = y1[:, :DF // 2]
        y1R[...] = y1[:, DF // 2:]

    return pl.pallas_call(
        body,
        grid=(NB,),
        in_specs=[
            pl.BlockSpec((RB, D2), _row),
            pl.BlockSpec((RB, D2), _row),
            pl.BlockSpec((RB, D2), _row),
            pl.BlockSpec((RB, DT), _row),
            pl.BlockSpec((RB, DF), _row),
            pl.BlockSpec((DT, H), _full),
            pl.BlockSpec((DT, H), _full),
            pl.BlockSpec((1, H), _full),
        ],
        out_specs=[pl.BlockSpec((RB, 128), _row)] * 4,
        out_shape=[jax.ShapeDtypeStruct((NP_, 128), jnp.float32)] * 4,
    )(st0, st1, deg128, topo_p, feat_p, Ws1l, Ws1r, bs1.reshape(1, H))


def _tc2(sh1L, sh1R, sy1L, sy1R, h1L, h1R, y1L, y1R, deg128, batch2d,
         Ws2l, Ws2r, bs2, Wg1, bg1):

    def body(shL, shR, syL, syR, hL, hR, yL, yR, dg, bt, wl, wr, b2, wg, bg,
             y2L, y2R, xtp):
        i = pl.program_id(0)
        deg0 = dg[:, 0:1]
        cnt = jnp.maximum(deg0, 1.0)
        dinv = lax.rsqrt(deg0 + 1.0)
        sh1 = jnp.concatenate([shL[...], shR[...]], axis=1)
        h1 = jnp.concatenate([hL[...], hR[...]], axis=1)
        xt = (jnp.dot(sh1 / cnt, wl[...], preferred_element_type=jnp.float32)
              + jnp.dot(h1, wr[...], preferred_element_type=jnp.float32)
              + b2[...])
        p1 = jnp.concatenate([syL[...] + yL[...], syR[...] + yR[...]], axis=1)
        g1 = jnp.maximum(
            jnp.dot(dinv * p1, wg[...], preferred_element_type=jnp.float32)
            + bg[...], 0.0)
        y2 = g1 * dinv
        y2L[...] = y2[:, :H // 2]
        y2R[...] = y2[:, H // 2:]
        oh = (bt[...] == lax.broadcasted_iota(jnp.int32, (RB, B), 1))
        contrib = lax.dot_general(oh.astype(jnp.float32), xt,
                                  (((0,), (0,)), ((), ())),
                                  preferred_element_type=jnp.float32)

        @pl.when(i == 0)
        def _():
            xtp[...] = jnp.zeros((B, OUT), jnp.float32)
        xtp[...] += contrib

    return pl.pallas_call(
        body,
        grid=(NB,),
        in_specs=[pl.BlockSpec((RB, 128), _row)] * 8 + [
            pl.BlockSpec((RB, D2), _row),
            pl.BlockSpec((RB, 1), _row),
            pl.BlockSpec((H, OUT), _full),
            pl.BlockSpec((H, OUT), _full),
            pl.BlockSpec((1, OUT), _full),
            pl.BlockSpec((DF, H), _full),
            pl.BlockSpec((1, H), _full),
        ],
        out_specs=[pl.BlockSpec((RB, 128), _row),
                   pl.BlockSpec((RB, 128), _row),
                   pl.BlockSpec((B, OUT), _full)],
        out_shape=[jax.ShapeDtypeStruct((NP_, 128), jnp.float32),
                   jax.ShapeDtypeStruct((NP_, 128), jnp.float32),
                   jax.ShapeDtypeStruct((B, OUT), jnp.float32)],
    )(sh1L, sh1R, sy1L, sy1R, h1L, h1R, y1L, y1R, deg128, batch2d,
      Ws2l, Ws2r, bs2.reshape(1, OUT), Wg1, bg1.reshape(1, H))


def _tc3(sy2L, sy2R, y2L, y2R, deg128, batch2d, Wg2, bg2, xt_pool,
         Wat, bat, Waf, baf, Wq, bq, Wl1, bl1, Wl2, bl2):
    _rowc = lambda i: (jnp.minimum(i, NB - 1), 0)

    def body(sL, sR, yL, yR, dg, bt, wg, bg, xtp, wat, bat_, waf, baf_,
             wq, bq_, wl1, bl1_, wl2, bl2_, out, xfp):
        i = pl.program_id(0)

        @pl.when(i == 0)
        def _():
            xfp[...] = jnp.zeros((B, OUT), jnp.float32)

        @pl.when(i < NB)
        def _():
            deg0 = dg[:, 0:1]
            dinv = lax.rsqrt(deg0 + 1.0)
            p2 = jnp.concatenate([sL[...] + yL[...], sR[...] + yR[...]],
                                 axis=1)
            xf = (jnp.dot(dinv * p2, wg[...],
                          preferred_element_type=jnp.float32) + bg[...])
            oh = (bt[...] == lax.broadcasted_iota(jnp.int32, (RB, B), 1))
            xfp[...] += lax.dot_general(oh.astype(jnp.float32), xf,
                                        (((0,), (0,)), ((), ())),
                                        preferred_element_type=jnp.float32)

        @pl.when(i == NB)
        def _():
            xt = xtp[...]
            xf = xfp[...]
            at = jnp.tanh(xt @ wat[...] + bat_[...]) @ wq[...] + bq_[...]
            af = jnp.tanh(xf @ waf[...] + baf_[...]) @ wq[...] + bq_[...]
            et = jnp.exp(at)
            ef = jnp.exp(af)
            x = (et * xt + ef * xf) / (et + ef)
            x = jnp.maximum(x @ wl1[...] + bl1_[...], 0.0)
            out[...] = x @ wl2[...] + bl2_[...]

    return pl.pallas_call(
        body,
        grid=(NB + 1,),
        in_specs=[pl.BlockSpec((RB, 128), _rowc)] * 4 + [
            pl.BlockSpec((RB, D2), _rowc),
            pl.BlockSpec((RB, 1), _rowc),
            pl.BlockSpec((H, OUT), _full),
            pl.BlockSpec((1, OUT), _full),
            pl.BlockSpec((B, OUT), _full),
            pl.BlockSpec((OUT, 32), _full),
            pl.BlockSpec((1, 32), _full),
            pl.BlockSpec((OUT, 32), _full),
            pl.BlockSpec((1, 32), _full),
            pl.BlockSpec((32, 1), _full),
            pl.BlockSpec((1, 1), _full),
            pl.BlockSpec((OUT, 32), _full),
            pl.BlockSpec((1, 32), _full),
            pl.BlockSpec((32, NC), _full),
            pl.BlockSpec((1, NC), _full),
        ],
        out_specs=pl.BlockSpec((B, NC), _full),
        out_shape=jax.ShapeDtypeStruct((B, NC), jnp.float32),
        scratch_shapes=[pltpu.VMEM((B, OUT), jnp.float32)],
    )(sy2L, sy2R, y2L, y2R, deg128, batch2d, Wg2, bg2.reshape(1, OUT),
      xt_pool, Wat, bat.reshape(1, 32), Waf, baf.reshape(1, 32), Wq,
      bq.reshape(1, 1), Wl1, bl1.reshape(1, 32), Wl2, bl2.reshape(1, NC))


def kernel(feat, topo, edge_index, batch, Ws1l, Ws1r, bs1, Ws2l, Ws2r, bs2,
           Wg1, bg1, Wg2, bg2, Wat, bat, Waf, baf, Wq, bq, Wl1, bl1, Wl2, bl2):
    epad = jnp.pad(edge_index, ((0, 0), (0, EP - E)), constant_values=N)
    srcs = epad[0].reshape(NSUB, NCH, CK)
    dsts = epad[1].reshape(NSUB, NCH, CK)
    topo_p = jnp.pad(topo, ((0, NP_ - N), (0, 0)))
    feat_p = jnp.pad(feat, ((0, NP_ - N), (0, 0)))
    batch2d = jnp.pad(batch, (0, NP_ - N), constant_values=B).reshape(NP_, 1)

    st0, st1, deg128 = _segsum_pass1(topo_p, srcs, dsts)
    h1L, h1R, y1L, y1R = _tc1(st0, st1, deg128, topo_p, feat_p,
                              Ws1l, Ws1r, bs1)
    sh1L, sh1R, sy1L, sy1R = _make_segsum(2)(h1L, h1R, y1L, y1R, srcs, dsts)
    y2L, y2R, xt_pool = _tc2(sh1L, sh1R, sy1L, sy1R, h1L, h1R, y1L, y1R,
                             deg128, batch2d, Ws2l, Ws2r, bs2, Wg1, bg1)
    sy2L, sy2R = _make_segsum(1)(y2L, y2R, srcs, dsts)
    return _tc3(sy2L, sy2R, y2L, y2R, deg128, batch2d, Wg2, bg2, xt_pool,
                Wat, bat, Waf, baf, Wq, bq, Wl1, bl1, Wl2, bl2)

# --- scband reference (transcript-rebuilt; emitter-appended) ---
"""Pipeline reference for scband-net-83940840833070 (READ-ONLY COPY).

The authoritative reference and input builder live on the scoring server;
editing this copy changes nothing except your own understanding.
"""

import jax, jax.numpy as jnp
import numpy as np

N = 10000; E = 160000; B = 128
DT = 128; DF = 256; H = 256; OUT = 256; NC = 10

def _gcn(x, src, dst, W, b):
    sl = jnp.arange(N)
    s = jnp.concatenate([src, sl]); d = jnp.concatenate([dst, sl])
    deg = jnp.zeros((N,), x.dtype).at[d].add(1.0)
    dinv = jnp.where(deg > 0, deg ** -0.5, 0.0)
    norm = dinv[s] * dinv[d]
    xw = x @ W
    msg = xw[s] * norm[:, None]
    out = jnp.zeros((N, W.shape[1]), x.dtype).at[d].add(msg)
    return out + b

def _sage(x, src, dst, Wl, Wr, b):
    agg = jnp.zeros((N, x.shape[1]), x.dtype).at[dst].add(x[src])
    cnt = jnp.zeros((N,), x.dtype).at[dst].add(1.0)
    mean = agg / jnp.clip(cnt, 1.0)[:, None]
    return mean @ Wl + x @ Wr + b

def _pool(x, batch):
    return jax.ops.segment_sum(x, batch, num_segments=B)

def setup_inputs(seed: int = 0):
    key = jax.random.key(seed)
    ks = jax.random.split(key, 30)
    sc = 0.05
    d = {}
    d['feat'] = jax.random.normal(ks[0], (N, DF), jnp.float32)
    d['topo'] = jax.random.normal(ks[1], (N, DT), jnp.float32)
    d['edge_index'] = jax.random.randint(ks[2], (2, E), 0, N, dtype=jnp.int32)
    d['batch'] = jnp.sort(jax.random.randint(ks[3], (N,), 0, B, dtype=jnp.int32))
    d['Ws1l'] = jax.random.normal(ks[4], (DT, H)) * sc
    d['Ws1r'] = jax.random.normal(ks[5], (DT, H)) * sc
    d['bs1'] = jnp.zeros((H,))
    d['Ws2l'] = jax.random.normal(ks[6], (H, OUT)) * sc
    d['Ws2r'] = jax.random.normal(ks[7], (H, OUT)) * sc
    d['bs2'] = jnp.zeros((OUT,))
    d['Wg1'] = jax.random.normal(ks[8], (DF, H)) * sc
    d['bg1'] = jnp.zeros((H,))
    d['Wg2'] = jax.random.normal(ks[9], (H, OUT)) * sc
    d['bg2'] = jnp.zeros((OUT,))
    d['Wat'] = jax.random.normal(ks[10], (OUT, 32)) * sc
    d['bat'] = jnp.zeros((32,))
    d['Waf'] = jax.random.normal(ks[11], (OUT, 32)) * sc
    d['baf'] = jnp.zeros((32,))
    d['Wq'] = jax.random.normal(ks[12], (32, 1)) * sc
    d['bq'] = jnp.zeros((1,))
    d['Wl1'] = jax.random.normal(ks[13], (OUT, 32)) * sc
    d['bl1'] = jnp.zeros((32,))
    d['Wl2'] = jax.random.normal(ks[14], (32, NC)) * sc
    d['bl2'] = jnp.zeros((NC,))
    return d

def reference(feat, topo, edge_index, batch, Ws1l, Ws1r, bs1, Ws2l, Ws2r, bs2, Wg1, bg1, Wg2, bg2, Wat, bat, Waf, baf, Wq, bq, Wl1, bl1, Wl2, bl2):
    src, dst = edge_index[0], edge_index[1]
    xt = jax.nn.relu(_sage(topo, src, dst, Ws1l, Ws1r, bs1))
    xt = _sage(xt, src, dst, Ws2l, Ws2r, bs2)
    xt = _pool(xt, batch)
    xf = jax.nn.relu(_gcn(feat, src, dst, Wg1, bg1))
    xf = _gcn(xf, src, dst, Wg2, bg2)
    xf = _pool(xf, batch)
    att_t = jnp.tanh(xt @ Wat + bat) @ Wq + bq
    att_f = jnp.tanh(xf @ Waf + baf) @ Wq + bq
    et = jnp.exp(att_t); ef = jnp.exp(att_f)
    alpha_t = et / (et + ef)
    alpha_f = ef / (et + ef)
    x = alpha_t * xt + alpha_f * xf
    x = jax.nn.relu(x @ Wl1 + bl1)
    x = x @ Wl2 + bl2
    return x

if __name__ == "__main__":
    import jax
    _d = setup_inputs()
    print(jax.jit(kernel)(*tuple(_d.values())))

</pallas_src>

<mosaic_0001>
#map = affine_map<(d0, d1) -> (0, 0)>
#map1 = affine_map<(d0, d1) -> (0, 0, 0)>
module attributes {stable_mosaic.version = 14 : i64} {
  func.func @body(%arg0: i32, %arg1: i32, %arg2: memref<10240x128xf32, #tpu.memory_space<hbm>>, %arg3: memref<16x80x128xi32, #tpu.memory_space<hbm>>, %arg4: memref<16x80x128xi32, #tpu.memory_space<hbm>>, %arg5: memref<10240x128xf32, #tpu.memory_space<hbm>>, %arg6: memref<10240x128xf32, #tpu.memory_space<hbm>>, %arg7: memref<10240x128xf32, #tpu.memory_space<hbm>>, %arg8: memref<40x128xi32, #tpu.memory_space<vmem>>, %arg9: memref<40x128xi32, #tpu.memory_space<vmem>>, %arg10: memref<128x128xf32, #tpu.memory_space<vmem>>, %arg11: memref<128x128xf32, #tpu.memory_space<vmem>>, %arg12: memref<10240x128xf32, #tpu.memory_space<vmem_shared>>, %arg13: memref<!tpu.dma_semaphore, #tpu.memory_space<semaphore_mem>>, %arg14: memref<!tpu.dma_semaphore, #tpu.memory_space<semaphore_mem>>) attributes {dimension_semantics = [#tpu.dimension_semantics<core_parallel>, #tpu.dimension_semantics<subcore_parallel>], iteration_bounds = array<i64: 2, 16>, scalar_prefetch = 0 : i64, scratch_operands = 7 : i64, tpu.core_type = #tpu.core_type<sc_vector_subcore>, window_params = [{transform_indices = #map}, {transform_indices = #map1}, {transform_indices = #map1}, {transform_indices = #map}, {transform_indices = #map}, {transform_indices = #map}]} {
    %mul3A = arith.constant 640 : i32
    %mul3A_0 = arith.muli %arg1, %mul3A : i32
    %eq3A = arith.constant 0 : i32
    %eq3A_1 = arith.cmpi eq, %arg0, %eq3A : i32
    %convert_element_type3A = arith.extui %eq3A_1 : i1 to i32
    %cond3A = arith.constant 0 : i32
    %cond3A_2 = arith.cmpi ne, %convert_element_type3A, %cond3A : i32
    scf.if %cond3A_2 {
      %broadcast_in_dim3A = arith.constant 0.000000e+00 : f32
      %broadcast_in_dim3A_8 = vector.broadcast %broadcast_in_dim3A : f32 to vector<16xf32>
      %scan3A = arith.constant 0 : i32
      %scan3A_9 = arith.constant 0 : i32
      %scan3A_10 = arith.constant 128 : i32
      %scan3A_11 = arith.addi %scan3A_9, %scan3A_10 : i32
      %scan3A_12 = arith.constant 1 : i32
      scf.for %scan3A_49 = %scan3A_9 to %scan3A_11 step %scan3A_12  : i32 {
        %swap3A = arith.index_cast %scan3A_49 : i32 to index
        %swap3A_50 = arith.constant 0 : index
        %swap3A_51 = tpu.vector_load %arg10[%swap3A, %swap3A_50] {strides = array<i32>} : memref<128x128xf32, #tpu.memory_space<vmem>>, vector<1x16xf32>,
        %swap3A_52 = vector.shape_cast %swap3A_51 : vector<1x16xf32> to vector<16xf32>
        %swap3A_53 = vector.shape_cast %broadcast_in_dim3A_8 : vector<16xf32> to vector<1x16xf32>
        tpu.vector_store %arg10[%swap3A, %swap3A_50], %swap3A_53 {strides = array<i32>} : memref<128x128xf32, #tpu.memory_space<vmem>>, vector<1x16xf32>,
        %swap3A_54 = arith.index_cast %scan3A_49 : i32 to index
        %swap3A_55 = arith.constant 16 : index
        %swap3A_56 = tpu.vector_load %arg10[%swap3A_54, %swap3A_55] {strides = array<i32>} : memref<128x128xf32, #tpu.memory_space<vmem>>, vector<1x16xf32>,
        %swap3A_57 = vector.shape_cast %swap3A_56 : vector<1x16xf32> to vector<16xf32>
        %swap3A_58 = vector.shape_cast %broadcast_in_dim3A_8 : vector<16xf32> to vector<1x16xf32>
        tpu.vector_store %arg10[%swap3A_54, %swap3A_55], %swap3A_58 {strides = array<i32>} : memref<128x128xf32, #tpu.memory_space<vmem>>, vector<1x16xf32>,
        %swap3A_59 = arith.index_cast %scan3A_49 : i32 to index
        %swap3A_60 = arith.constant 32 : index
        %swap3A_61 = tpu.vector_load %arg10[%swap3A_59, %swap3A_60] {strides = array<i32>} : memref<128x128xf32, #tpu.memory_space<vmem>>, vector<1x16xf32>,
        %swap3A_62 = vector.shape_cast %swap3A_61 : vector<1x16xf32> to vector<16xf32>
        %swap3A_63 = vector.shape_cast %broadcast_in_dim3A_8 : vector<16xf32> to vector<1x16xf32>
        tpu.vector_store %arg10[%swap3A_59, %swap3A_60], %swap3A_63 {strides = array<i32>} : memref<128x128xf32, #tpu.memory_space<vmem>>, vector<1x16xf32>,
        %swap3A_64 = arith.index_cast %scan3A_49 : i32 to index
        %swap3A_65 = arith.constant 48 : index
        %swap3A_66 = tpu.vector_load %arg10[%swap3A_64, %swap3A_65] {strides = array<i32>} : memref<128x128xf32, #tpu.memory_space<vmem>>, vector<1x16xf32>,
        %swap3A_67 = vector.shape_cast %swap3A_66 : vector<1x16xf32> to vector<16xf32>
        %swap3A_68 = vector.shape_cast %broadcast_in_dim3A_8 : vector<16xf32> to vector<1x16xf32>
        tpu.vector_store %arg10[%swap3A_64, %swap3A_65], %swap3A_68 {strides = array<i32>} : memref<128x128xf32, #tpu.memory_space<vmem>>, vector<1x16xf32>,
        %swap3A_69 = arith.index_cast %scan3A_49 : i32 to index
        %swap3A_70 = arith.constant 64 : index
        %swap3A_71 = tpu.vector_load %arg10[%swap3A_69, %swap3A_70] {strides = array<i32>} : memref<128x128xf32, #tpu.memory_space<vmem>>, vector<1x16xf32>,
        %swap3A_72 = vector.shape_cast %swap3A_71 : vector<1x16xf32> to vector<16xf32>
        %swap3A_73 = vector.shape_cast %broadcast_in_dim3A_8 : vector<16xf32> to vector<1x16xf32>
        tpu.vector_store %arg10[%swap3A_69, %swap3A_70], %swap3A_73 {strides = array<i32>} : memref<128x128xf32, #tpu.memory_space<vmem>>, vector<1x16xf32>,
        %swap3A_74 = arith.index_cast %scan3A_49 : i32 to index
        %swap3A_75 = arith.constant 80 : index
        %swap3A_76 = tpu.vector_load %arg10[%swap3A_74, %swap3A_75] {strides = array<i32>} : memref<128x128xf32, #tpu.memory_space<vmem>>, vector<1x16xf32>,
        %swap3A_77 = vector.shape_cast %swap3A_76 : vector<1x16xf32> to vector<16xf32>
        %swap3A_78 = vector.shape_cast %broadcast_in_dim3A_8 : vector<16xf32> to vector<1x16xf32>
        tpu.vector_store %arg10[%swap3A_74, %swap3A_75], %swap3A_78 {strides = array<i32>} : memref<128x128xf32, #tpu.memory_space<vmem>>, vector<1x16xf32>,
        %swap3A_79 = arith.index_cast %scan3A_49 : i32 to index
        %swap3A_80 = arith.constant 96 : index
        %swap3A_81 = tpu.vector_load %arg10[%swap3A_79, %swap3A_80] {strides = array<i32>} : memref<128x128xf32, #tpu.memory_space<vmem>>, vector<1x16xf32>,
        %swap3A_82 = vector.shape_cast %swap3A_81 : vector<1x16xf32> to vector<16xf32>
        %swap3A_83 = vector.shape_cast %broadcast_in_dim3A_8 : vector<16xf32> to vector<1x16xf32>
        tpu.vector_store %arg10[%swap3A_79, %swap3A_80], %swap3A_83 {strides = array<i32>} : memref<128x128xf32, #tpu.memory_space<vmem>>, vector<1x16xf32>,
        %swap3A_84 = arith.index_cast %scan3A_49 : i32 to index
        %swap3A_85 = arith.constant 112 : index
        %swap3A_86 = tpu.vector_load %arg10[%swap3A_84, %swap3A_85] {strides = array<i32>} : memref<128x128xf32, #tpu.memory_space<vmem>>, vector<1x16xf32>,
        %swap3A_87 = vector.shape_cast %swap3A_86 : vector<1x16xf32> to vector<16xf32>
        %swap3A_88 = vector.shape_cast %broadcast_in_dim3A_8 : vector<16xf32> to vector<1x16xf32>
        tpu.vector_store %arg10[%swap3A_84, %swap3A_85], %swap3A_88 {strides = array<i32>} : memref<128x128xf32, #tpu.memory_space<vmem>>, vector<1x16xf32>,
      }
      %scan3A_13 = arith.constant 128 : i32
      %add3A = arith.constant 0 : i32
      %add3A_14 = arith.addi %mul3A_0, %add3A : i32
      "tpu.region"() ({
        %run_scoped3A = tpu.sem_alloc : memref<!tpu.dma_semaphore, #tpu.memory_space<semaphore_mem>>
        %dma_start3A_49 = arith.constant 0 : i32
        %dma_start3A_50 = tpu.memref_slice %arg12[%add3A_14, %dma_start3A_49] : memref<10240x128xf32, #tpu.memory_space<vmem_shared>> -> memref<128x128xf32, #tpu.memory_space<vmem_shared>>
        %dma_start3A_51 = arith.constant 0 : i32
        %dma_start3A_52 = tpu.memref_slice %arg12[%add3A_14, %dma_start3A_51] : memref<10240x128xf32, #tpu.memory_space<vmem_shared>> -> memref<128x128xf32, #tpu.memory_space<vmem_shared>>
        tpu.enqueue_dma source(%arg10 : memref<128x128xf32, #tpu.memory_space<vmem>>) target(%dma_start3A_52 : memref<128x128xf32, #tpu.memory_space<vmem_shared>>) target_semaphore(%run_scoped3A : memref<!tpu.dma_semaphore, #tpu.memory_space<semaphore_mem>>)
        %dma_wait3A = arith.constant 0 : i32
        %dma_wait3A_53 = tpu.memref_slice %arg12[%add3A_14, %dma_wait3A] : memref<10240x128xf32, #tpu.memory_space<vmem_shared>> -> memref<128x128xf32, #tpu.memory_space<vmem_shared>>
        %dma_wait3A_54 = arith.constant 0 : i32
        %dma_wait3A_55 = tpu.memref_slice %arg12[%add3A_14, %dma_wait3A_54] : memref<10240x128xf32, #tpu.memory_space<vmem_shared>> -> memref<128x128xf32, #tpu.memory_space<vmem_shared>>
        tpu.wait_dma2 semaphore(%run_scoped3A : memref<!tpu.dma_semaphore, #tpu.memory_space<semaphore_mem>>) src(%arg10 : memref<128x128xf32, #tpu.memory_space<vmem>>) dst(%dma_wait3A_55 : memref<128x128xf32, #tpu.memory_space<vmem_shared>>)
        tpu.yield
      }) : () -> ()
      %add3A_15 = arith.constant 128 : i32
      %add3A_16 = arith.addi %mul3A_0, %add3A_15 : i32
      "tpu.region"() ({
        %run_scoped3A = tpu.sem_alloc : memref<!tpu.dma_semaphore, #tpu.memory_space<semaphore_mem>>
        %dma_start3A_49 = arith.constant 0 : i32
        %dma_start3A_50 = tpu.memref_slice %arg12[%add3A_16, %dma_start3A_49] : memref<10240x128xf32, #tpu.memory_space<vmem_shared>> -> memref<128x128xf32, #tpu.memory_space<vmem_shared>>
        %dma_start3A_51 = arith.constant 0 : i32
        %dma_start3A_52 = tpu.memref_slice %arg12[%add3A_16, %dma_start3A_51] : memref<10240x128xf32, #tpu.memory_space<vmem_shared>> -> memref<128x128xf32, #tpu.memory_space<vmem_shared>>
        tpu.enqueue_dma source(%arg10 : memref<128x128xf32, #tpu.memory_space<vmem>>) target(%dma_start3A_52 : memref<128x128xf32, #tpu.memory_space<vmem_shared>>) target_semaphore(%run_scoped3A : memref<!tpu.dma_semaphore, #tpu.memory_space<semaphore_mem>>)
        %dma_wait3A = arith.constant 0 : i32
        %dma_wait3A_53 = tpu.memref_slice %arg12[%add3A_16, %dma_wait3A] : memref<10240x128xf32, #tpu.memory_space<vmem_shared>> -> memref<128x128xf32, #tpu.memory_space<vmem_shared>>
        %dma_wait3A_54 = arith.constant 0 : i32
        %dma_wait3A_55 = tpu.memref_slice %arg12[%add3A_16, %dma_wait3A_54] : memref<10240x128xf32, #tpu.memory_space<vmem_shared>> -> memref<128x128xf32, #tpu.memory_space<vmem_shared>>
        tpu.wait_dma2 semaphore(%run_scoped3A : memref<!tpu.dma_semaphore, #tpu.memory_space<semaphore_mem>>) src(%arg10 : memref<128x128xf32, #tpu.memory_space<vmem>>) dst(%dma_wait3A_55 : memref<128x128xf32, #tpu.memory_space<vmem_shared>>)
        tpu.yield
      }) : () -> ()
      %add3A_17 = arith.constant 256 : i32
      %add3A_18 = arith.addi %mul3A_0, %add3A_17 : i32
      "tpu.region"() ({
        %run_scoped3A = tpu.sem_alloc : memref<!tpu.dma_semaphore, #tpu.memory_space<semaphore_mem>>
        %dma_start3A_49 = arith.constant 0 : i32
        %dma_start3A_50 = tpu.memref_slice %arg12[%add3A_18, %dma_start3A_49] : memref<10240x128xf32, #tpu.memory_space<vmem_shared>> -> memref<128x128xf32, #tpu.memory_space<vmem_shared>>
        %dma_start3A_51 = arith.constant 0 : i32
        %dma_start3A_52 = tpu.memref_slice %arg12[%add3A_18, %dma_start3A_51] : memref<10240x128xf32, #tpu.memory_space<vmem_shared>> -> memref<128x128xf32, #tpu.memory_space<vmem_shared>>
        tpu.enqueue_dma source(%arg10 : memref<128x128xf32, #tpu.memory_space<vmem>>) target(%dma_start3A_52 : memref<128x128xf32, #tpu.memory_space<vmem_shared>>) target_semaphore(%run_scoped3A : memref<!tpu.dma_semaphore, #tpu.memory_space<semaphore_mem>>)
        %dma_wait3A = arith.constant 0 : i32
        %dma_wait3A_53 = tpu.memref_slice %arg12[%add3A_18, %dma_wait3A] : memref<10240x128xf32, #tpu.memory_space<vmem_shared>> -> memref<128x128xf32, #tpu.memory_space<vmem_shared>>
        %dma_wait3A_54 = arith.constant 0 : i32
        %dma_wait3A_55 = tpu.memref_slice %arg12[%add3A_18, %dma_wait3A_54] : memref<10240x128xf32, #tpu.memory_space<vmem_shared>> -> memref<128x128xf32, #tpu.memory_space<vmem_shared>>
        tpu.wait_dma2 semaphore(%run_scoped3A : memref<!tpu.dma_semaphore, #tpu.memory_space<semaphore_mem>>) src(%arg10 : memref<128x128xf32, #tpu.memory_space<vmem>>) dst(%dma_wait3A_55 : memref<128x128xf32, #tpu.memory_space<vmem_shared>>)
        tpu.yield
      }) : () -> ()
      %add3A_19 = arith.constant 384 : i32
      %add3A_20 = arith.addi %mul3A_0, %add3A_19 : i32
      "tpu.region"() ({
        %run_scoped3A = tpu.sem_alloc : memref<!tpu.dma_semaphore, #tpu.memory_space<semaphore_mem>>
        %dma_start3A_49 = arith.constant 0 : i32
        %dma_start3A_50 = tpu.memref_slice %arg12[%add3A_20, %dma_start3A_49] : memref<10240x128xf32, #tpu.memory_space<vmem_shared>> -> memref<128x128xf32, #tpu.memory_space<vmem_shared>>
        %dma_start3A_51 = arith.constant 0 : i32
        %dma_start3A_52 = tpu.memref_slice %arg12[%add3A_20, %dma_start3A_51] : memref<10240x128xf32, #tpu.memory_space<vmem_shared>> -> memref<128x128xf32, #tpu.memory_space<vmem_shared>>
        tpu.enqueue_dma source(%arg10 : memref<128x128xf32, #tpu.memory_space<vmem>>) target(%dma_start3A_52 : memref<128x128xf32, #tpu.memory_space<vmem_shared>>) target_semaphore(%run_scoped3A : memref<!tpu.dma_semaphore, #tpu.memory_space<semaphore_mem>>)
        %dma_wait3A = arith.constant 0 : i32
        %dma_wait3A_53 = tpu.memref_slice %arg12[%add3A_20, %dma_wait3A] : memref<10240x128xf32, #tpu.memory_space<vmem_shared>> -> memref<128x128xf32, #tpu.memory_space<vmem_shared>>
        %dma_wait3A_54 = arith.constant 0 : i32
        %dma_wait3A_55 = tpu.memref_slice %arg12[%add3A_20, %dma_wait3A_54] : memref<10240x128xf32, #tpu.memory_space<vmem_shared>> -> memref<128x128xf32, #tpu.memory_space<vmem_shared>>
        tpu.wait_dma2 semaphore(%run_scoped3A : memref<!tpu.dma_semaphore, #tpu.memory_space<semaphore_mem>>) src(%arg10 : memref<128x128xf32, #tpu.memory_space<vmem>>) dst(%dma_wait3A_55 : memref<128x128xf32, #tpu.memory_space<vmem_shared>>)
        tpu.yield
      }) : () -> ()
      %add3A_21 = arith.constant 512 : i32
      %add3A_22 = arith.addi %mul3A_0, %add3A_21 : i32
      "tpu.region"() ({
        %run_scoped3A = tpu.sem_alloc : memref<!tpu.dma_semaphore, #tpu.memory_space<semaphore_mem>>
        %dma_start3A_49 = arith.constant 0 : i32
        %dma_start3A_50 = tpu.memref_slice %arg12[%add3A_22, %dma_start3A_49] : memref<10240x128xf32, #tpu.memory_space<vmem_shared>> -> memref<128x128xf32, #tpu.memory_space<vmem_shared>>
        %dma_start3A_51 = arith.constant 0 : i32
        %dma_start3A_52 = tpu.memref_slice %arg12[%add3A_22, %dma_start3A_51] : memref<10240x128xf32, #tpu.memory_space<vmem_shared>> -> memref<128x128xf32, #tpu.memory_space<vmem_shared>>
        tpu.enqueue_dma source(%arg10 : memref<128x128xf32, #tpu.memory_space<vmem>>) target(%dma_start3A_52 : memref<128x128xf32, #tpu.memory_space<vmem_shared>>) target_semaphore(%run_scoped3A : memref<!tpu.dma_semaphore, #tpu.memory_space<semaphore_mem>>)
        %dma_wait3A = arith.constant 0 : i32
        %dma_wait3A_53 = tpu.memref_slice %arg12[%add3A_22, %dma_wait3A] : memref<10240x128xf32, #tpu.memory_space<vmem_shared>> -> memref<128x128xf32, #tpu.memory_space<vmem_shared>>
        %dma_wait3A_54 = arith.constant 0 : i32
        %dma_wait3A_55 = tpu.memref_slice %arg12[%add3A_22, %dma_wait3A_54] : memref<10240x128xf32, #tpu.memory_space<vmem_shared>> -> memref<128x128xf32, #tpu.memory_space<vmem_shared>>
        tpu.wait_dma2 semaphore(%run_scoped3A : memref<!tpu.dma_semaphore, #tpu.memory_space<semaphore_mem>>) src(%arg10 : memref<128x128xf32, #tpu.memory_space<vmem>>) dst(%dma_wait3A_55 : memref<128x128xf32, #tpu.memory_space<vmem_shared>>)
        tpu.yield
      }) : () -> ()
      %barrier3A = arith.constant 0 : index
      tpu.barrier barrier_id(%barrier3A)
      "tpu.region"() ({
        %run_scoped3A = tpu.sem_alloc : memref<!tpu.dma_semaphore, #tpu.memory_space<semaphore_mem>>
        %dma_start3A_49 = arith.constant 0 : i32
        %dma_start3A_50 = arith.constant 0 : i32
        %dma_start3A_51 = tpu.memref_slice %arg3[%arg1, %dma_start3A_49, %dma_start3A_50] : memref<16x80x128xi32, #tpu.memory_space<hbm>> -> memref<1x40x128xi32, #tpu.memory_space<hbm>>
        %dma_start3A_52 = tpu.memref_squeeze %dma_start3A_51 : memref<1x40x128xi32, #tpu.memory_space<hbm>> -> memref<40x128xi32, #tpu.memory_space<hbm>>
        %dma_start3A_53 = arith.constant 0 : i32
        %dma_start3A_54 = arith.constant 0 : i32
        %dma_start3A_55 = tpu.memref_slice %arg3[%arg1, %dma_start3A_53, %dma_start3A_54] : memref<16x80x128xi32, #tpu.memory_space<hbm>> -> memref<1x40x128xi32, #tpu.memory_space<hbm>>
        %dma_start3A_56 = tpu.memref_squeeze %dma_start3A_55 : memref<1x40x128xi32, #tpu.memory_space<hbm>> -> memref<40x128xi32, #tpu.memory_space<hbm>>
        tpu.enqueue_dma source(%dma_start3A_56 : memref<40x128xi32, #tpu.memory_space<hbm>>) target(%arg8 : memref<40x128xi32, #tpu.memory_space<vmem>>) target_semaphore(%run_scoped3A : memref<!tpu.dma_semaphore, #tpu.memory_space<semaphore_mem>>)
        %dma_wait3A = arith.constant 0 : i32
        %dma_wait3A_57 = arith.constant 0 : i32
        %dma_wait3A_58 = tpu.memref_slice %arg3[%arg1, %dma_wait3A, %dma_wait3A_57] : memref<16x80x128xi32, #tpu.memory_space<hbm>> -> memref<1x40x128xi32, #tpu.memory_space<hbm>>
        %dma_wait3A_59 = tpu.memref_squeeze %dma_wait3A_58 : memref<1x40x128xi32, #tpu.memory_space<hbm>> -> memref<40x128xi32, #tpu.memory_space<hbm>>
        %dma_wait3A_60 = arith.constant 0 : i32
        %dma_wait3A_61 = arith.constant 0 : i32
        %dma_wait3A_62 = tpu.memref_slice %arg3[%arg1, %dma_wait3A_60, %dma_wait3A_61] : memref<16x80x128xi32, #tpu.memory_space<hbm>> -> memref<1x40x128xi32, #tpu.memory_space<hbm>>
        %dma_wait3A_63 = tpu.memref_squeeze %dma_wait3A_62 : memref<1x40x128xi32, #tpu.memory_space<hbm>> -> memref<40x128xi32, #tpu.memory_space<hbm>>
        tpu.wait_dma2 semaphore(%run_scoped3A : memref<!tpu.dma_semaphore, #tpu.memory_space<semaphore_mem>>) src(%dma_wait3A_63 : memref<40x128xi32, #tpu.memory_space<hbm>>) dst(%arg8 : memref<40x128xi32, #tpu.memory_space<vmem>>)
        tpu.yield
      }) : () -> ()
      "tpu.region"() ({
        %run_scoped3A = tpu.sem_alloc : memref<!tpu.dma_semaphore, #tpu.memory_space<semaphore_mem>>
        %dma_start3A_49 = arith.constant 0 : i32
        %dma_start3A_50 = arith.constant 0 : i32
        %dma_start3A_51 = tpu.memref_slice %arg4[%arg1, %dma_start3A_49, %dma_start3A_50] : memref<16x80x128xi32, #tpu.memory_space<hbm>> -> memref<1x40x128xi32, #tpu.memory_space<hbm>>
        %dma_start3A_52 = tpu.memref_squeeze %dma_start3A_51 : memref<1x40x128xi32, #tpu.memory_space<hbm>> -> memref<40x128xi32, #tpu.memory_space<hbm>>
        %dma_start3A_53 = arith.constant 0 : i32
        %dma_start3A_54 = arith.constant 0 : i32
        %dma_start3A_55 = tpu.memref_slice %arg4[%arg1, %dma_start3A_53, %dma_start3A_54] : memref<16x80x128xi32, #tpu.memory_space<hbm>> -> memref<1x40x128xi32, #tpu.memory_space<hbm>>
        %dma_start3A_56 = tpu.memref_squeeze %dma_start3A_55 : memref<1x40x128xi32, #tpu.memory_space<hbm>> -> memref<40x128xi32, #tpu.memory_space<hbm>>
        tpu.enqueue_dma source(%dma_start3A_56 : memref<40x128xi32, #tpu.memory_space<hbm>>) target(%arg9 : memref<40x128xi32, #tpu.memory_space<vmem>>) target_semaphore(%run_scoped3A : memref<!tpu.dma_semaphore, #tpu.memory_space<semaphore_mem>>)
        %dma_wait3A = arith.constant 0 : i32
        %dma_wait3A_57 = arith.constant 0 : i32
        %dma_wait3A_58 = tpu.memref_slice %arg4[%arg1, %dma_wait3A, %dma_wait3A_57] : memref<16x80x128xi32, #tpu.memory_space<hbm>> -> memref<1x40x128xi32, #tpu.memory_space<hbm>>
        %dma_wait3A_59 = tpu.memref_squeeze %dma_wait3A_58 : memref<1x40x128xi32, #tpu.memory_space<hbm>> -> memref<40x128xi32, #tpu.memory_space<hbm>>
        %dma_wait3A_60 = arith.constant 0 : i32
        %dma_wait3A_61 = arith.constant 0 : i32
        %dma_wait3A_62 = tpu.memref_slice %arg4[%arg1, %dma_wait3A_60, %dma_wait3A_61] : memref<16x80x128xi32, #tpu.memory_space<hbm>> -> memref<1x40x128xi32, #tpu.memory_space<hbm>>
        %dma_wait3A_63 = tpu.memref_squeeze %dma_wait3A_62 : memref<1x40x128xi32, #tpu.memory_space<hbm>> -> memref<40x128xi32, #tpu.memory_space<hbm>>
        tpu.wait_dma2 semaphore(%run_scoped3A : memref<!tpu.dma_semaphore, #tpu.memory_space<semaphore_mem>>) src(%dma_wait3A_63 : memref<40x128xi32, #tpu.memory_space<hbm>>) dst(%arg9 : memref<40x128xi32, #tpu.memory_space<vmem>>)
        tpu.yield
      }) : () -> ()
      %dma_start3A = arith.constant 0 : i32
      %dma_start3A_23 = arith.constant 0 : i32
      %dma_start3A_24 = tpu.memref_slice %arg8[%dma_start3A, %dma_start3A_23] : memref<40x128xi32, #tpu.memory_space<vmem>> -> memref<1x128xi32, #tpu.memory_space<vmem>>
      %dma_start3A_25 = tpu.memref_squeeze %dma_start3A_24 : memref<1x128xi32, #tpu.memory_space<vmem>> -> memref<128xi32, #tpu.memory_space<vmem>>
      %dma_start3A_26 = arith.constant 0 : i32
      %dma_start3A_27 = arith.constant 0 : i32
      %dma_start3A_28 = tpu.memref_slice %arg2[%dma_start3A_26, %dma_start3A_27] : memref<10240x128xf32, #tpu.memory_space<hbm>> -> memref<10240x128xf32, #tpu.memory_space<hbm>>
      tpu.enqueue_indirect_dma source(%dma_start3A_28 : memref<10240x128xf32, #tpu.memory_space<hbm>>) target(%arg10 : memref<128x128xf32, #tpu.memory_space<vmem>>) offsets(%dma_start3A_25 : memref<128xi32, #tpu.memory_space<vmem>>) semaphore(%arg13 : memref<!tpu.dma_semaphore, #tpu.memory_space<semaphore_mem>>)
      %scan3A_29 = arith.constant 0 : i32
      %scan3A_30 = arith.constant 0 : i32
      %scan3A_31 = arith.constant 20 : i32
      %scan3A_32 = arith.addi %scan3A_30, %scan3A_31 : i32
      %scan3A_33 = arith.constant 1 : i32
      scf.for %scan3A_49 = %scan3A_30 to %scan3A_32 step %scan3A_33  : i32 {
        %mul3A_50 = arith.constant 2 : i32
        %mul3A_51 = arith.muli %mul3A_50, %scan3A_49 : i32
        %add3A_52 = arith.constant 1 : i32
        %add3A_53 = arith.addi %mul3A_51, %add3A_52 : i32
        %dma_wait3A = arith.constant 0 : i32
        %dma_wait3A_54 = tpu.memref_slice %arg8[%mul3A_51, %dma_wait3A] : memref<40x128xi32, #tpu.memory_space<vmem>> -> memref<1x128xi32, #tpu.memory_space<vmem>>
        %dma_wait3A_55 = tpu.memref_squeeze %dma_wait3A_54 : memref<1x128xi32, #tpu.memory_space<vmem>> -> memref<128xi32, #tpu.memory_space<vmem>>
        %dma_wait3A_56 = arith.constant 0 : i32
        %dma_wait3A_57 = arith.constant 0 : i32
        %dma_wait3A_58 = tpu.memref_slice %arg2[%dma_wait3A_56, %dma_wait3A_57] : memref<10240x128xf32, #tpu.memory_space<hbm>> -> memref<10240x128xf32, #tpu.memory_space<hbm>>
        tpu.wait_indirect_dma semaphore(%arg13 : memref<!tpu.dma_semaphore, #tpu.memory_space<semaphore_mem>>) src(%dma_wait3A_58 : memref<10240x128xf32, #tpu.memory_space<hbm>>) dst(%arg10 : memref<128x128xf32, #tpu.memory_space<vmem>>)
        %dma_start3A_59 = arith.constant 0 : i32
        %dma_start3A_60 = tpu.memref_slice %arg8[%add3A_53, %dma_start3A_59] : memref<40x128xi32, #tpu.memory_space<vmem>> -> memref<1x128xi32, #tpu.memory_space<vmem>>
        %dma_start3A_61 = tpu.memref_squeeze %dma_start3A_60 : memref<1x128xi32, #tpu.memory_space<vmem>> -> memref<128xi32, #tpu.memory_space<vmem>>
        %dma_start3A_62 = arith.constant 0 : i32
        %dma_start3A_63 = arith.constant 0 : i32
        %dma_start3A_64 = tpu.memref_slice %arg2[%dma_start3A_62, %dma_start3A_63] : memref<10240x128xf32, #tpu.memory_space<hbm>> -> memref<10240x128xf32, #tpu.memory_space<hbm>>
        tpu.enqueue_indirect_dma source(%dma_start3A_64 : memref<10240x128xf32, #tpu.memory_space<hbm>>) target(%arg11 : memref<128x128xf32, #tpu.memory_space<vmem>>) offsets(%dma_start3A_61 : memref<128xi32, #tpu.memory_space<vmem>>) semaphore(%arg14 : memref<!tpu.dma_semaphore, #tpu.memory_space<semaphore_mem>>)
        "tpu.region"() ({
          %run_scoped3A = tpu.sem_alloc : memref<!tpu.dma_semaphore, #tpu.memory_space<semaphore_mem>>
          %dma_start3A_77 = arith.constant 0 : i32
          %dma_start3A_78 = tpu.memref_slice %arg9[%mul3A_51, %dma_start3A_77] : memref<40x128xi32, #tpu.memory_space<vmem>> -> memref<1x128xi32, #tpu.memory_space<vmem>>
          %dma_start3A_79 = tpu.memref_squeeze %dma_start3A_78 : memref<1x128xi32, #tpu.memory_space<vmem>> -> memref<128xi32, #tpu.memory_space<vmem>>
          %dma_start3A_80 = arith.constant 0 : i32
          %dma_start3A_81 = arith.constant 0 : i32
          %dma_start3A_82 = tpu.memref_slice %arg12[%dma_start3A_80, %dma_start3A_81] : memref<10240x128xf32, #tpu.memory_space<vmem_shared>> -> memref<10240x128xf32, #tpu.memory_space<vmem_shared>>
          tpu.enqueue_indirect_dma source(%arg10 : memref<128x128xf32, #tpu.memory_space<vmem>>) target(%dma_start3A_82 : memref<10240x128xf32, #tpu.memory_space<vmem_shared>>) offsets(%dma_start3A_79 : memref<128xi32, #tpu.memory_space<vmem>>) semaphore(%run_scoped3A : memref<!tpu.dma_semaphore, #tpu.memory_space<semaphore_mem>>) {add = true}
          %dma_wait3A_83 = arith.constant 0 : i32
          %dma_wait3A_84 = tpu.memref_slice %arg9[%mul3A_51, %dma_wait3A_83] : memref<40x128xi32, #tpu.memory_space<vmem>> -> memref<1x128xi32, #tpu.memory_space<vmem>>
          %dma_wait3A_85 = tpu.memref_squeeze %dma_wait3A_84 : memref<1x128xi32, #tpu.memory_space<vmem>> -> memref<128xi32, #tpu.memory_space<vmem>>
          %dma_wait3A_86 = arith.constant 0 : i32
          %dma_wait3A_87 = arith.constant 0 : i32
          %dma_wait3A_88 = tpu.memref_slice %arg12[%dma_wait3A_86, %dma_wait3A_87] : memref<10240x128xf32, #tpu.memory_space<vmem_shared>> -> memref<10240x128xf32, #tpu.memory_space<vmem_shared>>
          tpu.wait_indirect_dma semaphore(%run_scoped3A : memref<!tpu.dma_semaphore, #tpu.memory_space<semaphore_mem>>) src(%arg10 : memref<128x128xf32, #tpu.memory_space<vmem>>) dst(%dma_wait3A_88 : memref<10240x128xf32, #tpu.memory_space<vmem_shared>>)
          tpu.yield
        }) : () -> ()
        %dma_wait3A_65 = arith.constant 0 : i32
        %dma_wait3A_66 = tpu.memref_slice %arg8[%add3A_53, %dma_wait3A_65] : memref<40x128xi32, #tpu.memory_space<vmem>> -> memref<1x128xi32, #tpu.memory_space<vmem>>
        %dma_wait3A_67 = tpu.memref_squeeze %dma_wait3A_66 : memref<1x128xi32, #tpu.memory_space<vmem>> -> memref<128xi32, #tpu.memory_space<vmem>>
        %dma_wait3A_68 = arith.constant 0 : i32
        %dma_wait3A_69 = arith.constant 0 : i32
        %dma_wait3A_70 = tpu.memref_slice %arg2[%dma_wait3A_68, %dma_wait3A_69] : memref<10240x128xf32, #tpu.memory_space<hbm>> -> memref<10240x128xf32, #tpu.memory_space<hbm>>
        tpu.wait_indirect_dma semaphore(%arg14 : memref<!tpu.dma_semaphore, #tpu.memory_space<semaphore_mem>>) src(%dma_wait3A_70 : memref<10240x128xf32, #tpu.memory_space<hbm>>) dst(%arg11 : memref<128x128xf32, #tpu.memory_space<vmem>>)
        %add3A_71 = arith.constant 1 : i32
        %add3A_72 = arith.addi %scan3A_49, %add3A_71 : i32
        %lt3A = arith.constant 20 : i32
        %lt3A_73 = arith.cmpi slt, %add3A_72, %lt3A : i32
        %convert_element_type3A_74 = arith.extui %lt3A_73 : i1 to i32
        %cond3A_75 = arith.constant 0 : i32
        %cond3A_76 = arith.cmpi ne, %convert_element_type3A_74, %cond3A_75 : i32
        scf.if %cond3A_76 {
          %add3A_77 = arith.constant 2 : i32
          %add3A_78 = arith.addi %mul3A_51, %add3A_77 : i32
          %dma_start3A_79 = arith.constant 0 : i32
          %dma_start3A_80 = tpu.memref_slice %arg8[%add3A_78, %dma_start3A_79] : memref<40x128xi32, #tpu.memory_space<vmem>> -> memref<1x128xi32, #tpu.memory_space<vmem>>
          %dma_start3A_81 = tpu.memref_squeeze %dma_start3A_80 : memref<1x128xi32, #tpu.memory_space<vmem>> -> memref<128xi32, #tpu.memory_space<vmem>>
          %dma_start3A_82 = arith.constant 0 : i32
          %dma_start3A_83 = arith.constant 0 : i32
          %dma_start3A_84 = tpu.memref_slice %arg2[%dma_start3A_82, %dma_start3A_83] : memref<10240x128xf32, #tpu.memory_space<hbm>> -> memref<10240x128xf32, #tpu.memory_space<hbm>>
          tpu.enqueue_indirect_dma source(%dma_start3A_84 : memref<10240x128xf32, #tpu.memory_space<hbm>>) target(%arg10 : memref<128x128xf32, #tpu.memory_space<vmem>>) offsets(%dma_start3A_81 : memref<128xi32, #tpu.memory_space<vmem>>) semaphore(%arg13 : memref<!tpu.dma_semaphore, #tpu.memory_space<semaphore_mem>>)
        } else {
        }
        "tpu.region"() ({
          %run_scoped3A = tpu.sem_alloc : memref<!tpu.dma_semaphore, #tpu.memory_space<semaphore_mem>>
          %dma_start3A_77 = arith.constant 0 : i32
          %dma_start3A_78 = tpu.memref_slice %arg9[%add3A_53, %dma_start3A_77] : memref<40x128xi32, #tpu.memory_space<vmem>> -> memref<1x128xi32, #tpu.memory_space<vmem>>
          %dma_start3A_79 = tpu.memref_squeeze %dma_start3A_78 : memref<1x128xi32, #tpu.memory_space<vmem>> -> memref<128xi32, #tpu.memory_space<vmem>>
          %dma_start3A_80 = arith.constant 0 : i32
          %dma_start3A_81 = arith.constant 0 : i32
          %dma_start3A_82 = tpu.memref_slice %arg12[%dma_start3A_80, %dma_start3A_81] : memref<10240x128xf32, #tpu.memory_space<vmem_shared>> -> memref<10240x128xf32, #tpu.memory_space<vmem_shared>>
          tpu.enqueue_indirect_dma source(%arg11 : memref<128x128xf32, #tpu.memory_space<vmem>>) target(%dma_start3A_82 : memref<10240x128xf32, #tpu.memory_space<vmem_shared>>) offsets(%dma_start3A_79 : memref<128xi32, #tpu.memory_space<vmem>>) semaphore(%run_scoped3A : memref<!tpu.dma_semaphore, #tpu.memory_space<semaphore_mem>>) {add = true}
          %dma_wait3A_83 = arith.constant 0 : i32
          %dma_wait3A_84 = tpu.memref_slice %arg9[%add3A_53, %dma_wait3A_83] : memref<40x128xi32, #tpu.memory_space<vmem>> -> memref<1x128xi32, #tpu.memory_space<vmem>>
          %dma_wait3A_85 = tpu.memref_squeeze %dma_wait3A_84 : memref<1x128xi32, #tpu.memory_space<vmem>> -> memref<128xi32, #tpu.memory_space<vmem>>
          %dma_wait3A_86 = arith.constant 0 : i32
          %dma_wait3A_87 = arith.constant 0 : i32
          %dma_wait3A_88 = tpu.memref_slice %arg12[%dma_wait3A_86, %dma_wait3A_87] : memref<10240x128xf32, #tpu.memory_space<vmem_shared>> -> memref<10240x128xf32, #tpu.memory_space<vmem_shared>>
          tpu.wait_indirect_dma semaphore(%run_scoped3A : memref<!tpu.dma_semaphore, #tpu.memory_space<semaphore_mem>>) src(%arg11 : memref<128x128xf32, #tpu.memory_space<vmem>>) dst(%dma_wait3A_88 : memref<10240x128xf32, #tpu.memory_space<vmem_shared>>)
          tpu.yield
        }) : () -> ()
      }
      %scan3A_34 = arith.constant 20 : i32
      "tpu.region"() ({
        %run_scoped3A = tpu.sem_alloc : memref<!tpu.dma_semaphore, #tpu.memory_space<semaphore_mem>>
        %dma_start3A_49 = arith.constant 40 : i32
        %dma_start3A_50 = arith.constant 0 : i32
        %dma_start3A_51 = tpu.memref_slice %arg3[%arg1, %dma_start3A_49, %dma_start3A_50] : memref<16x80x128xi32, #tpu.memory_space<hbm>> -> memref<1x40x128xi32, #tpu.memory_space<hbm>>
        %dma_start3A_52 = tpu.memref_squeeze %dma_start3A_51 : memref<1x40x128xi32, #tpu.memory_space<hbm>> -> memref<40x128xi32, #tpu.memory_space<hbm>>
        %dma_start3A_53 = arith.constant 40 : i32
        %dma_start3A_54 = arith.constant 0 : i32
        %dma_start3A_55 = tpu.memref_slice %arg3[%arg1, %dma_start3A_53, %dma_start3A_54] : memref<16x80x128xi32, #tpu.memory_space<hbm>> -> memref<1x40x128xi32, #tpu.memory_space<hbm>>
        %dma_start3A_56 = tpu.memref_squeeze %dma_start3A_55 : memref<1x40x128xi32, #tpu.memory_space<hbm>> -> memref<40x128xi32, #tpu.memory_space<hbm>>
        tpu.enqueue_dma source(%dma_start3A_56 : memref<40x128xi32, #tpu.memory_space<hbm>>) target(%arg8 : memref<40x128xi32, #tpu.memory_space<vmem>>) target_semaphore(%run_scoped3A : memref<!tpu.dma_semaphore, #tpu.memory_space<semaphore_mem>>)
        %dma_wait3A = arith.constant 40 : i32
        %dma_wait3A_57 = arith.constant 0 : i32
        %dma_wait3A_58 = tpu.memref_slice %arg3[%arg1, %dma_wait3A, %dma_wait3A_57] : memref<16x80x128xi32, #tpu.memory_space<hbm>> -> memref<1x40x128xi32, #tpu.memory_space<hbm>>
        %dma_wait3A_59 = tpu.memref_squeeze %dma_wait3A_58 : memref<1x40x128xi32, #tpu.memory_space<hbm>> -> memref<40x128xi32, #tpu.memory_space<hbm>>
        %dma_wait3A_60 = arith.constant 40 : i32
        %dma_wait3A_61 = arith.constant 0 : i32
        %dma_wait3A_62 = tpu.memref_slice %arg3[%arg1, %dma_wait3A_60, %dma_wait3A_61] : memref<16x80x128xi32, #tpu.memory_space<hbm>> -> memref<1x40x128xi32, #tpu.memory_space<hbm>>
        %dma_wait3A_63 = tpu.memref_squeeze %dma_wait3A_62 : memref<1x40x128xi32, #tpu.memory_space<hbm>> -> memref<40x128xi32, #tpu.memory_space<hbm>>
        tpu.wait_dma2 semaphore(%run_scoped3A : memref<!tpu.dma_semaphore, #tpu.memory_space<semaphore_mem>>) src(%dma_wait3A_63 : memref<40x128xi32, #tpu.memory_space<hbm>>) dst(%arg8 : memref<40x128xi32, #tpu.memory_space<vmem>>)
        tpu.yield
      }) : () -> ()
      "tpu.region"() ({
        %run_scoped3A = tpu.sem_alloc : memref<!tpu.dma_semaphore, #tpu.memory_space<semaphore_mem>>
        %dma_start3A_49 = arith.constant 40 : i32
        %dma_start3A_50 = arith.constant 0 : i32
        %dma_start3A_51 = tpu.memref_slice %arg4[%arg1, %dma_start3A_49, %dma_start3A_50] : memref<16x80x128xi32, #tpu.memory_space<hbm>> -> memref<1x40x128xi32, #tpu.memory_space<hbm>>
        %dma_start3A_52 = tpu.memref_squeeze %dma_start3A_51 : memref<1x40x128xi32, #tpu.memory_space<hbm>> -> memref<40x128xi32, #tpu.memory_space<hbm>>
        %dma_start3A_53 = arith.constant 40 : i32
        %dma_start3A_54 = arith.constant 0 : i32
        %dma_start3A_55 = tpu.memref_slice %arg4[%arg1, %dma_start3A_53, %dma_start3A_54] : memref<16x80x128xi32, #tpu.memory_space<hbm>> -> memref<1x40x128xi32, #tpu.memory_space<hbm>>
        %dma_start3A_56 = tpu.memref_squeeze %dma_start3A_55 : memref<1x40x128xi32, #tpu.memory_space<hbm>> -> memref<40x128xi32, #tpu.memory_space<hbm>>
        tpu.enqueue_dma source(%dma_start3A_56 : memref<40x128xi32, #tpu.memory_space<hbm>>) target(%arg9 : memref<40x128xi32, #tpu.memory_space<vmem>>) target_semaphore(%run_scoped3A : memref<!tpu.dma_semaphore, #tpu.memory_space<semaphore_mem>>)
        %dma_wait3A = arith.constant 40 : i32
        %dma_wait3A_57 = arith.constant 0 : i32
        %dma_wait3A_58 = tpu.memref_slice %arg4[%arg1, %dma_wait3A, %dma_wait3A_57] : memref<16x80x128xi32, #tpu.memory_space<hbm>> -> memref<1x40x128xi32, #tpu.memory_space<hbm>>
        %dma_wait3A_59 = tpu.memref_squeeze %dma_wait3A_58 : memref<1x40x128xi32, #tpu.memory_space<hbm>> -> memref<40x128xi32, #tpu.memory_space<hbm>>
        %dma_wait3A_60 = arith.constant 40 : i32
        %dma_wait3A_61 = arith.constant 0 : i32
        %dma_wait3A_62 = tpu.memref_slice %arg4[%arg1, %dma_wait3A_60, %dma_wait3A_61] : memref<16x80x128xi32, #tpu.memory_space<hbm>> -> memref<1x40x128xi32, #tpu.memory_space<hbm>>
        %dma_wait3A_63 = tpu.memref_squeeze %dma_wait3A_62 : memref<1x40x128xi32, #tpu.memory_space<hbm>> -> memref<40x128xi32, #tpu.memory_space<hbm>>
        tpu.wait_dma2 semaphore(%run_scoped3A : memref<!tpu.dma_semaphore, #tpu.memory_space<semaphore_mem>>) src(%dma_wait3A_63 : memref<40x128xi32, #tpu.memory_space<hbm>>) dst(%arg9 : memref<40x128xi32, #tpu.memory_space<vmem>>)
        tpu.yield
      }) : () -> ()
      %dma_start3A_35 = arith.constant 0 : i32
      %dma_start3A_36 = arith.constant 0 : i32
      %dma_start3A_37 = tpu.memref_slice %arg8[%dma_start3A_35, %dma_start3A_36] : memref<40x128xi32, #tpu.memory_space<vmem>> -> memref<1x128xi32, #tpu.memory_space<vmem>>
      %dma_start3A_38 = tpu.memref_squeeze %dma_start3A_37 : memref<1x128xi32, #tpu.memory_space<vmem>> -> memref<128xi32, #tpu.memory_space<vmem>>
      %dma_start3A_39 = arith.constant 0 : i32
      %dma_start3A_40 = arith.constant 0 : i32
      %dma_start3A_41 = tpu.memref_slice %arg2[%dma_start3A_39, %dma_start3A_40] : memref<10240x128xf32, #tpu.memory_space<hbm>> -> memref<10240x128xf32, #tpu.memory_space<hbm>>
      tpu.enqueue_indirect_dma source(%dma_start3A_41 : memref<10240x128xf32, #tpu.memory_space<hbm>>) target(%arg10 : memref<128x128xf32, #tpu.memory_space<vmem>>) offsets(%dma_start3A_38 : memref<128xi32, #tpu.memory_space<vmem>>) semaphore(%arg13 : memref<!tpu.dma_semaphore, #tpu.memory_space<semaphore_mem>>)
      %scan3A_42 = arith.constant 0 : i32
      %scan3A_43 = arith.constant 0 : i32
      %scan3A_44 = arith.constant 20 : i32
      %scan3A_45 = arith.addi %scan3A_43, %scan3A_44 : i32
      %scan3A_46 = arith.constant 1 : i32
      scf.for %scan3A_49 = %scan3A_43 to %scan3A_45 step %scan3A_46  : i32 {
        %mul3A_50 = arith.constant 2 : i32
        %mul3A_51 = arith.muli %mul3A_50, %scan3A_49 : i32
        %add3A_52 = arith.constant 1 : i32
        %add3A_53 = arith.addi %mul3A_51, %add3A_52 : i32
        %dma_wait3A = arith.constant 0 : i32
        %dma_wait3A_54 = tpu.memref_slice %arg8[%mul3A_51, %dma_wait3A] : memref<40x128xi32, #tpu.memory_space<vmem>> -> memref<1x128xi32, #tpu.memory_space<vmem>>
        %dma_wait3A_55 = tpu.memref_squeeze %dma_wait3A_54 : memref<1x128xi32, #tpu.memory_space<vmem>> -> memref<128xi32, #tpu.memory_space<vmem>>
        %dma_wait3A_56 = arith.constant 0 : i32
        %dma_wait3A_57 = arith.constant 0 : i32
        %dma_wait3A_58 = tpu.memref_slice %arg2[%dma_wait3A_56, %dma_wait3A_57] : memref<10240x128xf32, #tpu.memory_space<hbm>> -> memref<10240x128xf32, #tpu.memory_space<hbm>>
        tpu.wait_indirect_dma semaphore(%arg13 : memref<!tpu.dma_semaphore, #tpu.memory_space<semaphore_mem>>) src(%dma_wait3A_58 : memref<10240x128xf32, #tpu.memory_space<hbm>>) dst(%arg10 : memref<128x128xf32, #tpu.memory_space<vmem>>)
        %dma_start3A_59 = arith.constant 0 : i32
        %dma_start3A_60 = tpu.memref_slice %arg8[%add3A_53, %dma_start3A_59] : memref<40x128xi32, #tpu.memory_space<vmem>> -> memref<1x128xi32, #tpu.memory_space<vmem>>
        %dma_start3A_61 = tpu.memref_squeeze %dma_start3A_60 : memref<1x128xi32, #tpu.memory_space<vmem>> -> memref<128xi32, #tpu.memory_space<vmem>>
        %dma_start3A_62 = arith.constant 0 : i32
        %dma_start3A_63 = arith.constant 0 : i32
        %dma_start3A_64 = tpu.memref_slice %arg2[%dma_start3A_62, %dma_start3A_63] : memref<10240x128xf32, #tpu.memory_space<hbm>> -> memref<10240x128xf32, #tpu.memory_space<hbm>>
        tpu.enqueue_indirect_dma source(%dma_start3A_64 : memref<10240x128xf32, #tpu.memory_space<hbm>>) target(%arg11 : memref<128x128xf32, #tpu.memory_space<vmem>>) offsets(%dma_start3A_61 : memref<128xi32, #tpu.memory_space<vmem>>) semaphore(%arg14 : memref<!tpu.dma_semaphore, #tpu.memory_space<semaphore_mem>>)
        "tpu.region"() ({
          %run_scoped3A = tpu.sem_alloc : memref<!tpu.dma_semaphore, #tpu.memory_space<semaphore_mem>>
          %dma_start3A_77 = arith.constant 0 : i32
          %dma_start3A_78 = tpu.memref_slice %arg9[%mul3A_51, %dma_start3A_77] : memref<40x128xi32, #tpu.memory_space<vmem>> -> memref<1x128xi32, #tpu.memory_space<vmem>>
          %dma_start3A_79 = tpu.memref_squeeze %dma_start3A_78 : memref<1x128xi32, #tpu.memory_space<vmem>> -> memref<128xi32, #tpu.memory_space<vmem>>
          %dma_start3A_80 = arith.constant 0 : i32
          %dma_start3A_81 = arith.constant 0 : i32
          %dma_start3A_82 = tpu.memref_slice %arg12[%dma_start3A_80, %dma_start3A_81] : memref<10240x128xf32, #tpu.memory_space<vmem_shared>> -> memref<10240x128xf32, #tpu.memory_space<vmem_shared>>
          tpu.enqueue_indirect_dma source(%arg10 : memref<128x128xf32, #tpu.memory_space<vmem>>) target(%dma_start3A_82 : memref<10240x128xf32, #tpu.memory_space<vmem_shared>>) offsets(%dma_start3A_79 : memref<128xi32, #tpu.memory_space<vmem>>) semaphore(%run_scoped3A : memref<!tpu.dma_semaphore, #tpu.memory_space<semaphore_mem>>) {add = true}
          %dma_wait3A_83 = arith.constant 0 : i32
          %dma_wait3A_84 = tpu.memref_slice %arg9[%mul3A_51, %dma_wait3A_83] : memref<40x128xi32, #tpu.memory_space<vmem>> -> memref<1x128xi32, #tpu.memory_space<vmem>>
          %dma_wait3A_85 = tpu.memref_squeeze %dma_wait3A_84 : memref<1x128xi32, #tpu.memory_space<vmem>> -> memref<128xi32, #tpu.memory_space<vmem>>
          %dma_wait3A_86 = arith.constant 0 : i32
          %dma_wait3A_87 = arith.constant 0 : i32
          %dma_wait3A_88 = tpu.memref_slice %arg12[%dma_wait3A_86, %dma_wait3A_87] : memref<10240x128xf32, #tpu.memory_space<vmem_shared>> -> memref<10240x128xf32, #tpu.memory_space<vmem_shared>>
          tpu.wait_indirect_dma semaphore(%run_scoped3A : memref<!tpu.dma_semaphore, #tpu.memory_space<semaphore_mem>>) src(%arg10 : memref<128x128xf32, #tpu.memory_space<vmem>>) dst(%dma_wait3A_88 : memref<10240x128xf32, #tpu.memory_space<vmem_shared>>)
          tpu.yield
        }) : () -> ()
        %dma_wait3A_65 = arith.constant 0 : i32
        %dma_wait3A_66 = tpu.memref_slice %arg8[%add3A_53, %dma_wait3A_65] : memref<40x128xi32, #tpu.memory_space<vmem>> -> memref<1x128xi32, #tpu.memory_space<vmem>>
        %dma_wait3A_67 = tpu.memref_squeeze %dma_wait3A_66 : memref<1x128xi32, #tpu.memory_space<vmem>> -> memref<128xi32, #tpu.memory_space<vmem>>
        %dma_wait3A_68 = arith.constant 0 : i32
        %dma_wait3A_69 = arith.constant 0 : i32
        %dma_wait3A_70 = tpu.memref_slice %arg2[%dma_wait3A_68, %dma_wait3A_69] : memref<10240x128xf32, #tpu.memory_space<hbm>> -> memref<10240x128xf32, #tpu.memory_space<hbm>>
        tpu.wait_indirect_dma semaphore(%arg14 : memref<!tpu.dma_semaphore, #tpu.memory_space<semaphore_mem>>) src(%dma_wait3A_70 : memref<10240x128xf32, #tpu.memory_space<hbm>>) dst(%arg11 : memref<128x128xf32, #tpu.memory_space<vmem>>)
        %add3A_71 = arith.constant 1 : i32
        %add3A_72 = arith.addi %scan3A_49, %add3A_71 : i32
        %lt3A = arith.constant 20 : i32
        %lt3A_73 = arith.cmpi slt, %add3A_72, %lt3A : i32
        %convert_element_type3A_74 = arith.extui %lt3A_73 : i1 to i32
        %cond3A_75 = arith.constant 0 : i32
        %cond3A_76 = arith.cmpi ne, %convert_element_type3A_74, %cond3A_75 : i32
        scf.if %cond3A_76 {
          %add3A_77 = arith.constant 2 : i32
          %add3A_78 = arith.addi %mul3A_51, %add3A_77 : i32
          %dma_start3A_79 = arith.constant 0 : i32
          %dma_start3A_80 = tpu.memref_slice %arg8[%add3A_78, %dma_start3A_79] : memref<40x128xi32, #tpu.memory_space<vmem>> -> memref<1x128xi32, #tpu.memory_space<vmem>>
          %dma_start3A_81 = tpu.memref_squeeze %dma_start3A_80 : memref<1x128xi32, #tpu.memory_space<vmem>> -> memref<128xi32, #tpu.memory_space<vmem>>
          %dma_start3A_82 = arith.constant 0 : i32
          %dma_start3A_83 = arith.constant 0 : i32
          %dma_start3A_84 = tpu.memref_slice %arg2[%dma_start3A_82, %dma_start3A_83] : memref<10240x128xf32, #tpu.memory_space<hbm>> -> memref<10240x128xf32, #tpu.memory_space<hbm>>
          tpu.enqueue_indirect_dma source(%dma_start3A_84 : memref<10240x128xf32, #tpu.memory_space<hbm>>) target(%arg10 : memref<128x128xf32, #tpu.memory_space<vmem>>) offsets(%dma_start3A_81 : memref<128xi32, #tpu.memory_space<vmem>>) semaphore(%arg13 : memref<!tpu.dma_semaphore, #tpu.memory_space<semaphore_mem>>)
        } else {
        }
        "tpu.region"() ({
          %run_scoped3A = tpu.sem_alloc : memref<!tpu.dma_semaphore, #tpu.memory_space<semaphore_mem>>
          %dma_start3A_77 = arith.constant 0 : i32
          %dma_start3A_78 = tpu.memref_slice %arg9[%add3A_53, %dma_start3A_77] : memref<40x128xi32, #tpu.memory_space<vmem>> -> memref<1x128xi32, #tpu.memory_space<vmem>>
          %dma_start3A_79 = tpu.memref_squeeze %dma_start3A_78 : memref<1x128xi32, #tpu.memory_space<vmem>> -> memref<128xi32, #tpu.memory_space<vmem>>
          %dma_start3A_80 = arith.constant 0 : i32
          %dma_start3A_81 = arith.constant 0 : i32
          %dma_start3A_82 = tpu.memref_slice %arg12[%dma_start3A_80, %dma_start3A_81] : memref<10240x128xf32, #tpu.memory_space<vmem_shared>> -> memref<10240x128xf32, #tpu.memory_space<vmem_shared>>
          tpu.enqueue_indirect_dma source(%arg11 : memref<128x128xf32, #tpu.memory_space<vmem>>) target(%dma_start3A_82 : memref<10240x128xf32, #tpu.memory_space<vmem_shared>>) offsets(%dma_start3A_79 : memref<128xi32, #tpu.memory_space<vmem>>) semaphore(%run_scoped3A : memref<!tpu.dma_semaphore, #tpu.memory_space<semaphore_mem>>) {add = true}
          %dma_wait3A_83 = arith.constant 0 : i32
          %dma_wait3A_84 = tpu.memref_slice %arg9[%add3A_53, %dma_wait3A_83] : memref<40x128xi32, #tpu.memory_space<vmem>> -> memref<1x128xi32, #tpu.memory_space<vmem>>
          %dma_wait3A_85 = tpu.memref_squeeze %dma_wait3A_84 : memref<1x128xi32, #tpu.memory_space<vmem>> -> memref<128xi32, #tpu.memory_space<vmem>>
          %dma_wait3A_86 = arith.constant 0 : i32
          %dma_wait3A_87 = arith.constant 0 : i32
          %dma_wait3A_88 = tpu.memref_slice %arg12[%dma_wait3A_86, %dma_wait3A_87] : memref<10240x128xf32, #tpu.memory_space<vmem_shared>> -> memref<10240x128xf32, #tpu.memory_space<vmem_shared>>
          tpu.wait_indirect_dma semaphore(%run_scoped3A : memref<!tpu.dma_semaphore, #tpu.memory_space<semaphore_mem>>) src(%arg11 : memref<128x128xf32, #tpu.memory_space<vmem>>) dst(%dma_wait3A_88 : memref<10240x128xf32, #tpu.memory_space<vmem_shared>>)
          tpu.yield
        }) : () -> ()
      }
      %scan3A_47 = arith.constant 20 : i32
      %barrier3A_48 = arith.constant 0 : index
      tpu.barrier barrier_id(%barrier3A_48)
      "tpu.region"() ({
        %run_scoped3A = tpu.sem_alloc : memref<!tpu.dma_semaphore, #tpu.memory_space<semaphore_mem>>
        %dma_start3A_49 = arith.constant 0 : i32
        %dma_start3A_50 = tpu.memref_slice %arg5[%mul3A_0, %dma_start3A_49] : memref<10240x128xf32, #tpu.memory_space<hbm>> -> memref<640x128xf32, #tpu.memory_space<hbm>>
        %dma_start3A_51 = arith.constant 0 : i32
        %dma_start3A_52 = tpu.memref_slice %arg12[%mul3A_0, %dma_start3A_51] : memref<10240x128xf32, #tpu.memory_space<vmem_shared>> -> memref<640x128xf32, #tpu.memory_space<vmem_shared>>
        tpu.enqueue_dma source(%dma_start3A_52 : memref<640x128xf32, #tpu.memory_space<vmem_shared>>) target(%dma_start3A_50 : memref<640x128xf32, #tpu.memory_space<hbm>>) target_semaphore(%run_scoped3A : memref<!tpu.dma_semaphore, #tpu.memory_space<semaphore_mem>>)
        %dma_wait3A = arith.constant 0 : i32
        %dma_wait3A_53 = tpu.memref_slice %arg5[%mul3A_0, %dma_wait3A] : memref<10240x128xf32, #tpu.memory_space<hbm>> -> memref<640x128xf32, #tpu.memory_space<hbm>>
        %dma_wait3A_54 = arith.constant 0 : i32
        %dma_wait3A_55 = tpu.memref_slice %arg12[%mul3A_0, %dma_wait3A_54] : memref<10240x128xf32, #tpu.memory_space<vmem_shared>> -> memref<640x128xf32, #tpu.memory_space<vmem_shared>>
        tpu.wait_dma2 semaphore(%run_scoped3A : memref<!tpu.dma_semaphore, #tpu.memory_space<semaphore_mem>>) src(%dma_wait3A_55 : memref<640x128xf32, #tpu.memory_space<vmem_shared>>) dst(%dma_wait3A_53 : memref<640x128xf32, #tpu.memory_space<hbm>>)
        tpu.yield
      }) : () -> ()
    } else {
    }
    %eq3A_3 = arith.constant 1 : i32
    %eq3A_4 = arith.cmpi eq, %arg0, %eq3A_3 : i32
    %convert_element_type3A_5 = arith.extui %eq3A_4 : i1 to i32
    %cond3A_6 = arith.constant 0 : i32
    %cond3A_7 = arith.cmpi ne, %convert_element_type3A_5, %cond3A_6 : i32
    scf.if %cond3A_7 {
      %broadcast_in_dim3A = arith.constant 0.000000e+00 : f32
      %broadcast_in_dim3A_8 = vector.broadcast %broadcast_in_dim3A : f32 to vector<16xf32>
      %scan3A = arith.constant 0 : i32
      %scan3A_9 = arith.constant 0 : i32
      %scan3A_10 = arith.constant 128 : i32
      %scan3A_11 = arith.addi %scan3A_9, %scan3A_10 : i32
      %scan3A_12 = arith.constant 1 : i32
      scf.for %scan3A_56 = %scan3A_9 to %scan3A_11 step %scan3A_12  : i32 {
        %swap3A = arith.index_cast %scan3A_56 : i32 to index
        %swap3A_57 = arith.constant 0 : index
        %swap3A_58 = tpu.vector_load %arg10[%swap3A, %swap3A_57] {strides = array<i32>} : memref<128x128xf32, #tpu.memory_space<vmem>>, vector<1x16xf32>,
        %swap3A_59 = vector.shape_cast %swap3A_58 : vector<1x16xf32> to vector<16xf32>
        %swap3A_60 = vector.shape_cast %broadcast_in_dim3A_8 : vector<16xf32> to vector<1x16xf32>
        tpu.vector_store %arg10[%swap3A, %swap3A_57], %swap3A_60 {strides = array<i32>} : memref<128x128xf32, #tpu.memory_space<vmem>>, vector<1x16xf32>,
        %swap3A_61 = arith.index_cast %scan3A_56 : i32 to index
        %swap3A_62 = arith.constant 16 : index
        %swap3A_63 = tpu.vector_load %arg10[%swap3A_61, %swap3A_62] {strides = array<i32>} : memref<128x128xf32, #tpu.memory_space<vmem>>, vector<1x16xf32>,
        %swap3A_64 = vector.shape_cast %swap3A_63 : vector<1x16xf32> to vector<16xf32>
        %swap3A_65 = vector.shape_cast %broadcast_in_dim3A_8 : vector<16xf32> to vector<1x16xf32>
        tpu.vector_store %arg10[%swap3A_61, %swap3A_62], %swap3A_65 {strides = array<i32>} : memref<128x128xf32, #tpu.memory_space<vmem>>, vector<1x16xf32>,
        %swap3A_66 = arith.index_cast %scan3A_56 : i32 to index
        %swap3A_67 = arith.constant 32 : index
        %swap3A_68 = tpu.vector_load %arg10[%swap3A_66, %swap3A_67] {strides = array<i32>} : memref<128x128xf32, #tpu.memory_space<vmem>>, vector<1x16xf32>,
        %swap3A_69 = vector.shape_cast %swap3A_68 : vector<1x16xf32> to vector<16xf32>
        %swap3A_70 = vector.shape_cast %broadcast_in_dim3A_8 : vector<16xf32> to vector<1x16xf32>
        tpu.vector_store %arg10[%swap3A_66, %swap3A_67], %swap3A_70 {strides = array<i32>} : memref<128x128xf32, #tpu.memory_space<vmem>>, vector<1x16xf32>,
        %swap3A_71 = arith.index_cast %scan3A_56 : i32 to index
        %swap3A_72 = arith.constant 48 : index
        %swap3A_73 = tpu.vector_load %arg10[%swap3A_71, %swap3A_72] {strides = array<i32>} : memref<128x128xf32, #tpu.memory_space<vmem>>, vector<1x16xf32>,
        %swap3A_74 = vector.shape_cast %swap3A_73 : vector<1x16xf32> to vector<16xf32>
        %swap3A_75 = vector.shape_cast %broadcast_in_dim3A_8 : vector<16xf32> to vector<1x16xf32>
        tpu.vector_store %arg10[%swap3A_71, %swap3A_72], %swap3A_75 {strides = array<i32>} : memref<128x128xf32, #tpu.memory_space<vmem>>, vector<1x16xf32>,
        %swap3A_76 = arith.index_cast %scan3A_56 : i32 to index
        %swap3A_77 = arith.constant 64 : index
        %swap3A_78 = tpu.vector_load %arg10[%swap3A_76, %swap3A_77] {strides = array<i32>} : memref<128x128xf32, #tpu.memory_space<vmem>>, vector<1x16xf32>,
        %swap3A_79 = vector.shape_cast %swap3A_78 : vector<1x16xf32> to vector<16xf32>
        %swap3A_80 = vector.shape_cast %broadcast_in_dim3A_8 : vector<16xf32> to vector<1x16xf32>
        tpu.vector_store %arg10[%swap3A_76, %swap3A_77], %swap3A_80 {strides = array<i32>} : memref<128x128xf32, #tpu.memory_space<vmem>>, vector<1x16xf32>,
        %swap3A_81 = arith.index_cast %scan3A_56 : i32 to index
        %swap3A_82 = arith.constant 80 : index
        %swap3A_83 = tpu.vector_load %arg10[%swap3A_81, %swap3A_82] {strides = array<i32>} : memref<128x128xf32, #tpu.memory_space<vmem>>, vector<1x16xf32>,
        %swap3A_84 = vector.shape_cast %swap3A_83 : vector<1x16xf32> to vector<16xf32>
        %swap3A_85 = vector.shape_cast %broadcast_in_dim3A_8 : vector<16xf32> to vector<1x16xf32>
        tpu.vector_store %arg10[%swap3A_81, %swap3A_82], %swap3A_85 {strides = array<i32>} : memref<128x128xf32, #tpu.memory_space<vmem>>, vector<1x16xf32>,
        %swap3A_86 = arith.index_cast %scan3A_56 : i32 to index
        %swap3A_87 = arith.constant 96 : index
        %swap3A_88 = tpu.vector_load %arg10[%swap3A_86, %swap3A_87] {strides = array<i32>} : memref<128x128xf32, #tpu.memory_space<vmem>>, vector<1x16xf32>,
        %swap3A_89 = vector.shape_cast %swap3A_88 : vector<1x16xf32> to vector<16xf32>
        %swap3A_90 = vector.shape_cast %broadcast_in_dim3A_8 : vector<16xf32> to vector<1x16xf32>
        tpu.vector_store %arg10[%swap3A_86, %swap3A_87], %swap3A_90 {strides = array<i32>} : memref<128x128xf32, #tpu.memory_space<vmem>>, vector<1x16xf32>,
        %swap3A_91 = arith.index_cast %scan3A_56 : i32 to index
        %swap3A_92 = arith.constant 112 : index
        %swap3A_93 = tpu.vector_load %arg10[%swap3A_91, %swap3A_92] {strides = array<i32>} : memref<128x128xf32, #tpu.memory_space<vmem>>, vector<1x16xf32>,
        %swap3A_94 = vector.shape_cast %swap3A_93 : vector<1x16xf32> to vector<16xf32>
        %swap3A_95 = vector.shape_cast %broadcast_in_dim3A_8 : vector<16xf32> to vector<1x16xf32>
        tpu.vector_store %arg10[%swap3A_91, %swap3A_92], %swap3A_95 {strides = array<i32>} : memref<128x128xf32, #tpu.memory_space<vmem>>, vector<1x16xf32>,
      }
      %scan3A_13 = arith.constant 128 : i32
      %broadcast_in_dim3A_14 = arith.constant 1.000000e+00 : f32
      %broadcast_in_dim3A_15 = vector.broadcast %broadcast_in_dim3A_14 : f32 to vector<16xf32>
      %scan3A_16 = arith.constant 0 : i32
      %scan3A_17 = arith.constant 0 : i32
      %scan3A_18 = arith.constant 128 : i32
      %scan3A_19 = arith.addi %scan3A_17, %scan3A_18 : i32
      %scan3A_20 = arith.constant 1 : i32
      scf.for %scan3A_56 = %scan3A_17 to %scan3A_19 step %scan3A_20  : i32 {
        %swap3A = arith.index_cast %scan3A_56 : i32 to index
        %swap3A_57 = arith.constant 0 : index
        %swap3A_58 = tpu.vector_load %arg11[%swap3A, %swap3A_57] {strides = array<i32>} : memref<128x128xf32, #tpu.memory_space<vmem>>, vector<1x16xf32>,
        %swap3A_59 = vector.shape_cast %swap3A_58 : vector<1x16xf32> to vector<16xf32>
        %swap3A_60 = vector.shape_cast %broadcast_in_dim3A_15 : vector<16xf32> to vector<1x16xf32>
        tpu.vector_store %arg11[%swap3A, %swap3A_57], %swap3A_60 {strides = array<i32>} : memref<128x128xf32, #tpu.memory_space<vmem>>, vector<1x16xf32>,
        %swap3A_61 = arith.index_cast %scan3A_56 : i32 to index
        %swap3A_62 = arith.constant 16 : index
        %swap3A_63 = tpu.vector_load %arg11[%swap3A_61, %swap3A_62] {strides = array<i32>} : memref<128x128xf32, #tpu.memory_space<vmem>>, vector<1x16xf32>,
        %swap3A_64 = vector.shape_cast %swap3A_63 : vector<1x16xf32> to vector<16xf32>
        %swap3A_65 = vector.shape_cast %broadcast_in_dim3A_15 : vector<16xf32> to vector<1x16xf32>
        tpu.vector_store %arg11[%swap3A_61, %swap3A_62], %swap3A_65 {strides = array<i32>} : memref<128x128xf32, #tpu.memory_space<vmem>>, vector<1x16xf32>,
        %swap3A_66 = arith.index_cast %scan3A_56 : i32 to index
        %swap3A_67 = arith.constant 32 : index
        %swap3A_68 = tpu.vector_load %arg11[%swap3A_66, %swap3A_67] {strides = array<i32>} : memref<128x128xf32, #tpu.memory_space<vmem>>, vector<1x16xf32>,
        %swap3A_69 = vector.shape_cast %swap3A_68 : vector<1x16xf32> to vector<16xf32>
        %swap3A_70 = vector.shape_cast %broadcast_in_dim3A_15 : vector<16xf32> to vector<1x16xf32>
        tpu.vector_store %arg11[%swap3A_66, %swap3A_67], %swap3A_70 {strides = array<i32>} : memref<128x128xf32, #tpu.memory_space<vmem>>, vector<1x16xf32>,
        %swap3A_71 = arith.index_cast %scan3A_56 : i32 to index
        %swap3A_72 = arith.constant 48 : index
        %swap3A_73 = tpu.vector_load %arg11[%swap3A_71, %swap3A_72] {strides = array<i32>} : memref<128x128xf32, #tpu.memory_space<vmem>>, vector<1x16xf32>,
        %swap3A_74 = vector.shape_cast %swap3A_73 : vector<1x16xf32> to vector<16xf32>
        %swap3A_75 = vector.shape_cast %broadcast_in_dim3A_15 : vector<16xf32> to vector<1x16xf32>
        tpu.vector_store %arg11[%swap3A_71, %swap3A_72], %swap3A_75 {strides = array<i32>} : memref<128x128xf32, #tpu.memory_space<vmem>>, vector<1x16xf32>,
        %swap3A_76 = arith.index_cast %scan3A_56 : i32 to index
        %swap3A_77 = arith.constant 64 : index
        %swap3A_78 = tpu.vector_load %arg11[%swap3A_76, %swap3A_77] {strides = array<i32>} : memref<128x128xf32, #tpu.memory_space<vmem>>, vector<1x16xf32>,
        %swap3A_79 = vector.shape_cast %swap3A_78 : vector<1x16xf32> to vector<16xf32>
        %swap3A_80 = vector.shape_cast %broadcast_in_dim3A_15 : vector<16xf32> to vector<1x16xf32>
        tpu.vector_store %arg11[%swap3A_76, %swap3A_77], %swap3A_80 {strides = array<i32>} : memref<128x128xf32, #tpu.memory_space<vmem>>, vector<1x16xf32>,
        %swap3A_81 = arith.index_cast %scan3A_56 : i32 to index
        %swap3A_82 = arith.constant 80 : index
        %swap3A_83 = tpu.vector_load %arg11[%swap3A_81, %swap3A_82] {strides = array<i32>} : memref<128x128xf32, #tpu.memory_space<vmem>>, vector<1x16xf32>,
        %swap3A_84 = vector.shape_cast %swap3A_83 : vector<1x16xf32> to vector<16xf32>
        %swap3A_85 = vector.shape_cast %broadcast_in_dim3A_15 : vector<16xf32> to vector<1x16xf32>
        tpu.vector_store %arg11[%swap3A_81, %swap3A_82], %swap3A_85 {strides = array<i32>} : memref<128x128xf32, #tpu.memory_space<vmem>>, vector<1x16xf32>,
        %swap3A_86 = arith.index_cast %scan3A_56 : i32 to index
        %swap3A_87 = arith.constant 96 : index
        %swap3A_88 = tpu.vector_load %arg11[%swap3A_86, %swap3A_87] {strides = array<i32>} : memref<128x128xf32, #tpu.memory_space<vmem>>, vector<1x16xf32>,
        %swap3A_89 = vector.shape_cast %swap3A_88 : vector<1x16xf32> to vector<16xf32>
        %swap3A_90 = vector.shape_cast %broadcast_in_dim3A_15 : vector<16xf32> to vector<1x16xf32>
        tpu.vector_store %arg11[%swap3A_86, %swap3A_87], %swap3A_90 {strides = array<i32>} : memref<128x128xf32, #tpu.memory_space<vmem>>, vector<1x16xf32>,
        %swap3A_91 = arith.index_cast %scan3A_56 : i32 to index
        %swap3A_92 = arith.constant 112 : index
        %swap3A_93 = tpu.vector_load %arg11[%swap3A_91, %swap3A_92] {strides = array<i32>} : memref<128x128xf32, #tpu.memory_space<vmem>>, vector<1x16xf32>,
        %swap3A_94 = vector.shape_cast %swap3A_93 : vector<1x16xf32> to vector<16xf32>
        %swap3A_95 = vector.shape_cast %broadcast_in_dim3A_15 : vector<16xf32> to vector<1x16xf32>
        tpu.vector_store %arg11[%swap3A_91, %swap3A_92], %swap3A_95 {strides = array<i32>} : memref<128x128xf32, #tpu.memory_space<vmem>>, vector<1x16xf32>,
      }
      %scan3A_21 = arith.constant 128 : i32
      %add3A = arith.constant 0 : i32
      %add3A_22 = arith.addi %mul3A_0, %add3A : i32
      "tpu.region"() ({
        %run_scoped3A = tpu.sem_alloc : memref<!tpu.dma_semaphore, #tpu.memory_space<semaphore_mem>>
        %dma_start3A = arith.constant 0 : i32
        %dma_start3A_56 = tpu.memref_slice %arg12[%add3A_22, %dma_start3A] : memref<10240x128xf32, #tpu.memory_space<vmem_shared>> -> memref<128x128xf32, #tpu.memory_space<vmem_shared>>
        %dma_start3A_57 = arith.constant 0 : i32
        %dma_start3A_58 = tpu.memref_slice %arg12[%add3A_22, %dma_start3A_57] : memref<10240x128xf32, #tpu.memory_space<vmem_shared>> -> memref<128x128xf32, #tpu.memory_space<vmem_shared>>
        tpu.enqueue_dma source(%arg10 : memref<128x128xf32, #tpu.memory_space<vmem>>) target(%dma_start3A_58 : memref<128x128xf32, #tpu.memory_space<vmem_shared>>) target_semaphore(%run_scoped3A : memref<!tpu.dma_semaphore, #tpu.memory_space<semaphore_mem>>)
        %dma_wait3A = arith.constant 0 : i32
        %dma_wait3A_59 = tpu.memref_slice %arg12[%add3A_22, %dma_wait3A] : memref<10240x128xf32, #tpu.memory_space<vmem_shared>> -> memref<128x128xf32, #tpu.memory_space<vmem_shared>>
        %dma_wait3A_60 = arith.constant 0 : i32
        %dma_wait3A_61 = tpu.memref_slice %arg12[%add3A_22, %dma_wait3A_60] : memref<10240x128xf32, #tpu.memory_space<vmem_shared>> -> memref<128x128xf32, #tpu.memory_space<vmem_shared>>
        tpu.wait_dma2 semaphore(%run_scoped3A : memref<!tpu.dma_semaphore, #tpu.memory_space<semaphore_mem>>) src(%arg10 : memref<128x128xf32, #tpu.memory_space<vmem>>) dst(%dma_wait3A_61 : memref<128x128xf32, #tpu.memory_space<vmem_shared>>)
        tpu.yield
      }) : () -> ()
      %add3A_23 = arith.constant 128 : i32
      %add3A_24 = arith.addi %mul3A_0, %add3A_23 : i32
      "tpu.region"() ({
        %run_scoped3A = tpu.sem_alloc : memref<!tpu.dma_semaphore, #tpu.memory_space<semaphore_mem>>
        %dma_start3A = arith.constant 0 : i32
        %dma_start3A_56 = tpu.memref_slice %arg12[%add3A_24, %dma_start3A] : memref<10240x128xf32, #tpu.memory_space<vmem_shared>> -> memref<128x128xf32, #tpu.memory_space<vmem_shared>>
        %dma_start3A_57 = arith.constant 0 : i32
        %dma_start3A_58 = tpu.memref_slice %arg12[%add3A_24, %dma_start3A_57] : memref<10240x128xf32, #tpu.memory_space<vmem_shared>> -> memref<128x128xf32, #tpu.memory_space<vmem_shared>>
        tpu.enqueue_dma source(%arg10 : memref<128x128xf32, #tpu.memory_space<vmem>>) target(%dma_start3A_58 : memref<128x128xf32, #tpu.memory_space<vmem_shared>>) target_semaphore(%run_scoped3A : memref<!tpu.dma_semaphore, #tpu.memory_space<semaphore_mem>>)
        %dma_wait3A = arith.constant 0 : i32
        %dma_wait3A_59 = tpu.memref_slice %arg12[%add3A_24, %dma_wait3A] : memref<10240x128xf32, #tpu.memory_space<vmem_shared>> -> memref<128x128xf32, #tpu.memory_space<vmem_shared>>
        %dma_wait3A_60 = arith.constant 0 : i32
        %dma_wait3A_61 = tpu.memref_slice %arg12[%add3A_24, %dma_wait3A_60] : memref<10240x128xf32, #tpu.memory_space<vmem_shared>> -> memref<128x128xf32, #tpu.memory_space<vmem_shared>>
        tpu.wait_dma2 semaphore(%run_scoped3A : memref<!tpu.dma_semaphore, #tpu.memory_space<semaphore_mem>>) src(%arg10 : memref<128x128xf32, #tpu.memory_space<vmem>>) dst(%dma_wait3A_61 : memref<128x128xf32, #tpu.memory_space<vmem_shared>>)
        tpu.yield
      }) : () -> ()
      %add3A_25 = arith.constant 256 : i32
      %add3A_26 = arith.addi %mul3A_0, %add3A_25 : i32
      "tpu.region"() ({
        %run_scoped3A = tpu.sem_alloc : memref<!tpu.dma_semaphore, #tpu.memory_space<semaphore_mem>>
        %dma_start3A = arith.constant 0 : i32
        %dma_start3A_56 = tpu.memref_slice %arg12[%add3A_26, %dma_start3A] : memref<10240x128xf32, #tpu.memory_space<vmem_shared>> -> memref<128x128xf32, #tpu.memory_space<vmem_shared>>
        %dma_start3A_57 = arith.constant 0 : i32
        %dma_start3A_58 = tpu.memref_slice %arg12[%add3A_26, %dma_start3A_57] : memref<10240x128xf32, #tpu.memory_space<vmem_shared>> -> memref<128x128xf32, #tpu.memory_space<vmem_shared>>
        tpu.enqueue_dma source(%arg10 : memref<128x128xf32, #tpu.memory_space<vmem>>) target(%dma_start3A_58 : memref<128x128xf32, #tpu.memory_space<vmem_shared>>) target_semaphore(%run_scoped3A : memref<!tpu.dma_semaphore, #tpu.memory_space<semaphore_mem>>)
        %dma_wait3A = arith.constant 0 : i32
        %dma_wait3A_59 = tpu.memref_slice %arg12[%add3A_26, %dma_wait3A] : memref<10240x128xf32, #tpu.memory_space<vmem_shared>> -> memref<128x128xf32, #tpu.memory_space<vmem_shared>>
        %dma_wait3A_60 = arith.constant 0 : i32
        %dma_wait3A_61 = tpu.memref_slice %arg12[%add3A_26, %dma_wait3A_60] : memref<10240x128xf32, #tpu.memory_space<vmem_shared>> -> memref<128x128xf32, #tpu.memory_space<vmem_shared>>
        tpu.wait_dma2 semaphore(%run_scoped3A : memref<!tpu.dma_semaphore, #tpu.memory_space<semaphore_mem>>) src(%arg10 : memref<128x128xf32, #tpu.memory_space<vmem>>) dst(%dma_wait3A_61 : memref<128x128xf32, #tpu.memory_space<vmem_shared>>)
        tpu.yield
      }) : () -> ()
      %add3A_27 = arith.constant 384 : i32
      %add3A_28 = arith.addi %mul3A_0, %add3A_27 : i32
      "tpu.region"() ({
        %run_scoped3A = tpu.sem_alloc : memref<!tpu.dma_semaphore, #tpu.memory_space<semaphore_mem>>
        %dma_start3A = arith.constant 0 : i32
        %dma_start3A_56 = tpu.memref_slice %arg12[%add3A_28, %dma_start3A] : memref<10240x128xf32, #tpu.memory_space<vmem_shared>> -> memref<128x128xf32, #tpu.memory_space<vmem_shared>>
        %dma_start3A_57 = arith.constant 0 : i32
        %dma_start3A_58 = tpu.memref_slice %arg12[%add3A_28, %dma_start3A_57] : memref<10240x128xf32, #tpu.memory_space<vmem_shared>> -> memref<128x128xf32, #tpu.memory_space<vmem_shared>>
        tpu.enqueue_dma source(%arg10 : memref<128x128xf32, #tpu.memory_space<vmem>>) target(%dma_start3A_58 : memref<128x128xf32, #tpu.memory_space<vmem_shared>>) target_semaphore(%run_scoped3A : memref<!tpu.dma_semaphore, #tpu.memory_space<semaphore_mem>>)
        %dma_wait3A = arith.constant 0 : i32
        %dma_wait3A_59 = tpu.memref_slice %arg12[%add3A_28, %dma_wait3A] : memref<10240x128xf32, #tpu.memory_space<vmem_shared>> -> memref<128x128xf32, #tpu.memory_space<vmem_shared>>
        %dma_wait3A_60 = arith.constant 0 : i32
        %dma_wait3A_61 = tpu.memref_slice %arg12[%add3A_28, %dma_wait3A_60] : memref<10240x128xf32, #tpu.memory_space<vmem_shared>> -> memref<128x128xf32, #tpu.memory_space<vmem_shared>>
        tpu.wait_dma2 semaphore(%run_scoped3A : memref<!tpu.dma_semaphore, #tpu.memory_space<semaphore_mem>>) src(%arg10 : memref<128x128xf32, #tpu.memory_space<vmem>>) dst(%dma_wait3A_61 : memref<128x128xf32, #tpu.memory_space<vmem_shared>>)
        tpu.yield
      }) : () -> ()
      %add3A_29 = arith.constant 512 : i32
      %add3A_30 = arith.addi %mul3A_0, %add3A_29 : i32
      "tpu.region"() ({
        %run_scoped3A = tpu.sem_alloc : memref<!tpu.dma_semaphore, #tpu.memory_space<semaphore_mem>>
        %dma_start3A = arith.constant 0 : i32
        %dma_start3A_56 = tpu.memref_slice %arg12[%add3A_30, %dma_start3A] : memref<10240x128xf32, #tpu.memory_space<vmem_shared>> -> memref<128x128xf32, #tpu.memory_space<vmem_shared>>
        %dma_start3A_57 = arith.constant 0 : i32
        %dma_start3A_58 = tpu.memref_slice %arg12[%add3A_30, %dma_start3A_57] : memref<10240x128xf32, #tpu.memory_space<vmem_shared>> -> memref<128x128xf32, #tpu.memory_space<vmem_shared>>
        tpu.enqueue_dma source(%arg10 : memref<128x128xf32, #tpu.memory_space<vmem>>) target(%dma_start3A_58 : memref<128x128xf32, #tpu.memory_space<vmem_shared>>) target_semaphore(%run_scoped3A : memref<!tpu.dma_semaphore, #tpu.memory_space<semaphore_mem>>)
        %dma_wait3A = arith.constant 0 : i32
        %dma_wait3A_59 = tpu.memref_slice %arg12[%add3A_30, %dma_wait3A] : memref<10240x128xf32, #tpu.memory_space<vmem_shared>> -> memref<128x128xf32, #tpu.memory_space<vmem_shared>>
        %dma_wait3A_60 = arith.constant 0 : i32
        %dma_wait3A_61 = tpu.memref_slice %arg12[%add3A_30, %dma_wait3A_60] : memref<10240x128xf32, #tpu.memory_space<vmem_shared>> -> memref<128x128xf32, #tpu.memory_space<vmem_shared>>
        tpu.wait_dma2 semaphore(%run_scoped3A : memref<!tpu.dma_semaphore, #tpu.memory_space<semaphore_mem>>) src(%arg10 : memref<128x128xf32, #tpu.memory_space<vmem>>) dst(%dma_wait3A_61 : memref<128x128xf32, #tpu.memory_space<vmem_shared>>)
        tpu.yield
      }) : () -> ()
      %barrier3A = arith.constant 0 : index
      tpu.barrier barrier_id(%barrier3A)
      "tpu.region"() ({
        %run_scoped3A = tpu.sem_alloc : memref<!tpu.dma_semaphore, #tpu.memory_space<semaphore_mem>>
        %dma_start3A = arith.constant 0 : i32
        %dma_start3A_56 = arith.constant 0 : i32
        %dma_start3A_57 = tpu.memref_slice %arg4[%arg1, %dma_start3A, %dma_start3A_56] : memref<16x80x128xi32, #tpu.memory_space<hbm>> -> memref<1x40x128xi32, #tpu.memory_space<hbm>>
        %dma_start3A_58 = tpu.memref_squeeze %dma_start3A_57 : memref<1x40x128xi32, #tpu.memory_space<hbm>> -> memref<40x128xi32, #tpu.memory_space<hbm>>
        %dma_start3A_59 = arith.constant 0 : i32
        %dma_start3A_60 = arith.constant 0 : i32
        %dma_start3A_61 = tpu.memref_slice %arg4[%arg1, %dma_start3A_59, %dma_start3A_60] : memref<16x80x128xi32, #tpu.memory_space<hbm>> -> memref<1x40x128xi32, #tpu.memory_space<hbm>>
        %dma_start3A_62 = tpu.memref_squeeze %dma_start3A_61 : memref<1x40x128xi32, #tpu.memory_space<hbm>> -> memref<40x128xi32, #tpu.memory_space<hbm>>
        tpu.enqueue_dma source(%dma_start3A_62 : memref<40x128xi32, #tpu.memory_space<hbm>>) target(%arg9 : memref<40x128xi32, #tpu.memory_space<vmem>>) target_semaphore(%run_scoped3A : memref<!tpu.dma_semaphore, #tpu.memory_space<semaphore_mem>>)
        %dma_wait3A = arith.constant 0 : i32
        %dma_wait3A_63 = arith.constant 0 : i32
        %dma_wait3A_64 = tpu.memref_slice %arg4[%arg1, %dma_wait3A, %dma_wait3A_63] : memref<16x80x128xi32, #tpu.memory_space<hbm>> -> memref<1x40x128xi32, #tpu.memory_space<hbm>>
        %dma_wait3A_65 = tpu.memref_squeeze %dma_wait3A_64 : memref<1x40x128xi32, #tpu.memory_space<hbm>> -> memref<40x128xi32, #tpu.memory_space<hbm>>
        %dma_wait3A_66 = arith.constant 0 : i32
        %dma_wait3A_67 = arith.constant 0 : i32
        %dma_wait3A_68 = tpu.memref_slice %arg4[%arg1, %dma_wait3A_66, %dma_wait3A_67] : memref<16x80x128xi32, #tpu.memory_space<hbm>> -> memref<1x40x128xi32, #tpu.memory_space<hbm>>
        %dma_wait3A_69 = tpu.memref_squeeze %dma_wait3A_68 : memref<1x40x128xi32, #tpu.memory_space<hbm>> -> memref<40x128xi32, #tpu.memory_space<hbm>>
        tpu.wait_dma2 semaphore(%run_scoped3A : memref<!tpu.dma_semaphore, #tpu.memory_space<semaphore_mem>>) src(%dma_wait3A_69 : memref<40x128xi32, #tpu.memory_space<hbm>>) dst(%arg9 : memref<40x128xi32, #tpu.memory_space<vmem>>)
        tpu.yield
      }) : () -> ()
      %scan3A_31 = arith.constant 0 : i32
      %scan3A_32 = arith.constant 0 : i32
      %scan3A_33 = arith.constant 40 : i32
      %scan3A_34 = arith.addi %scan3A_32, %scan3A_33 : i32
      %scan3A_35 = arith.constant 1 : i32
      scf.for %scan3A_56 = %scan3A_32 to %scan3A_34 step %scan3A_35  : i32 {
        "tpu.region"() ({
          %run_scoped3A = tpu.sem_alloc : memref<!tpu.dma_semaphore, #tpu.memory_space<semaphore_mem>>
          %dma_start3A = arith.constant 0 : i32
          %dma_start3A_57 = tpu.memref_slice %arg9[%scan3A_56, %dma_start3A] : memref<40x128xi32, #tpu.memory_space<vmem>> -> memref<1x128xi32, #tpu.memory_space<vmem>>
          %dma_start3A_58 = tpu.memref_squeeze %dma_start3A_57 : memref<1x128xi32, #tpu.memory_space<vmem>> -> memref<128xi32, #tpu.memory_space<vmem>>
          %dma_start3A_59 = arith.constant 0 : i32
          %dma_start3A_60 = arith.constant 0 : i32
          %dma_start3A_61 = tpu.memref_slice %arg12[%dma_start3A_59, %dma_start3A_60] : memref<10240x128xf32, #tpu.memory_space<vmem_shared>> -> memref<10240x128xf32, #tpu.memory_space<vmem_shared>>
          tpu.enqueue_indirect_dma source(%arg11 : memref<128x128xf32, #tpu.memory_space<vmem>>) target(%dma_start3A_61 : memref<10240x128xf32, #tpu.memory_space<vmem_shared>>) offsets(%dma_start3A_58 : memref<128xi32, #tpu.memory_space<vmem>>) semaphore(%run_scoped3A : memref<!tpu.dma_semaphore, #tpu.memory_space<semaphore_mem>>) {add = true}
          %dma_wait3A = arith.constant 0 : i32
          %dma_wait3A_62 = tpu.memref_slice %arg9[%scan3A_56, %dma_wait3A] : memref<40x128xi32, #tpu.memory_space<vmem>> -> memref<1x128xi32, #tpu.memory_space<vmem>>
          %dma_wait3A_63 = tpu.memref_squeeze %dma_wait3A_62 : memref<1x128xi32, #tpu.memory_space<vmem>> -> memref<128xi32, #tpu.memory_space<vmem>>
          %dma_wait3A_64 = arith.constant 0 : i32
          %dma_wait3A_65 = arith.constant 0 : i32
          %dma_wait3A_66 = tpu.memref_slice %arg12[%dma_wait3A_64, %dma_wait3A_65] : memref<10240x128xf32, #tpu.memory_space<vmem_shared>> -> memref<10240x128xf32, #tpu.memory_space<vmem_shared>>
          tpu.wait_indirect_dma semaphore(%run_scoped3A : memref<!tpu.dma_semaphore, #tpu.memory_space<semaphore_mem>>) src(%arg11 : memref<128x128xf32, #tpu.memory_space<vmem>>) dst(%dma_wait3A_66 : memref<10240x128xf32, #tpu.memory_space<vmem_shared>>)
          tpu.yield
        }) : () -> ()
      }
      %scan3A_36 = arith.constant 40 : i32
      "tpu.region"() ({
        %run_scoped3A = tpu.sem_alloc : memref<!tpu.dma_semaphore, #tpu.memory_space<semaphore_mem>>
        %dma_start3A = arith.constant 40 : i32
        %dma_start3A_56 = arith.constant 0 : i32
        %dma_start3A_57 = tpu.memref_slice %arg4[%arg1, %dma_start3A, %dma_start3A_56] : memref<16x80x128xi32, #tpu.memory_space<hbm>> -> memref<1x40x128xi32, #tpu.memory_space<hbm>>
        %dma_start3A_58 = tpu.memref_squeeze %dma_start3A_57 : memref<1x40x128xi32, #tpu.memory_space<hbm>> -> memref<40x128xi32, #tpu.memory_space<hbm>>
        %dma_start3A_59 = arith.constant 40 : i32
        %dma_start3A_60 = arith.constant 0 : i32
        %dma_start3A_61 = tpu.memref_slice %arg4[%arg1, %dma_start3A_59, %dma_start3A_60] : memref<16x80x128xi32, #tpu.memory_space<hbm>> -> memref<1x40x128xi32, #tpu.memory_space<hbm>>
        %dma_start3A_62 = tpu.memref_squeeze %dma_start3A_61 : memref<1x40x128xi32, #tpu.memory_space<hbm>> -> memref<40x128xi32, #tpu.memory_space<hbm>>
        tpu.enqueue_dma source(%dma_start3A_62 : memref<40x128xi32, #tpu.memory_space<hbm>>) target(%arg9 : memref<40x128xi32, #tpu.memory_space<vmem>>) target_semaphore(%run_scoped3A : memref<!tpu.dma_semaphore, #tpu.memory_space<semaphore_mem>>)
        %dma_wait3A = arith.constant 40 : i32
        %dma_wait3A_63 = arith.constant 0 : i32
        %dma_wait3A_64 = tpu.memref_slice %arg4[%arg1, %dma_wait3A, %dma_wait3A_63] : memref<16x80x128xi32, #tpu.memory_space<hbm>> -> memref<1x40x128xi32, #tpu.memory_space<hbm>>
        %dma_wait3A_65 = tpu.memref_squeeze %dma_wait3A_64 : memref<1x40x128xi32, #tpu.memory_space<hbm>> -> memref<40x128xi32, #tpu.memory_space<hbm>>
        %dma_wait3A_66 = arith.constant 40 : i32
        %dma_wait3A_67 = arith.constant 0 : i32
        %dma_wait3A_68 = tpu.memref_slice %arg4[%arg1, %dma_wait3A_66, %dma_wait3A_67] : memref<16x80x128xi32, #tpu.memory_space<hbm>> -> memref<1x40x128xi32, #tpu.memory_space<hbm>>
        %dma_wait3A_69 = tpu.memref_squeeze %dma_wait3A_68 : memref<1x40x128xi32, #tpu.memory_space<hbm>> -> memref<40x128xi32, #tpu.memory_space<hbm>>
        tpu.wait_dma2 semaphore(%run_scoped3A : memref<!tpu.dma_semaphore, #tpu.memory_space<semaphore_mem>>) src(%dma_wait3A_69 : memref<40x128xi32, #tpu.memory_space<hbm>>) dst(%arg9 : memref<40x128xi32, #tpu.memory_space<vmem>>)
        tpu.yield
      }) : () -> ()
      %scan3A_37 = arith.constant 0 : i32
      %scan3A_38 = arith.constant 0 : i32
      %scan3A_39 = arith.constant 40 : i32
      %scan3A_40 = arith.addi %scan3A_38, %scan3A_39 : i32
      %scan3A_41 = arith.constant 1 : i32
      scf.for %scan3A_56 = %scan3A_38 to %scan3A_40 step %scan3A_41  : i32 {
        "tpu.region"() ({
          %run_scoped3A = tpu.sem_alloc : memref<!tpu.dma_semaphore, #tpu.memory_space<semaphore_mem>>
          %dma_start3A = arith.constant 0 : i32
          %dma_start3A_57 = tpu.memref_slice %arg9[%scan3A_56, %dma_start3A] : memref<40x128xi32, #tpu.memory_space<vmem>> -> memref<1x128xi32, #tpu.memory_space<vmem>>
          %dma_start3A_58 = tpu.memref_squeeze %dma_start3A_57 : memref<1x128xi32, #tpu.memory_space<vmem>> -> memref<128xi32, #tpu.memory_space<vmem>>
          %dma_start3A_59 = arith.constant 0 : i32
          %dma_start3A_60 = arith.constant 0 : i32
          %dma_start3A_61 = tpu.memref_slice %arg12[%dma_start3A_59, %dma_start3A_60] : memref<10240x128xf32, #tpu.memory_space<vmem_shared>> -> memref<10240x128xf32, #tpu.memory_space<vmem_shared>>
          tpu.enqueue_indirect_dma source(%arg11 : memref<128x128xf32, #tpu.memory_space<vmem>>) target(%dma_start3A_61 : memref<10240x128xf32, #tpu.memory_space<vmem_shared>>) offsets(%dma_start3A_58 : memref<128xi32, #tpu.memory_space<vmem>>) semaphore(%run_scoped3A : memref<!tpu.dma_semaphore, #tpu.memory_space<semaphore_mem>>) {add = true}
          %dma_wait3A = arith.constant 0 : i32
          %dma_wait3A_62 = tpu.memref_slice %arg9[%scan3A_56, %dma_wait3A] : memref<40x128xi32, #tpu.memory_space<vmem>> -> memref<1x128xi32, #tpu.memory_space<vmem>>
          %dma_wait3A_63 = tpu.memref_squeeze %dma_wait3A_62 : memref<1x128xi32, #tpu.memory_space<vmem>> -> memref<128xi32, #tpu.memory_space<vmem>>
          %dma_wait3A_64 = arith.constant 0 : i32
          %dma_wait3A_65 = arith.constant 0 : i32
          %dma_wait3A_66 = tpu.memref_slice %arg12[%dma_wait3A_64, %dma_wait3A_65] : memref<10240x128xf32, #tpu.memory_space<vmem_shared>> -> memref<10240x128xf32, #tpu.memory_space<vmem_shared>>
          tpu.wait_indirect_dma semaphore(%run_scoped3A : memref<!tpu.dma_semaphore, #tpu.memory_space<semaphore_mem>>) src(%arg11 : memref<128x128xf32, #tpu.memory_space<vmem>>) dst(%dma_wait3A_66 : memref<10240x128xf32, #tpu.memory_space<vmem_shared>>)
          tpu.yield
        }) : () -> ()
      }
      %scan3A_42 = arith.constant 40 : i32
      %barrier3A_43 = arith.constant 0 : index
      tpu.barrier barrier_id(%barrier3A_43)
      "tpu.region"() ({
        %run_scoped3A = tpu.sem_alloc : memref<!tpu.dma_semaphore, #tpu.memory_space<semaphore_mem>>
        %dma_start3A = arith.constant 0 : i32
        %dma_start3A_56 = tpu.memref_slice %arg7[%mul3A_0, %dma_start3A] : memref<10240x128xf32, #tpu.memory_space<hbm>> -> memref<640x128xf32, #tpu.memory_space<hbm>>
        %dma_start3A_57 = arith.constant 0 : i32
        %dma_start3A_58 = tpu.memref_slice %arg12[%mul3A_0, %dma_start3A_57] : memref<10240x128xf32, #tpu.memory_space<vmem_shared>> -> memref<640x128xf32, #tpu.memory_space<vmem_shared>>
        tpu.enqueue_dma source(%dma_start3A_58 : memref<640x128xf32, #tpu.memory_space<vmem_shared>>) target(%dma_start3A_56 : memref<640x128xf32, #tpu.memory_space<hbm>>) target_semaphore(%run_scoped3A : memref<!tpu.dma_semaphore, #tpu.memory_space<semaphore_mem>>)
        %dma_wait3A = arith.constant 0 : i32
        %dma_wait3A_59 = tpu.memref_slice %arg7[%mul3A_0, %dma_wait3A] : memref<10240x128xf32, #tpu.memory_space<hbm>> -> memref<640x128xf32, #tpu.memory_space<hbm>>
        %dma_wait3A_60 = arith.constant 0 : i32
        %dma_wait3A_61 = tpu.memref_slice %arg12[%mul3A_0, %dma_wait3A_60] : memref<10240x128xf32, #tpu.memory_space<vmem_shared>> -> memref<640x128xf32, #tpu.memory_space<vmem_shared>>
        tpu.wait_dma2 semaphore(%run_scoped3A : memref<!tpu.dma_semaphore, #tpu.memory_space<semaphore_mem>>) src(%dma_wait3A_61 : memref<640x128xf32, #tpu.memory_space<vmem_shared>>) dst(%dma_wait3A_59 : memref<640x128xf32, #tpu.memory_space<hbm>>)
        tpu.yield
      }) : () -> ()
      %add3A_44 = arith.constant 0 : i32
      %add3A_45 = arith.addi %mul3A_0, %add3A_44 : i32
      "tpu.region"() ({
        %run_scoped3A = tpu.sem_alloc : memref<!tpu.dma_semaphore, #tpu.memory_space<semaphore_mem>>
        %dma_start3A = arith.constant 0 : i32
        %dma_start3A_56 = tpu.memref_slice %arg12[%add3A_45, %dma_start3A] : memref<10240x128xf32, #tpu.memory_space<vmem_shared>> -> memref<128x128xf32, #tpu.memory_space<vmem_shared>>
        %dma_start3A_57 = arith.constant 0 : i32
        %dma_start3A_58 = tpu.memref_slice %arg12[%add3A_45, %dma_start3A_57] : memref<10240x128xf32, #tpu.memory_space<vmem_shared>> -> memref<128x128xf32, #tpu.memory_space<vmem_shared>>
        tpu.enqueue_dma source(%arg10 : memref<128x128xf32, #tpu.memory_space<vmem>>) target(%dma_start3A_58 : memref<128x128xf32, #tpu.memory_space<vmem_shared>>) target_semaphore(%run_scoped3A : memref<!tpu.dma_semaphore, #tpu.memory_space<semaphore_mem>>)
        %dma_wait3A = arith.constant 0 : i32
        %dma_wait3A_59 = tpu.memref_slice %arg12[%add3A_45, %dma_wait3A] : memref<10240x128xf32, #tpu.memory_space<vmem_shared>> -> memref<128x128xf32, #tpu.memory_space<vmem_shared>>
        %dma_wait3A_60 = arith.constant 0 : i32
        %dma_wait3A_61 = tpu.memref_slice %arg12[%add3A_45, %dma_wait3A_60] : memref<10240x128xf32, #tpu.memory_space<vmem_shared>> -> memref<128x128xf32, #tpu.memory_space<vmem_shared>>
        tpu.wait_dma2 semaphore(%run_scoped3A : memref<!tpu.dma_semaphore, #tpu.memory_space<semaphore_mem>>) src(%arg10 : memref<128x128xf32, #tpu.memory_space<vmem>>) dst(%dma_wait3A_61 : memref<128x128xf32, #tpu.memory_space<vmem_shared>>)
        tpu.yield
      }) : () -> ()
      %add3A_46 = arith.constant 128 : i32
      %add3A_47 = arith.addi %mul3A_0, %add3A_46 : i32
      "tpu.region"() ({
        %run_scoped3A = tpu.sem_alloc : memref<!tpu.dma_semaphore, #tpu.memory_space<semaphore_mem>>
        %dma_start3A = arith.constant 0 : i32
        %dma_start3A_56 = tpu.memref_slice %arg12[%add3A_47, %dma_start3A] : memref<10240x128xf32, #tpu.memory_space<vmem_shared>> -> memref<128x128xf32, #tpu.memory_space<vmem_shared>>
        %dma_start3A_57 = arith.constant 0 : i32
        %dma_start3A_58 = tpu.memref_slice %arg12[%add3A_47, %dma_start3A_57] : memref<10240x128xf32, #tpu.memory_space<vmem_shared>> -> memref<128x128xf32, #tpu.memory_space<vmem_shared>>
        tpu.enqueue_dma source(%arg10 : memref<128x128xf32, #tpu.memory_space<vmem>>) target(%dma_start3A_58 : memref<128x128xf32, #tpu.memory_space<vmem_shared>>) target_semaphore(%run_scoped3A : memref<!tpu.dma_semaphore, #tpu.memory_space<semaphore_mem>>)
        %dma_wait3A = arith.constant 0 : i32
        %dma_wait3A_59 = tpu.memref_slice %arg12[%add3A_47, %dma_wait3A] : memref<10240x128xf32, #tpu.memory_space<vmem_shared>> -> memref<128x128xf32, #tpu.memory_space<vmem_shared>>
        %dma_wait3A_60 = arith.constant 0 : i32
        %dma_wait3A_61 = tpu.memref_slice %arg12[%add3A_47, %dma_wait3A_60] : memref<10240x128xf32, #tpu.memory_space<vmem_shared>> -> memref<128x128xf32, #tpu.memory_space<vmem_shared>>
        tpu.wait_dma2 semaphore(%run_scoped3A : memref<!tpu.dma_semaphore, #tpu.memory_space<semaphore_mem>>) src(%arg10 : memref<128x128xf32, #tpu.memory_space<vmem>>) dst(%dma_wait3A_61 : memref<128x128xf32, #tpu.memory_space<vmem_shared>>)
        tpu.yield
      }) : () -> ()
      %add3A_48 = arith.constant 256 : i32
      %add3A_49 = arith.addi %mul3A_0, %add3A_48 : i32
      "tpu.region"() ({
        %run_scoped3A = tpu.sem_alloc : memref<!tpu.dma_semaphore, #tpu.memory_space<semaphore_mem>>
        %dma_start3A = arith.constant 0 : i32
        %dma_start3A_56 = tpu.memref_slice %arg12[%add3A_49, %dma_start3A] : memref<10240x128xf32, #tpu.memory_space<vmem_shared>> -> memref<128x128xf32, #tpu.memory_space<vmem_shared>>
        %dma_start3A_57 = arith.constant 0 : i32
        %dma_start3A_58 = tpu.memref_slice %arg12[%add3A_49, %dma_start3A_57] : memref<10240x128xf32, #tpu.memory_space<vmem_shared>> -> memref<128x128xf32, #tpu.memory_space<vmem_shared>>
        tpu.enqueue_dma source(%arg10 : memref<128x128xf32, #tpu.memory_space<vmem>>) target(%dma_start3A_58 : memref<128x128xf32, #tpu.memory_space<vmem_shared>>) target_semaphore(%run_scoped3A : memref<!tpu.dma_semaphore, #tpu.memory_space<semaphore_mem>>)
        %dma_wait3A = arith.constant 0 : i32
        %dma_wait3A_59 = tpu.memref_slice %arg12[%add3A_49, %dma_wait3A] : memref<10240x128xf32, #tpu.memory_space<vmem_shared>> -> memref<128x128xf32, #tpu.memory_space<vmem_shared>>
        %dma_wait3A_60 = arith.constant 0 : i32
        %dma_wait3A_61 = tpu.memref_slice %arg12[%add3A_49, %dma_wait3A_60] : memref<10240x128xf32, #tpu.memory_space<vmem_shared>> -> memref<128x128xf32, #tpu.memory_space<vmem_shared>>
        tpu.wait_dma2 semaphore(%run_scoped3A : memref<!tpu.dma_semaphore, #tpu.memory_space<semaphore_mem>>) src(%arg10 : memref<128x128xf32, #tpu.memory_space<vmem>>) dst(%dma_wait3A_61 : memref<128x128xf32, #tpu.memory_space<vmem_shared>>)
        tpu.yield
      }) : () -> ()
      %add3A_50 = arith.constant 384 : i32
      %add3A_51 = arith.addi %mul3A_0, %add3A_50 : i32
      "tpu.region"() ({
        %run_scoped3A = tpu.sem_alloc : memref<!tpu.dma_semaphore, #tpu.memory_space<semaphore_mem>>
        %dma_start3A = arith.constant 0 : i32
        %dma_start3A_56 = tpu.memref_slice %arg12[%add3A_51, %dma_start3A] : memref<10240x128xf32, #tpu.memory_space<vmem_shared>> -> memref<128x128xf32, #tpu.memory_space<vmem_shared>>
        %dma_start3A_57 = arith.constant 0 : i32
        %dma_start3A_58 = tpu.memref_slice %arg12[%add3A_51, %dma_start3A_57] : memref<10240x128xf32, #tpu.memory_space<vmem_shared>> -> memref<128x128xf32, #tpu.memory_space<vmem_shared>>
        tpu.enqueue_dma source(%arg10 : memref<128x128xf32, #tpu.memory_space<vmem>>) target(%dma_start3A_58 : memref<128x128xf32, #tpu.memory_space<vmem_shared>>) target_semaphore(%run_scoped3A : memref<!tpu.dma_semaphore, #tpu.memory_space<semaphore_mem>>)
        %dma_wait3A = arith.constant 0 : i32
        %dma_wait3A_59 = tpu.memref_slice %arg12[%add3A_51, %dma_wait3A] : memref<10240x128xf32, #tpu.memory_space<vmem_shared>> -> memref<128x128xf32, #tpu.memory_space<vmem_shared>>
        %dma_wait3A_60 = arith.constant 0 : i32
        %dma_wait3A_61 = tpu.memref_slice %arg12[%add3A_51, %dma_wait3A_60] : memref<10240x128xf32, #tpu.memory_space<vmem_shared>> -> memref<128x128xf32, #tpu.memory_space<vmem_shared>>
        tpu.wait_dma2 semaphore(%run_scoped3A : memref<!tpu.dma_semaphore, #tpu.memory_space<semaphore_mem>>) src(%arg10 : memref<128x128xf32, #tpu.memory_space<vmem>>) dst(%dma_wait3A_61 : memref<128x128xf32, #tpu.memory_space<vmem_shared>>)
        tpu.yield
      }) : () -> ()
      %add3A_52 = arith.constant 512 : i32
      %add3A_53 = arith.addi %mul3A_0, %add3A_52 : i32
      "tpu.region"() ({
        %run_scoped3A = tpu.sem_alloc : memref<!tpu.dma_semaphore, #tpu.memory_space<semaphore_mem>>
        %dma_start3A = arith.constant 0 : i32
        %dma_start3A_56 = tpu.memref_slice %arg12[%add3A_53, %dma_start3A] : memref<10240x128xf32, #tpu.memory_space<vmem_shared>> -> memref<128x128xf32, #tpu.memory_space<vmem_shared>>
        %dma_start3A_57 = arith.constant 0 : i32
        %dma_start3A_58 = tpu.memref_slice %arg12[%add3A_53, %dma_start3A_57] : memref<10240x128xf32, #tpu.memory_space<vmem_shared>> -> memref<128x128xf32, #tpu.memory_space<vmem_shared>>
        tpu.enqueue_dma source(%arg10 : memref<128x128xf32, #tpu.memory_space<vmem>>) target(%dma_start3A_58 : memref<128x128xf32, #tpu.memory_space<vmem_shared>>) target_semaphore(%run_scoped3A : memref<!tpu.dma_semaphore, #tpu.memory_space<semaphore_mem>>)
        %dma_wait3A = arith.constant 0 : i32
        %dma_wait3A_59 = tpu.memref_slice %arg12[%add3A_53, %dma_wait3A] : memref<10240x128xf32, #tpu.memory_space<vmem_shared>> -> memref<128x128xf32, #tpu.memory_space<vmem_shared>>
        %dma_wait3A_60 = arith.constant 0 : i32
        %dma_wait3A_61 = tpu.memref_slice %arg12[%add3A_53, %dma_wait3A_60] : memref<10240x128xf32, #tpu.memory_space<vmem_shared>> -> memref<128x128xf32, #tpu.memory_space<vmem_shared>>
        tpu.wait_dma2 semaphore(%run_scoped3A : memref<!tpu.dma_semaphore, #tpu.memory_space<semaphore_mem>>) src(%arg10 : memref<128x128xf32, #tpu.memory_space<vmem>>) dst(%dma_wait3A_61 : memref<128x128xf32, #tpu.memory_space<vmem_shared>>)
        tpu.yield
      }) : () -> ()
      %barrier3A_54 = arith.constant 0 : index
      tpu.barrier barrier_id(%barrier3A_54)
      %barrier3A_55 = arith.constant 0 : index
      tpu.barrier barrier_id(%barrier3A_55)
      "tpu.region"() ({
        %run_scoped3A = tpu.sem_alloc : memref<!tpu.dma_semaphore, #tpu.memory_space<semaphore_mem>>
        %dma_start3A = arith.constant 0 : i32
        %dma_start3A_56 = tpu.memref_slice %arg6[%mul3A_0, %dma_start3A] : memref<10240x128xf32, #tpu.memory_space<hbm>> -> memref<640x128xf32, #tpu.memory_space<hbm>>
        %dma_start3A_57 = arith.constant 0 : i32
        %dma_start3A_58 = tpu.memref_slice %arg12[%mul3A_0, %dma_start3A_57] : memref<10240x128xf32, #tpu.memory_space<vmem_shared>> -> memref<640x128xf32, #tpu.memory_space<vmem_shared>>
        tpu.enqueue_dma source(%dma_start3A_58 : memref<640x128xf32, #tpu.memory_space<vmem_shared>>) target(%dma_start3A_56 : memref<640x128xf32, #tpu.memory_space<hbm>>) target_semaphore(%run_scoped3A : memref<!tpu.dma_semaphore, #tpu.memory_space<semaphore_mem>>)
        %dma_wait3A = arith.constant 0 : i32
        %dma_wait3A_59 = tpu.memref_slice %arg6[%mul3A_0, %dma_wait3A] : memref<10240x128xf32, #tpu.memory_space<hbm>> -> memref<640x128xf32, #tpu.memory_space<hbm>>
        %dma_wait3A_60 = arith.constant 0 : i32
        %dma_wait3A_61 = tpu.memref_slice %arg12[%mul3A_0, %dma_wait3A_60] : memref<10240x128xf32, #tpu.memory_space<vmem_shared>> -> memref<640x128xf32, #tpu.memory_space<vmem_shared>>
        tpu.wait_dma2 semaphore(%run_scoped3A : memref<!tpu.dma_semaphore, #tpu.memory_space<semaphore_mem>>) src(%dma_wait3A_61 : memref<640x128xf32, #tpu.memory_space<vmem_shared>>) dst(%dma_wait3A_59 : memref<640x128xf32, #tpu.memory_space<hbm>>)
        tpu.yield
      }) : () -> ()
    } else {
    }
    return
  }
}

#map = affine_map<(d0, d1) -> (0, 0)>
#map1 = affine_map<(d0, d1) -> (0, 0, 0)>
module attributes {stable_mosaic.version = 14 : i64} {
  func.func @body(%arg0: i32, %arg1: i32, %arg2: memref<10240x128xf32, #tpu.memory_space<hbm>>, %arg3: memref<10240x128xf32, #tpu.memory_space<hbm>>, %arg4: memref<10240x128xf32, #tpu.memory_space<hbm>>, %arg5: memref<10240x128xf32, #tpu.memory_space<hbm>>, %arg6: memref<16x80x128xi32, #tpu.memory_space<hbm>>, %arg7: memref<16x80x128xi32, #tpu.memory_space<hbm>>, %arg8: memref<10240x128xf32, #tpu.memory_space<hbm>>, %arg9: memref<10240x128xf32, #tpu.memory_space<hbm>>, %arg10: memref<10240x128xf32, #tpu.memory_space<hbm>>, %arg11: memref<10240x128xf32, #tpu.memory_space<hbm>>, %arg12: memref<40x128xi32, #tpu.memory_space<vmem>>, %arg13: memref<40x128xi32, #tpu.memory_space<vmem>>, %arg14: memref<128x128xf32, #tpu.memory_space<vmem>>, %arg15: memref<128x128xf32, #tpu.memory_space<vmem>>, %arg16: memref<10240x128xf32, #tpu.memory_space<vmem_shared>>, %arg17: memref<!tpu.dma_semaphore, #tpu.memory_space<semaphore_mem>>, %arg18: memref<!tpu.dma_semaphore, #tpu.memory_space<semaphore_mem>>) attributes {dimension_semantics = [#tpu.dimension_semantics<core_parallel>, #tpu.dimension_semantics<subcore_parallel>], iteration_bounds = array<i64: 2, 16>, scalar_prefetch = 0 : i64, scratch_operands = 7 : i64, tpu.core_type = #tpu.core_type<sc_vector_subcore>, window_params = [{transform_indices = #map}, {transform_indices = #map}, {transform_indices = #map}, {transform_indices = #map}, {transform_indices = #map1}, {transform_indices = #map1}, {transform_indices = #map}, {transform_indices = #map}, {transform_indices = #map}, {transform_indices = #map}]} {
    %mul3A = arith.constant 640 : i32
    %mul3A_0 = arith.muli %arg1, %mul3A : i32
    %broadcast_in_dim3A = arith.constant 0.000000e+00 : f32
    %broadcast_in_dim3A_1 = vector.broadcast %broadcast_in_dim3A : f32 to vector<16xf32>
    %scan3A = arith.constant 0 : i32
    %scan3A_2 = arith.constant 0 : i32
    %scan3A_3 = arith.constant 128 : i32
    %scan3A_4 = arith.addi %scan3A_2, %scan3A_3 : i32
    %scan3A_5 = arith.constant 1 : i32
    scf.for %scan3A_75 = %scan3A_2 to %scan3A_4 step %scan3A_5  : i32 {
      %swap3A = arith.index_cast %scan3A_75 : i32 to index
      %swap3A_76 = arith.constant 0 : index
      %swap3A_77 = tpu.vector_load %arg14[%swap3A, %swap3A_76] {strides = array<i32>} : memref<128x128xf32, #tpu.memory_space<vmem>>, vector<1x16xf32>,
      %swap3A_78 = vector.shape_cast %swap3A_77 : vector<1x16xf32> to vector<16xf32>
      %swap3A_79 = vector.shape_cast %broadcast_in_dim3A_1 : vector<16xf32> to vector<1x16xf32>
      tpu.vector_store %arg14[%swap3A, %swap3A_76], %swap3A_79 {strides = array<i32>} : memref<128x128xf32, #tpu.memory_space<vmem>>, vector<1x16xf32>,
      %swap3A_80 = arith.index_cast %scan3A_75 : i32 to index
      %swap3A_81 = arith.constant 16 : index
      %swap3A_82 = tpu.vector_load %arg14[%swap3A_80, %swap3A_81] {strides = array<i32>} : memref<128x128xf32, #tpu.memory_space<vmem>>, vector<1x16xf32>,
      %swap3A_83 = vector.shape_cast %swap3A_82 : vector<1x16xf32> to vector<16xf32>
      %swap3A_84 = vector.shape_cast %broadcast_in_dim3A_1 : vector<16xf32> to vector<1x16xf32>
      tpu.vector_store %arg14[%swap3A_80, %swap3A_81], %swap3A_84 {strides = array<i32>} : memref<128x128xf32, #tpu.memory_space<vmem>>, vector<1x16xf32>,
      %swap3A_85 = arith.index_cast %scan3A_75 : i32 to index
      %swap3A_86 = arith.constant 32 : index
      %swap3A_87 = tpu.vector_load %arg14[%swap3A_85, %swap3A_86] {strides = array<i32>} : memref<128x128xf32, #tpu.memory_space<vmem>>, vector<1x16xf32>,
      %swap3A_88 = vector.shape_cast %swap3A_87 : vector<1x16xf32> to vector<16xf32>
      %swap3A_89 = vector.shape_cast %broadcast_in_dim3A_1 : vector<16xf32> to vector<1x16xf32>
      tpu.vector_store %arg14[%swap3A_85, %swap3A_86], %swap3A_89 {strides = array<i32>} : memref<128x128xf32, #tpu.memory_space<vmem>>, vector<1x16xf32>,
      %swap3A_90 = arith.index_cast %scan3A_75 : i32 to index
      %swap3A_91 = arith.constant 48 : index
      %swap3A_92 = tpu.vector_load %arg14[%swap3A_90, %swap3A_91] {strides = array<i32>} : memref<128x128xf32, #tpu.memory_space<vmem>>, vector<1x16xf32>,
      %swap3A_93 = vector.shape_cast %swap3A_92 : vector<1x16xf32> to vector<16xf32>
      %swap3A_94 = vector.shape_cast %broadcast_in_dim3A_1 : vector<16xf32> to vector<1x16xf32>
      tpu.vector_store %arg14[%swap3A_90, %swap3A_91], %swap3A_94 {strides = array<i32>} : memref<128x128xf32, #tpu.memory_space<vmem>>, vector<1x16xf32>,
      %swap3A_95 = arith.index_cast %scan3A_75 : i32 to index
      %swap3A_96 = arith.constant 64 : index
      %swap3A_97 = tpu.vector_load %arg14[%swap3A_95, %swap3A_96] {strides = array<i32>} : memref<128x128xf32, #tpu.memory_space<vmem>>, vector<1x16xf32>,
      %swap3A_98 = vector.shape_cast %swap3A_97 : vector<1x16xf32> to vector<16xf32>
      %swap3A_99 = vector.shape_cast %broadcast_in_dim3A_1 : vector<16xf32> to vector<1x16xf32>
      tpu.vector_store %arg14[%swap3A_95, %swap3A_96], %swap3A_99 {strides = array<i32>} : memref<128x128xf32, #tpu.memory_space<vmem>>, vector<1x16xf32>,
      %swap3A_100 = arith.index_cast %scan3A_75 : i32 to index
      %swap3A_101 = arith.constant 80 : index
      %swap3A_102 = tpu.vector_load %arg14[%swap3A_100, %swap3A_101] {strides = array<i32>} : memref<128x128xf32, #tpu.memory_space<vmem>>, vector<1x16xf32>,
      %swap3A_103 = vector.shape_cast %swap3A_102 : vector<1x16xf32> to vector<16xf32>
      %swap3A_104 = vector.shape_cast %broadcast_in_dim3A_1 : vector<16xf32> to vector<1x16xf32>
      tpu.vector_store %arg14[%swap3A_100, %swap3A_101], %swap3A_104 {strides = array<i32>} : memref<128x128xf32, #tpu.memory_space<vmem>>, vector<1x16xf32>,
      %swap3A_105 = arith.index_cast %scan3A_75 : i32 to index
      %swap3A_106 = arith.constant 96 : index
      %swap3A_107 = tpu.vector_load %arg14[%swap3A_105, %swap3A_106] {strides = array<i32>} : memref<128x128xf32, #tpu.memory_space<vmem>>, vector<1x16xf32>,
      %swap3A_108 = vector.shape_cast %swap3A_107 : vector<1x16xf32> to vector<16xf32>
      %swap3A_109 = vector.shape_cast %broadcast_in_dim3A_1 : vector<16xf32> to vector<1x16xf32>
      tpu.vector_store %arg14[%swap3A_105, %swap3A_106], %swap3A_109 {strides = array<i32>} : memref<128x128xf32, #tpu.memory_space<vmem>>, vector<1x16xf32>,
      %swap3A_110 = arith.index_cast %scan3A_75 : i32 to index
      %swap3A_111 = arith.constant 112 : index
      %swap3A_112 = tpu.vector_load %arg14[%swap3A_110, %swap3A_111] {strides = array<i32>} : memref<128x128xf32, #tpu.memory_space<vmem>>, vector<1x16xf32>,
      %swap3A_113 = vector.shape_cast %swap3A_112 : vector<1x16xf32> to vector<16xf32>
      %swap3A_114 = vector.shape_cast %broadcast_in_dim3A_1 : vector<16xf32> to vector<1x16xf32>
      tpu.vector_store %arg14[%swap3A_110, %swap3A_111], %swap3A_114 {strides = array<i32>} : memref<128x128xf32, #tpu.memory_space<vmem>>, vector<1x16xf32>,
    }
    %scan3A_6 = arith.constant 128 : i32
    %add3A = arith.constant 0 : i32
    %add3A_7 = arith.addi %mul3A_0, %add3A : i32
    "tpu.region"() ({
      %run_scoped3A = tpu.sem_alloc : memref<!tpu.dma_semaphore, #tpu.memory_space<semaphore_mem>>
      %dma_start3A = arith.constant 0 : i32
      %dma_start3A_75 = tpu.memref_slice %arg16[%add3A_7, %dma_start3A] : memref<10240x128xf32, #tpu.memory_space<vmem_shared>> -> memref<128x128xf32, #tpu.memory_space<vmem_shared>>
      %dma_start3A_76 = arith.constant 0 : i32
      %dma_start3A_77 = tpu.memref_slice %arg16[%add3A_7, %dma_start3A_76] : memref<10240x128xf32, #tpu.memory_space<vmem_shared>> -> memref<128x128xf32, #tpu.memory_space<vmem_shared>>
      tpu.enqueue_dma source(%arg14 : memref<128x128xf32, #tpu.memory_space<vmem>>) target(%dma_start3A_77 : memref<128x128xf32, #tpu.memory_space<vmem_shared>>) target_semaphore(%run_scoped3A : memref<!tpu.dma_semaphore, #tpu.memory_space<semaphore_mem>>)
      %dma_wait3A = arith.constant 0 : i32
      %dma_wait3A_78 = tpu.memref_slice %arg16[%add3A_7, %dma_wait3A] : memref<10240x128xf32, #tpu.memory_space<vmem_shared>> -> memref<128x128xf32, #tpu.memory_space<vmem_shared>>
      %dma_wait3A_79 = arith.constant 0 : i32
      %dma_wait3A_80 = tpu.memref_slice %arg16[%add3A_7, %dma_wait3A_79] : memref<10240x128xf32, #tpu.memory_space<vmem_shared>> -> memref<128x128xf32, #tpu.memory_space<vmem_shared>>
      tpu.wait_dma2 semaphore(%run_scoped3A : memref<!tpu.dma_semaphore, #tpu.memory_space<semaphore_mem>>) src(%arg14 : memref<128x128xf32, #tpu.memory_space<vmem>>) dst(%dma_wait3A_80 : memref<128x128xf32, #tpu.memory_space<vmem_shared>>)
      tpu.yield
    }) : () -> ()
    %add3A_8 = arith.constant 128 : i32
    %add3A_9 = arith.addi %mul3A_0, %add3A_8 : i32
    "tpu.region"() ({
      %run_scoped3A = tpu.sem_alloc : memref<!tpu.dma_semaphore, #tpu.memory_space<semaphore_mem>>
      %dma_start3A = arith.constant 0 : i32
      %dma_start3A_75 = tpu.memref_slice %arg16[%add3A_9, %dma_start3A] : memref<10240x128xf32, #tpu.memory_space<vmem_shared>> -> memref<128x128xf32, #tpu.memory_space<vmem_shared>>
      %dma_start3A_76 = arith.constant 0 : i32
      %dma_start3A_77 = tpu.memref_slice %arg16[%add3A_9, %dma_start3A_76] : memref<10240x128xf32, #tpu.memory_space<vmem_shared>> -> memref<128x128xf32, #tpu.memory_space<vmem_shared>>
      tpu.enqueue_dma source(%arg14 : memref<128x128xf32, #tpu.memory_space<vmem>>) target(%dma_start3A_77 : memref<128x128xf32, #tpu.memory_space<vmem_shared>>) target_semaphore(%run_scoped3A : memref<!tpu.dma_semaphore, #tpu.memory_space<semaphore_mem>>)
      %dma_wait3A = arith.constant 0 : i32
      %dma_wait3A_78 = tpu.memref_slice %arg16[%add3A_9, %dma_wait3A] : memref<10240x128xf32, #tpu.memory_space<vmem_shared>> -> memref<128x128xf32, #tpu.memory_space<vmem_shared>>
      %dma_wait3A_79 = arith.constant 0 : i32
      %dma_wait3A_80 = tpu.memref_slice %arg16[%add3A_9, %dma_wait3A_79] : memref<10240x128xf32, #tpu.memory_space<vmem_shared>> -> memref<128x128xf32, #tpu.memory_space<vmem_shared>>
      tpu.wait_dma2 semaphore(%run_scoped3A : memref<!tpu.dma_semaphore, #tpu.memory_space<semaphore_mem>>) src(%arg14 : memref<128x128xf32, #tpu.memory_space<vmem>>) dst(%dma_wait3A_80 : memref<128x128xf32, #tpu.memory_space<vmem_shared>>)
      tpu.yield
    }) : () -> ()
    %add3A_10 = arith.constant 256 : i32
    %add3A_11 = arith.addi %mul3A_0, %add3A_10 : i32
    "tpu.region"() ({
      %run_scoped3A = tpu.sem_alloc : memref<!tpu.dma_semaphore, #tpu.memory_space<semaphore_mem>>
      %dma_start3A = arith.constant 0 : i32
      %dma_start3A_75 = tpu.memref_slice %arg16[%add3A_11, %dma_start3A] : memref<10240x128xf32, #tpu.memory_space<vmem_shared>> -> memref<128x128xf32, #tpu.memory_space<vmem_shared>>
      %dma_start3A_76 = arith.constant 0 : i32
      %dma_start3A_77 = tpu.memref_slice %arg16[%add3A_11, %dma_start3A_76] : memref<10240x128xf32, #tpu.memory_space<vmem_shared>> -> memref<128x128xf32, #tpu.memory_space<vmem_shared>>
      tpu.enqueue_dma source(%arg14 : memref<128x128xf32, #tpu.memory_space<vmem>>) target(%dma_start3A_77 : memref<128x128xf32, #tpu.memory_space<vmem_shared>>) target_semaphore(%run_scoped3A : memref<!tpu.dma_semaphore, #tpu.memory_space<semaphore_mem>>)
      %dma_wait3A = arith.constant 0 : i32
      %dma_wait3A_78 = tpu.memref_slice %arg16[%add3A_11, %dma_wait3A] : memref<10240x128xf32, #tpu.memory_space<vmem_shared>> -> memref<128x128xf32, #tpu.memory_space<vmem_shared>>
      %dma_wait3A_79 = arith.constant 0 : i32
      %dma_wait3A_80 = tpu.memref_slice %arg16[%add3A_11, %dma_wait3A_79] : memref<10240x128xf32, #tpu.memory_space<vmem_shared>> -> memref<128x128xf32, #tpu.memory_space<vmem_shared>>
      tpu.wait_dma2 semaphore(%run_scoped3A : memref<!tpu.dma_semaphore, #tpu.memory_space<semaphore_mem>>) src(%arg14 : memref<128x128xf32, #tpu.memory_space<vmem>>) dst(%dma_wait3A_80 : memref<128x128xf32, #tpu.memory_space<vmem_shared>>)
      tpu.yield
    }) : () -> ()
    %add3A_12 = arith.constant 384 : i32
    %add3A_13 = arith.addi %mul3A_0, %add3A_12 : i32
    "tpu.region"() ({
      %run_scoped3A = tpu.sem_alloc : memref<!tpu.dma_semaphore, #tpu.memory_space<semaphore_mem>>
      %dma_start3A = arith.constant 0 : i32
      %dma_start3A_75 = tpu.memref_slice %arg16[%add3A_13, %dma_start3A] : memref<10240x128xf32, #tpu.memory_space<vmem_shared>> -> memref<128x128xf32, #tpu.memory_space<vmem_shared>>
      %dma_start3A_76 = arith.constant 0 : i32
      %dma_start3A_77 = tpu.memref_slice %arg16[%add3A_13, %dma_start3A_76] : memref<10240x128xf32, #tpu.memory_space<vmem_shared>> -> memref<128x128xf32, #tpu.memory_space<vmem_shared>>
      tpu.enqueue_dma source(%arg14 : memref<128x128xf32, #tpu.memory_space<vmem>>) target(%dma_start3A_77 : memref<128x128xf32, #tpu.memory_space<vmem_shared>>) target_semaphore(%run_scoped3A : memref<!tpu.dma_semaphore, #tpu.memory_space<semaphore_mem>>)
      %dma_wait3A = arith.constant 0 : i32
      %dma_wait3A_78 = tpu.memref_slice %arg16[%add3A_13, %dma_wait3A] : memref<10240x128xf32, #tpu.memory_space<vmem_shared>> -> memref<128x128xf32, #tpu.memory_space<vmem_shared>>
      %dma_wait3A_79 = arith.constant 0 : i32
      %dma_wait3A_80 = tpu.memref_slice %arg16[%add3A_13, %dma_wait3A_79] : memref<10240x128xf32, #tpu.memory_space<vmem_shared>> -> memref<128x128xf32, #tpu.memory_space<vmem_shared>>
      tpu.wait_dma2 semaphore(%run_scoped3A : memref<!tpu.dma_semaphore, #tpu.memory_space<semaphore_mem>>) src(%arg14 : memref<128x128xf32, #tpu.memory_space<vmem>>) dst(%dma_wait3A_80 : memref<128x128xf32, #tpu.memory_space<vmem_shared>>)
      tpu.yield
    }) : () -> ()
    %add3A_14 = arith.constant 512 : i32
    %add3A_15 = arith.addi %mul3A_0, %add3A_14 : i32
    "tpu.region"() ({
      %run_scoped3A = tpu.sem_alloc : memref<!tpu.dma_semaphore, #tpu.memory_space<semaphore_mem>>
      %dma_start3A = arith.constant 0 : i32
      %dma_start3A_75 = tpu.memref_slice %arg16[%add3A_15, %dma_start3A] : memref<10240x128xf32, #tpu.memory_space<vmem_shared>> -> memref<128x128xf32, #tpu.memory_space<vmem_shared>>
      %dma_start3A_76 = arith.constant 0 : i32
      %dma_start3A_77 = tpu.memref_slice %arg16[%add3A_15, %dma_start3A_76] : memref<10240x128xf32, #tpu.memory_space<vmem_shared>> -> memref<128x128xf32, #tpu.memory_space<vmem_shared>>
      tpu.enqueue_dma source(%arg14 : memref<128x128xf32, #tpu.memory_space<vmem>>) target(%dma_start3A_77 : memref<128x128xf32, #tpu.memory_space<vmem_shared>>) target_semaphore(%run_scoped3A : memref<!tpu.dma_semaphore, #tpu.memory_space<semaphore_mem>>)
      %dma_wait3A = arith.constant 0 : i32
      %dma_wait3A_78 = tpu.memref_slice %arg16[%add3A_15, %dma_wait3A] : memref<10240x128xf32, #tpu.memory_space<vmem_shared>> -> memref<128x128xf32, #tpu.memory_space<vmem_shared>>
      %dma_wait3A_79 = arith.constant 0 : i32
      %dma_wait3A_80 = tpu.memref_slice %arg16[%add3A_15, %dma_wait3A_79] : memref<10240x128xf32, #tpu.memory_space<vmem_shared>> -> memref<128x128xf32, #tpu.memory_space<vmem_shared>>
      tpu.wait_dma2 semaphore(%run_scoped3A : memref<!tpu.dma_semaphore, #tpu.memory_space<semaphore_mem>>) src(%arg14 : memref<128x128xf32, #tpu.memory_space<vmem>>) dst(%dma_wait3A_80 : memref<128x128xf32, #tpu.memory_space<vmem_shared>>)
      tpu.yield
    }) : () -> ()
    %barrier3A = arith.constant 0 : index
    tpu.barrier barrier_id(%barrier3A)
    %eq3A = arith.constant 0 : i32
    %eq3A_16 = arith.cmpi eq, %arg0, %eq3A : i32
    %convert_element_type3A = arith.extui %eq3A_16 : i1 to i32
    %cond3A = arith.constant 0 : i32
    %cond3A_17 = arith.cmpi ne, %convert_element_type3A, %cond3A : i32
    scf.if %cond3A_17 {
      "tpu.region"() ({
        %run_scoped3A = tpu.sem_alloc : memref<!tpu.dma_semaphore, #tpu.memory_space<semaphore_mem>>
        %dma_start3A_100 = arith.constant 0 : i32
        %dma_start3A_101 = arith.constant 0 : i32
        %dma_start3A_102 = tpu.memref_slice %arg6[%arg1, %dma_start3A_100, %dma_start3A_101] : memref<16x80x128xi32, #tpu.memory_space<hbm>> -> memref<1x40x128xi32, #tpu.memory_space<hbm>>
        %dma_start3A_103 = tpu.memref_squeeze %dma_start3A_102 : memref<1x40x128xi32, #tpu.memory_space<hbm>> -> memref<40x128xi32, #tpu.memory_space<hbm>>
        %dma_start3A_104 = arith.constant 0 : i32
        %dma_start3A_105 = arith.constant 0 : i32
        %dma_start3A_106 = tpu.memref_slice %arg6[%arg1, %dma_start3A_104, %dma_start3A_105] : memref<16x80x128xi32, #tpu.memory_space<hbm>> -> memref<1x40x128xi32, #tpu.memory_space<hbm>>
        %dma_start3A_107 = tpu.memref_squeeze %dma_start3A_106 : memref<1x40x128xi32, #tpu.memory_space<hbm>> -> memref<40x128xi32, #tpu.memory_space<hbm>>
        tpu.enqueue_dma source(%dma_start3A_107 : memref<40x128xi32, #tpu.memory_space<hbm>>) target(%arg12 : memref<40x128xi32, #tpu.memory_space<vmem>>) target_semaphore(%run_scoped3A : memref<!tpu.dma_semaphore, #tpu.memory_space<semaphore_mem>>)
        %dma_wait3A = arith.constant 0 : i32
        %dma_wait3A_108 = arith.constant 0 : i32
        %dma_wait3A_109 = tpu.memref_slice %arg6[%arg1, %dma_wait3A, %dma_wait3A_108] : memref<16x80x128xi32, #tpu.memory_space<hbm>> -> memref<1x40x128xi32, #tpu.memory_space<hbm>>
        %dma_wait3A_110 = tpu.memref_squeeze %dma_wait3A_109 : memref<1x40x128xi32, #tpu.memory_space<hbm>> -> memref<40x128xi32, #tpu.memory_space<hbm>>
        %dma_wait3A_111 = arith.constant 0 : i32
        %dma_wait3A_112 = arith.constant 0 : i32
        %dma_wait3A_113 = tpu.memref_slice %arg6[%arg1, %dma_wait3A_111, %dma_wait3A_112] : memref<16x80x128xi32, #tpu.memory_space<hbm>> -> memref<1x40x128xi32, #tpu.memory_space<hbm>>
        %dma_wait3A_114 = tpu.memref_squeeze %dma_wait3A_113 : memref<1x40x128xi32, #tpu.memory_space<hbm>> -> memref<40x128xi32, #tpu.memory_space<hbm>>
        tpu.wait_dma2 semaphore(%run_scoped3A : memref<!tpu.dma_semaphore, #tpu.memory_space<semaphore_mem>>) src(%dma_wait3A_114 : memref<40x128xi32, #tpu.memory_space<hbm>>) dst(%arg12 : memref<40x128xi32, #tpu.memory_space<vmem>>)
        tpu.yield
      }) : () -> ()
      "tpu.region"() ({
        %run_scoped3A = tpu.sem_alloc : memref<!tpu.dma_semaphore, #tpu.memory_space<semaphore_mem>>
        %dma_start3A_100 = arith.constant 0 : i32
        %dma_start3A_101 = arith.constant 0 : i32
        %dma_start3A_102 = tpu.memref_slice %arg7[%arg1, %dma_start3A_100, %dma_start3A_101] : memref<16x80x128xi32, #tpu.memory_space<hbm>> -> memref<1x40x128xi32, #tpu.memory_space<hbm>>
        %dma_start3A_103 = tpu.memref_squeeze %dma_start3A_102 : memref<1x40x128xi32, #tpu.memory_space<hbm>> -> memref<40x128xi32, #tpu.memory_space<hbm>>
        %dma_start3A_104 = arith.constant 0 : i32
        %dma_start3A_105 = arith.constant 0 : i32
        %dma_start3A_106 = tpu.memref_slice %arg7[%arg1, %dma_start3A_104, %dma_start3A_105] : memref<16x80x128xi32, #tpu.memory_space<hbm>> -> memref<1x40x128xi32, #tpu.memory_space<hbm>>
        %dma_start3A_107 = tpu.memref_squeeze %dma_start3A_106 : memref<1x40x128xi32, #tpu.memory_space<hbm>> -> memref<40x128xi32, #tpu.memory_space<hbm>>
        tpu.enqueue_dma source(%dma_start3A_107 : memref<40x128xi32, #tpu.memory_space<hbm>>) target(%arg13 : memref<40x128xi32, #tpu.memory_space<vmem>>) target_semaphore(%run_scoped3A : memref<!tpu.dma_semaphore, #tpu.memory_space<semaphore_mem>>)
        %dma_wait3A = arith.constant 0 : i32
        %dma_wait3A_108 = arith.constant 0 : i32
        %dma_wait3A_109 = tpu.memref_slice %arg7[%arg1, %dma_wait3A, %dma_wait3A_108] : memref<16x80x128xi32, #tpu.memory_space<hbm>> -> memref<1x40x128xi32, #tpu.memory_space<hbm>>
        %dma_wait3A_110 = tpu.memref_squeeze %dma_wait3A_109 : memref<1x40x128xi32, #tpu.memory_space<hbm>> -> memref<40x128xi32, #tpu.memory_space<hbm>>
        %dma_wait3A_111 = arith.constant 0 : i32
        %dma_wait3A_112 = arith.constant 0 : i32
        %dma_wait3A_113 = tpu.memref_slice %arg7[%arg1, %dma_wait3A_111, %dma_wait3A_112] : memref<16x80x128xi32, #tpu.memory_space<hbm>> -> memref<1x40x128xi32, #tpu.memory_space<hbm>>
        %dma_wait3A_114 = tpu.memref_squeeze %dma_wait3A_113 : memref<1x40x128xi32, #tpu.memory_space<hbm>> -> memref<40x128xi32, #tpu.memory_space<hbm>>
        tpu.wait_dma2 semaphore(%run_scoped3A : memref<!tpu.dma_semaphore, #tpu.memory_space<semaphore_mem>>) src(%dma_wait3A_114 : memref<40x128xi32, #tpu.memory_space<hbm>>) dst(%arg13 : memref<40x128xi32, #tpu.memory_space<vmem>>)
        tpu.yield
      }) : () -> ()
      %dma_start3A = arith.constant 0 : i32
      %dma_start3A_75 = arith.constant 0 : i32
      %dma_start3A_76 = tpu.memref_slice %arg12[%dma_start3A, %dma_start3A_75] : memref<40x128xi32, #tpu.memory_space<vmem>> -> memref<1x128xi32, #tpu.memory_space<vmem>>
      %dma_start3A_77 = tpu.memref_squeeze %dma_start3A_76 : memref<1x128xi32, #tpu.memory_space<vmem>> -> memref<128xi32, #tpu.memory_space<vmem>>
      %dma_start3A_78 = arith.constant 0 : i32
      %dma_start3A_79 = arith.constant 0 : i32
      %dma_start3A_80 = tpu.memref_slice %arg2[%dma_start3A_78, %dma_start3A_79] : memref<10240x128xf32, #tpu.memory_space<hbm>> -> memref<10240x128xf32, #tpu.memory_space<hbm>>
      tpu.enqueue_indirect_dma source(%dma_start3A_80 : memref<10240x128xf32, #tpu.memory_space<hbm>>) target(%arg14 : memref<128x128xf32, #tpu.memory_space<vmem>>) offsets(%dma_start3A_77 : memref<128xi32, #tpu.memory_space<vmem>>) semaphore(%arg17 : memref<!tpu.dma_semaphore, #tpu.memory_space<semaphore_mem>>)
      %scan3A_81 = arith.constant 0 : i32
      %scan3A_82 = arith.constant 0 : i32
      %scan3A_83 = arith.constant 20 : i32
      %scan3A_84 = arith.addi %scan3A_82, %scan3A_83 : i32
      %scan3A_85 = arith.constant 1 : i32
      scf.for %scan3A_100 = %scan3A_82 to %scan3A_84 step %scan3A_85  : i32 {
        %mul3A_101 = arith.constant 2 : i32
        %mul3A_102 = arith.muli %mul3A_101, %scan3A_100 : i32
        %add3A_103 = arith.constant 1 : i32
        %add3A_104 = arith.addi %mul3A_102, %add3A_103 : i32
        %dma_wait3A = arith.constant 0 : i32
        %dma_wait3A_105 = tpu.memref_slice %arg12[%mul3A_102, %dma_wait3A] : memref<40x128xi32, #tpu.memory_space<vmem>> -> memref<1x128xi32, #tpu.memory_space<vmem>>
        %dma_wait3A_106 = tpu.memref_squeeze %dma_wait3A_105 : memref<1x128xi32, #tpu.memory_space<vmem>> -> memref<128xi32, #tpu.memory_space<vmem>>
        %dma_wait3A_107 = arith.constant 0 : i32
        %dma_wait3A_108 = arith.constant 0 : i32
        %dma_wait3A_109 = tpu.memref_slice %arg2[%dma_wait3A_107, %dma_wait3A_108] : memref<10240x128xf32, #tpu.memory_space<hbm>> -> memref<10240x128xf32, #tpu.memory_space<hbm>>
        tpu.wait_indirect_dma semaphore(%arg17 : memref<!tpu.dma_semaphore, #tpu.memory_space<semaphore_mem>>) src(%dma_wait3A_109 : memref<10240x128xf32, #tpu.memory_space<hbm>>) dst(%arg14 : memref<128x128xf32, #tpu.memory_space<vmem>>)
        %dma_start3A_110 = arith.constant 0 : i32
        %dma_start3A_111 = tpu.memref_slice %arg12[%add3A_104, %dma_start3A_110] : memref<40x128xi32, #tpu.memory_space<vmem>> -> memref<1x128xi32, #tpu.memory_space<vmem>>
        %dma_start3A_112 = tpu.memref_squeeze %dma_start3A_111 : memref<1x128xi32, #tpu.memory_space<vmem>> -> memref<128xi32, #tpu.memory_space<vmem>>
        %dma_start3A_113 = arith.constant 0 : i32
        %dma_start3A_114 = arith.constant 0 : i32
        %dma_start3A_115 = tpu.memref_slice %arg2[%dma_start3A_113, %dma_start3A_114] : memref<10240x128xf32, #tpu.memory_space<hbm>> -> memref<10240x128xf32, #tpu.memory_space<hbm>>
        tpu.enqueue_indirect_dma source(%dma_start3A_115 : memref<10240x128xf32, #tpu.memory_space<hbm>>) target(%arg15 : memref<128x128xf32, #tpu.memory_space<vmem>>) offsets(%dma_start3A_112 : memref<128xi32, #tpu.memory_space<vmem>>) semaphore(%arg18 : memref<!tpu.dma_semaphore, #tpu.memory_space<semaphore_mem>>)
        "tpu.region"() ({
          %run_scoped3A = tpu.sem_alloc : memref<!tpu.dma_semaphore, #tpu.memory_space<semaphore_mem>>
          %dma_start3A_128 = arith.constant 0 : i32
          %dma_start3A_129 = tpu.memref_slice %arg13[%mul3A_102, %dma_start3A_128] : memref<40x128xi32, #tpu.memory_space<vmem>> -> memref<1x128xi32, #tpu.memory_space<vmem>>
          %dma_start3A_130 = tpu.memref_squeeze %dma_start3A_129 : memref<1x128xi32, #tpu.memory_space<vmem>> -> memref<128xi32, #tpu.memory_space<vmem>>
          %dma_start3A_131 = arith.constant 0 : i32
          %dma_start3A_132 = arith.constant 0 : i32
          %dma_start3A_133 = tpu.memref_slice %arg16[%dma_start3A_131, %dma_start3A_132] : memref<10240x128xf32, #tpu.memory_space<vmem_shared>> -> memref<10240x128xf32, #tpu.memory_space<vmem_shared>>
          tpu.enqueue_indirect_dma source(%arg14 : memref<128x128xf32, #tpu.memory_space<vmem>>) target(%dma_start3A_133 : memref<10240x128xf32, #tpu.memory_space<vmem_shared>>) offsets(%dma_start3A_130 : memref<128xi32, #tpu.memory_space<vmem>>) semaphore(%run_scoped3A : memref<!tpu.dma_semaphore, #tpu.memory_space<semaphore_mem>>) {add = true}
          %dma_wait3A_134 = arith.constant 0 : i32
          %dma_wait3A_135 = tpu.memref_slice %arg13[%mul3A_102, %dma_wait3A_134] : memref<40x128xi32, #tpu.memory_space<vmem>> -> memref<1x128xi32, #tpu.memory_space<vmem>>
          %dma_wait3A_136 = tpu.memref_squeeze %dma_wait3A_135 : memref<1x128xi32, #tpu.memory_space<vmem>> -> memref<128xi32, #tpu.memory_space<vmem>>
          %dma_wait3A_137 = arith.constant 0 : i32
          %dma_wait3A_138 = arith.constant 0 : i32
          %dma_wait3A_139 = tpu.memref_slice %arg16[%dma_wait3A_137, %dma_wait3A_138] : memref<10240x128xf32, #tpu.memory_space<vmem_shared>> -> memref<10240x128xf32, #tpu.memory_space<vmem_shared>>
          tpu.wait_indirect_dma semaphore(%run_scoped3A : memref<!tpu.dma_semaphore, #tpu.memory_space<semaphore_mem>>) src(%arg14 : memref<128x128xf32, #tpu.memory_space<vmem>>) dst(%dma_wait3A_139 : memref<10240x128xf32, #tpu.memory_space<vmem_shared>>)
          tpu.yield
        }) : () -> ()
        %dma_wait3A_116 = arith.constant 0 : i32
        %dma_wait3A_117 = tpu.memref_slice %arg12[%add3A_104, %dma_wait3A_116] : memref<40x128xi32, #tpu.memory_space<vmem>> -> memref<1x128xi32, #tpu.memory_space<vmem>>
        %dma_wait3A_118 = tpu.memref_squeeze %dma_wait3A_117 : memref<1x128xi32, #tpu.memory_space<vmem>> -> memref<128xi32, #tpu.memory_space<vmem>>
        %dma_wait3A_119 = arith.constant 0 : i32
        %dma_wait3A_120 = arith.constant 0 : i32
        %dma_wait3A_121 = tpu.memref_slice %arg2[%dma_wait3A_119, %dma_wait3A_120] : memref<10240x128xf32, #tpu.memory_space<hbm>> -> memref<10240x128xf32, #tpu.memory_space<hbm>>
        tpu.wait_indirect_dma semaphore(%arg18 : memref<!tpu.dma_semaphore, #tpu.memory_space<semaphore_mem>>) src(%dma_wait3A_121 : memref<10240x128xf32, #tpu.memory_space<hbm>>) dst(%arg15 : memref<128x128xf32, #tpu.memory_space<vmem>>)
        %add3A_122 = arith.constant 1 : i32
        %add3A_123 = arith.addi %scan3A_100, %add3A_122 : i32
        %lt3A = arith.constant 20 : i32
        %lt3A_124 = arith.cmpi slt, %add3A_123, %lt3A : i32
        %convert_element_type3A_125 = arith.extui %lt3A_124 : i1 to i32
        %cond3A_126 = arith.constant 0 : i32
        %cond3A_127 = arith.cmpi ne, %convert_element_type3A_125, %cond3A_126 : i32
        scf.if %cond3A_127 {
          %add3A_128 = arith.constant 2 : i32
          %add3A_129 = arith.addi %mul3A_102, %add3A_128 : i32
          %dma_start3A_130 = arith.constant 0 : i32
          %dma_start3A_131 = tpu.memref_slice %arg12[%add3A_129, %dma_start3A_130] : memref<40x128xi32, #tpu.memory_space<vmem>> -> memref<1x128xi32, #tpu.memory_space<vmem>>
          %dma_start3A_132 = tpu.memref_squeeze %dma_start3A_131 : memref<1x128xi32, #tpu.memory_space<vmem>> -> memref<128xi32, #tpu.memory_space<vmem>>
          %dma_start3A_133 = arith.constant 0 : i32
          %dma_start3A_134 = arith.constant 0 : i32
          %dma_start3A_135 = tpu.memref_slice %arg2[%dma_start3A_133, %dma_start3A_134] : memref<10240x128xf32, #tpu.memory_space<hbm>> -> memref<10240x128xf32, #tpu.memory_space<hbm>>
          tpu.enqueue_indirect_dma source(%dma_start3A_135 : memref<10240x128xf32, #tpu.memory_space<hbm>>) target(%arg14 : memref<128x128xf32, #tpu.memory_space<vmem>>) offsets(%dma_start3A_132 : memref<128xi32, #tpu.memory_space<vmem>>) semaphore(%arg17 : memref<!tpu.dma_semaphore, #tpu.memory_space<semaphore_mem>>)
        } else {
        }
        "tpu.region"() ({
          %run_scoped3A = tpu.sem_alloc : memref<!tpu.dma_semaphore, #tpu.memory_space<semaphore_mem>>
          %dma_start3A_128 = arith.constant 0 : i32
          %dma_start3A_129 = tpu.memref_slice %arg13[%add3A_104, %dma_start3A_128] : memref<40x128xi32, #tpu.memory_space<vmem>> -> memref<1x128xi32, #tpu.memory_space<vmem>>
          %dma_start3A_130 = tpu.memref_squeeze %dma_start3A_129 : memref<1x128xi32, #tpu.memory_space<vmem>> -> memref<128xi32, #tpu.memory_space<vmem>>
          %dma_start3A_131 = arith.constant 0 : i32
          %dma_start3A_132 = arith.constant 0 : i32
          %dma_start3A_133 = tpu.memref_slice %arg16[%dma_start3A_131, %dma_start3A_132] : memref<10240x128xf32, #tpu.memory_space<vmem_shared>> -> memref<10240x128xf32, #tpu.memory_space<vmem_shared>>
          tpu.enqueue_indirect_dma source(%arg15 : memref<128x128xf32, #tpu.memory_space<vmem>>) target(%dma_start3A_133 : memref<10240x128xf32, #tpu.memory_space<vmem_shared>>) offsets(%dma_start3A_130 : memref<128xi32, #tpu.memory_space<vmem>>) semaphore(%run_scoped3A : memref<!tpu.dma_semaphore, #tpu.memory_space<semaphore_mem>>) {add = true}
          %dma_wait3A_134 = arith.constant 0 : i32
          %dma_wait3A_135 = tpu.memref_slice %arg13[%add3A_104, %dma_wait3A_134] : memref<40x128xi32, #tpu.memory_space<vmem>> -> memref<1x128xi32, #tpu.memory_space<vmem>>
          %dma_wait3A_136 = tpu.memref_squeeze %dma_wait3A_135 : memref<1x128xi32, #tpu.memory_space<vmem>> -> memref<128xi32, #tpu.memory_space<vmem>>
          %dma_wait3A_137 = arith.constant 0 : i32
          %dma_wait3A_138 = arith.constant 0 : i32
          %dma_wait3A_139 = tpu.memref_slice %arg16[%dma_wait3A_137, %dma_wait3A_138] : memref<10240x128xf32, #tpu.memory_space<vmem_shared>> -> memref<10240x128xf32, #tpu.memory_space<vmem_shared>>
          tpu.wait_indirect_dma semaphore(%run_scoped3A : memref<!tpu.dma_semaphore, #tpu.memory_space<semaphore_mem>>) src(%arg15 : memref<128x128xf32, #tpu.memory_space<vmem>>) dst(%dma_wait3A_139 : memref<10240x128xf32, #tpu.memory_space<vmem_shared>>)
          tpu.yield
        }) : () -> ()
      }
      %scan3A_86 = arith.constant 20 : i32
      "tpu.region"() ({
        %run_scoped3A = tpu.sem_alloc : memref<!tpu.dma_semaphore, #tpu.memory_space<semaphore_mem>>
        %dma_start3A_100 = arith.constant 40 : i32
        %dma_start3A_101 = arith.constant 0 : i32
        %dma_start3A_102 = tpu.memref_slice %arg6[%arg1, %dma_start3A_100, %dma_start3A_101] : memref<16x80x128xi32, #tpu.memory_space<hbm>> -> memref<1x40x128xi32, #tpu.memory_space<hbm>>
        %dma_start3A_103 = tpu.memref_squeeze %dma_start3A_102 : memref<1x40x128xi32, #tpu.memory_space<hbm>> -> memref<40x128xi32, #tpu.memory_space<hbm>>
        %dma_start3A_104 = arith.constant 40 : i32
        %dma_start3A_105 = arith.constant 0 : i32
        %dma_start3A_106 = tpu.memref_slice %arg6[%arg1, %dma_start3A_104, %dma_start3A_105] : memref<16x80x128xi32, #tpu.memory_space<hbm>> -> memref<1x40x128xi32, #tpu.memory_space<hbm>>
        %dma_start3A_107 = tpu.memref_squeeze %dma_start3A_106 : memref<1x40x128xi32, #tpu.memory_space<hbm>> -> memref<40x128xi32, #tpu.memory_space<hbm>>
        tpu.enqueue_dma source(%dma_start3A_107 : memref<40x128xi32, #tpu.memory_space<hbm>>) target(%arg12 : memref<40x128xi32, #tpu.memory_space<vmem>>) target_semaphore(%run_scoped3A : memref<!tpu.dma_semaphore, #tpu.memory_space<semaphore_mem>>)
        %dma_wait3A = arith.constant 40 : i32
        %dma_wait3A_108 = arith.constant 0 : i32
        %dma_wait3A_109 = tpu.memref_slice %arg6[%arg1, %dma_wait3A, %dma_wait3A_108] : memref<16x80x128xi32, #tpu.memory_space<hbm>> -> memref<1x40x128xi32, #tpu.memory_space<hbm>>
        %dma_wait3A_110 = tpu.memref_squeeze %dma_wait3A_109 : memref<1x40x128xi32, #tpu.memory_space<hbm>> -> memref<40x128xi32, #tpu.memory_space<hbm>>
        %dma_wait3A_111 = arith.constant 40 : i32
        %dma_wait3A_112 = arith.constant 0 : i32
        %dma_wait3A_113 = tpu.memref_slice %arg6[%arg1, %dma_wait3A_111, %dma_wait3A_112] : memref<16x80x128xi32, #tpu.memory_space<hbm>> -> memref<1x40x128xi32, #tpu.memory_space<hbm>>
        %dma_wait3A_114 = tpu.memref_squeeze %dma_wait3A_113 : memref<1x40x128xi32, #tpu.memory_space<hbm>> -> memref<40x128xi32, #tpu.memory_space<hbm>>
        tpu.wait_dma2 semaphore(%run_scoped3A : memref<!tpu.dma_semaphore, #tpu.memory_space<semaphore_mem>>) src(%dma_wait3A_114 : memref<40x128xi32, #tpu.memory_space<hbm>>) dst(%arg12 : memref<40x128xi32, #tpu.memory_space<vmem>>)
        tpu.yield
      }) : () -> ()
      "tpu.region"() ({
        %run_scoped3A = tpu.sem_alloc : memref<!tpu.dma_semaphore, #tpu.memory_space<semaphore_mem>>
        %dma_start3A_100 = arith.constant 40 : i32
        %dma_start3A_101 = arith.constant 0 : i32
        %dma_start3A_102 = tpu.memref_slice %arg7[%arg1, %dma_start3A_100, %dma_start3A_101] : memref<16x80x128xi32, #tpu.memory_space<hbm>> -> memref<1x40x128xi32, #tpu.memory_space<hbm>>
        %dma_start3A_103 = tpu.memref_squeeze %dma_start3A_102 : memref<1x40x128xi32, #tpu.memory_space<hbm>> -> memref<40x128xi32, #tpu.memory_space<hbm>>
        %dma_start3A_104 = arith.constant 40 : i32
        %dma_start3A_105 = arith.constant 0 : i32
        %dma_start3A_106 = tpu.memref_slice %arg7[%arg1, %dma_start3A_104, %dma_start3A_105] : memref<16x80x128xi32, #tpu.memory_space<hbm>> -> memref<1x40x128xi32, #tpu.memory_space<hbm>>
        %dma_start3A_107 = tpu.memref_squeeze %dma_start3A_106 : memref<1x40x128xi32, #tpu.memory_space<hbm>> -> memref<40x128xi32, #tpu.memory_space<hbm>>
        tpu.enqueue_dma source(%dma_start3A_107 : memref<40x128xi32, #tpu.memory_space<hbm>>) target(%arg13 : memref<40x128xi32, #tpu.memory_space<vmem>>) target_semaphore(%run_scoped3A : memref<!tpu.dma_semaphore, #tpu.memory_space<semaphore_mem>>)
        %dma_wait3A = arith.constant 40 : i32
        %dma_wait3A_108 = arith.constant 0 : i32
        %dma_wait3A_109 = tpu.memref_slice %arg7[%arg1, %dma_wait3A, %dma_wait3A_108] : memref<16x80x128xi32, #tpu.memory_space<hbm>> -> memref<1x40x128xi32, #tpu.memory_space<hbm>>
        %dma_wait3A_110 = tpu.memref_squeeze %dma_wait3A_109 : memref<1x40x128xi32, #tpu.memory_space<hbm>> -> memref<40x128xi32, #tpu.memory_space<hbm>>
        %dma_wait3A_111 = arith.constant 40 : i32
        %dma_wait3A_112 = arith.constant 0 : i32
        %dma_wait3A_113 = tpu.memref_slice %arg7[%arg1, %dma_wait3A_111, %dma_wait3A_112] : memref<16x80x128xi32, #tpu.memory_space<hbm>> -> memref<1x40x128xi32, #tpu.memory_space<hbm>>
        %dma_wait3A_114 = tpu.memref_squeeze %dma_wait3A_113 : memref<1x40x128xi32, #tpu.memory_space<hbm>> -> memref<40x128xi32, #tpu.memory_space<hbm>>
        tpu.wait_dma2 semaphore(%run_scoped3A : memref<!tpu.dma_semaphore, #tpu.memory_space<semaphore_mem>>) src(%dma_wait3A_114 : memref<40x128xi32, #tpu.memory_space<hbm>>) dst(%arg13 : memref<40x128xi32, #tpu.memory_space<vmem>>)
        tpu.yield
      }) : () -> ()
      %dma_start3A_87 = arith.constant 0 : i32
      %dma_start3A_88 = arith.constant 0 : i32
      %dma_start3A_89 = tpu.memref_slice %arg12[%dma_start3A_87, %dma_start3A_88] : memref<40x128xi32, #tpu.memory_space<vmem>> -> memref<1x128xi32, #tpu.memory_space<vmem>>
      %dma_start3A_90 = tpu.memref_squeeze %dma_start3A_89 : memref<1x128xi32, #tpu.memory_space<vmem>> -> memref<128xi32, #tpu.memory_space<vmem>>
      %dma_start3A_91 = arith.constant 0 : i32
      %dma_start3A_92 = arith.constant 0 : i32
      %dma_start3A_93 = tpu.memref_slice %arg2[%dma_start3A_91, %dma_start3A_92] : memref<10240x128xf32, #tpu.memory_space<hbm>> -> memref<10240x128xf32, #tpu.memory_space<hbm>>
      tpu.enqueue_indirect_dma source(%dma_start3A_93 : memref<10240x128xf32, #tpu.memory_space<hbm>>) target(%arg14 : memref<128x128xf32, #tpu.memory_space<vmem>>) offsets(%dma_start3A_90 : memref<128xi32, #tpu.memory_space<vmem>>) semaphore(%arg17 : memref<!tpu.dma_semaphore, #tpu.memory_space<semaphore_mem>>)
      %scan3A_94 = arith.constant 0 : i32
      %scan3A_95 = arith.constant 0 : i32
      %scan3A_96 = arith.constant 20 : i32
      %scan3A_97 = arith.addi %scan3A_95, %scan3A_96 : i32
      %scan3A_98 = arith.constant 1 : i32
      scf.for %scan3A_100 = %scan3A_95 to %scan3A_97 step %scan3A_98  : i32 {
        %mul3A_101 = arith.constant 2 : i32
        %mul3A_102 = arith.muli %mul3A_101, %scan3A_100 : i32
        %add3A_103 = arith.constant 1 : i32
        %add3A_104 = arith.addi %mul3A_102, %add3A_103 : i32
        %dma_wait3A = arith.constant 0 : i32
        %dma_wait3A_105 = tpu.memref_slice %arg12[%mul3A_102, %dma_wait3A] : memref<40x128xi32, #tpu.memory_space<vmem>> -> memref<1x128xi32, #tpu.memory_space<vmem>>
        %dma_wait3A_106 = tpu.memref_squeeze %dma_wait3A_105 : memref<1x128xi32, #tpu.memory_space<vmem>> -> memref<128xi32, #tpu.memory_space<vmem>>
        %dma_wait3A_107 = arith.constant 0 : i32
        %dma_wait3A_108 = arith.constant 0 : i32
        %dma_wait3A_109 = tpu.memref_slice %arg2[%dma_wait3A_107, %dma_wait3A_108] : memref<10240x128xf32, #tpu.memory_space<hbm>> -> memref<10240x128xf32, #tpu.memory_space<hbm>>
        tpu.wait_indirect_dma semaphore(%arg17 : memref<!tpu.dma_semaphore, #tpu.memory_space<semaphore_mem>>) src(%dma_wait3A_109 : memref<10240x128xf32, #tpu.memory_space<hbm>>) dst(%arg14 : memref<128x128xf32, #tpu.memory_space<vmem>>)
        %dma_start3A_110 = arith.constant 0 : i32
        %dma_start3A_111 = tpu.memref_slice %arg12[%add3A_104, %dma_start3A_110] : memref<40x128xi32, #tpu.memory_space<vmem>> -> memref<1x128xi32, #tpu.memory_space<vmem>>
        %dma_start3A_112 = tpu.memref_squeeze %dma_start3A_111 : memref<1x128xi32, #tpu.memory_space<vmem>> -> memref<128xi32, #tpu.memory_space<vmem>>
        %dma_start3A_113 = arith.constant 0 : i32
        %dma_start3A_114 = arith.constant 0 : i32
        %dma_start3A_115 = tpu.memref_slice %arg2[%dma_start3A_113, %dma_start3A_114] : memref<10240x128xf32, #tpu.memory_space<hbm>> -> memref<10240x128xf32, #tpu.memory_space<hbm>>
        tpu.enqueue_indirect_dma source(%dma_start3A_115 : memref<10240x128xf32, #tpu.memory_space<hbm>>) target(%arg15 : memref<128x128xf32, #tpu.memory_space<vmem>>) offsets(%dma_start3A_112 : memref<128xi32, #tpu.memory_space<vmem>>) semaphore(%arg18 : memref<!tpu.dma_semaphore, #tpu.memory_space<semaphore_mem>>)
        "tpu.region"() ({
          %run_scoped3A = tpu.sem_alloc : memref<!tpu.dma_semaphore, #tpu.memory_space<semaphore_mem>>
          %dma_start3A_128 = arith.constant 0 : i32
          %dma_start3A_129 = tpu.memref_slice %arg13[%mul3A_102, %dma_start3A_128] : memref<40x128xi32, #tpu.memory_space<vmem>> -> memref<1x128xi32, #tpu.memory_space<vmem>>
          %dma_start3A_130 = tpu.memref_squeeze %dma_start3A_129 : memref<1x128xi32, #tpu.memory_space<vmem>> -> memref<128xi32, #tpu.memory_space<vmem>>
          %dma_start3A_131 = arith.constant 0 : i32
          %dma_start3A_132 = arith.constant 0 : i32
          %dma_start3A_133 = tpu.memref_slice %arg16[%dma_start3A_131, %dma_start3A_132] : memref<10240x128xf32, #tpu.memory_space<vmem_shared>> -> memref<10240x128xf32, #tpu.memory_space<vmem_shared>>
          tpu.enqueue_indirect_dma source(%arg14 : memref<128x128xf32, #tpu.memory_space<vmem>>) target(%dma_start3A_133 : memref<10240x128xf32, #tpu.memory_space<vmem_shared>>) offsets(%dma_start3A_130 : memref<128xi32, #tpu.memory_space<vmem>>) semaphore(%run_scoped3A : memref<!tpu.dma_semaphore, #tpu.memory_space<semaphore_mem>>) {add = true}
          %dma_wait3A_134 = arith.constant 0 : i32
          %dma_wait3A_135 = tpu.memref_slice %arg13[%mul3A_102, %dma_wait3A_134] : memref<40x128xi32, #tpu.memory_space<vmem>> -> memref<1x128xi32, #tpu.memory_space<vmem>>
          %dma_wait3A_136 = tpu.memref_squeeze %dma_wait3A_135 : memref<1x128xi32, #tpu.memory_space<vmem>> -> memref<128xi32, #tpu.memory_space<vmem>>
          %dma_wait3A_137 = arith.constant 0 : i32
          %dma_wait3A_138 = arith.constant 0 : i32
          %dma_wait3A_139 = tpu.memref_slice %arg16[%dma_wait3A_137, %dma_wait3A_138] : memref<10240x128xf32, #tpu.memory_space<vmem_shared>> -> memref<10240x128xf32, #tpu.memory_space<vmem_shared>>
          tpu.wait_indirect_dma semaphore(%run_scoped3A : memref<!tpu.dma_semaphore, #tpu.memory_space<semaphore_mem>>) src(%arg14 : memref<128x128xf32, #tpu.memory_space<vmem>>) dst(%dma_wait3A_139 : memref<10240x128xf32, #tpu.memory_space<vmem_shared>>)
          tpu.yield
        }) : () -> ()
        %dma_wait3A_116 = arith.constant 0 : i32
        %dma_wait3A_117 = tpu.memref_slice %arg12[%add3A_104, %dma_wait3A_116] : memref<40x128xi32, #tpu.memory_space<vmem>> -> memref<1x128xi32, #tpu.memory_space<vmem>>
        %dma_wait3A_118 = tpu.memref_squeeze %dma_wait3A_117 : memref<1x128xi32, #tpu.memory_space<vmem>> -> memref<128xi32, #tpu.memory_space<vmem>>
        %dma_wait3A_119 = arith.constant 0 : i32
        %dma_wait3A_120 = arith.constant 0 : i32
        %dma_wait3A_121 = tpu.memref_slice %arg2[%dma_wait3A_119, %dma_wait3A_120] : memref<10240x128xf32, #tpu.memory_space<hbm>> -> memref<10240x128xf32, #tpu.memory_space<hbm>>
        tpu.wait_indirect_dma semaphore(%arg18 : memref<!tpu.dma_semaphore, #tpu.memory_space<semaphore_mem>>) src(%dma_wait3A_121 : memref<10240x128xf32, #tpu.memory_space<hbm>>) dst(%arg15 : memref<128x128xf32, #tpu.memory_space<vmem>>)
        %add3A_122 = arith.constant 1 : i32
        %add3A_123 = arith.addi %scan3A_100, %add3A_122 : i32
        %lt3A = arith.constant 20 : i32
        %lt3A_124 = arith.cmpi slt, %add3A_123, %lt3A : i32
        %convert_element_type3A_125 = arith.extui %lt3A_124 : i1 to i32
        %cond3A_126 = arith.constant 0 : i32
        %cond3A_127 = arith.cmpi ne, %convert_element_type3A_125, %cond3A_126 : i32
        scf.if %cond3A_127 {
          %add3A_128 = arith.constant 2 : i32
          %add3A_129 = arith.addi %mul3A_102, %add3A_128 : i32
          %dma_start3A_130 = arith.constant 0 : i32
          %dma_start3A_131 = tpu.memref_slice %arg12[%add3A_129, %dma_start3A_130] : memref<40x128xi32, #tpu.memory_space<vmem>> -> memref<1x128xi32, #tpu.memory_space<vmem>>
          %dma_start3A_132 = tpu.memref_squeeze %dma_start3A_131 : memref<1x128xi32, #tpu.memory_space<vmem>> -> memref<128xi32, #tpu.memory_space<vmem>>
          %dma_start3A_133 = arith.constant 0 : i32
          %dma_start3A_134 = arith.constant 0 : i32
          %dma_start3A_135 = tpu.memref_slice %arg2[%dma_start3A_133, %dma_start3A_134] : memref<10240x128xf32, #tpu.memory_space<hbm>> -> memref<10240x128xf32, #tpu.memory_space<hbm>>
          tpu.enqueue_indirect_dma source(%dma_start3A_135 : memref<10240x128xf32, #tpu.memory_space<hbm>>) target(%arg14 : memref<128x128xf32, #tpu.memory_space<vmem>>) offsets(%dma_start3A_132 : memref<128xi32, #tpu.memory_space<vmem>>) semaphore(%arg17 : memref<!tpu.dma_semaphore, #tpu.memory_space<semaphore_mem>>)
        } else {
        }
        "tpu.region"() ({
          %run_scoped3A = tpu.sem_alloc : memref<!tpu.dma_semaphore, #tpu.memory_space<semaphore_mem>>
          %dma_start3A_128 = arith.constant 0 : i32
          %dma_start3A_129 = tpu.memref_slice %arg13[%add3A_104, %dma_start3A_128] : memref<40x128xi32, #tpu.memory_space<vmem>> -> memref<1x128xi32, #tpu.memory_space<vmem>>
          %dma_start3A_130 = tpu.memref_squeeze %dma_start3A_129 : memref<1x128xi32, #tpu.memory_space<vmem>> -> memref<128xi32, #tpu.memory_space<vmem>>
          %dma_start3A_131 = arith.constant 0 : i32
          %dma_start3A_132 = arith.constant 0 : i32
          %dma_start3A_133 = tpu.memref_slice %arg16[%dma_start3A_131, %dma_start3A_132] : memref<10240x128xf32, #tpu.memory_space<vmem_shared>> -> memref<10240x128xf32, #tpu.memory_space<vmem_shared>>
          tpu.enqueue_indirect_dma source(%arg15 : memref<128x128xf32, #tpu.memory_space<vmem>>) target(%dma_start3A_133 : memref<10240x128xf32, #tpu.memory_space<vmem_shared>>) offsets(%dma_start3A_130 : memref<128xi32, #tpu.memory_space<vmem>>) semaphore(%run_scoped3A : memref<!tpu.dma_semaphore, #tpu.memory_space<semaphore_mem>>) {add = true}
          %dma_wait3A_134 = arith.constant 0 : i32
          %dma_wait3A_135 = tpu.memref_slice %arg13[%add3A_104, %dma_wait3A_134] : memref<40x128xi32, #tpu.memory_space<vmem>> -> memref<1x128xi32, #tpu.memory_space<vmem>>
          %dma_wait3A_136 = tpu.memref_squeeze %dma_wait3A_135 : memref<1x128xi32, #tpu.memory_space<vmem>> -> memref<128xi32, #tpu.memory_space<vmem>>
          %dma_wait3A_137 = arith.constant 0 : i32
          %dma_wait3A_138 = arith.constant 0 : i32
          %dma_wait3A_139 = tpu.memref_slice %arg16[%dma_wait3A_137, %dma_wait3A_138] : memref<10240x128xf32, #tpu.memory_space<vmem_shared>> -> memref<10240x128xf32, #tpu.memory_space<vmem_shared>>
          tpu.wait_indirect_dma semaphore(%run_scoped3A : memref<!tpu.dma_semaphore, #tpu.memory_space<semaphore_mem>>) src(%arg15 : memref<128x128xf32, #tpu.memory_space<vmem>>) dst(%dma_wait3A_139 : memref<10240x128xf32, #tpu.memory_space<vmem_shared>>)
          tpu.yield
        }) : () -> ()
      }
      %scan3A_99 = arith.constant 20 : i32
    } else {
    }
    %eq3A_18 = arith.constant 1 : i32
    %eq3A_19 = arith.cmpi eq, %arg0, %eq3A_18 : i32
    %convert_element_type3A_20 = arith.extui %eq3A_19 : i1 to i32
    %cond3A_21 = arith.constant 0 : i32
    %cond3A_22 = arith.cmpi ne, %convert_element_type3A_20, %cond3A_21 : i32
    scf.if %cond3A_22 {
      "tpu.region"() ({
        %run_scoped3A = tpu.sem_alloc : memref<!tpu.dma_semaphore, #tpu.memory_space<semaphore_mem>>
        %dma_start3A_100 = arith.constant 0 : i32
        %dma_start3A_101 = arith.constant 0 : i32
        %dma_start3A_102 = tpu.memref_slice %arg6[%arg1, %dma_start3A_100, %dma_start3A_101] : memref<16x80x128xi32, #tpu.memory_space<hbm>> -> memref<1x40x128xi32, #tpu.memory_space<hbm>>
        %dma_start3A_103 = tpu.memref_squeeze %dma_start3A_102 : memref<1x40x128xi32, #tpu.memory_space<hbm>> -> memref<40x128xi32, #tpu.memory_space<hbm>>
        %dma_start3A_104 = arith.constant 0 : i32
        %dma_start3A_105 = arith.constant 0 : i32
        %dma_start3A_106 = tpu.memref_slice %arg6[%arg1, %dma_start3A_104, %dma_start3A_105] : memref<16x80x128xi32, #tpu.memory_space<hbm>> -> memref<1x40x128xi32, #tpu.memory_space<hbm>>
        %dma_start3A_107 = tpu.memref_squeeze %dma_start3A_106 : memref<1x40x128xi32, #tpu.memory_space<hbm>> -> memref<40x128xi32, #tpu.memory_space<hbm>>
        tpu.enqueue_dma source(%dma_start3A_107 : memref<40x128xi32, #tpu.memory_space<hbm>>) target(%arg12 : memref<40x128xi32, #tpu.memory_space<vmem>>) target_semaphore(%run_scoped3A : memref<!tpu.dma_semaphore, #tpu.memory_space<semaphore_mem>>)
        %dma_wait3A = arith.constant 0 : i32
        %dma_wait3A_108 = arith.constant 0 : i32
        %dma_wait3A_109 = tpu.memref_slice %arg6[%arg1, %dma_wait3A, %dma_wait3A_108] : memref<16x80x128xi32, #tpu.memory_space<hbm>> -> memref<1x40x128xi32, #tpu.memory_space<hbm>>
        %dma_wait3A_110 = tpu.memref_squeeze %dma_wait3A_109 : memref<1x40x128xi32, #tpu.memory_space<hbm>> -> memref<40x128xi32, #tpu.memory_space<hbm>>
        %dma_wait3A_111 = arith.constant 0 : i32
        %dma_wait3A_112 = arith.constant 0 : i32
        %dma_wait3A_113 = tpu.memref_slice %arg6[%arg1, %dma_wait3A_111, %dma_wait3A_112] : memref<16x80x128xi32, #tpu.memory_space<hbm>> -> memref<1x40x128xi32, #tpu.memory_space<hbm>>
        %dma_wait3A_114 = tpu.memref_squeeze %dma_wait3A_113 : memref<1x40x128xi32, #tpu.memory_space<hbm>> -> memref<40x128xi32, #tpu.memory_space<hbm>>
        tpu.wait_dma2 semaphore(%run_scoped3A : memref<!tpu.dma_semaphore, #tpu.memory_space<semaphore_mem>>) src(%dma_wait3A_114 : memref<40x128xi32, #tpu.memory_space<hbm>>) dst(%arg12 : memref<40x128xi32, #tpu.memory_space<vmem>>)
        tpu.yield
      }) : () -> ()
      "tpu.region"() ({
        %run_scoped3A = tpu.sem_alloc : memref<!tpu.dma_semaphore, #tpu.memory_space<semaphore_mem>>
        %dma_start3A_100 = arith.constant 0 : i32
        %dma_start3A_101 = arith.constant 0 : i32
        %dma_start3A_102 = tpu.memref_slice %arg7[%arg1, %dma_start3A_100, %dma_start3A_101] : memref<16x80x128xi32, #tpu.memory_space<hbm>> -> memref<1x40x128xi32, #tpu.memory_space<hbm>>
        %dma_start3A_103 = tpu.memref_squeeze %dma_start3A_102 : memref<1x40x128xi32, #tpu.memory_space<hbm>> -> memref<40x128xi32, #tpu.memory_space<hbm>>
        %dma_start3A_104 = arith.constant 0 : i32
        %dma_start3A_105 = arith.constant 0 : i32
        %dma_start3A_106 = tpu.memref_slice %arg7[%arg1, %dma_start3A_104, %dma_start3A_105] : memref<16x80x128xi32, #tpu.memory_space<hbm>> -> memref<1x40x128xi32, #tpu.memory_space<hbm>>
        %dma_start3A_107 = tpu.memref_squeeze %dma_start3A_106 : memref<1x40x128xi32, #tpu.memory_space<hbm>> -> memref<40x128xi32, #tpu.memory_space<hbm>>
        tpu.enqueue_dma source(%dma_start3A_107 : memref<40x128xi32, #tpu.memory_space<hbm>>) target(%arg13 : memref<40x128xi32, #tpu.memory_space<vmem>>) target_semaphore(%run_scoped3A : memref<!tpu.dma_semaphore, #tpu.memory_space<semaphore_mem>>)
        %dma_wait3A = arith.constant 0 : i32
        %dma_wait3A_108 = arith.constant 0 : i32
        %dma_wait3A_109 = tpu.memref_slice %arg7[%arg1, %dma_wait3A, %dma_wait3A_108] : memref<16x80x128xi32, #tpu.memory_space<hbm>> -> memref<1x40x128xi32, #tpu.memory_space<hbm>>
        %dma_wait3A_110 = tpu.memref_squeeze %dma_wait3A_109 : memref<1x40x128xi32, #tpu.memory_space<hbm>> -> memref<40x128xi32, #tpu.memory_space<hbm>>
        %dma_wait3A_111 = arith.constant 0 : i32
        %dma_wait3A_112 = arith.constant 0 : i32
        %dma_wait3A_113 = tpu.memref_slice %arg7[%arg1, %dma_wait3A_111, %dma_wait3A_112] : memref<16x80x128xi32, #tpu.memory_space<hbm>> -> memref<1x40x128xi32, #tpu.memory_space<hbm>>
        %dma_wait3A_114 = tpu.memref_squeeze %dma_wait3A_113 : memref<1x40x128xi32, #tpu.memory_space<hbm>> -> memref<40x128xi32, #tpu.memory_space<hbm>>
        tpu.wait_dma2 semaphore(%run_scoped3A : memref<!tpu.dma_semaphore, #tpu.memory_space<semaphore_mem>>) src(%dma_wait3A_114 : memref<40x128xi32, #tpu.memory_space<hbm>>) dst(%arg13 : memref<40x128xi32, #tpu.memory_space<vmem>>)
        tpu.yield
      }) : () -> ()
      %dma_start3A = arith.constant 0 : i32
      %dma_start3A_75 = arith.constant 0 : i32
      %dma_start3A_76 = tpu.memref_slice %arg12[%dma_start3A, %dma_start3A_75] : memref<40x128xi32, #tpu.memory_space<vmem>> -> memref<1x128xi32, #tpu.memory_space<vmem>>
      %dma_start3A_77 = tpu.memref_squeeze %dma_start3A_76 : memref<1x128xi32, #tpu.memory_space<vmem>> -> memref<128xi32, #tpu.memory_space<vmem>>
      %dma_start3A_78 = arith.constant 0 : i32
      %dma_start3A_79 = arith.constant 0 : i32
      %dma_start3A_80 = tpu.memref_slice %arg3[%dma_start3A_78, %dma_start3A_79] : memref<10240x128xf32, #tpu.memory_space<hbm>> -> memref<10240x128xf32, #tpu.memory_space<hbm>>
      tpu.enqueue_indirect_dma source(%dma_start3A_80 : memref<10240x128xf32, #tpu.memory_space<hbm>>) target(%arg14 : memref<128x128xf32, #tpu.memory_space<vmem>>) offsets(%dma_start3A_77 : memref<128xi32, #tpu.memory_space<vmem>>) semaphore(%arg17 : memref<!tpu.dma_semaphore, #tpu.memory_space<semaphore_mem>>)
      %scan3A_81 = arith.constant 0 : i32
      %scan3A_82 = arith.constant 0 : i32
      %scan3A_83 = arith.constant 20 : i32
      %scan3A_84 = arith.addi %scan3A_82, %scan3A_83 : i32
      %scan3A_85 = arith.constant 1 : i32
      scf.for %scan3A_100 = %scan3A_82 to %scan3A_84 step %scan3A_85  : i32 {
        %mul3A_101 = arith.constant 2 : i32
        %mul3A_102 = arith.muli %mul3A_101, %scan3A_100 : i32
        %add3A_103 = arith.constant 1 : i32
        %add3A_104 = arith.addi %mul3A_102, %add3A_103 : i32
        %dma_wait3A = arith.constant 0 : i32
        %dma_wait3A_105 = tpu.memref_slice %arg12[%mul3A_102, %dma_wait3A] : memref<40x128xi32, #tpu.memory_space<vmem>> -> memref<1x128xi32, #tpu.memory_space<vmem>>
        %dma_wait3A_106 = tpu.memref_squeeze %dma_wait3A_105 : memref<1x128xi32, #tpu.memory_space<vmem>> -> memref<128xi32, #tpu.memory_space<vmem>>
        %dma_wait3A_107 = arith.constant 0 : i32
        %dma_wait3A_108 = arith.constant 0 : i32
        %dma_wait3A_109 = tpu.memref_slice %arg3[%dma_wait3A_107, %dma_wait3A_108] : memref<10240x128xf32, #tpu.memory_space<hbm>> -> memref<10240x128xf32, #tpu.memory_space<hbm>>
        tpu.wait_indirect_dma semaphore(%arg17 : memref<!tpu.dma_semaphore, #tpu.memory_space<semaphore_mem>>) src(%dma_wait3A_109 : memref<10240x128xf32, #tpu.memory_space<hbm>>) dst(%arg14 : memref<128x128xf32, #tpu.memory_space<vmem>>)
        %dma_start3A_110 = arith.constant 0 : i32
        %dma_start3A_111 = tpu.memref_slice %arg12[%add3A_104, %dma_start3A_110] : memref<40x128xi32, #tpu.memory_space<vmem>> -> memref<1x128xi32, #tpu.memory_space<vmem>>
        %dma_start3A_112 = tpu.memref_squeeze %dma_start3A_111 : memref<1x128xi32, #tpu.memory_space<vmem>> -> memref<128xi32, #tpu.memory_space<vmem>>
        %dma_start3A_113 = arith.constant 0 : i32
        %dma_start3A_114 = arith.constant 0 : i32
        %dma_start3A_115 = tpu.memref_slice %arg3[%dma_start3A_113, %dma_start3A_114] : memref<10240x128xf32, #tpu.memory_space<hbm>> -> memref<10240x128xf32, #tpu.memory_space<hbm>>
        tpu.enqueue_indirect_dma source(%dma_start3A_115 : memref<10240x128xf32, #tpu.memory_space<hbm>>) target(%arg15 : memref<128x128xf32, #tpu.memory_space<vmem>>) offsets(%dma_start3A_112 : memref<128xi32, #tpu.memory_space<vmem>>) semaphore(%arg18 : memref<!tpu.dma_semaphore, #tpu.memory_space<semaphore_mem>>)
        "tpu.region"() ({
          %run_scoped3A = tpu.sem_alloc : memref<!tpu.dma_semaphore, #tpu.memory_space<semaphore_mem>>
          %dma_start3A_128 = arith.constant 0 : i32
          %dma_start3A_129 = tpu.memref_slice %arg13[%mul3A_102, %dma_start3A_128] : memref<40x128xi32, #tpu.memory_space<vmem>> -> memref<1x128xi32, #tpu.memory_space<vmem>>
          %dma_start3A_130 = tpu.memref_squeeze %dma_start3A_129 : memref<1x128xi32, #tpu.memory_space<vmem>> -> memref<128xi32, #tpu.memory_space<vmem>>
          %dma_start3A_131 = arith.constant 0 : i32
          %dma_start3A_132 = arith.constant 0 : i32
          %dma_start3A_133 = tpu.memref_slice %arg16[%dma_start3A_131, %dma_start3A_132] : memref<10240x128xf32, #tpu.memory_space<vmem_shared>> -> memref<10240x128xf32, #tpu.memory_space<vmem_shared>>
          tpu.enqueue_indirect_dma source(%arg14 : memref<128x128xf32, #tpu.memory_space<vmem>>) target(%dma_start3A_133 : memref<10240x128xf32, #tpu.memory_space<vmem_shared>>) offsets(%dma_start3A_130 : memref<128xi32, #tpu.memory_space<vmem>>) semaphore(%run_scoped3A : memref<!tpu.dma_semaphore, #tpu.memory_space<semaphore_mem>>) {add = true}
          %dma_wait3A_134 = arith.constant 0 : i32
          %dma_wait3A_135 = tpu.memref_slice %arg13[%mul3A_102, %dma_wait3A_134] : memref<40x128xi32, #tpu.memory_space<vmem>> -> memref<1x128xi32, #tpu.memory_space<vmem>>
          %dma_wait3A_136 = tpu.memref_squeeze %dma_wait3A_135 : memref<1x128xi32, #tpu.memory_space<vmem>> -> memref<128xi32, #tpu.memory_space<vmem>>
          %dma_wait3A_137 = arith.constant 0 : i32
          %dma_wait3A_138 = arith.constant 0 : i32
          %dma_wait3A_139 = tpu.memref_slice %arg16[%dma_wait3A_137, %dma_wait3A_138] : memref<10240x128xf32, #tpu.memory_space<vmem_shared>> -> memref<10240x128xf32, #tpu.memory_space<vmem_shared>>
          tpu.wait_indirect_dma semaphore(%run_scoped3A : memref<!tpu.dma_semaphore, #tpu.memory_space<semaphore_mem>>) src(%arg14 : memref<128x128xf32, #tpu.memory_space<vmem>>) dst(%dma_wait3A_139 : memref<10240x128xf32, #tpu.memory_space<vmem_shared>>)
          tpu.yield
        }) : () -> ()
        %dma_wait3A_116 = arith.constant 0 : i32
        %dma_wait3A_117 = tpu.memref_slice %arg12[%add3A_104, %dma_wait3A_116] : memref<40x128xi32, #tpu.memory_space<vmem>> -> memref<1x128xi32, #tpu.memory_space<vmem>>
        %dma_wait3A_118 = tpu.memref_squeeze %dma_wait3A_117 : memref<1x128xi32, #tpu.memory_space<vmem>> -> memref<128xi32, #tpu.memory_space<vmem>>
        %dma_wait3A_119 = arith.constant 0 : i32
        %dma_wait3A_120 = arith.constant 0 : i32
        %dma_wait3A_121 = tpu.memref_slice %arg3[%dma_wait3A_119, %dma_wait3A_120] : memref<10240x128xf32, #tpu.memory_space<hbm>> -> memref<10240x128xf32, #tpu.memory_space<hbm>>
        tpu.wait_indirect_dma semaphore(%arg18 : memref<!tpu.dma_semaphore, #tpu.memory_space<semaphore_mem>>) src(%dma_wait3A_121 : memref<10240x128xf32, #tpu.memory_space<hbm>>) dst(%arg15 : memref<128x128xf32, #tpu.memory_space<vmem>>)
        %add3A_122 = arith.constant 1 : i32
        %add3A_123 = arith.addi %scan3A_100, %add3A_122 : i32
        %lt3A = arith.constant 20 : i32
        %lt3A_124 = arith.cmpi slt, %add3A_123, %lt3A : i32
        %convert_element_type3A_125 = arith.extui %lt3A_124 : i1 to i32
        %cond3A_126 = arith.constant 0 : i32
        %cond3A_127 = arith.cmpi ne, %convert_element_type3A_125, %cond3A_126 : i32
        scf.if %cond3A_127 {
          %add3A_128 = arith.constant 2 : i32
          %add3A_129 = arith.addi %mul3A_102, %add3A_128 : i32
          %dma_start3A_130 = arith.constant 0 : i32
          %dma_start3A_131 = tpu.memref_slice %arg12[%add3A_129, %dma_start3A_130] : memref<40x128xi32, #tpu.memory_space<vmem>> -> memref<1x128xi32, #tpu.memory_space<vmem>>
          %dma_start3A_132 = tpu.memref_squeeze %dma_start3A_131 : memref<1x128xi32, #tpu.memory_space<vmem>> -> memref<128xi32, #tpu.memory_space<vmem>>
          %dma_start3A_133 = arith.constant 0 : i32
          %dma_start3A_134 = arith.constant 0 : i32
          %dma_start3A_135 = tpu.memref_slice %arg3[%dma_start3A_133, %dma_start3A_134] : memref<10240x128xf32, #tpu.memory_space<hbm>> -> memref<10240x128xf32, #tpu.memory_space<hbm>>
          tpu.enqueue_indirect_dma source(%dma_start3A_135 : memref<10240x128xf32, #tpu.memory_space<hbm>>) target(%arg14 : memref<128x128xf32, #tpu.memory_space<vmem>>) offsets(%dma_start3A_132 : memref<128xi32, #tpu.memory_space<vmem>>) semaphore(%arg17 : memref<!tpu.dma_semaphore, #tpu.memory_space<semaphore_mem>>)
        } else {
        }
        "tpu.region"() ({
          %run_scoped3A = tpu.sem_alloc : memref<!tpu.dma_semaphore, #tpu.memory_space<semaphore_mem>>
          %dma_start3A_128 = arith.constant 0 : i32
          %dma_start3A_129 = tpu.memref_slice %arg13[%add3A_104, %dma_start3A_128] : memref<40x128xi32, #tpu.memory_space<vmem>> -> memref<1x128xi32, #tpu.memory_space<vmem>>
          %dma_start3A_130 = tpu.memref_squeeze %dma_start3A_129 : memref<1x128xi32, #tpu.memory_space<vmem>> -> memref<128xi32, #tpu.memory_space<vmem>>
          %dma_start3A_131 = arith.constant 0 : i32
          %dma_start3A_132 = arith.constant 0 : i32
          %dma_start3A_133 = tpu.memref_slice %arg16[%dma_start3A_131, %dma_start3A_132] : memref<10240x128xf32, #tpu.memory_space<vmem_shared>> -> memref<10240x128xf32, #tpu.memory_space<vmem_shared>>
          tpu.enqueue_indirect_dma source(%arg15 : memref<128x128xf32, #tpu.memory_space<vmem>>) target(%dma_start3A_133 : memref<10240x128xf32, #tpu.memory_space<vmem_shared>>) offsets(%dma_start3A_130 : memref<128xi32, #tpu.memory_space<vmem>>) semaphore(%run_scoped3A : memref<!tpu.dma_semaphore, #tpu.memory_space<semaphore_mem>>) {add = true}
          %dma_wait3A_134 = arith.constant 0 : i32
          %dma_wait3A_135 = tpu.memref_slice %arg13[%add3A_104, %dma_wait3A_134] : memref<40x128xi32, #tpu.memory_space<vmem>> -> memref<1x128xi32, #tpu.memory_space<vmem>>
          %dma_wait3A_136 = tpu.memref_squeeze %dma_wait3A_135 : memref<1x128xi32, #tpu.memory_space<vmem>> -> memref<128xi32, #tpu.memory_space<vmem>>
          %dma_wait3A_137 = arith.constant 0 : i32
          %dma_wait3A_138 = arith.constant 0 : i32
          %dma_wait3A_139 = tpu.memref_slice %arg16[%dma_wait3A_137, %dma_wait3A_138] : memref<10240x128xf32, #tpu.memory_space<vmem_shared>> -> memref<10240x128xf32, #tpu.memory_space<vmem_shared>>
          tpu.wait_indirect_dma semaphore(%run_scoped3A : memref<!tpu.dma_semaphore, #tpu.memory_space<semaphore_mem>>) src(%arg15 : memref<128x128xf32, #tpu.memory_space<vmem>>) dst(%dma_wait3A_139 : memref<10240x128xf32, #tpu.memory_space<vmem_shared>>)
          tpu.yield
        }) : () -> ()
      }
      %scan3A_86 = arith.constant 20 : i32
      "tpu.region"() ({
        %run_scoped3A = tpu.sem_alloc : memref<!tpu.dma_semaphore, #tpu.memory_space<semaphore_mem>>
        %dma_start3A_100 = arith.constant 40 : i32
        %dma_start3A_101 = arith.constant 0 : i32
        %dma_start3A_102 = tpu.memref_slice %arg6[%arg1, %dma_start3A_100, %dma_start3A_101] : memref<16x80x128xi32, #tpu.memory_space<hbm>> -> memref<1x40x128xi32, #tpu.memory_space<hbm>>
        %dma_start3A_103 = tpu.memref_squeeze %dma_start3A_102 : memref<1x40x128xi32, #tpu.memory_space<hbm>> -> memref<40x128xi32, #tpu.memory_space<hbm>>
        %dma_start3A_104 = arith.constant 40 : i32
        %dma_start3A_105 = arith.constant 0 : i32
        %dma_start3A_106 = tpu.memref_slice %arg6[%arg1, %dma_start3A_104, %dma_start3A_105] : memref<16x80x128xi32, #tpu.memory_space<hbm>> -> memref<1x40x128xi32, #tpu.memory_space<hbm>>
        %dma_start3A_107 = tpu.memref_squeeze %dma_start3A_106 : memref<1x40x128xi32, #tpu.memory_space<hbm>> -> memref<40x128xi32, #tpu.memory_space<hbm>>
        tpu.enqueue_dma source(%dma_start3A_107 : memref<40x128xi32, #tpu.memory_space<hbm>>) target(%arg12 : memref<40x128xi32, #tpu.memory_space<vmem>>) target_semaphore(%run_scoped3A : memref<!tpu.dma_semaphore, #tpu.memory_space<semaphore_mem>>)
        %dma_wait3A = arith.constant 40 : i32
        %dma_wait3A_108 = arith.constant 0 : i32
        %dma_wait3A_109 = tpu.memref_slice %arg6[%arg1, %dma_wait3A, %dma_wait3A_108] : memref<16x80x128xi32, #tpu.memory_space<hbm>> -> memref<1x40x128xi32, #tpu.memory_space<hbm>>
        %dma_wait3A_110 = tpu.memref_squeeze %dma_wait3A_109 : memref<1x40x128xi32, #tpu.memory_space<hbm>> -> memref<40x128xi32, #tpu.memory_space<hbm>>
        %dma_wait3A_111 = arith.constant 40 : i32
        %dma_wait3A_112 = arith.constant 0 : i32
        %dma_wait3A_113 = tpu.memref_slice %arg6[%arg1, %dma_wait3A_111, %dma_wait3A_112] : memref<16x80x128xi32, #tpu.memory_space<hbm>> -> memref<1x40x128xi32, #tpu.memory_space<hbm>>
        %dma_wait3A_114 = tpu.memref_squeeze %dma_wait3A_113 : memref<1x40x128xi32, #tpu.memory_space<hbm>> -> memref<40x128xi32, #tpu.memory_space<hbm>>
        tpu.wait_dma2 semaphore(%run_scoped3A : memref<!tpu.dma_semaphore, #tpu.memory_space<semaphore_mem>>) src(%dma_wait3A_114 : memref<40x128xi32, #tpu.memory_space<hbm>>) dst(%arg12 : memref<40x128xi32, #tpu.memory_space<vmem>>)
        tpu.yield
      }) : () -> ()
      "tpu.region"() ({
        %run_scoped3A = tpu.sem_alloc : memref<!tpu.dma_semaphore, #tpu.memory_space<semaphore_mem>>
        %dma_start3A_100 = arith.constant 40 : i32
        %dma_start3A_101 = arith.constant 0 : i32
        %dma_start3A_102 = tpu.memref_slice %arg7[%arg1, %dma_start3A_100, %dma_start3A_101] : memref<16x80x128xi32, #tpu.memory_space<hbm>> -> memref<1x40x128xi32, #tpu.memory_space<hbm>>
        %dma_start3A_103 = tpu.memref_squeeze %dma_start3A_102 : memref<1x40x128xi32, #tpu.memory_space<hbm>> -> memref<40x128xi32, #tpu.memory_space<hbm>>
        %dma_start3A_104 = arith.constant 40 : i32
        %dma_start3A_105 = arith.constant 0 : i32
        %dma_start3A_106 = tpu.memref_slice %arg7[%arg1, %dma_start3A_104, %dma_start3A_105] : memref<16x80x128xi32, #tpu.memory_space<hbm>> -> memref<1x40x128xi32, #tpu.memory_space<hbm>>
        %dma_start3A_107 = tpu.memref_squeeze %dma_start3A_106 : memref<1x40x128xi32, #tpu.memory_space<hbm>> -> memref<40x128xi32, #tpu.memory_space<hbm>>
        tpu.enqueue_dma source(%dma_start3A_107 : memref<40x128xi32, #tpu.memory_space<hbm>>) target(%arg13 : memref<40x128xi32, #tpu.memory_space<vmem>>) target_semaphore(%run_scoped3A : memref<!tpu.dma_semaphore, #tpu.memory_space<semaphore_mem>>)
        %dma_wait3A = arith.constant 40 : i32
        %dma_wait3A_108 = arith.constant 0 : i32
        %dma_wait3A_109 = tpu.memref_slice %arg7[%arg1, %dma_wait3A, %dma_wait3A_108] : memref<16x80x128xi32, #tpu.memory_space<hbm>> -> memref<1x40x128xi32, #tpu.memory_space<hbm>>
        %dma_wait3A_110 = tpu.memref_squeeze %dma_wait3A_109 : memref<1x40x128xi32, #tpu.memory_space<hbm>> -> memref<40x128xi32, #tpu.memory_space<hbm>>
        %dma_wait3A_111 = arith.constant 40 : i32
        %dma_wait3A_112 = arith.constant 0 : i32
        %dma_wait3A_113 = tpu.memref_slice %arg7[%arg1, %dma_wait3A_111, %dma_wait3A_112] : memref<16x80x128xi32, #tpu.memory_space<hbm>> -> memref<1x40x128xi32, #tpu.memory_space<hbm>>
        %dma_wait3A_114 = tpu.memref_squeeze %dma_wait3A_113 : memref<1x40x128xi32, #tpu.memory_space<hbm>> -> memref<40x128xi32, #tpu.memory_space<hbm>>
        tpu.wait_dma2 semaphore(%run_scoped3A : memref<!tpu.dma_semaphore, #tpu.memory_space<semaphore_mem>>) src(%dma_wait3A_114 : memref<40x128xi32, #tpu.memory_space<hbm>>) dst(%arg13 : memref<40x128xi32, #tpu.memory_space<vmem>>)
        tpu.yield
      }) : () -> ()
      %dma_start3A_87 = arith.constant 0 : i32
      %dma_start3A_88 = arith.constant 0 : i32
      %dma_start3A_89 = tpu.memref_slice %arg12[%dma_start3A_87, %dma_start3A_88] : memref<40x128xi32, #tpu.memory_space<vmem>> -> memref<1x128xi32, #tpu.memory_space<vmem>>
      %dma_start3A_90 = tpu.memref_squeeze %dma_start3A_89 : memref<1x128xi32, #tpu.memory_space<vmem>> -> memref<128xi32, #tpu.memory_space<vmem>>
      %dma_start3A_91 = arith.constant 0 : i32
      %dma_start3A_92 = arith.constant 0 : i32
      %dma_start3A_93 = tpu.memref_slice %arg3[%dma_start3A_91, %dma_start3A_92] : memref<10240x128xf32, #tpu.memory_space<hbm>> -> memref<10240x128xf32, #tpu.memory_space<hbm>>
      tpu.enqueue_indirect_dma source(%dma_start3A_93 : memref<10240x128xf32, #tpu.memory_space<hbm>>) target(%arg14 : memref<128x128xf32, #tpu.memory_space<vmem>>) offsets(%dma_start3A_90 : memref<128xi32, #tpu.memory_space<vmem>>) semaphore(%arg17 : memref<!tpu.dma_semaphore, #tpu.memory_space<semaphore_mem>>)
      %scan3A_94 = arith.constant 0 : i32
      %scan3A_95 = arith.constant 0 : i32
      %scan3A_96 = arith.constant 20 : i32
      %scan3A_97 = arith.addi %scan3A_95, %scan3A_96 : i32
      %scan3A_98 = arith.constant 1 : i32
      scf.for %scan3A_100 = %scan3A_95 to %scan3A_97 step %scan3A_98  : i32 {
        %mul3A_101 = arith.constant 2 : i32
        %mul3A_102 = arith.muli %mul3A_101, %scan3A_100 : i32
        %add3A_103 = arith.constant 1 : i32
        %add3A_104 = arith.addi %mul3A_102, %add3A_103 : i32
        %dma_wait3A = arith.constant 0 : i32
        %dma_wait3A_105 = tpu.memref_slice %arg12[%mul3A_102, %dma_wait3A] : memref<40x128xi32, #tpu.memory_space<vmem>> -> memref<1x128xi32, #tpu.memory_space<vmem>>
        %dma_wait3A_106 = tpu.memref_squeeze %dma_wait3A_105 : memref<1x128xi32, #tpu.memory_space<vmem>> -> memref<128xi32, #tpu.memory_space<vmem>>
        %dma_wait3A_107 = arith.constant 0 : i32
        %dma_wait3A_108 = arith.constant 0 : i32
        %dma_wait3A_109 = tpu.memref_slice %arg3[%dma_wait3A_107, %dma_wait3A_108] : memref<10240x128xf32, #tpu.memory_space<hbm>> -> memref<10240x128xf32, #tpu.memory_space<hbm>>
        tpu.wait_indirect_dma semaphore(%arg17 : memref<!tpu.dma_semaphore, #tpu.memory_space<semaphore_mem>>) src(%dma_wait3A_109 : memref<10240x128xf32, #tpu.memory_space<hbm>>) dst(%arg14 : memref<128x128xf32, #tpu.memory_space<vmem>>)
        %dma_start3A_110 = arith.constant 0 : i32
        %dma_start3A_111 = tpu.memref_slice %arg12[%add3A_104, %dma_start3A_110] : memref<40x128xi32, #tpu.memory_space<vmem>> -> memref<1x128xi32, #tpu.memory_space<vmem>>
        %dma_start3A_112 = tpu.memref_squeeze %dma_start3A_111 : memref<1x128xi32, #tpu.memory_space<vmem>> -> memref<128xi32, #tpu.memory_space<vmem>>
        %dma_start3A_113 = arith.constant 0 : i32
        %dma_start3A_114 = arith.constant 0 : i32
        %dma_start3A_115 = tpu.memref_slice %arg3[%dma_start3A_113, %dma_start3A_114] : memref<10240x128xf32, #tpu.memory_space<hbm>> -> memref<10240x128xf32, #tpu.memory_space<hbm>>
        tpu.enqueue_indirect_dma source(%dma_start3A_115 : memref<10240x128xf32, #tpu.memory_space<hbm>>) target(%arg15 : memref<128x128xf32, #tpu.memory_space<vmem>>) offsets(%dma_start3A_112 : memref<128xi32, #tpu.memory_space<vmem>>) semaphore(%arg18 : memref<!tpu.dma_semaphore, #tpu.memory_space<semaphore_mem>>)
        "tpu.region"() ({
          %run_scoped3A = tpu.sem_alloc : memref<!tpu.dma_semaphore, #tpu.memory_space<semaphore_mem>>
          %dma_start3A_128 = arith.constant 0 : i32
          %dma_start3A_129 = tpu.memref_slice %arg13[%mul3A_102, %dma_start3A_128] : memref<40x128xi32, #tpu.memory_space<vmem>> -> memref<1x128xi32, #tpu.memory_space<vmem>>
          %dma_start3A_130 = tpu.memref_squeeze %dma_start3A_129 : memref<1x128xi32, #tpu.memory_space<vmem>> -> memref<128xi32, #tpu.memory_space<vmem>>
          %dma_start3A_131 = arith.constant 0 : i32
          %dma_start3A_132 = arith.constant 0 : i32
          %dma_start3A_133 = tpu.memref_slice %arg16[%dma_start3A_131, %dma_start3A_132] : memref<10240x128xf32, #tpu.memory_space<vmem_shared>> -> memref<10240x128xf32, #tpu.memory_space<vmem_shared>>
          tpu.enqueue_indirect_dma source(%arg14 : memref<128x128xf32, #tpu.memory_space<vmem>>) target(%dma_start3A_133 : memref<10240x128xf32, #tpu.memory_space<vmem_shared>>) offsets(%dma_start3A_130 : memref<128xi32, #tpu.memory_space<vmem>>) semaphore(%run_scoped3A : memref<!tpu.dma_semaphore, #tpu.memory_space<semaphore_mem>>) {add = true}
          %dma_wait3A_134 = arith.constant 0 : i32
          %dma_wait3A_135 = tpu.memref_slice %arg13[%mul3A_102, %dma_wait3A_134] : memref<40x128xi32, #tpu.memory_space<vmem>> -> memref<1x128xi32, #tpu.memory_space<vmem>>
          %dma_wait3A_136 = tpu.memref_squeeze %dma_wait3A_135 : memref<1x128xi32, #tpu.memory_space<vmem>> -> memref<128xi32, #tpu.memory_space<vmem>>
          %dma_wait3A_137 = arith.constant 0 : i32
          %dma_wait3A_138 = arith.constant 0 : i32
          %dma_wait3A_139 = tpu.memref_slice %arg16[%dma_wait3A_137, %dma_wait3A_138] : memref<10240x128xf32, #tpu.memory_space<vmem_shared>> -> memref<10240x128xf32, #tpu.memory_space<vmem_shared>>
          tpu.wait_indirect_dma semaphore(%run_scoped3A : memref<!tpu.dma_semaphore, #tpu.memory_space<semaphore_mem>>) src(%arg14 : memref<128x128xf32, #tpu.memory_space<vmem>>) dst(%dma_wait3A_139 : memref<10240x128xf32, #tpu.memory_space<vmem_shared>>)
          tpu.yield
        }) : () -> ()
        %dma_wait3A_116 = arith.constant 0 : i32
        %dma_wait3A_117 = tpu.memref_slice %arg12[%add3A_104, %dma_wait3A_116] : memref<40x128xi32, #tpu.memory_space<vmem>> -> memref<1x128xi32, #tpu.memory_space<vmem>>
        %dma_wait3A_118 = tpu.memref_squeeze %dma_wait3A_117 : memref<1x128xi32, #tpu.memory_space<vmem>> -> memref<128xi32, #tpu.memory_space<vmem>>
        %dma_wait3A_119 = arith.constant 0 : i32
        %dma_wait3A_120 = arith.constant 0 : i32
        %dma_wait3A_121 = tpu.memref_slice %arg3[%dma_wait3A_119, %dma_wait3A_120] : memref<10240x128xf32, #tpu.memory_space<hbm>> -> memref<10240x128xf32, #tpu.memory_space<hbm>>
        tpu.wait_indirect_dma semaphore(%arg18 : memref<!tpu.dma_semaphore, #tpu.memory_space<semaphore_mem>>) src(%dma_wait3A_121 : memref<10240x128xf32, #tpu.memory_space<hbm>>) dst(%arg15 : memref<128x128xf32, #tpu.memory_space<vmem>>)
        %add3A_122 = arith.constant 1 : i32
        %add3A_123 = arith.addi %scan3A_100, %add3A_122 : i32
        %lt3A = arith.constant 20 : i32
        %lt3A_124 = arith.cmpi slt, %add3A_123, %lt3A : i32
        %convert_element_type3A_125 = arith.extui %lt3A_124 : i1 to i32
        %cond3A_126 = arith.constant 0 : i32
        %cond3A_127 = arith.cmpi ne, %convert_element_type3A_125, %cond3A_126 : i32
        scf.if %cond3A_127 {
          %add3A_128 = arith.constant 2 : i32
          %add3A_129 = arith.addi %mul3A_102, %add3A_128 : i32
          %dma_start3A_130 = arith.constant 0 : i32
          %dma_start3A_131 = tpu.memref_slice %arg12[%add3A_129, %dma_start3A_130] : memref<40x128xi32, #tpu.memory_space<vmem>> -> memref<1x128xi32, #tpu.memory_space<vmem>>
          %dma_start3A_132 = tpu.memref_squeeze %dma_start3A_131 : memref<1x128xi32, #tpu.memory_space<vmem>> -> memref<128xi32, #tpu.memory_space<vmem>>
          %dma_start3A_133 = arith.constant 0 : i32
          %dma_start3A_134 = arith.constant 0 : i32
          %dma_start3A_135 = tpu.memref_slice %arg3[%dma_start3A_133, %dma_start3A_134] : memref<10240x128xf32, #tpu.memory_space<hbm>> -> memref<10240x128xf32, #tpu.memory_space<hbm>>
          tpu.enqueue_indirect_dma source(%dma_start3A_135 : memref<10240x128xf32, #tpu.memory_space<hbm>>) target(%arg14 : memref<128x128xf32, #tpu.memory_space<vmem>>) offsets(%dma_start3A_132 : memref<128xi32, #tpu.memory_space<vmem>>) semaphore(%arg17 : memref<!tpu.dma_semaphore, #tpu.memory_space<semaphore_mem>>)
        } else {
        }
        "tpu.region"() ({
          %run_scoped3A = tpu.sem_alloc : memref<!tpu.dma_semaphore, #tpu.memory_space<semaphore_mem>>
          %dma_start3A_128 = arith.constant 0 : i32
          %dma_start3A_129 = tpu.memref_slice %arg13[%add3A_104, %dma_start3A_128] : memref<40x128xi32, #tpu.memory_space<vmem>> -> memref<1x128xi32, #tpu.memory_space<vmem>>
          %dma_start3A_130 = tpu.memref_squeeze %dma_start3A_129 : memref<1x128xi32, #tpu.memory_space<vmem>> -> memref<128xi32, #tpu.memory_space<vmem>>
          %dma_start3A_131 = arith.constant 0 : i32
          %dma_start3A_132 = arith.constant 0 : i32
          %dma_start3A_133 = tpu.memref_slice %arg16[%dma_start3A_131, %dma_start3A_132] : memref<10240x128xf32, #tpu.memory_space<vmem_shared>> -> memref<10240x128xf32, #tpu.memory_space<vmem_shared>>
          tpu.enqueue_indirect_dma source(%arg15 : memref<128x128xf32, #tpu.memory_space<vmem>>) target(%dma_start3A_133 : memref<10240x128xf32, #tpu.memory_space<vmem_shared>>) offsets(%dma_start3A_130 : memref<128xi32, #tpu.memory_space<vmem>>) semaphore(%run_scoped3A : memref<!tpu.dma_semaphore, #tpu.memory_space<semaphore_mem>>) {add = true}
          %dma_wait3A_134 = arith.constant 0 : i32
          %dma_wait3A_135 = tpu.memref_slice %arg13[%add3A_104, %dma_wait3A_134] : memref<40x128xi32, #tpu.memory_space<vmem>> -> memref<1x128xi32, #tpu.memory_space<vmem>>
          %dma_wait3A_136 = tpu.memref_squeeze %dma_wait3A_135 : memref<1x128xi32, #tpu.memory_space<vmem>> -> memref<128xi32, #tpu.memory_space<vmem>>
          %dma_wait3A_137 = arith.constant 0 : i32
          %dma_wait3A_138 = arith.constant 0 : i32
          %dma_wait3A_139 = tpu.memref_slice %arg16[%dma_wait3A_137, %dma_wait3A_138] : memref<10240x128xf32, #tpu.memory_space<vmem_shared>> -> memref<10240x128xf32, #tpu.memory_space<vmem_shared>>
          tpu.wait_indirect_dma semaphore(%run_scoped3A : memref<!tpu.dma_semaphore, #tpu.memory_space<semaphore_mem>>) src(%arg15 : memref<128x128xf32, #tpu.memory_space<vmem>>) dst(%dma_wait3A_139 : memref<10240x128xf32, #tpu.memory_space<vmem_shared>>)
          tpu.yield
        }) : () -> ()
      }
      %scan3A_99 = arith.constant 20 : i32
    } else {
    }
    %barrier3A_23 = arith.constant 0 : index
    tpu.barrier barrier_id(%barrier3A_23)
    %eq3A_24 = arith.constant 0 : i32
    %eq3A_25 = arith.cmpi eq, %arg0, %eq3A_24 : i32
    %convert_element_type3A_26 = arith.extui %eq3A_25 : i1 to i32
    %cond3A_27 = arith.constant 0 : i32
    %cond3A_28 = arith.cmpi ne, %convert_element_type3A_26, %cond3A_27 : i32
    scf.if %cond3A_28 {
      "tpu.region"() ({
        %run_scoped3A = tpu.sem_alloc : memref<!tpu.dma_semaphore, #tpu.memory_space<semaphore_mem>>
        %dma_start3A = arith.constant 0 : i32
        %dma_start3A_75 = tpu.memref_slice %arg8[%mul3A_0, %dma_start3A] : memref<10240x128xf32, #tpu.memory_space<hbm>> -> memref<640x128xf32, #tpu.memory_space<hbm>>
        %dma_start3A_76 = arith.constant 0 : i32
        %dma_start3A_77 = tpu.memref_slice %arg16[%mul3A_0, %dma_start3A_76] : memref<10240x128xf32, #tpu.memory_space<vmem_shared>> -> memref<640x128xf32, #tpu.memory_space<vmem_shared>>
        tpu.enqueue_dma source(%dma_start3A_77 : memref<640x128xf32, #tpu.memory_space<vmem_shared>>) target(%dma_start3A_75 : memref<640x128xf32, #tpu.memory_space<hbm>>) target_semaphore(%run_scoped3A : memref<!tpu.dma_semaphore, #tpu.memory_space<semaphore_mem>>)
        %dma_wait3A = arith.constant 0 : i32
        %dma_wait3A_78 = tpu.memref_slice %arg8[%mul3A_0, %dma_wait3A] : memref<10240x128xf32, #tpu.memory_space<hbm>> -> memref<640x128xf32, #tpu.memory_space<hbm>>
        %dma_wait3A_79 = arith.constant 0 : i32
        %dma_wait3A_80 = tpu.memref_slice %arg16[%mul3A_0, %dma_wait3A_79] : memref<10240x128xf32, #tpu.memory_space<vmem_shared>> -> memref<640x128xf32, #tpu.memory_space<vmem_shared>>
        tpu.wait_dma2 semaphore(%run_scoped3A : memref<!tpu.dma_semaphore, #tpu.memory_space<semaphore_mem>>) src(%dma_wait3A_80 : memref<640x128xf32, #tpu.memory_space<vmem_shared>>) dst(%dma_wait3A_78 : memref<640x128xf32, #tpu.memory_space<hbm>>)
        tpu.yield
      }) : () -> ()
    } else {
    }
    %eq3A_29 = arith.constant 1 : i32
    %eq3A_30 = arith.cmpi eq, %arg0, %eq3A_29 : i32
    %convert_element_type3A_31 = arith.extui %eq3A_30 : i1 to i32
    %cond3A_32 = arith.constant 0 : i32
    %cond3A_33 = arith.cmpi ne, %convert_element_type3A_31, %cond3A_32 : i32
    scf.if %cond3A_33 {
      "tpu.region"() ({
        %run_scoped3A = tpu.sem_alloc : memref<!tpu.dma_semaphore, #tpu.memory_space<semaphore_mem>>
        %dma_start3A = arith.constant 0 : i32
        %dma_start3A_75 = tpu.memref_slice %arg9[%mul3A_0, %dma_start3A] : memref<10240x128xf32, #tpu.memory_space<hbm>> -> memref<640x128xf32, #tpu.memory_space<hbm>>
        %dma_start3A_76 = arith.constant 0 : i32
        %dma_start3A_77 = tpu.memref_slice %arg16[%mul3A_0, %dma_start3A_76] : memref<10240x128xf32, #tpu.memory_space<vmem_shared>> -> memref<640x128xf32, #tpu.memory_space<vmem_shared>>
        tpu.enqueue_dma source(%dma_start3A_77 : memref<640x128xf32, #tpu.memory_space<vmem_shared>>) target(%dma_start3A_75 : memref<640x128xf32, #tpu.memory_space<hbm>>) target_semaphore(%run_scoped3A : memref<!tpu.dma_semaphore, #tpu.memory_space<semaphore_mem>>)
        %dma_wait3A = arith.constant 0 : i32
        %dma_wait3A_78 = tpu.memref_slice %arg9[%mul3A_0, %dma_wait3A] : memref<10240x128xf32, #tpu.memory_space<hbm>> -> memref<640x128xf32, #tpu.memory_space<hbm>>
        %dma_wait3A_79 = arith.constant 0 : i32
        %dma_wait3A_80 = tpu.memref_slice %arg16[%mul3A_0, %dma_wait3A_79] : memref<10240x128xf32, #tpu.memory_space<vmem_shared>> -> memref<640x128xf32, #tpu.memory_space<vmem_shared>>
        tpu.wait_dma2 semaphore(%run_scoped3A : memref<!tpu.dma_semaphore, #tpu.memory_space<semaphore_mem>>) src(%dma_wait3A_80 : memref<640x128xf32, #tpu.memory_space<vmem_shared>>) dst(%dma_wait3A_78 : memref<640x128xf32, #tpu.memory_space<hbm>>)
        tpu.yield
      }) : () -> ()
    } else {
    }
    %barrier3A_34 = arith.constant 0 : index
    tpu.barrier barrier_id(%barrier3A_34)
    %broadcast_in_dim3A_35 = arith.constant 0.000000e+00 : f32
    %broadcast_in_dim3A_36 = vector.broadcast %broadcast_in_dim3A_35 : f32 to vector<16xf32>
    %scan3A_37 = arith.constant 0 : i32
    %scan3A_38 = arith.constant 0 : i32
    %scan3A_39 = arith.constant 128 : i32
    %scan3A_40 = arith.addi %scan3A_38, %scan3A_39 : i32
    %scan3A_41 = arith.constant 1 : i32
    scf.for %scan3A_75 = %scan3A_38 to %scan3A_40 step %scan3A_41  : i32 {
      %swap3A = arith.index_cast %scan3A_75 : i32 to index
      %swap3A_76 = arith.constant 0 : index
      %swap3A_77 = tpu.vector_load %arg14[%swap3A, %swap3A_76] {strides = array<i32>} : memref<128x128xf32, #tpu.memory_space<vmem>>, vector<1x16xf32>,
      %swap3A_78 = vector.shape_cast %swap3A_77 : vector<1x16xf32> to vector<16xf32>
      %swap3A_79 = vector.shape_cast %broadcast_in_dim3A_36 : vector<16xf32> to vector<1x16xf32>
      tpu.vector_store %arg14[%swap3A, %swap3A_76], %swap3A_79 {strides = array<i32>} : memref<128x128xf32, #tpu.memory_space<vmem>>, vector<1x16xf32>,
      %swap3A_80 = arith.index_cast %scan3A_75 : i32 to index
      %swap3A_81 = arith.constant 16 : index
      %swap3A_82 = tpu.vector_load %arg14[%swap3A_80, %swap3A_81] {strides = array<i32>} : memref<128x128xf32, #tpu.memory_space<vmem>>, vector<1x16xf32>,
      %swap3A_83 = vector.shape_cast %swap3A_82 : vector<1x16xf32> to vector<16xf32>
      %swap3A_84 = vector.shape_cast %broadcast_in_dim3A_36 : vector<16xf32> to vector<1x16xf32>
      tpu.vector_store %arg14[%swap3A_80, %swap3A_81], %swap3A_84 {strides = array<i32>} : memref<128x128xf32, #tpu.memory_space<vmem>>, vector<1x16xf32>,
      %swap3A_85 = arith.index_cast %scan3A_75 : i32 to index
      %swap3A_86 = arith.constant 32 : index
      %swap3A_87 = tpu.vector_load %arg14[%swap3A_85, %swap3A_86] {strides = array<i32>} : memref<128x128xf32, #tpu.memory_space<vmem>>, vector<1x16xf32>,
      %swap3A_88 = vector.shape_cast %swap3A_87 : vector<1x16xf32> to vector<16xf32>
      %swap3A_89 = vector.shape_cast %broadcast_in_dim3A_36 : vector<16xf32> to vector<1x16xf32>
      tpu.vector_store %arg14[%swap3A_85, %swap3A_86], %swap3A_89 {strides = array<i32>} : memref<128x128xf32, #tpu.memory_space<vmem>>, vector<1x16xf32>,
      %swap3A_90 = arith.index_cast %scan3A_75 : i32 to index
      %swap3A_91 = arith.constant 48 : index
      %swap3A_92 = tpu.vector_load %arg14[%swap3A_90, %swap3A_91] {strides = array<i32>} : memref<128x128xf32, #tpu.memory_space<vmem>>, vector<1x16xf32>,
      %swap3A_93 = vector.shape_cast %swap3A_92 : vector<1x16xf32> to vector<16xf32>
      %swap3A_94 = vector.shape_cast %broadcast_in_dim3A_36 : vector<16xf32> to vector<1x16xf32>
      tpu.vector_store %arg14[%swap3A_90, %swap3A_91], %swap3A_94 {strides = array<i32>} : memref<128x128xf32, #tpu.memory_space<vmem>>, vector<1x16xf32>,
      %swap3A_95 = arith.index_cast %scan3A_75 : i32 to index
      %swap3A_96 = arith.constant 64 : index
      %swap3A_97 = tpu.vector_load %arg14[%swap3A_95, %swap3A_96] {strides = array<i32>} : memref<128x128xf32, #tpu.memory_space<vmem>>, vector<1x16xf32>,
      %swap3A_98 = vector.shape_cast %swap3A_97 : vector<1x16xf32> to vector<16xf32>
      %swap3A_99 = vector.shape_cast %broadcast_in_dim3A_36 : vector<16xf32> to vector<1x16xf32>
      tpu.vector_store %arg14[%swap3A_95, %swap3A_96], %swap3A_99 {strides = array<i32>} : memref<128x128xf32, #tpu.memory_space<vmem>>, vector<1x16xf32>,
      %swap3A_100 = arith.index_cast %scan3A_75 : i32 to index
      %swap3A_101 = arith.constant 80 : index
      %swap3A_102 = tpu.vector_load %arg14[%swap3A_100, %swap3A_101] {strides = array<i32>} : memref<128x128xf32, #tpu.memory_space<vmem>>, vector<1x16xf32>,
      %swap3A_103 = vector.shape_cast %swap3A_102 : vector<1x16xf32> to vector<16xf32>
      %swap3A_104 = vector.shape_cast %broadcast_in_dim3A_36 : vector<16xf32> to vector<1x16xf32>
      tpu.vector_store %arg14[%swap3A_100, %swap3A_101], %swap3A_104 {strides = array<i32>} : memref<128x128xf32, #tpu.memory_space<vmem>>, vector<1x16xf32>,
      %swap3A_105 = arith.index_cast %scan3A_75 : i32 to index
      %swap3A_106 = arith.constant 96 : index
      %swap3A_107 = tpu.vector_load %arg14[%swap3A_105, %swap3A_106] {strides = array<i32>} : memref<128x128xf32, #tpu.memory_space<vmem>>, vector<1x16xf32>,
      %swap3A_108 = vector.shape_cast %swap3A_107 : vector<1x16xf32> to vector<16xf32>
      %swap3A_109 = vector.shape_cast %broadcast_in_dim3A_36 : vector<16xf32> to vector<1x16xf32>
      tpu.vector_store %arg14[%swap3A_105, %swap3A_106], %swap3A_109 {strides = array<i32>} : memref<128x128xf32, #tpu.memory_space<vmem>>, vector<1x16xf32>,
      %swap3A_110 = arith.index_cast %scan3A_75 : i32 to index
      %swap3A_111 = arith.constant 112 : index
      %swap3A_112 = tpu.vector_load %arg14[%swap3A_110, %swap3A_111] {strides = array<i32>} : memref<128x128xf32, #tpu.memory_space<vmem>>, vector<1x16xf32>,
      %swap3A_113 = vector.shape_cast %swap3A_112 : vector<1x16xf32> to vector<16xf32>
      %swap3A_114 = vector.shape_cast %broadcast_in_dim3A_36 : vector<16xf32> to vector<1x16xf32>
      tpu.vector_store %arg14[%swap3A_110, %swap3A_111], %swap3A_114 {strides = array<i32>} : memref<128x128xf32, #tpu.memory_space<vmem>>, vector<1x16xf32>,
    }
    %scan3A_42 = arith.constant 128 : i32
    %add3A_43 = arith.constant 0 : i32
    %add3A_44 = arith.addi %mul3A_0, %add3A_43 : i32
    "tpu.region"() ({
      %run_scoped3A = tpu.sem_alloc : memref<!tpu.dma_semaphore, #tpu.memory_space<semaphore_mem>>
      %dma_start3A = arith.constant 0 : i32
      %dma_start3A_75 = tpu.memref_slice %arg16[%add3A_44, %dma_start3A] : memref<10240x128xf32, #tpu.memory_space<vmem_shared>> -> memref<128x128xf32, #tpu.memory_space<vmem_shared>>
      %dma_start3A_76 = arith.constant 0 : i32
      %dma_start3A_77 = tpu.memref_slice %arg16[%add3A_44, %dma_start3A_76] : memref<10240x128xf32, #tpu.memory_space<vmem_shared>> -> memref<128x128xf32, #tpu.memory_space<vmem_shared>>
      tpu.enqueue_dma source(%arg14 : memref<128x128xf32, #tpu.memory_space<vmem>>) target(%dma_start3A_77 : memref<128x128xf32, #tpu.memory_space<vmem_shared>>) target_semaphore(%run_scoped3A : memref<!tpu.dma_semaphore, #tpu.memory_space<semaphore_mem>>)
      %dma_wait3A = arith.constant 0 : i32
      %dma_wait3A_78 = tpu.memref_slice %arg16[%add3A_44, %dma_wait3A] : memref<10240x128xf32, #tpu.memory_space<vmem_shared>> -> memref<128x128xf32, #tpu.memory_space<vmem_shared>>
      %dma_wait3A_79 = arith.constant 0 : i32
      %dma_wait3A_80 = tpu.memref_slice %arg16[%add3A_44, %dma_wait3A_79] : memref<10240x128xf32, #tpu.memory_space<vmem_shared>> -> memref<128x128xf32, #tpu.memory_space<vmem_shared>>
      tpu.wait_dma2 semaphore(%run_scoped3A : memref<!tpu.dma_semaphore, #tpu.memory_space<semaphore_mem>>) src(%arg14 : memref<128x128xf32, #tpu.memory_space<vmem>>) dst(%dma_wait3A_80 : memref<128x128xf32, #tpu.memory_space<vmem_shared>>)
      tpu.yield
    }) : () -> ()
    %add3A_45 = arith.constant 128 : i32
    %add3A_46 = arith.addi %mul3A_0, %add3A_45 : i32
    "tpu.region"() ({
      %run_scoped3A = tpu.sem_alloc : memref<!tpu.dma_semaphore, #tpu.memory_space<semaphore_mem>>
      %dma_start3A = arith.constant 0 : i32
      %dma_start3A_75 = tpu.memref_slice %arg16[%add3A_46, %dma_start3A] : memref<10240x128xf32, #tpu.memory_space<vmem_shared>> -> memref<128x128xf32, #tpu.memory_space<vmem_shared>>
      %dma_start3A_76 = arith.constant 0 : i32
      %dma_start3A_77 = tpu.memref_slice %arg16[%add3A_46, %dma_start3A_76] : memref<10240x128xf32, #tpu.memory_space<vmem_shared>> -> memref<128x128xf32, #tpu.memory_space<vmem_shared>>
      tpu.enqueue_dma source(%arg14 : memref<128x128xf32, #tpu.memory_space<vmem>>) target(%dma_start3A_77 : memref<128x128xf32, #tpu.memory_space<vmem_shared>>) target_semaphore(%run_scoped3A : memref<!tpu.dma_semaphore, #tpu.memory_space<semaphore_mem>>)
      %dma_wait3A = arith.constant 0 : i32
      %dma_wait3A_78 = tpu.memref_slice %arg16[%add3A_46, %dma_wait3A] : memref<10240x128xf32, #tpu.memory_space<vmem_shared>> -> memref<128x128xf32, #tpu.memory_space<vmem_shared>>
      %dma_wait3A_79 = arith.constant 0 : i32
      %dma_wait3A_80 = tpu.memref_slice %arg16[%add3A_46, %dma_wait3A_79] : memref<10240x128xf32, #tpu.memory_space<vmem_shared>> -> memref<128x128xf32, #tpu.memory_space<vmem_shared>>
      tpu.wait_dma2 semaphore(%run_scoped3A : memref<!tpu.dma_semaphore, #tpu.memory_space<semaphore_mem>>) src(%arg14 : memref<128x128xf32, #tpu.memory_space<vmem>>) dst(%dma_wait3A_80 : memref<128x128xf32, #tpu.memory_space<vmem_shared>>)
      tpu.yield
    }) : () -> ()
    %add3A_47 = arith.constant 256 : i32
    %add3A_48 = arith.addi %mul3A_0, %add3A_47 : i32
    "tpu.region"() ({
      %run_scoped3A = tpu.sem_alloc : memref<!tpu.dma_semaphore, #tpu.memory_space<semaphore_mem>>
      %dma_start3A = arith.constant 0 : i32
      %dma_start3A_75 = tpu.memref_slice %arg16[%add3A_48, %dma_start3A] : memref<10240x128xf32, #tpu.memory_space<vmem_shared>> -> memref<128x128xf32, #tpu.memory_space<vmem_shared>>
      %dma_start3A_76 = arith.constant 0 : i32
      %dma_start3A_77 = tpu.memref_slice %arg16[%add3A_48, %dma_start3A_76] : memref<10240x128xf32, #tpu.memory_space<vmem_shared>> -> memref<128x128xf32, #tpu.memory_space<vmem_shared>>
      tpu.enqueue_dma source(%arg14 : memref<128x128xf32, #tpu.memory_space<vmem>>) target(%dma_start3A_77 : memref<128x128xf32, #tpu.memory_space<vmem_shared>>) target_semaphore(%run_scoped3A : memref<!tpu.dma_semaphore, #tpu.memory_space<semaphore_mem>>)
      %dma_wait3A = arith.constant 0 : i32
      %dma_wait3A_78 = tpu.memref_slice %arg16[%add3A_48, %dma_wait3A] : memref<10240x128xf32, #tpu.memory_space<vmem_shared>> -> memref<128x128xf32, #tpu.memory_space<vmem_shared>>
      %dma_wait3A_79 = arith.constant 0 : i32
      %dma_wait3A_80 = tpu.memref_slice %arg16[%add3A_48, %dma_wait3A_79] : memref<10240x128xf32, #tpu.memory_space<vmem_shared>> -> memref<128x128xf32, #tpu.memory_space<vmem_shared>>
      tpu.wait_dma2 semaphore(%run_scoped3A : memref<!tpu.dma_semaphore, #tpu.memory_space<semaphore_mem>>) src(%arg14 : memref<128x128xf32, #tpu.memory_space<vmem>>) dst(%dma_wait3A_80 : memref<128x128xf32, #tpu.memory_space<vmem_shared>>)
      tpu.yield
    }) : () -> ()
    %add3A_49 = arith.constant 384 : i32
    %add3A_50 = arith.addi %mul3A_0, %add3A_49 : i32
    "tpu.region"() ({
      %run_scoped3A = tpu.sem_alloc : memref<!tpu.dma_semaphore, #tpu.memory_space<semaphore_mem>>
      %dma_start3A = arith.constant 0 : i32
      %dma_start3A_75 = tpu.memref_slice %arg16[%add3A_50, %dma_start3A] : memref<10240x128xf32, #tpu.memory_space<vmem_shared>> -> memref<128x128xf32, #tpu.memory_space<vmem_shared>>
      %dma_start3A_76 = arith.constant 0 : i32
      %dma_start3A_77 = tpu.memref_slice %arg16[%add3A_50, %dma_start3A_76] : memref<10240x128xf32, #tpu.memory_space<vmem_shared>> -> memref<128x128xf32, #tpu.memory_space<vmem_shared>>
      tpu.enqueue_dma source(%arg14 : memref<128x128xf32, #tpu.memory_space<vmem>>) target(%dma_start3A_77 : memref<128x128xf32, #tpu.memory_space<vmem_shared>>) target_semaphore(%run_scoped3A : memref<!tpu.dma_semaphore, #tpu.memory_space<semaphore_mem>>)
      %dma_wait3A = arith.constant 0 : i32
      %dma_wait3A_78 = tpu.memref_slice %arg16[%add3A_50, %dma_wait3A] : memref<10240x128xf32, #tpu.memory_space<vmem_shared>> -> memref<128x128xf32, #tpu.memory_space<vmem_shared>>
      %dma_wait3A_79 = arith.constant 0 : i32
      %dma_wait3A_80 = tpu.memref_slice %arg16[%add3A_50, %dma_wait3A_79] : memref<10240x128xf32, #tpu.memory_space<vmem_shared>> -> memref<128x128xf32, #tpu.memory_space<vmem_shared>>
      tpu.wait_dma2 semaphore(%run_scoped3A : memref<!tpu.dma_semaphore, #tpu.memory_space<semaphore_mem>>) src(%arg14 : memref<128x128xf32, #tpu.memory_space<vmem>>) dst(%dma_wait3A_80 : memref<128x128xf32, #tpu.memory_space<vmem_shared>>)
      tpu.yield
    }) : () -> ()
    %add3A_51 = arith.constant 512 : i32
    %add3A_52 = arith.addi %mul3A_0, %add3A_51 : i32
    "tpu.region"() ({
      %run_scoped3A = tpu.sem_alloc : memref<!tpu.dma_semaphore, #tpu.memory_space<semaphore_mem>>
      %dma_start3A = arith.constant 0 : i32
      %dma_start3A_75 = tpu.memref_slice %arg16[%add3A_52, %dma_start3A] : memref<10240x128xf32, #tpu.memory_space<vmem_shared>> -> memref<128x128xf32, #tpu.memory_space<vmem_shared>>
      %dma_start3A_76 = arith.constant 0 : i32
      %dma_start3A_77 = tpu.memref_slice %arg16[%add3A_52, %dma_start3A_76] : memref<10240x128xf32, #tpu.memory_space<vmem_shared>> -> memref<128x128xf32, #tpu.memory_space<vmem_shared>>
      tpu.enqueue_dma source(%arg14 : memref<128x128xf32, #tpu.memory_space<vmem>>) target(%dma_start3A_77 : memref<128x128xf32, #tpu.memory_space<vmem_shared>>) target_semaphore(%run_scoped3A : memref<!tpu.dma_semaphore, #tpu.memory_space<semaphore_mem>>)
      %dma_wait3A = arith.constant 0 : i32
      %dma_wait3A_78 = tpu.memref_slice %arg16[%add3A_52, %dma_wait3A] : memref<10240x128xf32, #tpu.memory_space<vmem_shared>> -> memref<128x128xf32, #tpu.memory_space<vmem_shared>>
      %dma_wait3A_79 = arith.constant 0 : i32
      %dma_wait3A_80 = tpu.memref_slice %arg16[%add3A_52, %dma_wait3A_79] : memref<10240x128xf32, #tpu.memory_space<vmem_shared>> -> memref<128x128xf32, #tpu.memory_space<vmem_shared>>
      tpu.wait_dma2 semaphore(%run_scoped3A : memref<!tpu.dma_semaphore, #tpu.memory_space<semaphore_mem>>) src(%arg14 : memref<128x128xf32, #tpu.memory_space<vmem>>) dst(%dma_wait3A_80 : memref<128x128xf32, #tpu.memory_space<vmem_shared>>)
      tpu.yield
    }) : () -> ()
    %barrier3A_53 = arith.constant 0 : index
    tpu.barrier barrier_id(%barrier3A_53)
    %eq3A_54 = arith.constant 0 : i32
    %eq3A_55 = arith.cmpi eq, %arg0, %eq3A_54 : i32
    %convert_element_type3A_56 = arith.extui %eq3A_55 : i1 to i32
    %cond3A_57 = arith.constant 0 : i32
    %cond3A_58 = arith.cmpi ne, %convert_element_type3A_56, %cond3A_57 : i32
    scf.if %cond3A_58 {
      "tpu.region"() ({
        %run_scoped3A = tpu.sem_alloc : memref<!tpu.dma_semaphore, #tpu.memory_space<semaphore_mem>>
        %dma_start3A_100 = arith.constant 0 : i32
        %dma_start3A_101 = arith.constant 0 : i32
        %dma_start3A_102 = tpu.memref_slice %arg6[%arg1, %dma_start3A_100, %dma_start3A_101] : memref<16x80x128xi32, #tpu.memory_space<hbm>> -> memref<1x40x128xi32, #tpu.memory_space<hbm>>
        %dma_start3A_103 = tpu.memref_squeeze %dma_start3A_102 : memref<1x40x128xi32, #tpu.memory_space<hbm>> -> memref<40x128xi32, #tpu.memory_space<hbm>>
        %dma_start3A_104 = arith.constant 0 : i32
        %dma_start3A_105 = arith.constant 0 : i32
        %dma_start3A_106 = tpu.memref_slice %arg6[%arg1, %dma_start3A_104, %dma_start3A_105] : memref<16x80x128xi32, #tpu.memory_space<hbm>> -> memref<1x40x128xi32, #tpu.memory_space<hbm>>
        %dma_start3A_107 = tpu.memref_squeeze %dma_start3A_106 : memref<1x40x128xi32, #tpu.memory_space<hbm>> -> memref<40x128xi32, #tpu.memory_space<hbm>>
        tpu.enqueue_dma source(%dma_start3A_107 : memref<40x128xi32, #tpu.memory_space<hbm>>) target(%arg12 : memref<40x128xi32, #tpu.memory_space<vmem>>) target_semaphore(%run_scoped3A : memref<!tpu.dma_semaphore, #tpu.memory_space<semaphore_mem>>)
        %dma_wait3A = arith.constant 0 : i32
        %dma_wait3A_108 = arith.constant 0 : i32
        %dma_wait3A_109 = tpu.memref_slice %arg6[%arg1, %dma_wait3A, %dma_wait3A_108] : memref<16x80x128xi32, #tpu.memory_space<hbm>> -> memref<1x40x128xi32, #tpu.memory_space<hbm>>
        %dma_wait3A_110 = tpu.memref_squeeze %dma_wait3A_109 : memref<1x40x128xi32, #tpu.memory_space<hbm>> -> memref<40x128xi32, #tpu.memory_space<hbm>>
        %dma_wait3A_111 = arith.constant 0 : i32
        %dma_wait3A_112 = arith.constant 0 : i32
        %dma_wait3A_113 = tpu.memref_slice %arg6[%arg1, %dma_wait3A_111, %dma_wait3A_112] : memref<16x80x128xi32, #tpu.memory_space<hbm>> -> memref<1x40x128xi32, #tpu.memory_space<hbm>>
        %dma_wait3A_114 = tpu.memref_squeeze %dma_wait3A_113 : memref<1x40x128xi32, #tpu.memory_space<hbm>> -> memref<40x128xi32, #tpu.memory_space<hbm>>
        tpu.wait_dma2 semaphore(%run_scoped3A : memref<!tpu.dma_semaphore, #tpu.memory_space<semaphore_mem>>) src(%dma_wait3A_114 : memref<40x128xi32, #tpu.memory_space<hbm>>) dst(%arg12 : memref<40x128xi32, #tpu.memory_space<vmem>>)
        tpu.yield
      }) : () -> ()
      "tpu.region"() ({
        %run_scoped3A = tpu.sem_alloc : memref<!tpu.dma_semaphore, #tpu.memory_space<semaphore_mem>>
        %dma_start3A_100 = arith.constant 0 : i32
        %dma_start3A_101 = arith.constant 0 : i32
        %dma_start3A_102 = tpu.memref_slice %arg7[%arg1, %dma_start3A_100, %dma_start3A_101] : memref<16x80x128xi32, #tpu.memory_space<hbm>> -> memref<1x40x128xi32, #tpu.memory_space<hbm>>
        %dma_start3A_103 = tpu.memref_squeeze %dma_start3A_102 : memref<1x40x128xi32, #tpu.memory_space<hbm>> -> memref<40x128xi32, #tpu.memory_space<hbm>>
        %dma_start3A_104 = arith.constant 0 : i32
        %dma_start3A_105 = arith.constant 0 : i32
        %dma_start3A_106 = tpu.memref_slice %arg7[%arg1, %dma_start3A_104, %dma_start3A_105] : memref<16x80x128xi32, #tpu.memory_space<hbm>> -> memref<1x40x128xi32, #tpu.memory_space<hbm>>
        %dma_start3A_107 = tpu.memref_squeeze %dma_start3A_106 : memref<1x40x128xi32, #tpu.memory_space<hbm>> -> memref<40x128xi32, #tpu.memory_space<hbm>>
        tpu.enqueue_dma source(%dma_start3A_107 : memref<40x128xi32, #tpu.memory_space<hbm>>) target(%arg13 : memref<40x128xi32, #tpu.memory_space<vmem>>) target_semaphore(%run_scoped3A : memref<!tpu.dma_semaphore, #tpu.memory_space<semaphore_mem>>)
        %dma_wait3A = arith.constant 0 : i32
        %dma_wait3A_108 = arith.constant 0 : i32
        %dma_wait3A_109 = tpu.memref_slice %arg7[%arg1, %dma_wait3A, %dma_wait3A_108] : memref<16x80x128xi32, #tpu.memory_space<hbm>> -> memref<1x40x128xi32, #tpu.memory_space<hbm>>
        %dma_wait3A_110 = tpu.memref_squeeze %dma_wait3A_109 : memref<1x40x128xi32, #tpu.memory_space<hbm>> -> memref<40x128xi32, #tpu.memory_space<hbm>>
        %dma_wait3A_111 = arith.constant 0 : i32
        %dma_wait3A_112 = arith.constant 0 : i32
        %dma_wait3A_113 = tpu.memref_slice %arg7[%arg1, %dma_wait3A_111, %dma_wait3A_112] : memref<16x80x128xi32, #tpu.memory_space<hbm>> -> memref<1x40x128xi32, #tpu.memory_space<hbm>>
        %dma_wait3A_114 = tpu.memref_squeeze %dma_wait3A_113 : memref<1x40x128xi32, #tpu.memory_space<hbm>> -> memref<40x128xi32, #tpu.memory_space<hbm>>
        tpu.wait_dma2 semaphore(%run_scoped3A : memref<!tpu.dma_semaphore, #tpu.memory_space<semaphore_mem>>) src(%dma_wait3A_114 : memref<40x128xi32, #tpu.memory_space<hbm>>) dst(%arg13 : memref<40x128xi32, #tpu.memory_space<vmem>>)
        tpu.yield
      }) : () -> ()
      %dma_start3A = arith.constant 0 : i32
      %dma_start3A_75 = arith.constant 0 : i32
      %dma_start3A_76 = tpu.memref_slice %arg12[%dma_start3A, %dma_start3A_75] : memref<40x128xi32, #tpu.memory_space<vmem>> -> memref<1x128xi32, #tpu.memory_space<vmem>>
      %dma_start3A_77 = tpu.memref_squeeze %dma_start3A_76 : memref<1x128xi32, #tpu.memory_space<vmem>> -> memref<128xi32, #tpu.memory_space<vmem>>
      %dma_start3A_78 = arith.constant 0 : i32
      %dma_start3A_79 = arith.constant 0 : i32
      %dma_start3A_80 = tpu.memref_slice %arg4[%dma_start3A_78, %dma_start3A_79] : memref<10240x128xf32, #tpu.memory_space<hbm>> -> memref<10240x128xf32, #tpu.memory_space<hbm>>
      tpu.enqueue_indirect_dma source(%dma_start3A_80 : memref<10240x128xf32, #tpu.memory_space<hbm>>) target(%arg14 : memref<128x128xf32, #tpu.memory_space<vmem>>) offsets(%dma_start3A_77 : memref<128xi32, #tpu.memory_space<vmem>>) semaphore(%arg17 : memref<!tpu.dma_semaphore, #tpu.memory_space<semaphore_mem>>)
      %scan3A_81 = arith.constant 0 : i32
      %scan3A_82 = arith.constant 0 : i32
      %scan3A_83 = arith.constant 20 : i32
      %scan3A_84 = arith.addi %scan3A_82, %scan3A_83 : i32
      %scan3A_85 = arith.constant 1 : i32
      scf.for %scan3A_100 = %scan3A_82 to %scan3A_84 step %scan3A_85  : i32 {
        %mul3A_101 = arith.constant 2 : i32
        %mul3A_102 = arith.muli %mul3A_101, %scan3A_100 : i32
        %add3A_103 = arith.constant 1 : i32
        %add3A_104 = arith.addi %mul3A_102, %add3A_103 : i32
        %dma_wait3A = arith.constant 0 : i32
        %dma_wait3A_105 = tpu.memref_slice %arg12[%mul3A_102, %dma_wait3A] : memref<40x128xi32, #tpu.memory_space<vmem>> -> memref<1x128xi32, #tpu.memory_space<vmem>>
        %dma_wait3A_106 = tpu.memref_squeeze %dma_wait3A_105 : memref<1x128xi32, #tpu.memory_space<vmem>> -> memref<128xi32, #tpu.memory_space<vmem>>
        %dma_wait3A_107 = arith.constant 0 : i32
        %dma_wait3A_108 = arith.constant 0 : i32
        %dma_wait3A_109 = tpu.memref_slice %arg4[%dma_wait3A_107, %dma_wait3A_108] : memref<10240x128xf32, #tpu.memory_space<hbm>> -> memref<10240x128xf32, #tpu.memory_space<hbm>>
        tpu.wait_indirect_dma semaphore(%arg17 : memref<!tpu.dma_semaphore, #tpu.memory_space<semaphore_mem>>) src(%dma_wait3A_109 : memref<10240x128xf32, #tpu.memory_space<hbm>>) dst(%arg14 : memref<128x128xf32, #tpu.memory_space<vmem>>)
        %dma_start3A_110 = arith.constant 0 : i32
        %dma_start3A_111 = tpu.memref_slice %arg12[%add3A_104, %dma_start3A_110] : memref<40x128xi32, #tpu.memory_space<vmem>> -> memref<1x128xi32, #tpu.memory_space<vmem>>
        %dma_start3A_112 = tpu.memref_squeeze %dma_start3A_111 : memref<1x128xi32, #tpu.memory_space<vmem>> -> memref<128xi32, #tpu.memory_space<vmem>>
        %dma_start3A_113 = arith.constant 0 : i32
        %dma_start3A_114 = arith.constant 0 : i32
        %dma_start3A_115 = tpu.memref_slice %arg4[%dma_start3A_113, %dma_start3A_114] : memref<10240x128xf32, #tpu.memory_space<hbm>> -> memref<10240x128xf32, #tpu.memory_space<hbm>>
        tpu.enqueue_indirect_dma source(%dma_start3A_115 : memref<10240x128xf32, #tpu.memory_space<hbm>>) target(%arg15 : memref<128x128xf32, #tpu.memory_space<vmem>>) offsets(%dma_start3A_112 : memref<128xi32, #tpu.memory_space<vmem>>) semaphore(%arg18 : memref<!tpu.dma_semaphore, #tpu.memory_space<semaphore_mem>>)
        "tpu.region"() ({
          %run_scoped3A = tpu.sem_alloc : memref<!tpu.dma_semaphore, #tpu.memory_space<semaphore_mem>>
          %dma_start3A_128 = arith.constant 0 : i32
          %dma_start3A_129 = tpu.memref_slice %arg13[%mul3A_102, %dma_start3A_128] : memref<40x128xi32, #tpu.memory_space<vmem>> -> memref<1x128xi32, #tpu.memory_space<vmem>>
          %dma_start3A_130 = tpu.memref_squeeze %dma_start3A_129 : memref<1x128xi32, #tpu.memory_space<vmem>> -> memref<128xi32, #tpu.memory_space<vmem>>
          %dma_start3A_131 = arith.constant 0 : i32
          %dma_start3A_132 = arith.constant 0 : i32
          %dma_start3A_133 = tpu.memref_slice %arg16[%dma_start3A_131, %dma_start3A_132] : memref<10240x128xf32, #tpu.memory_space<vmem_shared>> -> memref<10240x128xf32, #tpu.memory_space<vmem_shared>>
          tpu.enqueue_indirect_dma source(%arg14 : memref<128x128xf32, #tpu.memory_space<vmem>>) target(%dma_start3A_133 : memref<10240x128xf32, #tpu.memory_space<vmem_shared>>) offsets(%dma_start3A_130 : memref<128xi32, #tpu.memory_space<vmem>>) semaphore(%run_scoped3A : memref<!tpu.dma_semaphore, #tpu.memory_space<semaphore_mem>>) {add = true}
          %dma_wait3A_134 = arith.constant 0 : i32
          %dma_wait3A_135 = tpu.memref_slice %arg13[%mul3A_102, %dma_wait3A_134] : memref<40x128xi32, #tpu.memory_space<vmem>> -> memref<1x128xi32, #tpu.memory_space<vmem>>
          %dma_wait3A_136 = tpu.memref_squeeze %dma_wait3A_135 : memref<1x128xi32, #tpu.memory_space<vmem>> -> memref<128xi32, #tpu.memory_space<vmem>>
          %dma_wait3A_137 = arith.constant 0 : i32
          %dma_wait3A_138 = arith.constant 0 : i32
          %dma_wait3A_139 = tpu.memref_slice %arg16[%dma_wait3A_137, %dma_wait3A_138] : memref<10240x128xf32, #tpu.memory_space<vmem_shared>> -> memref<10240x128xf32, #tpu.memory_space<vmem_shared>>
          tpu.wait_indirect_dma semaphore(%run_scoped3A : memref<!tpu.dma_semaphore, #tpu.memory_space<semaphore_mem>>) src(%arg14 : memref<128x128xf32, #tpu.memory_space<vmem>>) dst(%dma_wait3A_139 : memref<10240x128xf32, #tpu.memory_space<vmem_shared>>)
          tpu.yield
        }) : () -> ()
        %dma_wait3A_116 = arith.constant 0 : i32
        %dma_wait3A_117 = tpu.memref_slice %arg12[%add3A_104, %dma_wait3A_116] : memref<40x128xi32, #tpu.memory_space<vmem>> -> memref<1x128xi32, #tpu.memory_space<vmem>>
        %dma_wait3A_118 = tpu.memref_squeeze %dma_wait3A_117 : memref<1x128xi32, #tpu.memory_space<vmem>> -> memref<128xi32, #tpu.memory_space<vmem>>
        %dma_wait3A_119 = arith.constant 0 : i32
        %dma_wait3A_120 = arith.constant 0 : i32
        %dma_wait3A_121 = tpu.memref_slice %arg4[%dma_wait3A_119, %dma_wait3A_120] : memref<10240x128xf32, #tpu.memory_space<hbm>> -> memref<10240x128xf32, #tpu.memory_space<hbm>>
        tpu.wait_indirect_dma semaphore(%arg18 : memref<!tpu.dma_semaphore, #tpu.memory_space<semaphore_mem>>) src(%dma_wait3A_121 : memref<10240x128xf32, #tpu.memory_space<hbm>>) dst(%arg15 : memref<128x128xf32, #tpu.memory_space<vmem>>)
        %add3A_122 = arith.constant 1 : i32
        %add3A_123 = arith.addi %scan3A_100, %add3A_122 : i32
        %lt3A = arith.constant 20 : i32
        %lt3A_124 = arith.cmpi slt, %add3A_123, %lt3A : i32
        %convert_element_type3A_125 = arith.extui %lt3A_124 : i1 to i32
        %cond3A_126 = arith.constant 0 : i32
        %cond3A_127 = arith.cmpi ne, %convert_element_type3A_125, %cond3A_126 : i32
        scf.if %cond3A_127 {
          %add3A_128 = arith.constant 2 : i32
          %add3A_129 = arith.addi %mul3A_102, %add3A_128 : i32
          %dma_start3A_130 = arith.constant 0 : i32
          %dma_start3A_131 = tpu.memref_slice %arg12[%add3A_129, %dma_start3A_130] : memref<40x128xi32, #tpu.memory_space<vmem>> -> memref<1x128xi32, #tpu.memory_space<vmem>>
          %dma_start3A_132 = tpu.memref_squeeze %dma_start3A_131 : memref<1x128xi32, #tpu.memory_space<vmem>> -> memref<128xi32, #tpu.memory_space<vmem>>
          %dma_start3A_133 = arith.constant 0 : i32
          %dma_start3A_134 = arith.constant 0 : i32
          %dma_start3A_135 = tpu.memref_slice %arg4[%dma_start3A_133, %dma_start3A_134] : memref<10240x128xf32, #tpu.memory_space<hbm>> -> memref<10240x128xf32, #tpu.memory_space<hbm>>
          tpu.enqueue_indirect_dma source(%dma_start3A_135 : memref<10240x128xf32, #tpu.memory_space<hbm>>) target(%arg14 : memref<128x128xf32, #tpu.memory_space<vmem>>) offsets(%dma_start3A_132 : memref<128xi32, #tpu.memory_space<vmem>>) semaphore(%arg17 : memref<!tpu.dma_semaphore, #tpu.memory_space<semaphore_mem>>)
        } else {
        }
        "tpu.region"() ({
          %run_scoped3A = tpu.sem_alloc : memref<!tpu.dma_semaphore, #tpu.memory_space<semaphore_mem>>
          %dma_start3A_128 = arith.constant 0 : i32
          %dma_start3A_129 = tpu.memref_slice %arg13[%add3A_104, %dma_start3A_128] : memref<40x128xi32, #tpu.memory_space<vmem>> -> memref<1x128xi32, #tpu.memory_space<vmem>>
          %dma_start3A_130 = tpu.memref_squeeze %dma_start3A_129 : memref<1x128xi32, #tpu.memory_space<vmem>> -> memref<128xi32, #tpu.memory_space<vmem>>
          %dma_start3A_131 = arith.constant 0 : i32
          %dma_start3A_132 = arith.constant 0 : i32
          %dma_start3A_133 = tpu.memref_slice %arg16[%dma_start3A_131, %dma_start3A_132] : memref<10240x128xf32, #tpu.memory_space<vmem_shared>> -> memref<10240x128xf32, #tpu.memory_space<vmem_shared>>
          tpu.enqueue_indirect_dma source(%arg15 : memref<128x128xf32, #tpu.memory_space<vmem>>) target(%dma_start3A_133 : memref<10240x128xf32, #tpu.memory_space<vmem_shared>>) offsets(%dma_start3A_130 : memref<128xi32, #tpu.memory_space<vmem>>) semaphore(%run_scoped3A : memref<!tpu.dma_semaphore, #tpu.memory_space<semaphore_mem>>) {add = true}
          %dma_wait3A_134 = arith.constant 0 : i32
          %dma_wait3A_135 = tpu.memref_slice %arg13[%add3A_104, %dma_wait3A_134] : memref<40x128xi32, #tpu.memory_space<vmem>> -> memref<1x128xi32, #tpu.memory_space<vmem>>
          %dma_wait3A_136 = tpu.memref_squeeze %dma_wait3A_135 : memref<1x128xi32, #tpu.memory_space<vmem>> -> memref<128xi32, #tpu.memory_space<vmem>>
          %dma_wait3A_137 = arith.constant 0 : i32
          %dma_wait3A_138 = arith.constant 0 : i32
          %dma_wait3A_139 = tpu.memref_slice %arg16[%dma_wait3A_137, %dma_wait3A_138] : memref<10240x128xf32, #tpu.memory_space<vmem_shared>> -> memref<10240x128xf32, #tpu.memory_space<vmem_shared>>
          tpu.wait_indirect_dma semaphore(%run_scoped3A : memref<!tpu.dma_semaphore, #tpu.memory_space<semaphore_mem>>) src(%arg15 : memref<128x128xf32, #tpu.memory_space<vmem>>) dst(%dma_wait3A_139 : memref<10240x128xf32, #tpu.memory_space<vmem_shared>>)
          tpu.yield
        }) : () -> ()
      }
      %scan3A_86 = arith.constant 20 : i32
      "tpu.region"() ({
        %run_scoped3A = tpu.sem_alloc : memref<!tpu.dma_semaphore, #tpu.memory_space<semaphore_mem>>
        %dma_start3A_100 = arith.constant 40 : i32
        %dma_start3A_101 = arith.constant 0 : i32
        %dma_start3A_102 = tpu.memref_slice %arg6[%arg1, %dma_start3A_100, %dma_start3A_101] : memref<16x80x128xi32, #tpu.memory_space<hbm>> -> memref<1x40x128xi32, #tpu.memory_space<hbm>>
        %dma_start3A_103 = tpu.memref_squeeze %dma_start3A_102 : memref<1x40x128xi32, #tpu.memory_space<hbm>> -> memref<40x128xi32, #tpu.memory_space<hbm>>
        %dma_start3A_104 = arith.constant 40 : i32
        %dma_start3A_105 = arith.constant 0 : i32
        %dma_start3A_106 = tpu.memref_slice %arg6[%arg1, %dma_start3A_104, %dma_start3A_105] : memref<16x80x128xi32, #tpu.memory_space<hbm>> -> memref<1x40x128xi32, #tpu.memory_space<hbm>>
        %dma_start3A_107 = tpu.memref_squeeze %dma_start3A_106 : memref<1x40x128xi32, #tpu.memory_space<hbm>> -> memref<40x128xi32, #tpu.memory_space<hbm>>
        tpu.enqueue_dma source(%dma_start3A_107 : memref<40x128xi32, #tpu.memory_space<hbm>>) target(%arg12 : memref<40x128xi32, #tpu.memory_space<vmem>>) target_semaphore(%run_scoped3A : memref<!tpu.dma_semaphore, #tpu.memory_space<semaphore_mem>>)
        %dma_wait3A = arith.constant 40 : i32
        %dma_wait3A_108 = arith.constant 0 : i32
        %dma_wait3A_109 = tpu.memref_slice %arg6[%arg1, %dma_wait3A, %dma_wait3A_108] : memref<16x80x128xi32, #tpu.memory_space<hbm>> -> memref<1x40x128xi32, #tpu.memory_space<hbm>>
        %dma_wait3A_110 = tpu.memref_squeeze %dma_wait3A_109 : memref<1x40x128xi32, #tpu.memory_space<hbm>> -> memref<40x128xi32, #tpu.memory_space<hbm>>
        %dma_wait3A_111 = arith.constant 40 : i32
        %dma_wait3A_112 = arith.constant 0 : i32
        %dma_wait3A_113 = tpu.memref_slice %arg6[%arg1, %dma_wait3A_111, %dma_wait3A_112] : memref<16x80x128xi32, #tpu.memory_space<hbm>> -> memref<1x40x128xi32, #tpu.memory_space<hbm>>
        %dma_wait3A_114 = tpu.memref_squeeze %dma_wait3A_113 : memref<1x40x128xi32, #tpu.memory_space<hbm>> -> memref<40x128xi32, #tpu.memory_space<hbm>>
        tpu.wait_dma2 semaphore(%run_scoped3A : memref<!tpu.dma_semaphore, #tpu.memory_space<semaphore_mem>>) src(%dma_wait3A_114 : memref<40x128xi32, #tpu.memory_space<hbm>>) dst(%arg12 : memref<40x128xi32, #tpu.memory_space<vmem>>)
        tpu.yield
      }) : () -> ()
      "tpu.region"() ({
        %run_scoped3A = tpu.sem_alloc : memref<!tpu.dma_semaphore, #tpu.memory_space<semaphore_mem>>
        %dma_start3A_100 = arith.constant 40 : i32
        %dma_start3A_101 = arith.constant 0 : i32
        %dma_start3A_102 = tpu.memref_slice %arg7[%arg1, %dma_start3A_100, %dma_start3A_101] : memref<16x80x128xi32, #tpu.memory_space<hbm>> -> memref<1x40x128xi32, #tpu.memory_space<hbm>>
        %dma_start3A_103 = tpu.memref_squeeze %dma_start3A_102 : memref<1x40x128xi32, #tpu.memory_space<hbm>> -> memref<40x128xi32, #tpu.memory_space<hbm>>
        %dma_start3A_104 = arith.constant 40 : i32
        %dma_start3A_105 = arith.constant 0 : i32
        %dma_start3A_106 = tpu.memref_slice %arg7[%arg1, %dma_start3A_104, %dma_start3A_105] : memref<16x80x128xi32, #tpu.memory_space<hbm>> -> memref<1x40x128xi32, #tpu.memory_space<hbm>>
        %dma_start3A_107 = tpu.memref_squeeze %dma_start3A_106 : memref<1x40x128xi32, #tpu.memory_space<hbm>> -> memref<40x128xi32, #tpu.memory_space<hbm>>
        tpu.enqueue_dma source(%dma_start3A_107 : memref<40x128xi32, #tpu.memory_space<hbm>>) target(%arg13 : memref<40x128xi32, #tpu.memory_space<vmem>>) target_semaphore(%run_scoped3A : memref<!tpu.dma_semaphore, #tpu.memory_space<semaphore_mem>>)
        %dma_wait3A = arith.constant 40 : i32
        %dma_wait3A_108 = arith.constant 0 : i32
        %dma_wait3A_109 = tpu.memref_slice %arg7[%arg1, %dma_wait3A, %dma_wait3A_108] : memref<16x80x128xi32, #tpu.memory_space<hbm>> -> memref<1x40x128xi32, #tpu.memory_space<hbm>>
        %dma_wait3A_110 = tpu.memref_squeeze %dma_wait3A_109 : memref<1x40x128xi32, #tpu.memory_space<hbm>> -> memref<40x128xi32, #tpu.memory_space<hbm>>
        %dma_wait3A_111 = arith.constant 40 : i32
        %dma_wait3A_112 = arith.constant 0 : i32
        %dma_wait3A_113 = tpu.memref_slice %arg7[%arg1, %dma_wait3A_111, %dma_wait3A_112] : memref<16x80x128xi32, #tpu.memory_space<hbm>> -> memref<1x40x128xi32, #tpu.memory_space<hbm>>
        %dma_wait3A_114 = tpu.memref_squeeze %dma_wait3A_113 : memref<1x40x128xi32, #tpu.memory_space<hbm>> -> memref<40x128xi32, #tpu.memory_space<hbm>>
        tpu.wait_dma2 semaphore(%run_scoped3A : memref<!tpu.dma_semaphore, #tpu.memory_space<semaphore_mem>>) src(%dma_wait3A_114 : memref<40x128xi32, #tpu.memory_space<hbm>>) dst(%arg13 : memref<40x128xi32, #tpu.memory_space<vmem>>)
        tpu.yield
      }) : () -> ()
      %dma_start3A_87 = arith.constant 0 : i32
      %dma_start3A_88 = arith.constant 0 : i32
      %dma_start3A_89 = tpu.memref_slice %arg12[%dma_start3A_87, %dma_start3A_88] : memref<40x128xi32, #tpu.memory_space<vmem>> -> memref<1x128xi32, #tpu.memory_space<vmem>>
      %dma_start3A_90 = tpu.memref_squeeze %dma_start3A_89 : memref<1x128xi32, #tpu.memory_space<vmem>> -> memref<128xi32, #tpu.memory_space<vmem>>
      %dma_start3A_91 = arith.constant 0 : i32
      %dma_start3A_92 = arith.constant 0 : i32
      %dma_start3A_93 = tpu.memref_slice %arg4[%dma_start3A_91, %dma_start3A_92] : memref<10240x128xf32, #tpu.memory_space<hbm>> -> memref<10240x128xf32, #tpu.memory_space<hbm>>
      tpu.enqueue_indirect_dma source(%dma_start3A_93 : memref<10240x128xf32, #tpu.memory_space<hbm>>) target(%arg14 : memref<128x128xf32, #tpu.memory_space<vmem>>) offsets(%dma_start3A_90 : memref<128xi32, #tpu.memory_space<vmem>>) semaphore(%arg17 : memref<!tpu.dma_semaphore, #tpu.memory_space<semaphore_mem>>)
      %scan3A_94 = arith.constant 0 : i32
      %scan3A_95 = arith.constant 0 : i32
      %scan3A_96 = arith.constant 20 : i32
      %scan3A_97 = arith.addi %scan3A_95, %scan3A_96 : i32
      %scan3A_98 = arith.constant 1 : i32
      scf.for %scan3A_100 = %scan3A_95 to %scan3A_97 step %scan3A_98  : i32 {
        %mul3A_101 = arith.constant 2 : i32
        %mul3A_102 = arith.muli %mul3A_101, %scan3A_100 : i32
        %add3A_103 = arith.constant 1 : i32
        %add3A_104 = arith.addi %mul3A_102, %add3A_103 : i32
        %dma_wait3A = arith.constant 0 : i32
        %dma_wait3A_105 = tpu.memref_slice %arg12[%mul3A_102, %dma_wait3A] : memref<40x128xi32, #tpu.memory_space<vmem>> -> memref<1x128xi32, #tpu.memory_space<vmem>>
        %dma_wait3A_106 = tpu.memref_squeeze %dma_wait3A_105 : memref<1x128xi32, #tpu.memory_space<vmem>> -> memref<128xi32, #tpu.memory_space<vmem>>
        %dma_wait3A_107 = arith.constant 0 : i32
        %dma_wait3A_108 = arith.constant 0 : i32
        %dma_wait3A_109 = tpu.memref_slice %arg4[%dma_wait3A_107, %dma_wait3A_108] : memref<10240x128xf32, #tpu.memory_space<hbm>> -> memref<10240x128xf32, #tpu.memory_space<hbm>>
        tpu.wait_indirect_dma semaphore(%arg17 : memref<!tpu.dma_semaphore, #tpu.memory_space<semaphore_mem>>) src(%dma_wait3A_109 : memref<10240x128xf32, #tpu.memory_space<hbm>>) dst(%arg14 : memref<128x128xf32, #tpu.memory_space<vmem>>)
        %dma_start3A_110 = arith.constant 0 : i32
        %dma_start3A_111 = tpu.memref_slice %arg12[%add3A_104, %dma_start3A_110] : memref<40x128xi32, #tpu.memory_space<vmem>> -> memref<1x128xi32, #tpu.memory_space<vmem>>
        %dma_start3A_112 = tpu.memref_squeeze %dma_start3A_111 : memref<1x128xi32, #tpu.memory_space<vmem>> -> memref<128xi32, #tpu.memory_space<vmem>>
        %dma_start3A_113 = arith.constant 0 : i32
        %dma_start3A_114 = arith.constant 0 : i32
        %dma_start3A_115 = tpu.memref_slice %arg4[%dma_start3A_113, %dma_start3A_114] : memref<10240x128xf32, #tpu.memory_space<hbm>> -> memref<10240x128xf32, #tpu.memory_space<hbm>>
        tpu.enqueue_indirect_dma source(%dma_start3A_115 : memref<10240x128xf32, #tpu.memory_space<hbm>>) target(%arg15 : memref<128x128xf32, #tpu.memory_space<vmem>>) offsets(%dma_start3A_112 : memref<128xi32, #tpu.memory_space<vmem>>) semaphore(%arg18 : memref<!tpu.dma_semaphore, #tpu.memory_space<semaphore_mem>>)
        "tpu.region"() ({
          %run_scoped3A = tpu.sem_alloc : memref<!tpu.dma_semaphore, #tpu.memory_space<semaphore_mem>>
          %dma_start3A_128 = arith.constant 0 : i32
          %dma_start3A_129 = tpu.memref_slice %arg13[%mul3A_102, %dma_start3A_128] : memref<40x128xi32, #tpu.memory_space<vmem>> -> memref<1x128xi32, #tpu.memory_space<vmem>>
          %dma_start3A_130 = tpu.memref_squeeze %dma_start3A_129 : memref<1x128xi32, #tpu.memory_space<vmem>> -> memref<128xi32, #tpu.memory_space<vmem>>
          %dma_start3A_131 = arith.constant 0 : i32
          %dma_start3A_132 = arith.constant 0 : i32
          %dma_start3A_133 = tpu.memref_slice %arg16[%dma_start3A_131, %dma_start3A_132] : memref<10240x128xf32, #tpu.memory_space<vmem_shared>> -> memref<10240x128xf32, #tpu.memory_space<vmem_shared>>
          tpu.enqueue_indirect_dma source(%arg14 : memref<128x128xf32, #tpu.memory_space<vmem>>) target(%dma_start3A_133 : memref<10240x128xf32, #tpu.memory_space<vmem_shared>>) offsets(%dma_start3A_130 : memref<128xi32, #tpu.memory_space<vmem>>) semaphore(%run_scoped3A : memref<!tpu.dma_semaphore, #tpu.memory_space<semaphore_mem>>) {add = true}
          %dma_wait3A_134 = arith.constant 0 : i32
          %dma_wait3A_135 = tpu.memref_slice %arg13[%mul3A_102, %dma_wait3A_134] : memref<40x128xi32, #tpu.memory_space<vmem>> -> memref<1x128xi32, #tpu.memory_space<vmem>>
          %dma_wait3A_136 = tpu.memref_squeeze %dma_wait3A_135 : memref<1x128xi32, #tpu.memory_space<vmem>> -> memref<128xi32, #tpu.memory_space<vmem>>
          %dma_wait3A_137 = arith.constant 0 : i32
          %dma_wait3A_138 = arith.constant 0 : i32
          %dma_wait3A_139 = tpu.memref_slice %arg16[%dma_wait3A_137, %dma_wait3A_138] : memref<10240x128xf32, #tpu.memory_space<vmem_shared>> -> memref<10240x128xf32, #tpu.memory_space<vmem_shared>>
          tpu.wait_indirect_dma semaphore(%run_scoped3A : memref<!tpu.dma_semaphore, #tpu.memory_space<semaphore_mem>>) src(%arg14 : memref<128x128xf32, #tpu.memory_space<vmem>>) dst(%dma_wait3A_139 : memref<10240x128xf32, #tpu.memory_space<vmem_shared>>)
          tpu.yield
        }) : () -> ()
        %dma_wait3A_116 = arith.constant 0 : i32
        %dma_wait3A_117 = tpu.memref_slice %arg12[%add3A_104, %dma_wait3A_116] : memref<40x128xi32, #tpu.memory_space<vmem>> -> memref<1x128xi32, #tpu.memory_space<vmem>>
        %dma_wait3A_118 = tpu.memref_squeeze %dma_wait3A_117 : memref<1x128xi32, #tpu.memory_space<vmem>> -> memref<128xi32, #tpu.memory_space<vmem>>
        %dma_wait3A_119 = arith.constant 0 : i32
        %dma_wait3A_120 = arith.constant 0 : i32
        %dma_wait3A_121 = tpu.memref_slice %arg4[%dma_wait3A_119, %dma_wait3A_120] : memref<10240x128xf32, #tpu.memory_space<hbm>> -> memref<10240x128xf32, #tpu.memory_space<hbm>>
        tpu.wait_indirect_dma semaphore(%arg18 : memref<!tpu.dma_semaphore, #tpu.memory_space<semaphore_mem>>) src(%dma_wait3A_121 : memref<10240x128xf32, #tpu.memory_space<hbm>>) dst(%arg15 : memref<128x128xf32, #tpu.memory_space<vmem>>)
        %add3A_122 = arith.constant 1 : i32
        %add3A_123 = arith.addi %scan3A_100, %add3A_122 : i32
        %lt3A = arith.constant 20 : i32
        %lt3A_124 = arith.cmpi slt, %add3A_123, %lt3A : i32
        %convert_element_type3A_125 = arith.extui %lt3A_124 : i1 to i32
        %cond3A_126 = arith.constant 0 : i32
        %cond3A_127 = arith.cmpi ne, %convert_element_type3A_125, %cond3A_126 : i32
        scf.if %cond3A_127 {
          %add3A_128 = arith.constant 2 : i32
          %add3A_129 = arith.addi %mul3A_102, %add3A_128 : i32
          %dma_start3A_130 = arith.constant 0 : i32
          %dma_start3A_131 = tpu.memref_slice %arg12[%add3A_129, %dma_start3A_130] : memref<40x128xi32, #tpu.memory_space<vmem>> -> memref<1x128xi32, #tpu.memory_space<vmem>>
          %dma_start3A_132 = tpu.memref_squeeze %dma_start3A_131 : memref<1x128xi32, #tpu.memory_space<vmem>> -> memref<128xi32, #tpu.memory_space<vmem>>
          %dma_start3A_133 = arith.constant 0 : i32
          %dma_start3A_134 = arith.constant 0 : i32
          %dma_start3A_135 = tpu.memref_slice %arg4[%dma_start3A_133, %dma_start3A_134] : memref<10240x128xf32, #tpu.memory_space<hbm>> -> memref<10240x128xf32, #tpu.memory_space<hbm>>
          tpu.enqueue_indirect_dma source(%dma_start3A_135 : memref<10240x128xf32, #tpu.memory_space<hbm>>) target(%arg14 : memref<128x128xf32, #tpu.memory_space<vmem>>) offsets(%dma_start3A_132 : memref<128xi32, #tpu.memory_space<vmem>>) semaphore(%arg17 : memref<!tpu.dma_semaphore, #tpu.memory_space<semaphore_mem>>)
        } else {
        }
        "tpu.region"() ({
          %run_scoped3A = tpu.sem_alloc : memref<!tpu.dma_semaphore, #tpu.memory_space<semaphore_mem>>
          %dma_start3A_128 = arith.constant 0 : i32
          %dma_start3A_129 = tpu.memref_slice %arg13[%add3A_104, %dma_start3A_128] : memref<40x128xi32, #tpu.memory_space<vmem>> -> memref<1x128xi32, #tpu.memory_space<vmem>>
          %dma_start3A_130 = tpu.memref_squeeze %dma_start3A_129 : memref<1x128xi32, #tpu.memory_space<vmem>> -> memref<128xi32, #tpu.memory_space<vmem>>
          %dma_start3A_131 = arith.constant 0 : i32
          %dma_start3A_132 = arith.constant 0 : i32
          %dma_start3A_133 = tpu.memref_slice %arg16[%dma_start3A_131, %dma_start3A_132] : memref<10240x128xf32, #tpu.memory_space<vmem_shared>> -> memref<10240x128xf32, #tpu.memory_space<vmem_shared>>
          tpu.enqueue_indirect_dma source(%arg15 : memref<128x128xf32, #tpu.memory_space<vmem>>) target(%dma_start3A_133 : memref<10240x128xf32, #tpu.memory_space<vmem_shared>>) offsets(%dma_start3A_130 : memref<128xi32, #tpu.memory_space<vmem>>) semaphore(%run_scoped3A : memref<!tpu.dma_semaphore, #tpu.memory_space<semaphore_mem>>) {add = true}
          %dma_wait3A_134 = arith.constant 0 : i32
          %dma_wait3A_135 = tpu.memref_slice %arg13[%add3A_104, %dma_wait3A_134] : memref<40x128xi32, #tpu.memory_space<vmem>> -> memref<1x128xi32, #tpu.memory_space<vmem>>
          %dma_wait3A_136 = tpu.memref_squeeze %dma_wait3A_135 : memref<1x128xi32, #tpu.memory_space<vmem>> -> memref<128xi32, #tpu.memory_space<vmem>>
          %dma_wait3A_137 = arith.constant 0 : i32
          %dma_wait3A_138 = arith.constant 0 : i32
          %dma_wait3A_139 = tpu.memref_slice %arg16[%dma_wait3A_137, %dma_wait3A_138] : memref<10240x128xf32, #tpu.memory_space<vmem_shared>> -> memref<10240x128xf32, #tpu.memory_space<vmem_shared>>
          tpu.wait_indirect_dma semaphore(%run_scoped3A : memref<!tpu.dma_semaphore, #tpu.memory_space<semaphore_mem>>) src(%arg15 : memref<128x128xf32, #tpu.memory_space<vmem>>) dst(%dma_wait3A_139 : memref<10240x128xf32, #tpu.memory_space<vmem_shared>>)
          tpu.yield
        }) : () -> ()
      }
      %scan3A_99 = arith.constant 20 : i32
    } else {
    }
    %eq3A_59 = arith.constant 1 : i32
    %eq3A_60 = arith.cmpi eq, %arg0, %eq3A_59 : i32
    %convert_element_type3A_61 = arith.extui %eq3A_60 : i1 to i32
    %cond3A_62 = arith.constant 0 : i32
    %cond3A_63 = arith.cmpi ne, %convert_element_type3A_61, %cond3A_62 : i32
    scf.if %cond3A_63 {
      "tpu.region"() ({
        %run_scoped3A = tpu.sem_alloc : memref<!tpu.dma_semaphore, #tpu.memory_space<semaphore_mem>>
        %dma_start3A_100 = arith.constant 0 : i32
        %dma_start3A_101 = arith.constant 0 : i32
        %dma_start3A_102 = tpu.memref_slice %arg6[%arg1, %dma_start3A_100, %dma_start3A_101] : memref<16x80x128xi32, #tpu.memory_space<hbm>> -> memref<1x40x128xi32, #tpu.memory_space<hbm>>
        %dma_start3A_103 = tpu.memref_squeeze %dma_start3A_102 : memref<1x40x128xi32, #tpu.memory_space<hbm>> -> memref<40x128xi32, #tpu.memory_space<hbm>>
        %dma_start3A_104 = arith.constant 0 : i32
        %dma_start3A_105 = arith.constant 0 : i32
        %dma_start3A_106 = tpu.memref_slice %arg6[%arg1, %dma_start3A_104, %dma_start3A_105] : memref<16x80x128xi32, #tpu.memory_space<hbm>> -> memref<1x40x128xi32, #tpu.memory_space<hbm>>
        %dma_start3A_107 = tpu.memref_squeeze %dma_start3A_106 : memref<1x40x128xi32, #tpu.memory_space<hbm>> -> memref<40x128xi32, #tpu.memory_space<hbm>>
        tpu.enqueue_dma source(%dma_start3A_107 : memref<40x128xi32, #tpu.memory_space<hbm>>) target(%arg12 : memref<40x128xi32, #tpu.memory_space<vmem>>) target_semaphore(%run_scoped3A : memref<!tpu.dma_semaphore, #tpu.memory_space<semaphore_mem>>)
        %dma_wait3A = arith.constant 0 : i32
        %dma_wait3A_108 = arith.constant 0 : i32
        %dma_wait3A_109 = tpu.memref_slice %arg6[%arg1, %dma_wait3A, %dma_wait3A_108] : memref<16x80x128xi32, #tpu.memory_space<hbm>> -> memref<1x40x128xi32, #tpu.memory_space<hbm>>
        %dma_wait3A_110 = tpu.memref_squeeze %dma_wait3A_109 : memref<1x40x128xi32, #tpu.memory_space<hbm>> -> memref<40x128xi32, #tpu.memory_space<hbm>>
        %dma_wait3A_111 = arith.constant 0 : i32
        %dma_wait3A_112 = arith.constant 0 : i32
        %dma_wait3A_113 = tpu.memref_slice %arg6[%arg1, %dma_wait3A_111, %dma_wait3A_112] : memref<16x80x128xi32, #tpu.memory_space<hbm>> -> memref<1x40x128xi32, #tpu.memory_space<hbm>>
        %dma_wait3A_114 = tpu.memref_squeeze %dma_wait3A_113 : memref<1x40x128xi32, #tpu.memory_space<hbm>> -> memref<40x128xi32, #tpu.memory_space<hbm>>
        tpu.wait_dma2 semaphore(%run_scoped3A : memref<!tpu.dma_semaphore, #tpu.memory_space<semaphore_mem>>) src(%dma_wait3A_114 : memref<40x128xi32, #tpu.memory_space<hbm>>) dst(%arg12 : memref<40x128xi32, #tpu.memory_space<vmem>>)
        tpu.yield
      }) : () -> ()
      "tpu.region"() ({
        %run_scoped3A = tpu.sem_alloc : memref<!tpu.dma_semaphore, #tpu.memory_space<semaphore_mem>>
        %dma_start3A_100 = arith.constant 0 : i32
        %dma_start3A_101 = arith.constant 0 : i32
        %dma_start3A_102 = tpu.memref_slice %arg7[%arg1, %dma_start3A_100, %dma_start3A_101] : memref<16x80x128xi32, #tpu.memory_space<hbm>> -> memref<1x40x128xi32, #tpu.memory_space<hbm>>
        %dma_start3A_103 = tpu.memref_squeeze %dma_start3A_102 : memref<1x40x128xi32, #tpu.memory_space<hbm>> -> memref<40x128xi32, #tpu.memory_space<hbm>>
        %dma_start3A_104 = arith.constant 0 : i32
        %dma_start3A_105 = arith.constant 0 : i32
        %dma_start3A_106 = tpu.memref_slice %arg7[%arg1, %dma_start3A_104, %dma_start3A_105] : memref<16x80x128xi32, #tpu.memory_space<hbm>> -> memref<1x40x128xi32, #tpu.memory_space<hbm>>
        %dma_start3A_107 = tpu.memref_squeeze %dma_start3A_106 : memref<1x40x128xi32, #tpu.memory_space<hbm>> -> memref<40x128xi32, #tpu.memory_space<hbm>>
        tpu.enqueue_dma source(%dma_start3A_107 : memref<40x128xi32, #tpu.memory_space<hbm>>) target(%arg13 : memref<40x128xi32, #tpu.memory_space<vmem>>) target_semaphore(%run_scoped3A : memref<!tpu.dma_semaphore, #tpu.memory_space<semaphore_mem>>)
        %dma_wait3A = arith.constant 0 : i32
        %dma_wait3A_108 = arith.constant 0 : i32
        %dma_wait3A_109 = tpu.memref_slice %arg7[%arg1, %dma_wait3A, %dma_wait3A_108] : memref<16x80x128xi32, #tpu.memory_space<hbm>> -> memref<1x40x128xi32, #tpu.memory_space<hbm>>
        %dma_wait3A_110 = tpu.memref_squeeze %dma_wait3A_109 : memref<1x40x128xi32, #tpu.memory_space<hbm>> -> memref<40x128xi32, #tpu.memory_space<hbm>>
        %dma_wait3A_111 = arith.constant 0 : i32
        %dma_wait3A_112 = arith.constant 0 : i32
        %dma_wait3A_113 = tpu.memref_slice %arg7[%arg1, %dma_wait3A_111, %dma_wait3A_112] : memref<16x80x128xi32, #tpu.memory_space<hbm>> -> memref<1x40x128xi32, #tpu.memory_space<hbm>>
        %dma_wait3A_114 = tpu.memref_squeeze %dma_wait3A_113 : memref<1x40x128xi32, #tpu.memory_space<hbm>> -> memref<40x128xi32, #tpu.memory_space<hbm>>
        tpu.wait_dma2 semaphore(%run_scoped3A : memref<!tpu.dma_semaphore, #tpu.memory_space<semaphore_mem>>) src(%dma_wait3A_114 : memref<40x128xi32, #tpu.memory_space<hbm>>) dst(%arg13 : memref<40x128xi32, #tpu.memory_space<vmem>>)
        tpu.yield
      }) : () -> ()
      %dma_start3A = arith.constant 0 : i32
      %dma_start3A_75 = arith.constant 0 : i32
      %dma_start3A_76 = tpu.memref_slice %arg12[%dma_start3A, %dma_start3A_75] : memref<40x128xi32, #tpu.memory_space<vmem>> -> memref<1x128xi32, #tpu.memory_space<vmem>>
      %dma_start3A_77 = tpu.memref_squeeze %dma_start3A_76 : memref<1x128xi32, #tpu.memory_space<vmem>> -> memref<128xi32, #tpu.memory_space<vmem>>
      %dma_start3A_78 = arith.constant 0 : i32
      %dma_start3A_79 = arith.constant 0 : i32
      %dma_start3A_80 = tpu.memref_slice %arg5[%dma_start3A_78, %dma_start3A_79] : memref<10240x128xf32, #tpu.memory_space<hbm>> -> memref<10240x128xf32, #tpu.memory_space<hbm>>
      tpu.enqueue_indirect_dma source(%dma_start3A_80 : memref<10240x128xf32, #tpu.memory_space<hbm>>) target(%arg14 : memref<128x128xf32, #tpu.memory_space<vmem>>) offsets(%dma_start3A_77 : memref<128xi32, #tpu.memory_space<vmem>>) semaphore(%arg17 : memref<!tpu.dma_semaphore, #tpu.memory_space<semaphore_mem>>)
      %scan3A_81 = arith.constant 0 : i32
      %scan3A_82 = arith.constant 0 : i32
      %scan3A_83 = arith.constant 20 : i32
      %scan3A_84 = arith.addi %scan3A_82, %scan3A_83 : i32
      %scan3A_85 = arith.constant 1 : i32
      scf.for %scan3A_100 = %scan3A_82 to %scan3A_84 step %scan3A_85  : i32 {
        %mul3A_101 = arith.constant 2 : i32
        %mul3A_102 = arith.muli %mul3A_101, %scan3A_100 : i32
        %add3A_103 = arith.constant 1 : i32
        %add3A_104 = arith.addi %mul3A_102, %add3A_103 : i32
        %dma_wait3A = arith.constant 0 : i32
        %dma_wait3A_105 = tpu.memref_slice %arg12[%mul3A_102, %dma_wait3A] : memref<40x128xi32, #tpu.memory_space<vmem>> -> memref<1x128xi32, #tpu.memory_space<vmem>>
        %dma_wait3A_106 = tpu.memref_squeeze %dma_wait3A_105 : memref<1x128xi32, #tpu.memory_space<vmem>> -> memref<128xi32, #tpu.memory_space<vmem>>
        %dma_wait3A_107 = arith.constant 0 : i32
        %dma_wait3A_108 = arith.constant 0 : i32
        %dma_wait3A_109 = tpu.memref_slice %arg5[%dma_wait3A_107, %dma_wait3A_108] : memref<10240x128xf32, #tpu.memory_space<hbm>> -> memref<10240x128xf32, #tpu.memory_space<hbm>>
        tpu.wait_indirect_dma semaphore(%arg17 : memref<!tpu.dma_semaphore, #tpu.memory_space<semaphore_mem>>) src(%dma_wait3A_109 : memref<10240x128xf32, #tpu.memory_space<hbm>>) dst(%arg14 : memref<128x128xf32, #tpu.memory_space<vmem>>)
        %dma_start3A_110 = arith.constant 0 : i32
        %dma_start3A_111 = tpu.memref_slice %arg12[%add3A_104, %dma_start3A_110] : memref<40x128xi32, #tpu.memory_space<vmem>> -> memref<1x128xi32, #tpu.memory_space<vmem>>
        %dma_start3A_112 = tpu.memref_squeeze %dma_start3A_111 : memref<1x128xi32, #tpu.memory_space<vmem>> -> memref<128xi32, #tpu.memory_space<vmem>>
        %dma_start3A_113 = arith.constant 0 : i32
        %dma_start3A_114 = arith.constant 0 : i32
        %dma_start3A_115 = tpu.memref_slice %arg5[%dma_start3A_113, %dma_start3A_114] : memref<10240x128xf32, #tpu.memory_space<hbm>> -> memref<10240x128xf32, #tpu.memory_space<hbm>>
        tpu.enqueue_indirect_dma source(%dma_start3A_115 : memref<10240x128xf32, #tpu.memory_space<hbm>>) target(%arg15 : memref<128x128xf32, #tpu.memory_space<vmem>>) offsets(%dma_start3A_112 : memref<128xi32, #tpu.memory_space<vmem>>) semaphore(%arg18 : memref<!tpu.dma_semaphore, #tpu.memory_space<semaphore_mem>>)
        "tpu.region"() ({
          %run_scoped3A = tpu.sem_alloc : memref<!tpu.dma_semaphore, #tpu.memory_space<semaphore_mem>>
          %dma_start3A_128 = arith.constant 0 : i32
          %dma_start3A_129 = tpu.memref_slice %arg13[%mul3A_102, %dma_start3A_128] : memref<40x128xi32, #tpu.memory_space<vmem>> -> memref<1x128xi32, #tpu.memory_space<vmem>>
          %dma_start3A_130 = tpu.memref_squeeze %dma_start3A_129 : memref<1x128xi32, #tpu.memory_space<vmem>> -> memref<128xi32, #tpu.memory_space<vmem>>
          %dma_start3A_131 = arith.constant 0 : i32
          %dma_start3A_132 = arith.constant 0 : i32
          %dma_start3A_133 = tpu.memref_slice %arg16[%dma_start3A_131, %dma_start3A_132] : memref<10240x128xf32, #tpu.memory_space<vmem_shared>> -> memref<10240x128xf32, #tpu.memory_space<vmem_shared>>
          tpu.enqueue_indirect_dma source(%arg14 : memref<128x128xf32, #tpu.memory_space<vmem>>) target(%dma_start3A_133 : memref<10240x128xf32, #tpu.memory_space<vmem_shared>>) offsets(%dma_start3A_130 : memref<128xi32, #tpu.memory_space<vmem>>) semaphore(%run_scoped3A : memref<!tpu.dma_semaphore, #tpu.memory_space<semaphore_mem>>) {add = true}
          %dma_wait3A_134 = arith.constant 0 : i32
          %dma_wait3A_135 = tpu.memref_slice %arg13[%mul3A_102, %dma_wait3A_134] : memref<40x128xi32, #tpu.memory_space<vmem>> -> memref<1x128xi32, #tpu.memory_space<vmem>>
          %dma_wait3A_136 = tpu.memref_squeeze %dma_wait3A_135 : memref<1x128xi32, #tpu.memory_space<vmem>> -> memref<128xi32, #tpu.memory_space<vmem>>
          %dma_wait3A_137 = arith.constant 0 : i32
          %dma_wait3A_138 = arith.constant 0 : i32
          %dma_wait3A_139 = tpu.memref_slice %arg16[%dma_wait3A_137, %dma_wait3A_138] : memref<10240x128xf32, #tpu.memory_space<vmem_shared>> -> memref<10240x128xf32, #tpu.memory_space<vmem_shared>>
          tpu.wait_indirect_dma semaphore(%run_scoped3A : memref<!tpu.dma_semaphore, #tpu.memory_space<semaphore_mem>>) src(%arg14 : memref<128x128xf32, #tpu.memory_space<vmem>>) dst(%dma_wait3A_139 : memref<10240x128xf32, #tpu.memory_space<vmem_shared>>)
          tpu.yield
        }) : () -> ()
        %dma_wait3A_116 = arith.constant 0 : i32
        %dma_wait3A_117 = tpu.memref_slice %arg12[%add3A_104, %dma_wait3A_116] : memref<40x128xi32, #tpu.memory_space<vmem>> -> memref<1x128xi32, #tpu.memory_space<vmem>>
        %dma_wait3A_118 = tpu.memref_squeeze %dma_wait3A_117 : memref<1x128xi32, #tpu.memory_space<vmem>> -> memref<128xi32, #tpu.memory_space<vmem>>
        %dma_wait3A_119 = arith.constant 0 : i32
        %dma_wait3A_120 = arith.constant 0 : i32
        %dma_wait3A_121 = tpu.memref_slice %arg5[%dma_wait3A_119, %dma_wait3A_120] : memref<10240x128xf32, #tpu.memory_space<hbm>> -> memref<10240x128xf32, #tpu.memory_space<hbm>>
        tpu.wait_indirect_dma semaphore(%arg18 : memref<!tpu.dma_semaphore, #tpu.memory_space<semaphore_mem>>) src(%dma_wait3A_121 : memref<10240x128xf32, #tpu.memory_space<hbm>>) dst(%arg15 : memref<128x128xf32, #tpu.memory_space<vmem>>)
        %add3A_122 = arith.constant 1 : i32
        %add3A_123 = arith.addi %scan3A_100, %add3A_122 : i32
        %lt3A = arith.constant 20 : i32
        %lt3A_124 = arith.cmpi slt, %add3A_123, %lt3A : i32
        %convert_element_type3A_125 = arith.extui %lt3A_124 : i1 to i32
        %cond3A_126 = arith.constant 0 : i32
        %cond3A_127 = arith.cmpi ne, %convert_element_type3A_125, %cond3A_126 : i32
        scf.if %cond3A_127 {
          %add3A_128 = arith.constant 2 : i32
          %add3A_129 = arith.addi %mul3A_102, %add3A_128 : i32
          %dma_start3A_130 = arith.constant 0 : i32
          %dma_start3A_131 = tpu.memref_slice %arg12[%add3A_129, %dma_start3A_130] : memref<40x128xi32, #tpu.memory_space<vmem>> -> memref<1x128xi32, #tpu.memory_space<vmem>>
          %dma_start3A_132 = tpu.memref_squeeze %dma_start3A_131 : memref<1x128xi32, #tpu.memory_space<vmem>> -> memref<128xi32, #tpu.memory_space<vmem>>
          %dma_start3A_133 = arith.constant 0 : i32
          %dma_start3A_134 = arith.constant 0 : i32
          %dma_start3A_135 = tpu.memref_slice %arg5[%dma_start3A_133, %dma_start3A_134] : memref<10240x128xf32, #tpu.memory_space<hbm>> -> memref<10240x128xf32, #tpu.memory_space<hbm>>
          tpu.enqueue_indirect_dma source(%dma_start3A_135 : memref<10240x128xf32, #tpu.memory_space<hbm>>) target(%arg14 : memref<128x128xf32, #tpu.memory_space<vmem>>) offsets(%dma_start3A_132 : memref<128xi32, #tpu.memory_space<vmem>>) semaphore(%arg17 : memref<!tpu.dma_semaphore, #tpu.memory_space<semaphore_mem>>)
        } else {
        }
        "tpu.region"() ({
          %run_scoped3A = tpu.sem_alloc : memref<!tpu.dma_semaphore, #tpu.memory_space<semaphore_mem>>
          %dma_start3A_128 = arith.constant 0 : i32
          %dma_start3A_129 = tpu.memref_slice %arg13[%add3A_104, %dma_start3A_128] : memref<40x128xi32, #tpu.memory_space<vmem>> -> memref<1x128xi32, #tpu.memory_space<vmem>>
          %dma_start3A_130 = tpu.memref_squeeze %dma_start3A_129 : memref<1x128xi32, #tpu.memory_space<vmem>> -> memref<128xi32, #tpu.memory_space<vmem>>
          %dma_start3A_131 = arith.constant 0 : i32
          %dma_start3A_132 = arith.constant 0 : i32
          %dma_start3A_133 = tpu.memref_slice %arg16[%dma_start3A_131, %dma_start3A_132] : memref<10240x128xf32, #tpu.memory_space<vmem_shared>> -> memref<10240x128xf32, #tpu.memory_space<vmem_shared>>
          tpu.enqueue_indirect_dma source(%arg15 : memref<128x128xf32, #tpu.memory_space<vmem>>) target(%dma_start3A_133 : memref<10240x128xf32, #tpu.memory_space<vmem_shared>>) offsets(%dma_start3A_130 : memref<128xi32, #tpu.memory_space<vmem>>) semaphore(%run_scoped3A : memref<!tpu.dma_semaphore, #tpu.memory_space<semaphore_mem>>) {add = true}
          %dma_wait3A_134 = arith.constant 0 : i32
          %dma_wait3A_135 = tpu.memref_slice %arg13[%add3A_104, %dma_wait3A_134] : memref<40x128xi32, #tpu.memory_space<vmem>> -> memref<1x128xi32, #tpu.memory_space<vmem>>
          %dma_wait3A_136 = tpu.memref_squeeze %dma_wait3A_135 : memref<1x128xi32, #tpu.memory_space<vmem>> -> memref<128xi32, #tpu.memory_space<vmem>>
          %dma_wait3A_137 = arith.constant 0 : i32
          %dma_wait3A_138 = arith.constant 0 : i32
          %dma_wait3A_139 = tpu.memref_slice %arg16[%dma_wait3A_137, %dma_wait3A_138] : memref<10240x128xf32, #tpu.memory_space<vmem_shared>> -> memref<10240x128xf32, #tpu.memory_space<vmem_shared>>
          tpu.wait_indirect_dma semaphore(%run_scoped3A : memref<!tpu.dma_semaphore, #tpu.memory_space<semaphore_mem>>) src(%arg15 : memref<128x128xf32, #tpu.memory_space<vmem>>) dst(%dma_wait3A_139 : memref<10240x128xf32, #tpu.memory_space<vmem_shared>>)
          tpu.yield
        }) : () -> ()
      }
      %scan3A_86 = arith.constant 20 : i32
      "tpu.region"() ({
        %run_scoped3A = tpu.sem_alloc : memref<!tpu.dma_semaphore, #tpu.memory_space<semaphore_mem>>
        %dma_start3A_100 = arith.constant 40 : i32
        %dma_start3A_101 = arith.constant 0 : i32
        %dma_start3A_102 = tpu.memref_slice %arg6[%arg1, %dma_start3A_100, %dma_start3A_101] : memref<16x80x128xi32, #tpu.memory_space<hbm>> -> memref<1x40x128xi32, #tpu.memory_space<hbm>>
        %dma_start3A_103 = tpu.memref_squeeze %dma_start3A_102 : memref<1x40x128xi32, #tpu.memory_space<hbm>> -> memref<40x128xi32, #tpu.memory_space<hbm>>
        %dma_start3A_104 = arith.constant 40 : i32
        %dma_start3A_105 = arith.constant 0 : i32
        %dma_start3A_106 = tpu.memref_slice %arg6[%arg1, %dma_start3A_104, %dma_start3A_105] : memref<16x80x128xi32, #tpu.memory_space<hbm>> -> memref<1x40x128xi32, #tpu.memory_space<hbm>>
        %dma_start3A_107 = tpu.memref_squeeze %dma_start3A_106 : memref<1x40x128xi32, #tpu.memory_space<hbm>> -> memref<40x128xi32, #tpu.memory_space<hbm>>
        tpu.enqueue_dma source(%dma_start3A_107 : memref<40x128xi32, #tpu.memory_space<hbm>>) target(%arg12 : memref<40x128xi32, #tpu.memory_space<vmem>>) target_semaphore(%run_scoped3A : memref<!tpu.dma_semaphore, #tpu.memory_space<semaphore_mem>>)
        %dma_wait3A = arith.constant 40 : i32
        %dma_wait3A_108 = arith.constant 0 : i32
        %dma_wait3A_109 = tpu.memref_slice %arg6[%arg1, %dma_wait3A, %dma_wait3A_108] : memref<16x80x128xi32, #tpu.memory_space<hbm>> -> memref<1x40x128xi32, #tpu.memory_space<hbm>>
        %dma_wait3A_110 = tpu.memref_squeeze %dma_wait3A_109 : memref<1x40x128xi32, #tpu.memory_space<hbm>> -> memref<40x128xi32, #tpu.memory_space<hbm>>
        %dma_wait3A_111 = arith.constant 40 : i32
        %dma_wait3A_112 = arith.constant 0 : i32
        %dma_wait3A_113 = tpu.memref_slice %arg6[%arg1, %dma_wait3A_111, %dma_wait3A_112] : memref<16x80x128xi32, #tpu.memory_space<hbm>> -> memref<1x40x128xi32, #tpu.memory_space<hbm>>
        %dma_wait3A_114 = tpu.memref_squeeze %dma_wait3A_113 : memref<1x40x128xi32, #tpu.memory_space<hbm>> -> memref<40x128xi32, #tpu.memory_space<hbm>>
        tpu.wait_dma2 semaphore(%run_scoped3A : memref<!tpu.dma_semaphore, #tpu.memory_space<semaphore_mem>>) src(%dma_wait3A_114 : memref<40x128xi32, #tpu.memory_space<hbm>>) dst(%arg12 : memref<40x128xi32, #tpu.memory_space<vmem>>)
        tpu.yield
      }) : () -> ()
      "tpu.region"() ({
        %run_scoped3A = tpu.sem_alloc : memref<!tpu.dma_semaphore, #tpu.memory_space<semaphore_mem>>
        %dma_start3A_100 = arith.constant 40 : i32
        %dma_start3A_101 = arith.constant 0 : i32
        %dma_start3A_102 = tpu.memref_slice %arg7[%arg1, %dma_start3A_100, %dma_start3A_101] : memref<16x80x128xi32, #tpu.memory_space<hbm>> -> memref<1x40x128xi32, #tpu.memory_space<hbm>>
        %dma_start3A_103 = tpu.memref_squeeze %dma_start3A_102 : memref<1x40x128xi32, #tpu.memory_space<hbm>> -> memref<40x128xi32, #tpu.memory_space<hbm>>
        %dma_start3A_104 = arith.constant 40 : i32
        %dma_start3A_105 = arith.constant 0 : i32
        %dma_start3A_106 = tpu.memref_slice %arg7[%arg1, %dma_start3A_104, %dma_start3A_105] : memref<16x80x128xi32, #tpu.memory_space<hbm>> -> memref<1x40x128xi32, #tpu.memory_space<hbm>>
        %dma_start3A_107 = tpu.memref_squeeze %dma_start3A_106 : memref<1x40x128xi32, #tpu.memory_space<hbm>> -> memref<40x128xi32, #tpu.memory_space<hbm>>
        tpu.enqueue_dma source(%dma_start3A_107 : memref<40x128xi32, #tpu.memory_space<hbm>>) target(%arg13 : memref<40x128xi32, #tpu.memory_space<vmem>>) target_semaphore(%run_scoped3A : memref<!tpu.dma_semaphore, #tpu.memory_space<semaphore_mem>>)
        %dma_wait3A = arith.constant 40 : i32
        %dma_wait3A_108 = arith.constant 0 : i32
        %dma_wait3A_109 = tpu.memref_slice %arg7[%arg1, %dma_wait3A, %dma_wait3A_108] : memref<16x80x128xi32, #tpu.memory_space<hbm>> -> memref<1x40x128xi32, #tpu.memory_space<hbm>>
        %dma_wait3A_110 = tpu.memref_squeeze %dma_wait3A_109 : memref<1x40x128xi32, #tpu.memory_space<hbm>> -> memref<40x128xi32, #tpu.memory_space<hbm>>
        %dma_wait3A_111 = arith.constant 40 : i32
        %dma_wait3A_112 = arith.constant 0 : i32
        %dma_wait3A_113 = tpu.memref_slice %arg7[%arg1, %dma_wait3A_111, %dma_wait3A_112] : memref<16x80x128xi32, #tpu.memory_space<hbm>> -> memref<1x40x128xi32, #tpu.memory_space<hbm>>
        %dma_wait3A_114 = tpu.memref_squeeze %dma_wait3A_113 : memref<1x40x128xi32, #tpu.memory_space<hbm>> -> memref<40x128xi32, #tpu.memory_space<hbm>>
        tpu.wait_dma2 semaphore(%run_scoped3A : memref<!tpu.dma_semaphore, #tpu.memory_space<semaphore_mem>>) src(%dma_wait3A_114 : memref<40x128xi32, #tpu.memory_space<hbm>>) dst(%arg13 : memref<40x128xi32, #tpu.memory_space<vmem>>)
        tpu.yield
      }) : () -> ()
      %dma_start3A_87 = arith.constant 0 : i32
      %dma_start3A_88 = arith.constant 0 : i32
      %dma_start3A_89 = tpu.memref_slice %arg12[%dma_start3A_87, %dma_start3A_88] : memref<40x128xi32, #tpu.memory_space<vmem>> -> memref<1x128xi32, #tpu.memory_space<vmem>>
      %dma_start3A_90 = tpu.memref_squeeze %dma_start3A_89 : memref<1x128xi32, #tpu.memory_space<vmem>> -> memref<128xi32, #tpu.memory_space<vmem>>
      %dma_start3A_91 = arith.constant 0 : i32
      %dma_start3A_92 = arith.constant 0 : i32
      %dma_start3A_93 = tpu.memref_slice %arg5[%dma_start3A_91, %dma_start3A_92] : memref<10240x128xf32, #tpu.memory_space<hbm>> -> memref<10240x128xf32, #tpu.memory_space<hbm>>
      tpu.enqueue_indirect_dma source(%dma_start3A_93 : memref<10240x128xf32, #tpu.memory_space<hbm>>) target(%arg14 : memref<128x128xf32, #tpu.memory_space<vmem>>) offsets(%dma_start3A_90 : memref<128xi32, #tpu.memory_space<vmem>>) semaphore(%arg17 : memref<!tpu.dma_semaphore, #tpu.memory_space<semaphore_mem>>)
      %scan3A_94 = arith.constant 0 : i32
      %scan3A_95 = arith.constant 0 : i32
      %scan3A_96 = arith.constant 20 : i32
      %scan3A_97 = arith.addi %scan3A_95, %scan3A_96 : i32
      %scan3A_98 = arith.constant 1 : i32
      scf.for %scan3A_100 = %scan3A_95 to %scan3A_97 step %scan3A_98  : i32 {
        %mul3A_101 = arith.constant 2 : i32
        %mul3A_102 = arith.muli %mul3A_101, %scan3A_100 : i32
        %add3A_103 = arith.constant 1 : i32
        %add3A_104 = arith.addi %mul3A_102, %add3A_103 : i32
        %dma_wait3A = arith.constant 0 : i32
        %dma_wait3A_105 = tpu.memref_slice %arg12[%mul3A_102, %dma_wait3A] : memref<40x128xi32, #tpu.memory_space<vmem>> -> memref<1x128xi32, #tpu.memory_space<vmem>>
        %dma_wait3A_106 = tpu.memref_squeeze %dma_wait3A_105 : memref<1x128xi32, #tpu.memory_space<vmem>> -> memref<128xi32, #tpu.memory_space<vmem>>
        %dma_wait3A_107 = arith.constant 0 : i32
        %dma_wait3A_108 = arith.constant 0 : i32
        %dma_wait3A_109 = tpu.memref_slice %arg5[%dma_wait3A_107, %dma_wait3A_108] : memref<10240x128xf32, #tpu.memory_space<hbm>> -> memref<10240x128xf32, #tpu.memory_space<hbm>>
        tpu.wait_indirect_dma semaphore(%arg17 : memref<!tpu.dma_semaphore, #tpu.memory_space<semaphore_mem>>) src(%dma_wait3A_109 : memref<10240x128xf32, #tpu.memory_space<hbm>>) dst(%arg14 : memref<128x128xf32, #tpu.memory_space<vmem>>)
        %dma_start3A_110 = arith.constant 0 : i32
        %dma_start3A_111 = tpu.memref_slice %arg12[%add3A_104, %dma_start3A_110] : memref<40x128xi32, #tpu.memory_space<vmem>> -> memref<1x128xi32, #tpu.memory_space<vmem>>
        %dma_start3A_112 = tpu.memref_squeeze %dma_start3A_111 : memref<1x128xi32, #tpu.memory_space<vmem>> -> memref<128xi32, #tpu.memory_space<vmem>>
        %dma_start3A_113 = arith.constant 0 : i32
        %dma_start3A_114 = arith.constant 0 : i32
        %dma_start3A_115 = tpu.memref_slice %arg5[%dma_start3A_113, %dma_start3A_114] : memref<10240x128xf32, #tpu.memory_space<hbm>> -> memref<10240x128xf32, #tpu.memory_space<hbm>>
        tpu.enqueue_indirect_dma source(%dma_start3A_115 : memref<10240x128xf32, #tpu.memory_space<hbm>>) target(%arg15 : memref<128x128xf32, #tpu.memory_space<vmem>>) offsets(%dma_start3A_112 : memref<128xi32, #tpu.memory_space<vmem>>) semaphore(%arg18 : memref<!tpu.dma_semaphore, #tpu.memory_space<semaphore_mem>>)
        "tpu.region"() ({
          %run_scoped3A = tpu.sem_alloc : memref<!tpu.dma_semaphore, #tpu.memory_space<semaphore_mem>>
          %dma_start3A_128 = arith.constant 0 : i32
          %dma_start3A_129 = tpu.memref_slice %arg13[%mul3A_102, %dma_start3A_128] : memref<40x128xi32, #tpu.memory_space<vmem>> -> memref<1x128xi32, #tpu.memory_space<vmem>>
          %dma_start3A_130 = tpu.memref_squeeze %dma_start3A_129 : memref<1x128xi32, #tpu.memory_space<vmem>> -> memref<128xi32, #tpu.memory_space<vmem>>
          %dma_start3A_131 = arith.constant 0 : i32
          %dma_start3A_132 = arith.constant 0 : i32
          %dma_start3A_133 = tpu.memref_slice %arg16[%dma_start3A_131, %dma_start3A_132] : memref<10240x128xf32, #tpu.memory_space<vmem_shared>> -> memref<10240x128xf32, #tpu.memory_space<vmem_shared>>
          tpu.enqueue_indirect_dma source(%arg14 : memref<128x128xf32, #tpu.memory_space<vmem>>) target(%dma_start3A_133 : memref<10240x128xf32, #tpu.memory_space<vmem_shared>>) offsets(%dma_start3A_130 : memref<128xi32, #tpu.memory_space<vmem>>) semaphore(%run_scoped3A : memref<!tpu.dma_semaphore, #tpu.memory_space<semaphore_mem>>) {add = true}
          %dma_wait3A_134 = arith.constant 0 : i32
          %dma_wait3A_135 = tpu.memref_slice %arg13[%mul3A_102, %dma_wait3A_134] : memref<40x128xi32, #tpu.memory_space<vmem>> -> memref<1x128xi32, #tpu.memory_space<vmem>>
          %dma_wait3A_136 = tpu.memref_squeeze %dma_wait3A_135 : memref<1x128xi32, #tpu.memory_space<vmem>> -> memref<128xi32, #tpu.memory_space<vmem>>
          %dma_wait3A_137 = arith.constant 0 : i32
          %dma_wait3A_138 = arith.constant 0 : i32
          %dma_wait3A_139 = tpu.memref_slice %arg16[%dma_wait3A_137, %dma_wait3A_138] : memref<10240x128xf32, #tpu.memory_space<vmem_shared>> -> memref<10240x128xf32, #tpu.memory_space<vmem_shared>>
          tpu.wait_indirect_dma semaphore(%run_scoped3A : memref<!tpu.dma_semaphore, #tpu.memory_space<semaphore_mem>>) src(%arg14 : memref<128x128xf32, #tpu.memory_space<vmem>>) dst(%dma_wait3A_139 : memref<10240x128xf32, #tpu.memory_space<vmem_shared>>)
          tpu.yield
        }) : () -> ()
        %dma_wait3A_116 = arith.constant 0 : i32
        %dma_wait3A_117 = tpu.memref_slice %arg12[%add3A_104, %dma_wait3A_116] : memref<40x128xi32, #tpu.memory_space<vmem>> -> memref<1x128xi32, #tpu.memory_space<vmem>>
        %dma_wait3A_118 = tpu.memref_squeeze %dma_wait3A_117 : memref<1x128xi32, #tpu.memory_space<vmem>> -> memref<128xi32, #tpu.memory_space<vmem>>
        %dma_wait3A_119 = arith.constant 0 : i32
        %dma_wait3A_120 = arith.constant 0 : i32
        %dma_wait3A_121 = tpu.memref_slice %arg5[%dma_wait3A_119, %dma_wait3A_120] : memref<10240x128xf32, #tpu.memory_space<hbm>> -> memref<10240x128xf32, #tpu.memory_space<hbm>>
        tpu.wait_indirect_dma semaphore(%arg18 : memref<!tpu.dma_semaphore, #tpu.memory_space<semaphore_mem>>) src(%dma_wait3A_121 : memref<10240x128xf32, #tpu.memory_space<hbm>>) dst(%arg15 : memref<128x128xf32, #tpu.memory_space<vmem>>)
        %add3A_122 = arith.constant 1 : i32
        %add3A_123 = arith.addi %scan3A_100, %add3A_122 : i32
        %lt3A = arith.constant 20 : i32
        %lt3A_124 = arith.cmpi slt, %add3A_123, %lt3A : i32
        %convert_element_type3A_125 = arith.extui %lt3A_124 : i1 to i32
        %cond3A_126 = arith.constant 0 : i32
        %cond3A_127 = arith.cmpi ne, %convert_element_type3A_125, %cond3A_126 : i32
        scf.if %cond3A_127 {
          %add3A_128 = arith.constant 2 : i32
          %add3A_129 = arith.addi %mul3A_102, %add3A_128 : i32
          %dma_start3A_130 = arith.constant 0 : i32
          %dma_start3A_131 = tpu.memref_slice %arg12[%add3A_129, %dma_start3A_130] : memref<40x128xi32, #tpu.memory_space<vmem>> -> memref<1x128xi32, #tpu.memory_space<vmem>>
          %dma_start3A_132 = tpu.memref_squeeze %dma_start3A_131 : memref<1x128xi32, #tpu.memory_space<vmem>> -> memref<128xi32, #tpu.memory_space<vmem>>
          %dma_start3A_133 = arith.constant 0 : i32
          %dma_start3A_134 = arith.constant 0 : i32
          %dma_start3A_135 = tpu.memref_slice %arg5[%dma_start3A_133, %dma_start3A_134] : memref<10240x128xf32, #tpu.memory_space<hbm>> -> memref<10240x128xf32, #tpu.memory_space<hbm>>
          tpu.enqueue_indirect_dma source(%dma_start3A_135 : memref<10240x128xf32, #tpu.memory_space<hbm>>) target(%arg14 : memref<128x128xf32, #tpu.memory_space<vmem>>) offsets(%dma_start3A_132 : memref<128xi32, #tpu.memory_space<vmem>>) semaphore(%arg17 : memref<!tpu.dma_semaphore, #tpu.memory_space<semaphore_mem>>)
        } else {
        }
        "tpu.region"() ({
          %run_scoped3A = tpu.sem_alloc : memref<!tpu.dma_semaphore, #tpu.memory_space<semaphore_mem>>
          %dma_start3A_128 = arith.constant 0 : i32
          %dma_start3A_129 = tpu.memref_slice %arg13[%add3A_104, %dma_start3A_128] : memref<40x128xi32, #tpu.memory_space<vmem>> -> memref<1x128xi32, #tpu.memory_space<vmem>>
          %dma_start3A_130 = tpu.memref_squeeze %dma_start3A_129 : memref<1x128xi32, #tpu.memory_space<vmem>> -> memref<128xi32, #tpu.memory_space<vmem>>
          %dma_start3A_131 = arith.constant 0 : i32
          %dma_start3A_132 = arith.constant 0 : i32
          %dma_start3A_133 = tpu.memref_slice %arg16[%dma_start3A_131, %dma_start3A_132] : memref<10240x128xf32, #tpu.memory_space<vmem_shared>> -> memref<10240x128xf32, #tpu.memory_space<vmem_shared>>
          tpu.enqueue_indirect_dma source(%arg15 : memref<128x128xf32, #tpu.memory_space<vmem>>) target(%dma_start3A_133 : memref<10240x128xf32, #tpu.memory_space<vmem_shared>>) offsets(%dma_start3A_130 : memref<128xi32, #tpu.memory_space<vmem>>) semaphore(%run_scoped3A : memref<!tpu.dma_semaphore, #tpu.memory_space<semaphore_mem>>) {add = true}
          %dma_wait3A_134 = arith.constant 0 : i32
          %dma_wait3A_135 = tpu.memref_slice %arg13[%add3A_104, %dma_wait3A_134] : memref<40x128xi32, #tpu.memory_space<vmem>> -> memref<1x128xi32, #tpu.memory_space<vmem>>
          %dma_wait3A_136 = tpu.memref_squeeze %dma_wait3A_135 : memref<1x128xi32, #tpu.memory_space<vmem>> -> memref<128xi32, #tpu.memory_space<vmem>>
          %dma_wait3A_137 = arith.constant 0 : i32
          %dma_wait3A_138 = arith.constant 0 : i32
          %dma_wait3A_139 = tpu.memref_slice %arg16[%dma_wait3A_137, %dma_wait3A_138] : memref<10240x128xf32, #tpu.memory_space<vmem_shared>> -> memref<10240x128xf32, #tpu.memory_space<vmem_shared>>
          tpu.wait_indirect_dma semaphore(%run_scoped3A : memref<!tpu.dma_semaphore, #tpu.memory_space<semaphore_mem>>) src(%arg15 : memref<128x128xf32, #tpu.memory_space<vmem>>) dst(%dma_wait3A_139 : memref<10240x128xf32, #tpu.memory_space<vmem_shared>>)
          tpu.yield
        }) : () -> ()
      }
      %scan3A_99 = arith.constant 20 : i32
    } else {
    }
    %barrier3A_64 = arith.constant 0 : index
    tpu.barrier barrier_id(%barrier3A_64)
    %eq3A_65 = arith.constant 0 : i32
    %eq3A_66 = arith.cmpi eq, %arg0, %eq3A_65 : i32
    %convert_element_type3A_67 = arith.extui %eq3A_66 : i1 to i32
    %cond3A_68 = arith.constant 0 : i32
    %cond3A_69 = arith.cmpi ne, %convert_element_type3A_67, %cond3A_68 : i32
    scf.if %cond3A_69 {
      "tpu.region"() ({
        %run_scoped3A = tpu.sem_alloc : memref<!tpu.dma_semaphore, #tpu.memory_space<semaphore_mem>>
        %dma_start3A = arith.constant 0 : i32
        %dma_start3A_75 = tpu.memref_slice %arg10[%mul3A_0, %dma_start3A] : memref<10240x128xf32, #tpu.memory_space<hbm>> -> memref<640x128xf32, #tpu.memory_space<hbm>>
        %dma_start3A_76 = arith.constant 0 : i32
        %dma_start3A_77 = tpu.memref_slice %arg16[%mul3A_0, %dma_start3A_76] : memref<10240x128xf32, #tpu.memory_space<vmem_shared>> -> memref<640x128xf32, #tpu.memory_space<vmem_shared>>
        tpu.enqueue_dma source(%dma_start3A_77 : memref<640x128xf32, #tpu.memory_space<vmem_shared>>) target(%dma_start3A_75 : memref<640x128xf32, #tpu.memory_space<hbm>>) target_semaphore(%run_scoped3A : memref<!tpu.dma_semaphore, #tpu.memory_space<semaphore_mem>>)
        %dma_wait3A = arith.constant 0 : i32
        %dma_wait3A_78 = tpu.memref_slice %arg10[%mul3A_0, %dma_wait3A] : memref<10240x128xf32, #tpu.memory_space<hbm>> -> memref<640x128xf32, #tpu.memory_space<hbm>>
        %dma_wait3A_79 = arith.constant 0 : i32
        %dma_wait3A_80 = tpu.memref_slice %arg16[%mul3A_0, %dma_wait3A_79] : memref<10240x128xf32, #tpu.memory_space<vmem_shared>> -> memref<640x128xf32, #tpu.memory_space<vmem_shared>>
        tpu.wait_dma2 semaphore(%run_scoped3A : memref<!tpu.dma_semaphore, #tpu.memory_space<semaphore_mem>>) src(%dma_wait3A_80 : memref<640x128xf32, #tpu.memory_space<vmem_shared>>) dst(%dma_wait3A_78 : memref<640x128xf32, #tpu.memory_space<hbm>>)
        tpu.yield
      }) : () -> ()
    } else {
    }
    %eq3A_70 = arith.constant 1 : i32
    %eq3A_71 = arith.cmpi eq, %arg0, %eq3A_70 : i32
    %convert_element_type3A_72 = arith.extui %eq3A_71 : i1 to i32
    %cond3A_73 = arith.constant 0 : i32
    %cond3A_74 = arith.cmpi ne, %convert_element_type3A_72, %cond3A_73 : i32
    scf.if %cond3A_74 {
      "tpu.region"() ({
        %run_scoped3A = tpu.sem_alloc : memref<!tpu.dma_semaphore, #tpu.memory_space<semaphore_mem>>
        %dma_start3A = arith.constant 0 : i32
        %dma_start3A_75 = tpu.memref_slice %arg11[%mul3A_0, %dma_start3A] : memref<10240x128xf32, #tpu.memory_space<hbm>> -> memref<640x128xf32, #tpu.memory_space<hbm>>
        %dma_start3A_76 = arith.constant 0 : i32
        %dma_start3A_77 = tpu.memref_slice %arg16[%mul3A_0, %dma_start3A_76] : memref<10240x128xf32, #tpu.memory_space<vmem_shared>> -> memref<640x128xf32, #tpu.memory_space<vmem_shared>>
        tpu.enqueue_dma source(%dma_start3A_77 : memref<640x128xf32, #tpu.memory_space<vmem_shared>>) target(%dma_start3A_75 : memref<640x128xf32, #tpu.memory_space<hbm>>) target_semaphore(%run_scoped3A : memref<!tpu.dma_semaphore, #tpu.memory_space<semaphore_mem>>)
        %dma_wait3A = arith.constant 0 : i32
        %dma_wait3A_78 = tpu.memref_slice %arg11[%mul3A_0, %dma_wait3A] : memref<10240x128xf32, #tpu.memory_space<hbm>> -> memref<640x128xf32, #tpu.memory_space<hbm>>
        %dma_wait3A_79 = arith.constant 0 : i32
        %dma_wait3A_80 = tpu.memref_slice %arg16[%mul3A_0, %dma_wait3A_79] : memref<10240x128xf32, #tpu.memory_space<vmem_shared>> -> memref<640x128xf32, #tpu.memory_space<vmem_shared>>
        tpu.wait_dma2 semaphore(%run_scoped3A : memref<!tpu.dma_semaphore, #tpu.memory_space<semaphore_mem>>) src(%dma_wait3A_80 : memref<640x128xf32, #tpu.memory_space<vmem_shared>>) dst(%dma_wait3A_78 : memref<640x128xf32, #tpu.memory_space<hbm>>)
        tpu.yield
      }) : () -> ()
    } else {
    }
    return
  }
}

#map = affine_map<(d0, d1) -> (0, 0)>
#map1 = affine_map<(d0, d1) -> (0, 0, 0)>
module attributes {stable_mosaic.version = 14 : i64} {
  func.func @body(%arg0: i32, %arg1: i32, %arg2: memref<10240x128xf32, #tpu.memory_space<hbm>>, %arg3: memref<10240x128xf32, #tpu.memory_space<hbm>>, %arg4: memref<16x80x128xi32, #tpu.memory_space<hbm>>, %arg5: memref<16x80x128xi32, #tpu.memory_space<hbm>>, %arg6: memref<10240x128xf32, #tpu.memory_space<hbm>>, %arg7: memref<10240x128xf32, #tpu.memory_space<hbm>>, %arg8: memref<40x128xi32, #tpu.memory_space<vmem>>, %arg9: memref<40x128xi32, #tpu.memory_space<vmem>>, %arg10: memref<128x128xf32, #tpu.memory_space<vmem>>, %arg11: memref<128x128xf32, #tpu.memory_space<vmem>>, %arg12: memref<10240x128xf32, #tpu.memory_space<vmem_shared>>, %arg13: memref<!tpu.dma_semaphore, #tpu.memory_space<semaphore_mem>>, %arg14: memref<!tpu.dma_semaphore, #tpu.memory_space<semaphore_mem>>) attributes {dimension_semantics = [#tpu.dimension_semantics<core_parallel>, #tpu.dimension_semantics<subcore_parallel>], iteration_bounds = array<i64: 2, 16>, scalar_prefetch = 0 : i64, scratch_operands = 7 : i64, tpu.core_type = #tpu.core_type<sc_vector_subcore>, window_params = [{transform_indices = #map}, {transform_indices = #map}, {transform_indices = #map1}, {transform_indices = #map1}, {transform_indices = #map}, {transform_indices = #map}]} {
    %mul3A = arith.constant 640 : i32
    %mul3A_0 = arith.muli %arg1, %mul3A : i32
    %broadcast_in_dim3A = arith.constant 0.000000e+00 : f32
    %broadcast_in_dim3A_1 = vector.broadcast %broadcast_in_dim3A : f32 to vector<16xf32>
    %scan3A = arith.constant 0 : i32
    %scan3A_2 = arith.constant 0 : i32
    %scan3A_3 = arith.constant 128 : i32
    %scan3A_4 = arith.addi %scan3A_2, %scan3A_3 : i32
    %scan3A_5 = arith.constant 1 : i32
    scf.for %scan3A_34 = %scan3A_2 to %scan3A_4 step %scan3A_5  : i32 {
      %swap3A = arith.index_cast %scan3A_34 : i32 to index
      %swap3A_35 = arith.constant 0 : index
      %swap3A_36 = tpu.vector_load %arg10[%swap3A, %swap3A_35] {strides = array<i32>} : memref<128x128xf32, #tpu.memory_space<vmem>>, vector<1x16xf32>,
      %swap3A_37 = vector.shape_cast %swap3A_36 : vector<1x16xf32> to vector<16xf32>
      %swap3A_38 = vector.shape_cast %broadcast_in_dim3A_1 : vector<16xf32> to vector<1x16xf32>
      tpu.vector_store %arg10[%swap3A, %swap3A_35], %swap3A_38 {strides = array<i32>} : memref<128x128xf32, #tpu.memory_space<vmem>>, vector<1x16xf32>,
      %swap3A_39 = arith.index_cast %scan3A_34 : i32 to index
      %swap3A_40 = arith.constant 16 : index
      %swap3A_41 = tpu.vector_load %arg10[%swap3A_39, %swap3A_40] {strides = array<i32>} : memref<128x128xf32, #tpu.memory_space<vmem>>, vector<1x16xf32>,
      %swap3A_42 = vector.shape_cast %swap3A_41 : vector<1x16xf32> to vector<16xf32>
      %swap3A_43 = vector.shape_cast %broadcast_in_dim3A_1 : vector<16xf32> to vector<1x16xf32>
      tpu.vector_store %arg10[%swap3A_39, %swap3A_40], %swap3A_43 {strides = array<i32>} : memref<128x128xf32, #tpu.memory_space<vmem>>, vector<1x16xf32>,
      %swap3A_44 = arith.index_cast %scan3A_34 : i32 to index
      %swap3A_45 = arith.constant 32 : index
      %swap3A_46 = tpu.vector_load %arg10[%swap3A_44, %swap3A_45] {strides = array<i32>} : memref<128x128xf32, #tpu.memory_space<vmem>>, vector<1x16xf32>,
      %swap3A_47 = vector.shape_cast %swap3A_46 : vector<1x16xf32> to vector<16xf32>
      %swap3A_48 = vector.shape_cast %broadcast_in_dim3A_1 : vector<16xf32> to vector<1x16xf32>
      tpu.vector_store %arg10[%swap3A_44, %swap3A_45], %swap3A_48 {strides = array<i32>} : memref<128x128xf32, #tpu.memory_space<vmem>>, vector<1x16xf32>,
      %swap3A_49 = arith.index_cast %scan3A_34 : i32 to index
      %swap3A_50 = arith.constant 48 : index
      %swap3A_51 = tpu.vector_load %arg10[%swap3A_49, %swap3A_50] {strides = array<i32>} : memref<128x128xf32, #tpu.memory_space<vmem>>, vector<1x16xf32>,
      %swap3A_52 = vector.shape_cast %swap3A_51 : vector<1x16xf32> to vector<16xf32>
      %swap3A_53 = vector.shape_cast %broadcast_in_dim3A_1 : vector<16xf32> to vector<1x16xf32>
      tpu.vector_store %arg10[%swap3A_49, %swap3A_50], %swap3A_53 {strides = array<i32>} : memref<128x128xf32, #tpu.memory_space<vmem>>, vector<1x16xf32>,
      %swap3A_54 = arith.index_cast %scan3A_34 : i32 to index
      %swap3A_55 = arith.constant 64 : index
      %swap3A_56 = tpu.vector_load %arg10[%swap3A_54, %swap3A_55] {strides = array<i32>} : memref<128x128xf32, #tpu.memory_space<vmem>>, vector<1x16xf32>,
      %swap3A_57 = vector.shape_cast %swap3A_56 : vector<1x16xf32> to vector<16xf32>
      %swap3A_58 = vector.shape_cast %broadcast_in_dim3A_1 : vector<16xf32> to vector<1x16xf32>
      tpu.vector_store %arg10[%swap3A_54, %swap3A_55], %swap3A_58 {strides = array<i32>} : memref<128x128xf32, #tpu.memory_space<vmem>>, vector<1x16xf32>,
      %swap3A_59 = arith.index_cast %scan3A_34 : i32 to index
      %swap3A_60 = arith.constant 80 : index
      %swap3A_61 = tpu.vector_load %arg10[%swap3A_59, %swap3A_60] {strides = array<i32>} : memref<128x128xf32, #tpu.memory_space<vmem>>, vector<1x16xf32>,
      %swap3A_62 = vector.shape_cast %swap3A_61 : vector<1x16xf32> to vector<16xf32>
      %swap3A_63 = vector.shape_cast %broadcast_in_dim3A_1 : vector<16xf32> to vector<1x16xf32>
      tpu.vector_store %arg10[%swap3A_59, %swap3A_60], %swap3A_63 {strides = array<i32>} : memref<128x128xf32, #tpu.memory_space<vmem>>, vector<1x16xf32>,
      %swap3A_64 = arith.index_cast %scan3A_34 : i32 to index
      %swap3A_65 = arith.constant 96 : index
      %swap3A_66 = tpu.vector_load %arg10[%swap3A_64, %swap3A_65] {strides = array<i32>} : memref<128x128xf32, #tpu.memory_space<vmem>>, vector<1x16xf32>,
      %swap3A_67 = vector.shape_cast %swap3A_66 : vector<1x16xf32> to vector<16xf32>
      %swap3A_68 = vector.shape_cast %broadcast_in_dim3A_1 : vector<16xf32> to vector<1x16xf32>
      tpu.vector_store %arg10[%swap3A_64, %swap3A_65], %swap3A_68 {strides = array<i32>} : memref<128x128xf32, #tpu.memory_space<vmem>>, vector<1x16xf32>,
      %swap3A_69 = arith.index_cast %scan3A_34 : i32 to index
      %swap3A_70 = arith.constant 112 : index
      %swap3A_71 = tpu.vector_load %arg10[%swap3A_69, %swap3A_70] {strides = array<i32>} : memref<128x128xf32, #tpu.memory_space<vmem>>, vector<1x16xf32>,
      %swap3A_72 = vector.shape_cast %swap3A_71 : vector<1x16xf32> to vector<16xf32>
      %swap3A_73 = vector.shape_cast %broadcast_in_dim3A_1 : vector<16xf32> to vector<1x16xf32>
      tpu.vector_store %arg10[%swap3A_69, %swap3A_70], %swap3A_73 {strides = array<i32>} : memref<128x128xf32, #tpu.memory_space<vmem>>, vector<1x16xf32>,
    }
    %scan3A_6 = arith.constant 128 : i32
    %add3A = arith.constant 0 : i32
    %add3A_7 = arith.addi %mul3A_0, %add3A : i32
    "tpu.region"() ({
      %run_scoped3A = tpu.sem_alloc : memref<!tpu.dma_semaphore, #tpu.memory_space<semaphore_mem>>
      %dma_start3A = arith.constant 0 : i32
      %dma_start3A_34 = tpu.memref_slice %arg12[%add3A_7, %dma_start3A] : memref<10240x128xf32, #tpu.memory_space<vmem_shared>> -> memref<128x128xf32, #tpu.memory_space<vmem_shared>>
      %dma_start3A_35 = arith.constant 0 : i32
      %dma_start3A_36 = tpu.memref_slice %arg12[%add3A_7, %dma_start3A_35] : memref<10240x128xf32, #tpu.memory_space<vmem_shared>> -> memref<128x128xf32, #tpu.memory_space<vmem_shared>>
      tpu.enqueue_dma source(%arg10 : memref<128x128xf32, #tpu.memory_space<vmem>>) target(%dma_start3A_36 : memref<128x128xf32, #tpu.memory_space<vmem_shared>>) target_semaphore(%run_scoped3A : memref<!tpu.dma_semaphore, #tpu.memory_space<semaphore_mem>>)
      %dma_wait3A = arith.constant 0 : i32
      %dma_wait3A_37 = tpu.memref_slice %arg12[%add3A_7, %dma_wait3A] : memref<10240x128xf32, #tpu.memory_space<vmem_shared>> -> memref<128x128xf32, #tpu.memory_space<vmem_shared>>
      %dma_wait3A_38 = arith.constant 0 : i32
      %dma_wait3A_39 = tpu.memref_slice %arg12[%add3A_7, %dma_wait3A_38] : memref<10240x128xf32, #tpu.memory_space<vmem_shared>> -> memref<128x128xf32, #tpu.memory_space<vmem_shared>>
      tpu.wait_dma2 semaphore(%run_scoped3A : memref<!tpu.dma_semaphore, #tpu.memory_space<semaphore_mem>>) src(%arg10 : memref<128x128xf32, #tpu.memory_space<vmem>>) dst(%dma_wait3A_39 : memref<128x128xf32, #tpu.memory_space<vmem_shared>>)
      tpu.yield
    }) : () -> ()
    %add3A_8 = arith.constant 128 : i32
    %add3A_9 = arith.addi %mul3A_0, %add3A_8 : i32
    "tpu.region"() ({
      %run_scoped3A = tpu.sem_alloc : memref<!tpu.dma_semaphore, #tpu.memory_space<semaphore_mem>>
      %dma_start3A = arith.constant 0 : i32
      %dma_start3A_34 = tpu.memref_slice %arg12[%add3A_9, %dma_start3A] : memref<10240x128xf32, #tpu.memory_space<vmem_shared>> -> memref<128x128xf32, #tpu.memory_space<vmem_shared>>
      %dma_start3A_35 = arith.constant 0 : i32
      %dma_start3A_36 = tpu.memref_slice %arg12[%add3A_9, %dma_start3A_35] : memref<10240x128xf32, #tpu.memory_space<vmem_shared>> -> memref<128x128xf32, #tpu.memory_space<vmem_shared>>
      tpu.enqueue_dma source(%arg10 : memref<128x128xf32, #tpu.memory_space<vmem>>) target(%dma_start3A_36 : memref<128x128xf32, #tpu.memory_space<vmem_shared>>) target_semaphore(%run_scoped3A : memref<!tpu.dma_semaphore, #tpu.memory_space<semaphore_mem>>)
      %dma_wait3A = arith.constant 0 : i32
      %dma_wait3A_37 = tpu.memref_slice %arg12[%add3A_9, %dma_wait3A] : memref<10240x128xf32, #tpu.memory_space<vmem_shared>> -> memref<128x128xf32, #tpu.memory_space<vmem_shared>>
      %dma_wait3A_38 = arith.constant 0 : i32
      %dma_wait3A_39 = tpu.memref_slice %arg12[%add3A_9, %dma_wait3A_38] : memref<10240x128xf32, #tpu.memory_space<vmem_shared>> -> memref<128x128xf32, #tpu.memory_space<vmem_shared>>
      tpu.wait_dma2 semaphore(%run_scoped3A : memref<!tpu.dma_semaphore, #tpu.memory_space<semaphore_mem>>) src(%arg10 : memref<128x128xf32, #tpu.memory_space<vmem>>) dst(%dma_wait3A_39 : memref<128x128xf32, #tpu.memory_space<vmem_shared>>)
      tpu.yield
    }) : () -> ()
    %add3A_10 = arith.constant 256 : i32
    %add3A_11 = arith.addi %mul3A_0, %add3A_10 : i32
    "tpu.region"() ({
      %run_scoped3A = tpu.sem_alloc : memref<!tpu.dma_semaphore, #tpu.memory_space<semaphore_mem>>
      %dma_start3A = arith.constant 0 : i32
      %dma_start3A_34 = tpu.memref_slice %arg12[%add3A_11, %dma_start3A] : memref<10240x128xf32, #tpu.memory_space<vmem_shared>> -> memref<128x128xf32, #tpu.memory_space<vmem_shared>>
      %dma_start3A_35 = arith.constant 0 : i32
      %dma_start3A_36 = tpu.memref_slice %arg12[%add3A_11, %dma_start3A_35] : memref<10240x128xf32, #tpu.memory_space<vmem_shared>> -> memref<128x128xf32, #tpu.memory_space<vmem_shared>>
      tpu.enqueue_dma source(%arg10 : memref<128x128xf32, #tpu.memory_space<vmem>>) target(%dma_start3A_36 : memref<128x128xf32, #tpu.memory_space<vmem_shared>>) target_semaphore(%run_scoped3A : memref<!tpu.dma_semaphore, #tpu.memory_space<semaphore_mem>>)
      %dma_wait3A = arith.constant 0 : i32
      %dma_wait3A_37 = tpu.memref_slice %arg12[%add3A_11, %dma_wait3A] : memref<10240x128xf32, #tpu.memory_space<vmem_shared>> -> memref<128x128xf32, #tpu.memory_space<vmem_shared>>
      %dma_wait3A_38 = arith.constant 0 : i32
      %dma_wait3A_39 = tpu.memref_slice %arg12[%add3A_11, %dma_wait3A_38] : memref<10240x128xf32, #tpu.memory_space<vmem_shared>> -> memref<128x128xf32, #tpu.memory_space<vmem_shared>>
      tpu.wait_dma2 semaphore(%run_scoped3A : memref<!tpu.dma_semaphore, #tpu.memory_space<semaphore_mem>>) src(%arg10 : memref<128x128xf32, #tpu.memory_space<vmem>>) dst(%dma_wait3A_39 : memref<128x128xf32, #tpu.memory_space<vmem_shared>>)
      tpu.yield
    }) : () -> ()
    %add3A_12 = arith.constant 384 : i32
    %add3A_13 = arith.addi %mul3A_0, %add3A_12 : i32
    "tpu.region"() ({
      %run_scoped3A = tpu.sem_alloc : memref<!tpu.dma_semaphore, #tpu.memory_space<semaphore_mem>>
      %dma_start3A = arith.constant 0 : i32
      %dma_start3A_34 = tpu.memref_slice %arg12[%add3A_13, %dma_start3A] : memref<10240x128xf32, #tpu.memory_space<vmem_shared>> -> memref<128x128xf32, #tpu.memory_space<vmem_shared>>
      %dma_start3A_35 = arith.constant 0 : i32
      %dma_start3A_36 = tpu.memref_slice %arg12[%add3A_13, %dma_start3A_35] : memref<10240x128xf32, #tpu.memory_space<vmem_shared>> -> memref<128x128xf32, #tpu.memory_space<vmem_shared>>
      tpu.enqueue_dma source(%arg10 : memref<128x128xf32, #tpu.memory_space<vmem>>) target(%dma_start3A_36 : memref<128x128xf32, #tpu.memory_space<vmem_shared>>) target_semaphore(%run_scoped3A : memref<!tpu.dma_semaphore, #tpu.memory_space<semaphore_mem>>)
      %dma_wait3A = arith.constant 0 : i32
      %dma_wait3A_37 = tpu.memref_slice %arg12[%add3A_13, %dma_wait3A] : memref<10240x128xf32, #tpu.memory_space<vmem_shared>> -> memref<128x128xf32, #tpu.memory_space<vmem_shared>>
      %dma_wait3A_38 = arith.constant 0 : i32
      %dma_wait3A_39 = tpu.memref_slice %arg12[%add3A_13, %dma_wait3A_38] : memref<10240x128xf32, #tpu.memory_space<vmem_shared>> -> memref<128x128xf32, #tpu.memory_space<vmem_shared>>
      tpu.wait_dma2 semaphore(%run_scoped3A : memref<!tpu.dma_semaphore, #tpu.memory_space<semaphore_mem>>) src(%arg10 : memref<128x128xf32, #tpu.memory_space<vmem>>) dst(%dma_wait3A_39 : memref<128x128xf32, #tpu.memory_space<vmem_shared>>)
      tpu.yield
    }) : () -> ()
    %add3A_14 = arith.constant 512 : i32
    %add3A_15 = arith.addi %mul3A_0, %add3A_14 : i32
    "tpu.region"() ({
      %run_scoped3A = tpu.sem_alloc : memref<!tpu.dma_semaphore, #tpu.memory_space<semaphore_mem>>
      %dma_start3A = arith.constant 0 : i32
      %dma_start3A_34 = tpu.memref_slice %arg12[%add3A_15, %dma_start3A] : memref<10240x128xf32, #tpu.memory_space<vmem_shared>> -> memref<128x128xf32, #tpu.memory_space<vmem_shared>>
      %dma_start3A_35 = arith.constant 0 : i32
      %dma_start3A_36 = tpu.memref_slice %arg12[%add3A_15, %dma_start3A_35] : memref<10240x128xf32, #tpu.memory_space<vmem_shared>> -> memref<128x128xf32, #tpu.memory_space<vmem_shared>>
      tpu.enqueue_dma source(%arg10 : memref<128x128xf32, #tpu.memory_space<vmem>>) target(%dma_start3A_36 : memref<128x128xf32, #tpu.memory_space<vmem_shared>>) target_semaphore(%run_scoped3A : memref<!tpu.dma_semaphore, #tpu.memory_space<semaphore_mem>>)
      %dma_wait3A = arith.constant 0 : i32
      %dma_wait3A_37 = tpu.memref_slice %arg12[%add3A_15, %dma_wait3A] : memref<10240x128xf32, #tpu.memory_space<vmem_shared>> -> memref<128x128xf32, #tpu.memory_space<vmem_shared>>
      %dma_wait3A_38 = arith.constant 0 : i32
      %dma_wait3A_39 = tpu.memref_slice %arg12[%add3A_15, %dma_wait3A_38] : memref<10240x128xf32, #tpu.memory_space<vmem_shared>> -> memref<128x128xf32, #tpu.memory_space<vmem_shared>>
      tpu.wait_dma2 semaphore(%run_scoped3A : memref<!tpu.dma_semaphore, #tpu.memory_space<semaphore_mem>>) src(%arg10 : memref<128x128xf32, #tpu.memory_space<vmem>>) dst(%dma_wait3A_39 : memref<128x128xf32, #tpu.memory_space<vmem_shared>>)
      tpu.yield
    }) : () -> ()
    %barrier3A = arith.constant 0 : index
    tpu.barrier barrier_id(%barrier3A)
    %eq3A = arith.constant 0 : i32
    %eq3A_16 = arith.cmpi eq, %arg0, %eq3A : i32
    %convert_element_type3A = arith.extui %eq3A_16 : i1 to i32
    %cond3A = arith.constant 0 : i32
    %cond3A_17 = arith.cmpi ne, %convert_element_type3A, %cond3A : i32
    scf.if %cond3A_17 {
      "tpu.region"() ({
        %run_scoped3A = tpu.sem_alloc : memref<!tpu.dma_semaphore, #tpu.memory_space<semaphore_mem>>
        %dma_start3A_59 = arith.constant 0 : i32
        %dma_start3A_60 = arith.constant 0 : i32
        %dma_start3A_61 = tpu.memref_slice %arg4[%arg1, %dma_start3A_59, %dma_start3A_60] : memref<16x80x128xi32, #tpu.memory_space<hbm>> -> memref<1x40x128xi32, #tpu.memory_space<hbm>>
        %dma_start3A_62 = tpu.memref_squeeze %dma_start3A_61 : memref<1x40x128xi32, #tpu.memory_space<hbm>> -> memref<40x128xi32, #tpu.memory_space<hbm>>
        %dma_start3A_63 = arith.constant 0 : i32
        %dma_start3A_64 = arith.constant 0 : i32
        %dma_start3A_65 = tpu.memref_slice %arg4[%arg1, %dma_start3A_63, %dma_start3A_64] : memref<16x80x128xi32, #tpu.memory_space<hbm>> -> memref<1x40x128xi32, #tpu.memory_space<hbm>>
        %dma_start3A_66 = tpu.memref_squeeze %dma_start3A_65 : memref<1x40x128xi32, #tpu.memory_space<hbm>> -> memref<40x128xi32, #tpu.memory_space<hbm>>
        tpu.enqueue_dma source(%dma_start3A_66 : memref<40x128xi32, #tpu.memory_space<hbm>>) target(%arg8 : memref<40x128xi32, #tpu.memory_space<vmem>>) target_semaphore(%run_scoped3A : memref<!tpu.dma_semaphore, #tpu.memory_space<semaphore_mem>>)
        %dma_wait3A = arith.constant 0 : i32
        %dma_wait3A_67 = arith.constant 0 : i32
        %dma_wait3A_68 = tpu.memref_slice %arg4[%arg1, %dma_wait3A, %dma_wait3A_67] : memref<16x80x128xi32, #tpu.memory_space<hbm>> -> memref<1x40x128xi32, #tpu.memory_space<hbm>>
        %dma_wait3A_69 = tpu.memref_squeeze %dma_wait3A_68 : memref<1x40x128xi32, #tpu.memory_space<hbm>> -> memref<40x128xi32, #tpu.memory_space<hbm>>
        %dma_wait3A_70 = arith.constant 0 : i32
        %dma_wait3A_71 = arith.constant 0 : i32
        %dma_wait3A_72 = tpu.memref_slice %arg4[%arg1, %dma_wait3A_70, %dma_wait3A_71] : memref<16x80x128xi32, #tpu.memory_space<hbm>> -> memref<1x40x128xi32, #tpu.memory_space<hbm>>
        %dma_wait3A_73 = tpu.memref_squeeze %dma_wait3A_72 : memref<1x40x128xi32, #tpu.memory_space<hbm>> -> memref<40x128xi32, #tpu.memory_space<hbm>>
        tpu.wait_dma2 semaphore(%run_scoped3A : memref<!tpu.dma_semaphore, #tpu.memory_space<semaphore_mem>>) src(%dma_wait3A_73 : memref<40x128xi32, #tpu.memory_space<hbm>>) dst(%arg8 : memref<40x128xi32, #tpu.memory_space<vmem>>)
        tpu.yield
      }) : () -> ()
      "tpu.region"() ({
        %run_scoped3A = tpu.sem_alloc : memref<!tpu.dma_semaphore, #tpu.memory_space<semaphore_mem>>
        %dma_start3A_59 = arith.constant 0 : i32
        %dma_start3A_60 = arith.constant 0 : i32
        %dma_start3A_61 = tpu.memref_slice %arg5[%arg1, %dma_start3A_59, %dma_start3A_60] : memref<16x80x128xi32, #tpu.memory_space<hbm>> -> memref<1x40x128xi32, #tpu.memory_space<hbm>>
        %dma_start3A_62 = tpu.memref_squeeze %dma_start3A_61 : memref<1x40x128xi32, #tpu.memory_space<hbm>> -> memref<40x128xi32, #tpu.memory_space<hbm>>
        %dma_start3A_63 = arith.constant 0 : i32
        %dma_start3A_64 = arith.constant 0 : i32
        %dma_start3A_65 = tpu.memref_slice %arg5[%arg1, %dma_start3A_63, %dma_start3A_64] : memref<16x80x128xi32, #tpu.memory_space<hbm>> -> memref<1x40x128xi32, #tpu.memory_space<hbm>>
        %dma_start3A_66 = tpu.memref_squeeze %dma_start3A_65 : memref<1x40x128xi32, #tpu.memory_space<hbm>> -> memref<40x128xi32, #tpu.memory_space<hbm>>
        tpu.enqueue_dma source(%dma_start3A_66 : memref<40x128xi32, #tpu.memory_space<hbm>>) target(%arg9 : memref<40x128xi32, #tpu.memory_space<vmem>>) target_semaphore(%run_scoped3A : memref<!tpu.dma_semaphore, #tpu.memory_space<semaphore_mem>>)
        %dma_wait3A = arith.constant 0 : i32
        %dma_wait3A_67 = arith.constant 0 : i32
        %dma_wait3A_68 = tpu.memref_slice %arg5[%arg1, %dma_wait3A, %dma_wait3A_67] : memref<16x80x128xi32, #tpu.memory_space<hbm>> -> memref<1x40x128xi32, #tpu.memory_space<hbm>>
        %dma_wait3A_69 = tpu.memref_squeeze %dma_wait3A_68 : memref<1x40x128xi32, #tpu.memory_space<hbm>> -> memref<40x128xi32, #tpu.memory_space<hbm>>
        %dma_wait3A_70 = arith.constant 0 : i32
        %dma_wait3A_71 = arith.constant 0 : i32
        %dma_wait3A_72 = tpu.memref_slice %arg5[%arg1, %dma_wait3A_70, %dma_wait3A_71] : memref<16x80x128xi32, #tpu.memory_space<hbm>> -> memref<1x40x128xi32, #tpu.memory_space<hbm>>
        %dma_wait3A_73 = tpu.memref_squeeze %dma_wait3A_72 : memref<1x40x128xi32, #tpu.memory_space<hbm>> -> memref<40x128xi32, #tpu.memory_space<hbm>>
        tpu.wait_dma2 semaphore(%run_scoped3A : memref<!tpu.dma_semaphore, #tpu.memory_space<semaphore_mem>>) src(%dma_wait3A_73 : memref<40x128xi32, #tpu.memory_space<hbm>>) dst(%arg9 : memref<40x128xi32, #tpu.memory_space<vmem>>)
        tpu.yield
      }) : () -> ()
      %dma_start3A = arith.constant 0 : i32
      %dma_start3A_34 = arith.constant 0 : i32
      %dma_start3A_35 = tpu.memref_slice %arg8[%dma_start3A, %dma_start3A_34] : memref<40x128xi32, #tpu.memory_space<vmem>> -> memref<1x128xi32, #tpu.memory_space<vmem>>
      %dma_start3A_36 = tpu.memref_squeeze %dma_start3A_35 : memref<1x128xi32, #tpu.memory_space<vmem>> -> memref<128xi32, #tpu.memory_space<vmem>>
      %dma_start3A_37 = arith.constant 0 : i32
      %dma_start3A_38 = arith.constant 0 : i32
      %dma_start3A_39 = tpu.memref_slice %arg2[%dma_start3A_37, %dma_start3A_38] : memref<10240x128xf32, #tpu.memory_space<hbm>> -> memref<10240x128xf32, #tpu.memory_space<hbm>>
      tpu.enqueue_indirect_dma source(%dma_start3A_39 : memref<10240x128xf32, #tpu.memory_space<hbm>>) target(%arg10 : memref<128x128xf32, #tpu.memory_space<vmem>>) offsets(%dma_start3A_36 : memref<128xi32, #tpu.memory_space<vmem>>) semaphore(%arg13 : memref<!tpu.dma_semaphore, #tpu.memory_space<semaphore_mem>>)
      %scan3A_40 = arith.constant 0 : i32
      %scan3A_41 = arith.constant 0 : i32
      %scan3A_42 = arith.constant 20 : i32
      %scan3A_43 = arith.addi %scan3A_41, %scan3A_42 : i32
      %scan3A_44 = arith.constant 1 : i32
      scf.for %scan3A_59 = %scan3A_41 to %scan3A_43 step %scan3A_44  : i32 {
        %mul3A_60 = arith.constant 2 : i32
        %mul3A_61 = arith.muli %mul3A_60, %scan3A_59 : i32
        %add3A_62 = arith.constant 1 : i32
        %add3A_63 = arith.addi %mul3A_61, %add3A_62 : i32
        %dma_wait3A = arith.constant 0 : i32
        %dma_wait3A_64 = tpu.memref_slice %arg8[%mul3A_61, %dma_wait3A] : memref<40x128xi32, #tpu.memory_space<vmem>> -> memref<1x128xi32, #tpu.memory_space<vmem>>
        %dma_wait3A_65 = tpu.memref_squeeze %dma_wait3A_64 : memref<1x128xi32, #tpu.memory_space<vmem>> -> memref<128xi32, #tpu.memory_space<vmem>>
        %dma_wait3A_66 = arith.constant 0 : i32
        %dma_wait3A_67 = arith.constant 0 : i32
        %dma_wait3A_68 = tpu.memref_slice %arg2[%dma_wait3A_66, %dma_wait3A_67] : memref<10240x128xf32, #tpu.memory_space<hbm>> -> memref<10240x128xf32, #tpu.memory_space<hbm>>
        tpu.wait_indirect_dma semaphore(%arg13 : memref<!tpu.dma_semaphore, #tpu.memory_space<semaphore_mem>>) src(%dma_wait3A_68 : memref<10240x128xf32, #tpu.memory_space<hbm>>) dst(%arg10 : memref<128x128xf32, #tpu.memory_space<vmem>>)
        %dma_start3A_69 = arith.constant 0 : i32
        %dma_start3A_70 = tpu.memref_slice %arg8[%add3A_63, %dma_start3A_69] : memref<40x128xi32, #tpu.memory_space<vmem>> -> memref<1x128xi32, #tpu.memory_space<vmem>>
        %dma_start3A_71 = tpu.memref_squeeze %dma_start3A_70 : memref<1x128xi32, #tpu.memory_space<vmem>> -> memref<128xi32, #tpu.memory_space<vmem>>
        %dma_start3A_72 = arith.constant 0 : i32
        %dma_start3A_73 = arith.constant 0 : i32
        %dma_start3A_74 = tpu.memref_slice %arg2[%dma_start3A_72, %dma_start3A_73] : memref<10240x128xf32, #tpu.memory_space<hbm>> -> memref<10240x128xf32, #tpu.memory_space<hbm>>
        tpu.enqueue_indirect_dma source(%dma_start3A_74 : memref<10240x128xf32, #tpu.memory_space<hbm>>) target(%arg11 : memref<128x128xf32, #tpu.memory_space<vmem>>) offsets(%dma_start3A_71 : memref<128xi32, #tpu.memory_space<vmem>>) semaphore(%arg14 : memref<!tpu.dma_semaphore, #tpu.memory_space<semaphore_mem>>)
        "tpu.region"() ({
          %run_scoped3A = tpu.sem_alloc : memref<!tpu.dma_semaphore, #tpu.memory_space<semaphore_mem>>
          %dma_start3A_87 = arith.constant 0 : i32
          %dma_start3A_88 = tpu.memref_slice %arg9[%mul3A_61, %dma_start3A_87] : memref<40x128xi32, #tpu.memory_space<vmem>> -> memref<1x128xi32, #tpu.memory_space<vmem>>
          %dma_start3A_89 = tpu.memref_squeeze %dma_start3A_88 : memref<1x128xi32, #tpu.memory_space<vmem>> -> memref<128xi32, #tpu.memory_space<vmem>>
          %dma_start3A_90 = arith.constant 0 : i32
          %dma_start3A_91 = arith.constant 0 : i32
          %dma_start3A_92 = tpu.memref_slice %arg12[%dma_start3A_90, %dma_start3A_91] : memref<10240x128xf32, #tpu.memory_space<vmem_shared>> -> memref<10240x128xf32, #tpu.memory_space<vmem_shared>>
          tpu.enqueue_indirect_dma source(%arg10 : memref<128x128xf32, #tpu.memory_space<vmem>>) target(%dma_start3A_92 : memref<10240x128xf32, #tpu.memory_space<vmem_shared>>) offsets(%dma_start3A_89 : memref<128xi32, #tpu.memory_space<vmem>>) semaphore(%run_scoped3A : memref<!tpu.dma_semaphore, #tpu.memory_space<semaphore_mem>>) {add = true}
          %dma_wait3A_93 = arith.constant 0 : i32
          %dma_wait3A_94 = tpu.memref_slice %arg9[%mul3A_61, %dma_wait3A_93] : memref<40x128xi32, #tpu.memory_space<vmem>> -> memref<1x128xi32, #tpu.memory_space<vmem>>
          %dma_wait3A_95 = tpu.memref_squeeze %dma_wait3A_94 : memref<1x128xi32, #tpu.memory_space<vmem>> -> memref<128xi32, #tpu.memory_space<vmem>>
          %dma_wait3A_96 = arith.constant 0 : i32
          %dma_wait3A_97 = arith.constant 0 : i32
          %dma_wait3A_98 = tpu.memref_slice %arg12[%dma_wait3A_96, %dma_wait3A_97] : memref<10240x128xf32, #tpu.memory_space<vmem_shared>> -> memref<10240x128xf32, #tpu.memory_space<vmem_shared>>
          tpu.wait_indirect_dma semaphore(%run_scoped3A : memref<!tpu.dma_semaphore, #tpu.memory_space<semaphore_mem>>) src(%arg10 : memref<128x128xf32, #tpu.memory_space<vmem>>) dst(%dma_wait3A_98 : memref<10240x128xf32, #tpu.memory_space<vmem_shared>>)
          tpu.yield
        }) : () -> ()
        %dma_wait3A_75 = arith.constant 0 : i32
        %dma_wait3A_76 = tpu.memref_slice %arg8[%add3A_63, %dma_wait3A_75] : memref<40x128xi32, #tpu.memory_space<vmem>> -> memref<1x128xi32, #tpu.memory_space<vmem>>
        %dma_wait3A_77 = tpu.memref_squeeze %dma_wait3A_76 : memref<1x128xi32, #tpu.memory_space<vmem>> -> memref<128xi32, #tpu.memory_space<vmem>>
        %dma_wait3A_78 = arith.constant 0 : i32
        %dma_wait3A_79 = arith.constant 0 : i32
        %dma_wait3A_80 = tpu.memref_slice %arg2[%dma_wait3A_78, %dma_wait3A_79] : memref<10240x128xf32, #tpu.memory_space<hbm>> -> memref<10240x128xf32, #tpu.memory_space<hbm>>
        tpu.wait_indirect_dma semaphore(%arg14 : memref<!tpu.dma_semaphore, #tpu.memory_space<semaphore_mem>>) src(%dma_wait3A_80 : memref<10240x128xf32, #tpu.memory_space<hbm>>) dst(%arg11 : memref<128x128xf32, #tpu.memory_space<vmem>>)
        %add3A_81 = arith.constant 1 : i32
        %add3A_82 = arith.addi %scan3A_59, %add3A_81 : i32
        %lt3A = arith.constant 20 : i32
        %lt3A_83 = arith.cmpi slt, %add3A_82, %lt3A : i32
        %convert_element_type3A_84 = arith.extui %lt3A_83 : i1 to i32
        %cond3A_85 = arith.constant 0 : i32
        %cond3A_86 = arith.cmpi ne, %convert_element_type3A_84, %cond3A_85 : i32
        scf.if %cond3A_86 {
          %add3A_87 = arith.constant 2 : i32
          %add3A_88 = arith.addi %mul3A_61, %add3A_87 : i32
          %dma_start3A_89 = arith.constant 0 : i32
          %dma_start3A_90 = tpu.memref_slice %arg8[%add3A_88, %dma_start3A_89] : memref<40x128xi32, #tpu.memory_space<vmem>> -> memref<1x128xi32, #tpu.memory_space<vmem>>
          %dma_start3A_91 = tpu.memref_squeeze %dma_start3A_90 : memref<1x128xi32, #tpu.memory_space<vmem>> -> memref<128xi32, #tpu.memory_space<vmem>>
          %dma_start3A_92 = arith.constant 0 : i32
          %dma_start3A_93 = arith.constant 0 : i32
          %dma_start3A_94 = tpu.memref_slice %arg2[%dma_start3A_92, %dma_start3A_93] : memref<10240x128xf32, #tpu.memory_space<hbm>> -> memref<10240x128xf32, #tpu.memory_space<hbm>>
          tpu.enqueue_indirect_dma source(%dma_start3A_94 : memref<10240x128xf32, #tpu.memory_space<hbm>>) target(%arg10 : memref<128x128xf32, #tpu.memory_space<vmem>>) offsets(%dma_start3A_91 : memref<128xi32, #tpu.memory_space<vmem>>) semaphore(%arg13 : memref<!tpu.dma_semaphore, #tpu.memory_space<semaphore_mem>>)
        } else {
        }
        "tpu.region"() ({
          %run_scoped3A = tpu.sem_alloc : memref<!tpu.dma_semaphore, #tpu.memory_space<semaphore_mem>>
          %dma_start3A_87 = arith.constant 0 : i32
          %dma_start3A_88 = tpu.memref_slice %arg9[%add3A_63, %dma_start3A_87] : memref<40x128xi32, #tpu.memory_space<vmem>> -> memref<1x128xi32, #tpu.memory_space<vmem>>
          %dma_start3A_89 = tpu.memref_squeeze %dma_start3A_88 : memref<1x128xi32, #tpu.memory_space<vmem>> -> memref<128xi32, #tpu.memory_space<vmem>>
          %dma_start3A_90 = arith.constant 0 : i32
          %dma_start3A_91 = arith.constant 0 : i32
          %dma_start3A_92 = tpu.memref_slice %arg12[%dma_start3A_90, %dma_start3A_91] : memref<10240x128xf32, #tpu.memory_space<vmem_shared>> -> memref<10240x128xf32, #tpu.memory_space<vmem_shared>>
          tpu.enqueue_indirect_dma source(%arg11 : memref<128x128xf32, #tpu.memory_space<vmem>>) target(%dma_start3A_92 : memref<10240x128xf32, #tpu.memory_space<vmem_shared>>) offsets(%dma_start3A_89 : memref<128xi32, #tpu.memory_space<vmem>>) semaphore(%run_scoped3A : memref<!tpu.dma_semaphore, #tpu.memory_space<semaphore_mem>>) {add = true}
          %dma_wait3A_93 = arith.constant 0 : i32
          %dma_wait3A_94 = tpu.memref_slice %arg9[%add3A_63, %dma_wait3A_93] : memref<40x128xi32, #tpu.memory_space<vmem>> -> memref<1x128xi32, #tpu.memory_space<vmem>>
          %dma_wait3A_95 = tpu.memref_squeeze %dma_wait3A_94 : memref<1x128xi32, #tpu.memory_space<vmem>> -> memref<128xi32, #tpu.memory_space<vmem>>
          %dma_wait3A_96 = arith.constant 0 : i32
          %dma_wait3A_97 = arith.constant 0 : i32
          %dma_wait3A_98 = tpu.memref_slice %arg12[%dma_wait3A_96, %dma_wait3A_97] : memref<10240x128xf32, #tpu.memory_space<vmem_shared>> -> memref<10240x128xf32, #tpu.memory_space<vmem_shared>>
          tpu.wait_indirect_dma semaphore(%run_scoped3A : memref<!tpu.dma_semaphore, #tpu.memory_space<semaphore_mem>>) src(%arg11 : memref<128x128xf32, #tpu.memory_space<vmem>>) dst(%dma_wait3A_98 : memref<10240x128xf32, #tpu.memory_space<vmem_shared>>)
          tpu.yield
        }) : () -> ()
      }
      %scan3A_45 = arith.constant 20 : i32
      "tpu.region"() ({
        %run_scoped3A = tpu.sem_alloc : memref<!tpu.dma_semaphore, #tpu.memory_space<semaphore_mem>>
        %dma_start3A_59 = arith.constant 40 : i32
        %dma_start3A_60 = arith.constant 0 : i32
        %dma_start3A_61 = tpu.memref_slice %arg4[%arg1, %dma_start3A_59, %dma_start3A_60] : memref<16x80x128xi32, #tpu.memory_space<hbm>> -> memref<1x40x128xi32, #tpu.memory_space<hbm>>
        %dma_start3A_62 = tpu.memref_squeeze %dma_start3A_61 : memref<1x40x128xi32, #tpu.memory_space<hbm>> -> memref<40x128xi32, #tpu.memory_space<hbm>>
        %dma_start3A_63 = arith.constant 40 : i32
        %dma_start3A_64 = arith.constant 0 : i32
        %dma_start3A_65 = tpu.memref_slice %arg4[%arg1, %dma_start3A_63, %dma_start3A_64] : memref<16x80x128xi32, #tpu.memory_space<hbm>> -> memref<1x40x128xi32, #tpu.memory_space<hbm>>
        %dma_start3A_66 = tpu.memref_squeeze %dma_start3A_65 : memref<1x40x128xi32, #tpu.memory_space<hbm>> -> memref<40x128xi32, #tpu.memory_space<hbm>>
        tpu.enqueue_dma source(%dma_start3A_66 : memref<40x128xi32, #tpu.memory_space<hbm>>) target(%arg8 : memref<40x128xi32, #tpu.memory_space<vmem>>) target_semaphore(%run_scoped3A : memref<!tpu.dma_semaphore, #tpu.memory_space<semaphore_mem>>)
        %dma_wait3A = arith.constant 40 : i32
        %dma_wait3A_67 = arith.constant 0 : i32
        %dma_wait3A_68 = tpu.memref_slice %arg4[%arg1, %dma_wait3A, %dma_wait3A_67] : memref<16x80x128xi32, #tpu.memory_space<hbm>> -> memref<1x40x128xi32, #tpu.memory_space<hbm>>
        %dma_wait3A_69 = tpu.memref_squeeze %dma_wait3A_68 : memref<1x40x128xi32, #tpu.memory_space<hbm>> -> memref<40x128xi32, #tpu.memory_space<hbm>>
        %dma_wait3A_70 = arith.constant 40 : i32
        %dma_wait3A_71 = arith.constant 0 : i32
        %dma_wait3A_72 = tpu.memref_slice %arg4[%arg1, %dma_wait3A_70, %dma_wait3A_71] : memref<16x80x128xi32, #tpu.memory_space<hbm>> -> memref<1x40x128xi32, #tpu.memory_space<hbm>>
        %dma_wait3A_73 = tpu.memref_squeeze %dma_wait3A_72 : memref<1x40x128xi32, #tpu.memory_space<hbm>> -> memref<40x128xi32, #tpu.memory_space<hbm>>
        tpu.wait_dma2 semaphore(%run_scoped3A : memref<!tpu.dma_semaphore, #tpu.memory_space<semaphore_mem>>) src(%dma_wait3A_73 : memref<40x128xi32, #tpu.memory_space<hbm>>) dst(%arg8 : memref<40x128xi32, #tpu.memory_space<vmem>>)
        tpu.yield
      }) : () -> ()
      "tpu.region"() ({
        %run_scoped3A = tpu.sem_alloc : memref<!tpu.dma_semaphore, #tpu.memory_space<semaphore_mem>>
        %dma_start3A_59 = arith.constant 40 : i32
        %dma_start3A_60 = arith.constant 0 : i32
        %dma_start3A_61 = tpu.memref_slice %arg5[%arg1, %dma_start3A_59, %dma_start3A_60] : memref<16x80x128xi32, #tpu.memory_space<hbm>> -> memref<1x40x128xi32, #tpu.memory_space<hbm>>
        %dma_start3A_62 = tpu.memref_squeeze %dma_start3A_61 : memref<1x40x128xi32, #tpu.memory_space<hbm>> -> memref<40x128xi32, #tpu.memory_space<hbm>>
        %dma_start3A_63 = arith.constant 40 : i32
        %dma_start3A_64 = arith.constant 0 : i32
        %dma_start3A_65 = tpu.memref_slice %arg5[%arg1, %dma_start3A_63, %dma_start3A_64] : memref<16x80x128xi32, #tpu.memory_space<hbm>> -> memref<1x40x128xi32, #tpu.memory_space<hbm>>
        %dma_start3A_66 = tpu.memref_squeeze %dma_start3A_65 : memref<1x40x128xi32, #tpu.memory_space<hbm>> -> memref<40x128xi32, #tpu.memory_space<hbm>>
        tpu.enqueue_dma source(%dma_start3A_66 : memref<40x128xi32, #tpu.memory_space<hbm>>) target(%arg9 : memref<40x128xi32, #tpu.memory_space<vmem>>) target_semaphore(%run_scoped3A : memref<!tpu.dma_semaphore, #tpu.memory_space<semaphore_mem>>)
        %dma_wait3A = arith.constant 40 : i32
        %dma_wait3A_67 = arith.constant 0 : i32
        %dma_wait3A_68 = tpu.memref_slice %arg5[%arg1, %dma_wait3A, %dma_wait3A_67] : memref<16x80x128xi32, #tpu.memory_space<hbm>> -> memref<1x40x128xi32, #tpu.memory_space<hbm>>
        %dma_wait3A_69 = tpu.memref_squeeze %dma_wait3A_68 : memref<1x40x128xi32, #tpu.memory_space<hbm>> -> memref<40x128xi32, #tpu.memory_space<hbm>>
        %dma_wait3A_70 = arith.constant 40 : i32
        %dma_wait3A_71 = arith.constant 0 : i32
        %dma_wait3A_72 = tpu.memref_slice %arg5[%arg1, %dma_wait3A_70, %dma_wait3A_71] : memref<16x80x128xi32, #tpu.memory_space<hbm>> -> memref<1x40x128xi32, #tpu.memory_space<hbm>>
        %dma_wait3A_73 = tpu.memref_squeeze %dma_wait3A_72 : memref<1x40x128xi32, #tpu.memory_space<hbm>> -> memref<40x128xi32, #tpu.memory_space<hbm>>
        tpu.wait_dma2 semaphore(%run_scoped3A : memref<!tpu.dma_semaphore, #tpu.memory_space<semaphore_mem>>) src(%dma_wait3A_73 : memref<40x128xi32, #tpu.memory_space<hbm>>) dst(%arg9 : memref<40x128xi32, #tpu.memory_space<vmem>>)
        tpu.yield
      }) : () -> ()
      %dma_start3A_46 = arith.constant 0 : i32
      %dma_start3A_47 = arith.constant 0 : i32
      %dma_start3A_48 = tpu.memref_slice %arg8[%dma_start3A_46, %dma_start3A_47] : memref<40x128xi32, #tpu.memory_space<vmem>> -> memref<1x128xi32, #tpu.memory_space<vmem>>
      %dma_start3A_49 = tpu.memref_squeeze %dma_start3A_48 : memref<1x128xi32, #tpu.memory_space<vmem>> -> memref<128xi32, #tpu.memory_space<vmem>>
      %dma_start3A_50 = arith.constant 0 : i32
      %dma_start3A_51 = arith.constant 0 : i32
      %dma_start3A_52 = tpu.memref_slice %arg2[%dma_start3A_50, %dma_start3A_51] : memref<10240x128xf32, #tpu.memory_space<hbm>> -> memref<10240x128xf32, #tpu.memory_space<hbm>>
      tpu.enqueue_indirect_dma source(%dma_start3A_52 : memref<10240x128xf32, #tpu.memory_space<hbm>>) target(%arg10 : memref<128x128xf32, #tpu.memory_space<vmem>>) offsets(%dma_start3A_49 : memref<128xi32, #tpu.memory_space<vmem>>) semaphore(%arg13 : memref<!tpu.dma_semaphore, #tpu.memory_space<semaphore_mem>>)
      %scan3A_53 = arith.constant 0 : i32
      %scan3A_54 = arith.constant 0 : i32
      %scan3A_55 = arith.constant 20 : i32
      %scan3A_56 = arith.addi %scan3A_54, %scan3A_55 : i32
      %scan3A_57 = arith.constant 1 : i32
      scf.for %scan3A_59 = %scan3A_54 to %scan3A_56 step %scan3A_57  : i32 {
        %mul3A_60 = arith.constant 2 : i32
        %mul3A_61 = arith.muli %mul3A_60, %scan3A_59 : i32
        %add3A_62 = arith.constant 1 : i32
        %add3A_63 = arith.addi %mul3A_61, %add3A_62 : i32
        %dma_wait3A = arith.constant 0 : i32
        %dma_wait3A_64 = tpu.memref_slice %arg8[%mul3A_61, %dma_wait3A] : memref<40x128xi32, #tpu.memory_space<vmem>> -> memref<1x128xi32, #tpu.memory_space<vmem>>
        %dma_wait3A_65 = tpu.memref_squeeze %dma_wait3A_64 : memref<1x128xi32, #tpu.memory_space<vmem>> -> memref<128xi32, #tpu.memory_space<vmem>>
        %dma_wait3A_66 = arith.constant 0 : i32
        %dma_wait3A_67 = arith.constant 0 : i32
        %dma_wait3A_68 = tpu.memref_slice %arg2[%dma_wait3A_66, %dma_wait3A_67] : memref<10240x128xf32, #tpu.memory_space<hbm>> -> memref<10240x128xf32, #tpu.memory_space<hbm>>
        tpu.wait_indirect_dma semaphore(%arg13 : memref<!tpu.dma_semaphore, #tpu.memory_space<semaphore_mem>>) src(%dma_wait3A_68 : memref<10240x128xf32, #tpu.memory_space<hbm>>) dst(%arg10 : memref<128x128xf32, #tpu.memory_space<vmem>>)
        %dma_start3A_69 = arith.constant 0 : i32
        %dma_start3A_70 = tpu.memref_slice %arg8[%add3A_63, %dma_start3A_69] : memref<40x128xi32, #tpu.memory_space<vmem>> -> memref<1x128xi32, #tpu.memory_space<vmem>>
        %dma_start3A_71 = tpu.memref_squeeze %dma_start3A_70 : memref<1x128xi32, #tpu.memory_space<vmem>> -> memref<128xi32, #tpu.memory_space<vmem>>
        %dma_start3A_72 = arith.constant 0 : i32
        %dma_start3A_73 = arith.constant 0 : i32
        %dma_start3A_74 = tpu.memref_slice %arg2[%dma_start3A_72, %dma_start3A_73] : memref<10240x128xf32, #tpu.memory_space<hbm>> -> memref<10240x128xf32, #tpu.memory_space<hbm>>
        tpu.enqueue_indirect_dma source(%dma_start3A_74 : memref<10240x128xf32, #tpu.memory_space<hbm>>) target(%arg11 : memref<128x128xf32, #tpu.memory_space<vmem>>) offsets(%dma_start3A_71 : memref<128xi32, #tpu.memory_space<vmem>>) semaphore(%arg14 : memref<!tpu.dma_semaphore, #tpu.memory_space<semaphore_mem>>)
        "tpu.region"() ({
          %run_scoped3A = tpu.sem_alloc : memref<!tpu.dma_semaphore, #tpu.memory_space<semaphore_mem>>
          %dma_start3A_87 = arith.constant 0 : i32
          %dma_start3A_88 = tpu.memref_slice %arg9[%mul3A_61, %dma_start3A_87] : memref<40x128xi32, #tpu.memory_space<vmem>> -> memref<1x128xi32, #tpu.memory_space<vmem>>
          %dma_start3A_89 = tpu.memref_squeeze %dma_start3A_88 : memref<1x128xi32, #tpu.memory_space<vmem>> -> memref<128xi32, #tpu.memory_space<vmem>>
          %dma_start3A_90 = arith.constant 0 : i32
          %dma_start3A_91 = arith.constant 0 : i32
          %dma_start3A_92 = tpu.memref_slice %arg12[%dma_start3A_90, %dma_start3A_91] : memref<10240x128xf32, #tpu.memory_space<vmem_shared>> -> memref<10240x128xf32, #tpu.memory_space<vmem_shared>>
          tpu.enqueue_indirect_dma source(%arg10 : memref<128x128xf32, #tpu.memory_space<vmem>>) target(%dma_start3A_92 : memref<10240x128xf32, #tpu.memory_space<vmem_shared>>) offsets(%dma_start3A_89 : memref<128xi32, #tpu.memory_space<vmem>>) semaphore(%run_scoped3A : memref<!tpu.dma_semaphore, #tpu.memory_space<semaphore_mem>>) {add = true}
          %dma_wait3A_93 = arith.constant 0 : i32
          %dma_wait3A_94 = tpu.memref_slice %arg9[%mul3A_61, %dma_wait3A_93] : memref<40x128xi32, #tpu.memory_space<vmem>> -> memref<1x128xi32, #tpu.memory_space<vmem>>
          %dma_wait3A_95 = tpu.memref_squeeze %dma_wait3A_94 : memref<1x128xi32, #tpu.memory_space<vmem>> -> memref<128xi32, #tpu.memory_space<vmem>>
          %dma_wait3A_96 = arith.constant 0 : i32
          %dma_wait3A_97 = arith.constant 0 : i32
          %dma_wait3A_98 = tpu.memref_slice %arg12[%dma_wait3A_96, %dma_wait3A_97] : memref<10240x128xf32, #tpu.memory_space<vmem_shared>> -> memref<10240x128xf32, #tpu.memory_space<vmem_shared>>
          tpu.wait_indirect_dma semaphore(%run_scoped3A : memref<!tpu.dma_semaphore, #tpu.memory_space<semaphore_mem>>) src(%arg10 : memref<128x128xf32, #tpu.memory_space<vmem>>) dst(%dma_wait3A_98 : memref<10240x128xf32, #tpu.memory_space<vmem_shared>>)
          tpu.yield
        }) : () -> ()
        %dma_wait3A_75 = arith.constant 0 : i32
        %dma_wait3A_76 = tpu.memref_slice %arg8[%add3A_63, %dma_wait3A_75] : memref<40x128xi32, #tpu.memory_space<vmem>> -> memref<1x128xi32, #tpu.memory_space<vmem>>
        %dma_wait3A_77 = tpu.memref_squeeze %dma_wait3A_76 : memref<1x128xi32, #tpu.memory_space<vmem>> -> memref<128xi32, #tpu.memory_space<vmem>>
        %dma_wait3A_78 = arith.constant 0 : i32
        %dma_wait3A_79 = arith.constant 0 : i32
        %dma_wait3A_80 = tpu.memref_slice %arg2[%dma_wait3A_78, %dma_wait3A_79] : memref<10240x128xf32, #tpu.memory_space<hbm>> -> memref<10240x128xf32, #tpu.memory_space<hbm>>
        tpu.wait_indirect_dma semaphore(%arg14 : memref<!tpu.dma_semaphore, #tpu.memory_space<semaphore_mem>>) src(%dma_wait3A_80 : memref<10240x128xf32, #tpu.memory_space<hbm>>) dst(%arg11 : memref<128x128xf32, #tpu.memory_space<vmem>>)
        %add3A_81 = arith.constant 1 : i32
        %add3A_82 = arith.addi %scan3A_59, %add3A_81 : i32
        %lt3A = arith.constant 20 : i32
        %lt3A_83 = arith.cmpi slt, %add3A_82, %lt3A : i32
        %convert_element_type3A_84 = arith.extui %lt3A_83 : i1 to i32
        %cond3A_85 = arith.constant 0 : i32
        %cond3A_86 = arith.cmpi ne, %convert_element_type3A_84, %cond3A_85 : i32
        scf.if %cond3A_86 {
          %add3A_87 = arith.constant 2 : i32
          %add3A_88 = arith.addi %mul3A_61, %add3A_87 : i32
          %dma_start3A_89 = arith.constant 0 : i32
          %dma_start3A_90 = tpu.memref_slice %arg8[%add3A_88, %dma_start3A_89] : memref<40x128xi32, #tpu.memory_space<vmem>> -> memref<1x128xi32, #tpu.memory_space<vmem>>
          %dma_start3A_91 = tpu.memref_squeeze %dma_start3A_90 : memref<1x128xi32, #tpu.memory_space<vmem>> -> memref<128xi32, #tpu.memory_space<vmem>>
          %dma_start3A_92 = arith.constant 0 : i32
          %dma_start3A_93 = arith.constant 0 : i32
          %dma_start3A_94 = tpu.memref_slice %arg2[%dma_start3A_92, %dma_start3A_93] : memref<10240x128xf32, #tpu.memory_space<hbm>> -> memref<10240x128xf32, #tpu.memory_space<hbm>>
          tpu.enqueue_indirect_dma source(%dma_start3A_94 : memref<10240x128xf32, #tpu.memory_space<hbm>>) target(%arg10 : memref<128x128xf32, #tpu.memory_space<vmem>>) offsets(%dma_start3A_91 : memref<128xi32, #tpu.memory_space<vmem>>) semaphore(%arg13 : memref<!tpu.dma_semaphore, #tpu.memory_space<semaphore_mem>>)
        } else {
        }
        "tpu.region"() ({
          %run_scoped3A = tpu.sem_alloc : memref<!tpu.dma_semaphore, #tpu.memory_space<semaphore_mem>>
          %dma_start3A_87 = arith.constant 0 : i32
          %dma_start3A_88 = tpu.memref_slice %arg9[%add3A_63, %dma_start3A_87] : memref<40x128xi32, #tpu.memory_space<vmem>> -> memref<1x128xi32, #tpu.memory_space<vmem>>
          %dma_start3A_89 = tpu.memref_squeeze %dma_start3A_88 : memref<1x128xi32, #tpu.memory_space<vmem>> -> memref<128xi32, #tpu.memory_space<vmem>>
          %dma_start3A_90 = arith.constant 0 : i32
          %dma_start3A_91 = arith.constant 0 : i32
          %dma_start3A_92 = tpu.memref_slice %arg12[%dma_start3A_90, %dma_start3A_91] : memref<10240x128xf32, #tpu.memory_space<vmem_shared>> -> memref<10240x128xf32, #tpu.memory_space<vmem_shared>>
          tpu.enqueue_indirect_dma source(%arg11 : memref<128x128xf32, #tpu.memory_space<vmem>>) target(%dma_start3A_92 : memref<10240x128xf32, #tpu.memory_space<vmem_shared>>) offsets(%dma_start3A_89 : memref<128xi32, #tpu.memory_space<vmem>>) semaphore(%run_scoped3A : memref<!tpu.dma_semaphore, #tpu.memory_space<semaphore_mem>>) {add = true}
          %dma_wait3A_93 = arith.constant 0 : i32
          %dma_wait3A_94 = tpu.memref_slice %arg9[%add3A_63, %dma_wait3A_93] : memref<40x128xi32, #tpu.memory_space<vmem>> -> memref<1x128xi32, #tpu.memory_space<vmem>>
          %dma_wait3A_95 = tpu.memref_squeeze %dma_wait3A_94 : memref<1x128xi32, #tpu.memory_space<vmem>> -> memref<128xi32, #tpu.memory_space<vmem>>
          %dma_wait3A_96 = arith.constant 0 : i32
          %dma_wait3A_97 = arith.constant 0 : i32
          %dma_wait3A_98 = tpu.memref_slice %arg12[%dma_wait3A_96, %dma_wait3A_97] : memref<10240x128xf32, #tpu.memory_space<vmem_shared>> -> memref<10240x128xf32, #tpu.memory_space<vmem_shared>>
          tpu.wait_indirect_dma semaphore(%run_scoped3A : memref<!tpu.dma_semaphore, #tpu.memory_space<semaphore_mem>>) src(%arg11 : memref<128x128xf32, #tpu.memory_space<vmem>>) dst(%dma_wait3A_98 : memref<10240x128xf32, #tpu.memory_space<vmem_shared>>)
          tpu.yield
        }) : () -> ()
      }
      %scan3A_58 = arith.constant 20 : i32
    } else {
    }
    %eq3A_18 = arith.constant 1 : i32
    %eq3A_19 = arith.cmpi eq, %arg0, %eq3A_18 : i32
    %convert_element_type3A_20 = arith.extui %eq3A_19 : i1 to i32
    %cond3A_21 = arith.constant 0 : i32
    %cond3A_22 = arith.cmpi ne, %convert_element_type3A_20, %cond3A_21 : i32
    scf.if %cond3A_22 {
      "tpu.region"() ({
        %run_scoped3A = tpu.sem_alloc : memref<!tpu.dma_semaphore, #tpu.memory_space<semaphore_mem>>
        %dma_start3A_59 = arith.constant 0 : i32
        %dma_start3A_60 = arith.constant 0 : i32
        %dma_start3A_61 = tpu.memref_slice %arg4[%arg1, %dma_start3A_59, %dma_start3A_60] : memref<16x80x128xi32, #tpu.memory_space<hbm>> -> memref<1x40x128xi32, #tpu.memory_space<hbm>>
        %dma_start3A_62 = tpu.memref_squeeze %dma_start3A_61 : memref<1x40x128xi32, #tpu.memory_space<hbm>> -> memref<40x128xi32, #tpu.memory_space<hbm>>
        %dma_start3A_63 = arith.constant 0 : i32
        %dma_start3A_64 = arith.constant 0 : i32
        %dma_start3A_65 = tpu.memref_slice %arg4[%arg1, %dma_start3A_63, %dma_start3A_64] : memref<16x80x128xi32, #tpu.memory_space<hbm>> -> memref<1x40x128xi32, #tpu.memory_space<hbm>>
        %dma_start3A_66 = tpu.memref_squeeze %dma_start3A_65 : memref<1x40x128xi32, #tpu.memory_space<hbm>> -> memref<40x128xi32, #tpu.memory_space<hbm>>
        tpu.enqueue_dma source(%dma_start3A_66 : memref<40x128xi32, #tpu.memory_space<hbm>>) target(%arg8 : memref<40x128xi32, #tpu.memory_space<vmem>>) target_semaphore(%run_scoped3A : memref<!tpu.dma_semaphore, #tpu.memory_space<semaphore_mem>>)
        %dma_wait3A = arith.constant 0 : i32
        %dma_wait3A_67 = arith.constant 0 : i32
        %dma_wait3A_68 = tpu.memref_slice %arg4[%arg1, %dma_wait3A, %dma_wait3A_67] : memref<16x80x128xi32, #tpu.memory_space<hbm>> -> memref<1x40x128xi32, #tpu.memory_space<hbm>>
        %dma_wait3A_69 = tpu.memref_squeeze %dma_wait3A_68 : memref<1x40x128xi32, #tpu.memory_space<hbm>> -> memref<40x128xi32, #tpu.memory_space<hbm>>
        %dma_wait3A_70 = arith.constant 0 : i32
        %dma_wait3A_71 = arith.constant 0 : i32
        %dma_wait3A_72 = tpu.memref_slice %arg4[%arg1, %dma_wait3A_70, %dma_wait3A_71] : memref<16x80x128xi32, #tpu.memory_space<hbm>> -> memref<1x40x128xi32, #tpu.memory_space<hbm>>
        %dma_wait3A_73 = tpu.memref_squeeze %dma_wait3A_72 : memref<1x40x128xi32, #tpu.memory_space<hbm>> -> memref<40x128xi32, #tpu.memory_space<hbm>>
        tpu.wait_dma2 semaphore(%run_scoped3A : memref<!tpu.dma_semaphore, #tpu.memory_space<semaphore_mem>>) src(%dma_wait3A_73 : memref<40x128xi32, #tpu.memory_space<hbm>>) dst(%arg8 : memref<40x128xi32, #tpu.memory_space<vmem>>)
        tpu.yield
      }) : () -> ()
      "tpu.region"() ({
        %run_scoped3A = tpu.sem_alloc : memref<!tpu.dma_semaphore, #tpu.memory_space<semaphore_mem>>
        %dma_start3A_59 = arith.constant 0 : i32
        %dma_start3A_60 = arith.constant 0 : i32
        %dma_start3A_61 = tpu.memref_slice %arg5[%arg1, %dma_start3A_59, %dma_start3A_60] : memref<16x80x128xi32, #tpu.memory_space<hbm>> -> memref<1x40x128xi32, #tpu.memory_space<hbm>>
        %dma_start3A_62 = tpu.memref_squeeze %dma_start3A_61 : memref<1x40x128xi32, #tpu.memory_space<hbm>> -> memref<40x128xi32, #tpu.memory_space<hbm>>
        %dma_start3A_63 = arith.constant 0 : i32
        %dma_start3A_64 = arith.constant 0 : i32
        %dma_start3A_65 = tpu.memref_slice %arg5[%arg1, %dma_start3A_63, %dma_start3A_64] : memref<16x80x128xi32, #tpu.memory_space<hbm>> -> memref<1x40x128xi32, #tpu.memory_space<hbm>>
        %dma_start3A_66 = tpu.memref_squeeze %dma_start3A_65 : memref<1x40x128xi32, #tpu.memory_space<hbm>> -> memref<40x128xi32, #tpu.memory_space<hbm>>
        tpu.enqueue_dma source(%dma_start3A_66 : memref<40x128xi32, #tpu.memory_space<hbm>>) target(%arg9 : memref<40x128xi32, #tpu.memory_space<vmem>>) target_semaphore(%run_scoped3A : memref<!tpu.dma_semaphore, #tpu.memory_space<semaphore_mem>>)
        %dma_wait3A = arith.constant 0 : i32
        %dma_wait3A_67 = arith.constant 0 : i32
        %dma_wait3A_68 = tpu.memref_slice %arg5[%arg1, %dma_wait3A, %dma_wait3A_67] : memref<16x80x128xi32, #tpu.memory_space<hbm>> -> memref<1x40x128xi32, #tpu.memory_space<hbm>>
        %dma_wait3A_69 = tpu.memref_squeeze %dma_wait3A_68 : memref<1x40x128xi32, #tpu.memory_space<hbm>> -> memref<40x128xi32, #tpu.memory_space<hbm>>
        %dma_wait3A_70 = arith.constant 0 : i32
        %dma_wait3A_71 = arith.constant 0 : i32
        %dma_wait3A_72 = tpu.memref_slice %arg5[%arg1, %dma_wait3A_70, %dma_wait3A_71] : memref<16x80x128xi32, #tpu.memory_space<hbm>> -> memref<1x40x128xi32, #tpu.memory_space<hbm>>
        %dma_wait3A_73 = tpu.memref_squeeze %dma_wait3A_72 : memref<1x40x128xi32, #tpu.memory_space<hbm>> -> memref<40x128xi32, #tpu.memory_space<hbm>>
        tpu.wait_dma2 semaphore(%run_scoped3A : memref<!tpu.dma_semaphore, #tpu.memory_space<semaphore_mem>>) src(%dma_wait3A_73 : memref<40x128xi32, #tpu.memory_space<hbm>>) dst(%arg9 : memref<40x128xi32, #tpu.memory_space<vmem>>)
        tpu.yield
      }) : () -> ()
      %dma_start3A = arith.constant 0 : i32
      %dma_start3A_34 = arith.constant 0 : i32
      %dma_start3A_35 = tpu.memref_slice %arg8[%dma_start3A, %dma_start3A_34] : memref<40x128xi32, #tpu.memory_space<vmem>> -> memref<1x128xi32, #tpu.memory_space<vmem>>
      %dma_start3A_36 = tpu.memref_squeeze %dma_start3A_35 : memref<1x128xi32, #tpu.memory_space<vmem>> -> memref<128xi32, #tpu.memory_space<vmem>>
      %dma_start3A_37 = arith.constant 0 : i32
      %dma_start3A_38 = arith.constant 0 : i32
      %dma_start3A_39 = tpu.memref_slice %arg3[%dma_start3A_37, %dma_start3A_38] : memref<10240x128xf32, #tpu.memory_space<hbm>> -> memref<10240x128xf32, #tpu.memory_space<hbm>>
      tpu.enqueue_indirect_dma source(%dma_start3A_39 : memref<10240x128xf32, #tpu.memory_space<hbm>>) target(%arg10 : memref<128x128xf32, #tpu.memory_space<vmem>>) offsets(%dma_start3A_36 : memref<128xi32, #tpu.memory_space<vmem>>) semaphore(%arg13 : memref<!tpu.dma_semaphore, #tpu.memory_space<semaphore_mem>>)
      %scan3A_40 = arith.constant 0 : i32
      %scan3A_41 = arith.constant 0 : i32
      %scan3A_42 = arith.constant 20 : i32
      %scan3A_43 = arith.addi %scan3A_41, %scan3A_42 : i32
      %scan3A_44 = arith.constant 1 : i32
      scf.for %scan3A_59 = %scan3A_41 to %scan3A_43 step %scan3A_44  : i32 {
        %mul3A_60 = arith.constant 2 : i32
        %mul3A_61 = arith.muli %mul3A_60, %scan3A_59 : i32
        %add3A_62 = arith.constant 1 : i32
        %add3A_63 = arith.addi %mul3A_61, %add3A_62 : i32
        %dma_wait3A = arith.constant 0 : i32
        %dma_wait3A_64 = tpu.memref_slice %arg8[%mul3A_61, %dma_wait3A] : memref<40x128xi32, #tpu.memory_space<vmem>> -> memref<1x128xi32, #tpu.memory_space<vmem>>
        %dma_wait3A_65 = tpu.memref_squeeze %dma_wait3A_64 : memref<1x128xi32, #tpu.memory_space<vmem>> -> memref<128xi32, #tpu.memory_space<vmem>>
        %dma_wait3A_66 = arith.constant 0 : i32
        %dma_wait3A_67 = arith.constant 0 : i32
        %dma_wait3A_68 = tpu.memref_slice %arg3[%dma_wait3A_66, %dma_wait3A_67] : memref<10240x128xf32, #tpu.memory_space<hbm>> -> memref<10240x128xf32, #tpu.memory_space<hbm>>
        tpu.wait_indirect_dma semaphore(%arg13 : memref<!tpu.dma_semaphore, #tpu.memory_space<semaphore_mem>>) src(%dma_wait3A_68 : memref<10240x128xf32, #tpu.memory_space<hbm>>) dst(%arg10 : memref<128x128xf32, #tpu.memory_space<vmem>>)
        %dma_start3A_69 = arith.constant 0 : i32
        %dma_start3A_70 = tpu.memref_slice %arg8[%add3A_63, %dma_start3A_69] : memref<40x128xi32, #tpu.memory_space<vmem>> -> memref<1x128xi32, #tpu.memory_space<vmem>>
        %dma_start3A_71 = tpu.memref_squeeze %dma_start3A_70 : memref<1x128xi32, #tpu.memory_space<vmem>> -> memref<128xi32, #tpu.memory_space<vmem>>
        %dma_start3A_72 = arith.constant 0 : i32
        %dma_start3A_73 = arith.constant 0 : i32
        %dma_start3A_74 = tpu.memref_slice %arg3[%dma_start3A_72, %dma_start3A_73] : memref<10240x128xf32, #tpu.memory_space<hbm>> -> memref<10240x128xf32, #tpu.memory_space<hbm>>
        tpu.enqueue_indirect_dma source(%dma_start3A_74 : memref<10240x128xf32, #tpu.memory_space<hbm>>) target(%arg11 : memref<128x128xf32, #tpu.memory_space<vmem>>) offsets(%dma_start3A_71 : memref<128xi32, #tpu.memory_space<vmem>>) semaphore(%arg14 : memref<!tpu.dma_semaphore, #tpu.memory_space<semaphore_mem>>)
        "tpu.region"() ({
          %run_scoped3A = tpu.sem_alloc : memref<!tpu.dma_semaphore, #tpu.memory_space<semaphore_mem>>
          %dma_start3A_87 = arith.constant 0 : i32
          %dma_start3A_88 = tpu.memref_slice %arg9[%mul3A_61, %dma_start3A_87] : memref<40x128xi32, #tpu.memory_space<vmem>> -> memref<1x128xi32, #tpu.memory_space<vmem>>
          %dma_start3A_89 = tpu.memref_squeeze %dma_start3A_88 : memref<1x128xi32, #tpu.memory_space<vmem>> -> memref<128xi32, #tpu.memory_space<vmem>>
          %dma_start3A_90 = arith.constant 0 : i32
          %dma_start3A_91 = arith.constant 0 : i32
          %dma_start3A_92 = tpu.memref_slice %arg12[%dma_start3A_90, %dma_start3A_91] : memref<10240x128xf32, #tpu.memory_space<vmem_shared>> -> memref<10240x128xf32, #tpu.memory_space<vmem_shared>>
          tpu.enqueue_indirect_dma source(%arg10 : memref<128x128xf32, #tpu.memory_space<vmem>>) target(%dma_start3A_92 : memref<10240x128xf32, #tpu.memory_space<vmem_shared>>) offsets(%dma_start3A_89 : memref<128xi32, #tpu.memory_space<vmem>>) semaphore(%run_scoped3A : memref<!tpu.dma_semaphore, #tpu.memory_space<semaphore_mem>>) {add = true}
          %dma_wait3A_93 = arith.constant 0 : i32
          %dma_wait3A_94 = tpu.memref_slice %arg9[%mul3A_61, %dma_wait3A_93] : memref<40x128xi32, #tpu.memory_space<vmem>> -> memref<1x128xi32, #tpu.memory_space<vmem>>
          %dma_wait3A_95 = tpu.memref_squeeze %dma_wait3A_94 : memref<1x128xi32, #tpu.memory_space<vmem>> -> memref<128xi32, #tpu.memory_space<vmem>>
          %dma_wait3A_96 = arith.constant 0 : i32
          %dma_wait3A_97 = arith.constant 0 : i32
          %dma_wait3A_98 = tpu.memref_slice %arg12[%dma_wait3A_96, %dma_wait3A_97] : memref<10240x128xf32, #tpu.memory_space<vmem_shared>> -> memref<10240x128xf32, #tpu.memory_space<vmem_shared>>
          tpu.wait_indirect_dma semaphore(%run_scoped3A : memref<!tpu.dma_semaphore, #tpu.memory_space<semaphore_mem>>) src(%arg10 : memref<128x128xf32, #tpu.memory_space<vmem>>) dst(%dma_wait3A_98 : memref<10240x128xf32, #tpu.memory_space<vmem_shared>>)
          tpu.yield
        }) : () -> ()
        %dma_wait3A_75 = arith.constant 0 : i32
        %dma_wait3A_76 = tpu.memref_slice %arg8[%add3A_63, %dma_wait3A_75] : memref<40x128xi32, #tpu.memory_space<vmem>> -> memref<1x128xi32, #tpu.memory_space<vmem>>
        %dma_wait3A_77 = tpu.memref_squeeze %dma_wait3A_76 : memref<1x128xi32, #tpu.memory_space<vmem>> -> memref<128xi32, #tpu.memory_space<vmem>>
        %dma_wait3A_78 = arith.constant 0 : i32
        %dma_wait3A_79 = arith.constant 0 : i32
        %dma_wait3A_80 = tpu.memref_slice %arg3[%dma_wait3A_78, %dma_wait3A_79] : memref<10240x128xf32, #tpu.memory_space<hbm>> -> memref<10240x128xf32, #tpu.memory_space<hbm>>
        tpu.wait_indirect_dma semaphore(%arg14 : memref<!tpu.dma_semaphore, #tpu.memory_space<semaphore_mem>>) src(%dma_wait3A_80 : memref<10240x128xf32, #tpu.memory_space<hbm>>) dst(%arg11 : memref<128x128xf32, #tpu.memory_space<vmem>>)
        %add3A_81 = arith.constant 1 : i32
        %add3A_82 = arith.addi %scan3A_59, %add3A_81 : i32
        %lt3A = arith.constant 20 : i32
        %lt3A_83 = arith.cmpi slt, %add3A_82, %lt3A : i32
        %convert_element_type3A_84 = arith.extui %lt3A_83 : i1 to i32
        %cond3A_85 = arith.constant 0 : i32
        %cond3A_86 = arith.cmpi ne, %convert_element_type3A_84, %cond3A_85 : i32
        scf.if %cond3A_86 {
          %add3A_87 = arith.constant 2 : i32
          %add3A_88 = arith.addi %mul3A_61, %add3A_87 : i32
          %dma_start3A_89 = arith.constant 0 : i32
          %dma_start3A_90 = tpu.memref_slice %arg8[%add3A_88, %dma_start3A_89] : memref<40x128xi32, #tpu.memory_space<vmem>> -> memref<1x128xi32, #tpu.memory_space<vmem>>
          %dma_start3A_91 = tpu.memref_squeeze %dma_start3A_90 : memref<1x128xi32, #tpu.memory_space<vmem>> -> memref<128xi32, #tpu.memory_space<vmem>>
          %dma_start3A_92 = arith.constant 0 : i32
          %dma_start3A_93 = arith.constant 0 : i32
          %dma_start3A_94 = tpu.memref_slice %arg3[%dma_start3A_92, %dma_start3A_93] : memref<10240x128xf32, #tpu.memory_space<hbm>> -> memref<10240x128xf32, #tpu.memory_space<hbm>>
          tpu.enqueue_indirect_dma source(%dma_start3A_94 : memref<10240x128xf32, #tpu.memory_space<hbm>>) target(%arg10 : memref<128x128xf32, #tpu.memory_space<vmem>>) offsets(%dma_start3A_91 : memref<128xi32, #tpu.memory_space<vmem>>) semaphore(%arg13 : memref<!tpu.dma_semaphore, #tpu.memory_space<semaphore_mem>>)
        } else {
        }
        "tpu.region"() ({
          %run_scoped3A = tpu.sem_alloc : memref<!tpu.dma_semaphore, #tpu.memory_space<semaphore_mem>>
          %dma_start3A_87 = arith.constant 0 : i32
          %dma_start3A_88 = tpu.memref_slice %arg9[%add3A_63, %dma_start3A_87] : memref<40x128xi32, #tpu.memory_space<vmem>> -> memref<1x128xi32, #tpu.memory_space<vmem>>
          %dma_start3A_89 = tpu.memref_squeeze %dma_start3A_88 : memref<1x128xi32, #tpu.memory_space<vmem>> -> memref<128xi32, #tpu.memory_space<vmem>>
          %dma_start3A_90 = arith.constant 0 : i32
          %dma_start3A_91 = arith.constant 0 : i32
          %dma_start3A_92 = tpu.memref_slice %arg12[%dma_start3A_90, %dma_start3A_91] : memref<10240x128xf32, #tpu.memory_space<vmem_shared>> -> memref<10240x128xf32, #tpu.memory_space<vmem_shared>>
          tpu.enqueue_indirect_dma source(%arg11 : memref<128x128xf32, #tpu.memory_space<vmem>>) target(%dma_start3A_92 : memref<10240x128xf32, #tpu.memory_space<vmem_shared>>) offsets(%dma_start3A_89 : memref<128xi32, #tpu.memory_space<vmem>>) semaphore(%run_scoped3A : memref<!tpu.dma_semaphore, #tpu.memory_space<semaphore_mem>>) {add = true}
          %dma_wait3A_93 = arith.constant 0 : i32
          %dma_wait3A_94 = tpu.memref_slice %arg9[%add3A_63, %dma_wait3A_93] : memref<40x128xi32, #tpu.memory_space<vmem>> -> memref<1x128xi32, #tpu.memory_space<vmem>>
          %dma_wait3A_95 = tpu.memref_squeeze %dma_wait3A_94 : memref<1x128xi32, #tpu.memory_space<vmem>> -> memref<128xi32, #tpu.memory_space<vmem>>
          %dma_wait3A_96 = arith.constant 0 : i32
          %dma_wait3A_97 = arith.constant 0 : i32
          %dma_wait3A_98 = tpu.memref_slice %arg12[%dma_wait3A_96, %dma_wait3A_97] : memref<10240x128xf32, #tpu.memory_space<vmem_shared>> -> memref<10240x128xf32, #tpu.memory_space<vmem_shared>>
          tpu.wait_indirect_dma semaphore(%run_scoped3A : memref<!tpu.dma_semaphore, #tpu.memory_space<semaphore_mem>>) src(%arg11 : memref<128x128xf32, #tpu.memory_space<vmem>>) dst(%dma_wait3A_98 : memref<10240x128xf32, #tpu.memory_space<vmem_shared>>)
          tpu.yield
        }) : () -> ()
      }
      %scan3A_45 = arith.constant 20 : i32
      "tpu.region"() ({
        %run_scoped3A = tpu.sem_alloc : memref<!tpu.dma_semaphore, #tpu.memory_space<semaphore_mem>>
        %dma_start3A_59 = arith.constant 40 : i32
        %dma_start3A_60 = arith.constant 0 : i32
        %dma_start3A_61 = tpu.memref_slice %arg4[%arg1, %dma_start3A_59, %dma_start3A_60] : memref<16x80x128xi32, #tpu.memory_space<hbm>> -> memref<1x40x128xi32, #tpu.memory_space<hbm>>
        %dma_start3A_62 = tpu.memref_squeeze %dma_start3A_61 : memref<1x40x128xi32, #tpu.memory_space<hbm>> -> memref<40x128xi32, #tpu.memory_space<hbm>>
        %dma_start3A_63 = arith.constant 40 : i32
        %dma_start3A_64 = arith.constant 0 : i32
        %dma_start3A_65 = tpu.memref_slice %arg4[%arg1, %dma_start3A_63, %dma_start3A_64] : memref<16x80x128xi32, #tpu.memory_space<hbm>> -> memref<1x40x128xi32, #tpu.memory_space<hbm>>
        %dma_start3A_66 = tpu.memref_squeeze %dma_start3A_65 : memref<1x40x128xi32, #tpu.memory_space<hbm>> -> memref<40x128xi32, #tpu.memory_space<hbm>>
        tpu.enqueue_dma source(%dma_start3A_66 : memref<40x128xi32, #tpu.memory_space<hbm>>) target(%arg8 : memref<40x128xi32, #tpu.memory_space<vmem>>) target_semaphore(%run_scoped3A : memref<!tpu.dma_semaphore, #tpu.memory_space<semaphore_mem>>)
        %dma_wait3A = arith.constant 40 : i32
        %dma_wait3A_67 = arith.constant 0 : i32
        %dma_wait3A_68 = tpu.memref_slice %arg4[%arg1, %dma_wait3A, %dma_wait3A_67] : memref<16x80x128xi32, #tpu.memory_space<hbm>> -> memref<1x40x128xi32, #tpu.memory_space<hbm>>
        %dma_wait3A_69 = tpu.memref_squeeze %dma_wait3A_68 : memref<1x40x128xi32, #tpu.memory_space<hbm>> -> memref<40x128xi32, #tpu.memory_space<hbm>>
        %dma_wait3A_70 = arith.constant 40 : i32
        %dma_wait3A_71 = arith.constant 0 : i32
        %dma_wait3A_72 = tpu.memref_slice %arg4[%arg1, %dma_wait3A_70, %dma_wait3A_71] : memref<16x80x128xi32, #tpu.memory_space<hbm>> -> memref<1x40x128xi32, #tpu.memory_space<hbm>>
        %dma_wait3A_73 = tpu.memref_squeeze %dma_wait3A_72 : memref<1x40x128xi32, #tpu.memory_space<hbm>> -> memref<40x128xi32, #tpu.memory_space<hbm>>
        tpu.wait_dma2 semaphore(%run_scoped3A : memref<!tpu.dma_semaphore, #tpu.memory_space<semaphore_mem>>) src(%dma_wait3A_73 : memref<40x128xi32, #tpu.memory_space<hbm>>) dst(%arg8 : memref<40x128xi32, #tpu.memory_space<vmem>>)
        tpu.yield
      }) : () -> ()
      "tpu.region"() ({
        %run_scoped3A = tpu.sem_alloc : memref<!tpu.dma_semaphore, #tpu.memory_space<semaphore_mem>>
        %dma_start3A_59 = arith.constant 40 : i32
        %dma_start3A_60 = arith.constant 0 : i32
        %dma_start3A_61 = tpu.memref_slice %arg5[%arg1, %dma_start3A_59, %dma_start3A_60] : memref<16x80x128xi32, #tpu.memory_space<hbm>> -> memref<1x40x128xi32, #tpu.memory_space<hbm>>
        %dma_start3A_62 = tpu.memref_squeeze %dma_start3A_61 : memref<1x40x128xi32, #tpu.memory_space<hbm>> -> memref<40x128xi32, #tpu.memory_space<hbm>>
        %dma_start3A_63 = arith.constant 40 : i32
        %dma_start3A_64 = arith.constant 0 : i32
        %dma_start3A_65 = tpu.memref_slice %arg5[%arg1, %dma_start3A_63, %dma_start3A_64] : memref<16x80x128xi32, #tpu.memory_space<hbm>> -> memref<1x40x128xi32, #tpu.memory_space<hbm>>
        %dma_start3A_66 = tpu.memref_squeeze %dma_start3A_65 : memref<1x40x128xi32, #tpu.memory_space<hbm>> -> memref<40x128xi32, #tpu.memory_space<hbm>>
        tpu.enqueue_dma source(%dma_start3A_66 : memref<40x128xi32, #tpu.memory_space<hbm>>) target(%arg9 : memref<40x128xi32, #tpu.memory_space<vmem>>) target_semaphore(%run_scoped3A : memref<!tpu.dma_semaphore, #tpu.memory_space<semaphore_mem>>)
        %dma_wait3A = arith.constant 40 : i32
        %dma_wait3A_67 = arith.constant 0 : i32
        %dma_wait3A_68 = tpu.memref_slice %arg5[%arg1, %dma_wait3A, %dma_wait3A_67] : memref<16x80x128xi32, #tpu.memory_space<hbm>> -> memref<1x40x128xi32, #tpu.memory_space<hbm>>
        %dma_wait3A_69 = tpu.memref_squeeze %dma_wait3A_68 : memref<1x40x128xi32, #tpu.memory_space<hbm>> -> memref<40x128xi32, #tpu.memory_space<hbm>>
        %dma_wait3A_70 = arith.constant 40 : i32
        %dma_wait3A_71 = arith.constant 0 : i32
        %dma_wait3A_72 = tpu.memref_slice %arg5[%arg1, %dma_wait3A_70, %dma_wait3A_71] : memref<16x80x128xi32, #tpu.memory_space<hbm>> -> memref<1x40x128xi32, #tpu.memory_space<hbm>>
        %dma_wait3A_73 = tpu.memref_squeeze %dma_wait3A_72 : memref<1x40x128xi32, #tpu.memory_space<hbm>> -> memref<40x128xi32, #tpu.memory_space<hbm>>
        tpu.wait_dma2 semaphore(%run_scoped3A : memref<!tpu.dma_semaphore, #tpu.memory_space<semaphore_mem>>) src(%dma_wait3A_73 : memref<40x128xi32, #tpu.memory_space<hbm>>) dst(%arg9 : memref<40x128xi32, #tpu.memory_space<vmem>>)
        tpu.yield
      }) : () -> ()
      %dma_start3A_46 = arith.constant 0 : i32
      %dma_start3A_47 = arith.constant 0 : i32
      %dma_start3A_48 = tpu.memref_slice %arg8[%dma_start3A_46, %dma_start3A_47] : memref<40x128xi32, #tpu.memory_space<vmem>> -> memref<1x128xi32, #tpu.memory_space<vmem>>
      %dma_start3A_49 = tpu.memref_squeeze %dma_start3A_48 : memref<1x128xi32, #tpu.memory_space<vmem>> -> memref<128xi32, #tpu.memory_space<vmem>>
      %dma_start3A_50 = arith.constant 0 : i32
      %dma_start3A_51 = arith.constant 0 : i32
      %dma_start3A_52 = tpu.memref_slice %arg3[%dma_start3A_50, %dma_start3A_51] : memref<10240x128xf32, #tpu.memory_space<hbm>> -> memref<10240x128xf32, #tpu.memory_space<hbm>>
      tpu.enqueue_indirect_dma source(%dma_start3A_52 : memref<10240x128xf32, #tpu.memory_space<hbm>>) target(%arg10 : memref<128x128xf32, #tpu.memory_space<vmem>>) offsets(%dma_start3A_49 : memref<128xi32, #tpu.memory_space<vmem>>) semaphore(%arg13 : memref<!tpu.dma_semaphore, #tpu.memory_space<semaphore_mem>>)
      %scan3A_53 = arith.constant 0 : i32
      %scan3A_54 = arith.constant 0 : i32
      %scan3A_55 = arith.constant 20 : i32
      %scan3A_56 = arith.addi %scan3A_54, %scan3A_55 : i32
      %scan3A_57 = arith.constant 1 : i32
      scf.for %scan3A_59 = %scan3A_54 to %scan3A_56 step %scan3A_57  : i32 {
        %mul3A_60 = arith.constant 2 : i32
        %mul3A_61 = arith.muli %mul3A_60, %scan3A_59 : i32
        %add3A_62 = arith.constant 1 : i32
        %add3A_63 = arith.addi %mul3A_61, %add3A_62 : i32
        %dma_wait3A = arith.constant 0 : i32
        %dma_wait3A_64 = tpu.memref_slice %arg8[%mul3A_61, %dma_wait3A] : memref<40x128xi32, #tpu.memory_space<vmem>> -> memref<1x128xi32, #tpu.memory_space<vmem>>
        %dma_wait3A_65 = tpu.memref_squeeze %dma_wait3A_64 : memref<1x128xi32, #tpu.memory_space<vmem>> -> memref<128xi32, #tpu.memory_space<vmem>>
        %dma_wait3A_66 = arith.constant 0 : i32
        %dma_wait3A_67 = arith.constant 0 : i32
        %dma_wait3A_68 = tpu.memref_slice %arg3[%dma_wait3A_66, %dma_wait3A_67] : memref<10240x128xf32, #tpu.memory_space<hbm>> -> memref<10240x128xf32, #tpu.memory_space<hbm>>
        tpu.wait_indirect_dma semaphore(%arg13 : memref<!tpu.dma_semaphore, #tpu.memory_space<semaphore_mem>>) src(%dma_wait3A_68 : memref<10240x128xf32, #tpu.memory_space<hbm>>) dst(%arg10 : memref<128x128xf32, #tpu.memory_space<vmem>>)
        %dma_start3A_69 = arith.constant 0 : i32
        %dma_start3A_70 = tpu.memref_slice %arg8[%add3A_63, %dma_start3A_69] : memref<40x128xi32, #tpu.memory_space<vmem>> -> memref<1x128xi32, #tpu.memory_space<vmem>>
        %dma_start3A_71 = tpu.memref_squeeze %dma_start3A_70 : memref<1x128xi32, #tpu.memory_space<vmem>> -> memref<128xi32, #tpu.memory_space<vmem>>
        %dma_start3A_72 = arith.constant 0 : i32
        %dma_start3A_73 = arith.constant 0 : i32
        %dma_start3A_74 = tpu.memref_slice %arg3[%dma_start3A_72, %dma_start3A_73] : memref<10240x128xf32, #tpu.memory_space<hbm>> -> memref<10240x128xf32, #tpu.memory_space<hbm>>
        tpu.enqueue_indirect_dma source(%dma_start3A_74 : memref<10240x128xf32, #tpu.memory_space<hbm>>) target(%arg11 : memref<128x128xf32, #tpu.memory_space<vmem>>) offsets(%dma_start3A_71 : memref<128xi32, #tpu.memory_space<vmem>>) semaphore(%arg14 : memref<!tpu.dma_semaphore, #tpu.memory_space<semaphore_mem>>)
        "tpu.region"() ({
          %run_scoped3A = tpu.sem_alloc : memref<!tpu.dma_semaphore, #tpu.memory_space<semaphore_mem>>
          %dma_start3A_87 = arith.constant 0 : i32
          %dma_start3A_88 = tpu.memref_slice %arg9[%mul3A_61, %dma_start3A_87] : memref<40x128xi32, #tpu.memory_space<vmem>> -> memref<1x128xi32, #tpu.memory_space<vmem>>
          %dma_start3A_89 = tpu.memref_squeeze %dma_start3A_88 : memref<1x128xi32, #tpu.memory_space<vmem>> -> memref<128xi32, #tpu.memory_space<vmem>>
          %dma_start3A_90 = arith.constant 0 : i32
          %dma_start3A_91 = arith.constant 0 : i32
          %dma_start3A_92 = tpu.memref_slice %arg12[%dma_start3A_90, %dma_start3A_91] : memref<10240x128xf32, #tpu.memory_space<vmem_shared>> -> memref<10240x128xf32, #tpu.memory_space<vmem_shared>>
          tpu.enqueue_indirect_dma source(%arg10 : memref<128x128xf32, #tpu.memory_space<vmem>>) target(%dma_start3A_92 : memref<10240x128xf32, #tpu.memory_space<vmem_shared>>) offsets(%dma_start3A_89 : memref<128xi32, #tpu.memory_space<vmem>>) semaphore(%run_scoped3A : memref<!tpu.dma_semaphore, #tpu.memory_space<semaphore_mem>>) {add = true}
          %dma_wait3A_93 = arith.constant 0 : i32
          %dma_wait3A_94 = tpu.memref_slice %arg9[%mul3A_61, %dma_wait3A_93] : memref<40x128xi32, #tpu.memory_space<vmem>> -> memref<1x128xi32, #tpu.memory_space<vmem>>
          %dma_wait3A_95 = tpu.memref_squeeze %dma_wait3A_94 : memref<1x128xi32, #tpu.memory_space<vmem>> -> memref<128xi32, #tpu.memory_space<vmem>>
          %dma_wait3A_96 = arith.constant 0 : i32
          %dma_wait3A_97 = arith.constant 0 : i32
          %dma_wait3A_98 = tpu.memref_slice %arg12[%dma_wait3A_96, %dma_wait3A_97] : memref<10240x128xf32, #tpu.memory_space<vmem_shared>> -> memref<10240x128xf32, #tpu.memory_space<vmem_shared>>
          tpu.wait_indirect_dma semaphore(%run_scoped3A : memref<!tpu.dma_semaphore, #tpu.memory_space<semaphore_mem>>) src(%arg10 : memref<128x128xf32, #tpu.memory_space<vmem>>) dst(%dma_wait3A_98 : memref<10240x128xf32, #tpu.memory_space<vmem_shared>>)
          tpu.yield
        }) : () -> ()
        %dma_wait3A_75 = arith.constant 0 : i32
        %dma_wait3A_76 = tpu.memref_slice %arg8[%add3A_63, %dma_wait3A_75] : memref<40x128xi32, #tpu.memory_space<vmem>> -> memref<1x128xi32, #tpu.memory_space<vmem>>
        %dma_wait3A_77 = tpu.memref_squeeze %dma_wait3A_76 : memref<1x128xi32, #tpu.memory_space<vmem>> -> memref<128xi32, #tpu.memory_space<vmem>>
        %dma_wait3A_78 = arith.constant 0 : i32
        %dma_wait3A_79 = arith.constant 0 : i32
        %dma_wait3A_80 = tpu.memref_slice %arg3[%dma_wait3A_78, %dma_wait3A_79] : memref<10240x128xf32, #tpu.memory_space<hbm>> -> memref<10240x128xf32, #tpu.memory_space<hbm>>
        tpu.wait_indirect_dma semaphore(%arg14 : memref<!tpu.dma_semaphore, #tpu.memory_space<semaphore_mem>>) src(%dma_wait3A_80 : memref<10240x128xf32, #tpu.memory_space<hbm>>) dst(%arg11 : memref<128x128xf32, #tpu.memory_space<vmem>>)
        %add3A_81 = arith.constant 1 : i32
        %add3A_82 = arith.addi %scan3A_59, %add3A_81 : i32
        %lt3A = arith.constant 20 : i32
        %lt3A_83 = arith.cmpi slt, %add3A_82, %lt3A : i32
        %convert_element_type3A_84 = arith.extui %lt3A_83 : i1 to i32
        %cond3A_85 = arith.constant 0 : i32
        %cond3A_86 = arith.cmpi ne, %convert_element_type3A_84, %cond3A_85 : i32
        scf.if %cond3A_86 {
          %add3A_87 = arith.constant 2 : i32
          %add3A_88 = arith.addi %mul3A_61, %add3A_87 : i32
          %dma_start3A_89 = arith.constant 0 : i32
          %dma_start3A_90 = tpu.memref_slice %arg8[%add3A_88, %dma_start3A_89] : memref<40x128xi32, #tpu.memory_space<vmem>> -> memref<1x128xi32, #tpu.memory_space<vmem>>
          %dma_start3A_91 = tpu.memref_squeeze %dma_start3A_90 : memref<1x128xi32, #tpu.memory_space<vmem>> -> memref<128xi32, #tpu.memory_space<vmem>>
          %dma_start3A_92 = arith.constant 0 : i32
          %dma_start3A_93 = arith.constant 0 : i32
          %dma_start3A_94 = tpu.memref_slice %arg3[%dma_start3A_92, %dma_start3A_93] : memref<10240x128xf32, #tpu.memory_space<hbm>> -> memref<10240x128xf32, #tpu.memory_space<hbm>>
          tpu.enqueue_indirect_dma source(%dma_start3A_94 : memref<10240x128xf32, #tpu.memory_space<hbm>>) target(%arg10 : memref<128x128xf32, #tpu.memory_space<vmem>>) offsets(%dma_start3A_91 : memref<128xi32, #tpu.memory_space<vmem>>) semaphore(%arg13 : memref<!tpu.dma_semaphore, #tpu.memory_space<semaphore_mem>>)
        } else {
        }
        "tpu.region"() ({
          %run_scoped3A = tpu.sem_alloc : memref<!tpu.dma_semaphore, #tpu.memory_space<semaphore_mem>>
          %dma_start3A_87 = arith.constant 0 : i32
          %dma_start3A_88 = tpu.memref_slice %arg9[%add3A_63, %dma_start3A_87] : memref<40x128xi32, #tpu.memory_space<vmem>> -> memref<1x128xi32, #tpu.memory_space<vmem>>
          %dma_start3A_89 = tpu.memref_squeeze %dma_start3A_88 : memref<1x128xi32, #tpu.memory_space<vmem>> -> memref<128xi32, #tpu.memory_space<vmem>>
          %dma_start3A_90 = arith.constant 0 : i32
          %dma_start3A_91 = arith.constant 0 : i32
          %dma_start3A_92 = tpu.memref_slice %arg12[%dma_start3A_90, %dma_start3A_91] : memref<10240x128xf32, #tpu.memory_space<vmem_shared>> -> memref<10240x128xf32, #tpu.memory_space<vmem_shared>>
          tpu.enqueue_indirect_dma source(%arg11 : memref<128x128xf32, #tpu.memory_space<vmem>>) target(%dma_start3A_92 : memref<10240x128xf32, #tpu.memory_space<vmem_shared>>) offsets(%dma_start3A_89 : memref<128xi32, #tpu.memory_space<vmem>>) semaphore(%run_scoped3A : memref<!tpu.dma_semaphore, #tpu.memory_space<semaphore_mem>>) {add = true}
          %dma_wait3A_93 = arith.constant 0 : i32
          %dma_wait3A_94 = tpu.memref_slice %arg9[%add3A_63, %dma_wait3A_93] : memref<40x128xi32, #tpu.memory_space<vmem>> -> memref<1x128xi32, #tpu.memory_space<vmem>>
          %dma_wait3A_95 = tpu.memref_squeeze %dma_wait3A_94 : memref<1x128xi32, #tpu.memory_space<vmem>> -> memref<128xi32, #tpu.memory_space<vmem>>
          %dma_wait3A_96 = arith.constant 0 : i32
          %dma_wait3A_97 = arith.constant 0 : i32
          %dma_wait3A_98 = tpu.memref_slice %arg12[%dma_wait3A_96, %dma_wait3A_97] : memref<10240x128xf32, #tpu.memory_space<vmem_shared>> -> memref<10240x128xf32, #tpu.memory_space<vmem_shared>>
          tpu.wait_indirect_dma semaphore(%run_scoped3A : memref<!tpu.dma_semaphore, #tpu.memory_space<semaphore_mem>>) src(%arg11 : memref<128x128xf32, #tpu.memory_space<vmem>>) dst(%dma_wait3A_98 : memref<10240x128xf32, #tpu.memory_space<vmem_shared>>)
          tpu.yield
        }) : () -> ()
      }
      %scan3A_58 = arith.constant 20 : i32
    } else {
    }
    %barrier3A_23 = arith.constant 0 : index
    tpu.barrier barrier_id(%barrier3A_23)
    %eq3A_24 = arith.constant 0 : i32
    %eq3A_25 = arith.cmpi eq, %arg0, %eq3A_24 : i32
    %convert_element_type3A_26 = arith.extui %eq3A_25 : i1 to i32
    %cond3A_27 = arith.constant 0 : i32
    %cond3A_28 = arith.cmpi ne, %convert_element_type3A_26, %cond3A_27 : i32
    scf.if %cond3A_28 {
      "tpu.region"() ({
        %run_scoped3A = tpu.sem_alloc : memref<!tpu.dma_semaphore, #tpu.memory_space<semaphore_mem>>
        %dma_start3A = arith.constant 0 : i32
        %dma_start3A_34 = tpu.memref_slice %arg6[%mul3A_0, %dma_start3A] : memref<10240x128xf32, #tpu.memory_space<hbm>> -> memref<640x128xf32, #tpu.memory_space<hbm>>
        %dma_start3A_35 = arith.constant 0 : i32
        %dma_start3A_36 = tpu.memref_slice %arg12[%mul3A_0, %dma_start3A_35] : memref<10240x128xf32, #tpu.memory_space<vmem_shared>> -> memref<640x128xf32, #tpu.memory_space<vmem_shared>>
        tpu.enqueue_dma source(%dma_start3A_36 : memref<640x128xf32, #tpu.memory_space<vmem_shared>>) target(%dma_start3A_34 : memref<640x128xf32, #tpu.memory_space<hbm>>) target_semaphore(%run_scoped3A : memref<!tpu.dma_semaphore, #tpu.memory_space<semaphore_mem>>)
        %dma_wait3A = arith.constant 0 : i32
        %dma_wait3A_37 = tpu.memref_slice %arg6[%mul3A_0, %dma_wait3A] : memref<10240x128xf32, #tpu.memory_space<hbm>> -> memref<640x128xf32, #tpu.memory_space<hbm>>
        %dma_wait3A_38 = arith.constant 0 : i32
        %dma_wait3A_39 = tpu.memref_slice %arg12[%mul3A_0, %dma_wait3A_38] : memref<10240x128xf32, #tpu.memory_space<vmem_shared>> -> memref<640x128xf32, #tpu.memory_space<vmem_shared>>
        tpu.wait_dma2 semaphore(%run_scoped3A : memref<!tpu.dma_semaphore, #tpu.memory_space<semaphore_mem>>) src(%dma_wait3A_39 : memref<640x128xf32, #tpu.memory_space<vmem_shared>>) dst(%dma_wait3A_37 : memref<640x128xf32, #tpu.memory_space<hbm>>)
        tpu.yield
      }) : () -> ()
    } else {
    }
    %eq3A_29 = arith.constant 1 : i32
    %eq3A_30 = arith.cmpi eq, %arg0, %eq3A_29 : i32
    %convert_element_type3A_31 = arith.extui %eq3A_30 : i1 to i32
    %cond3A_32 = arith.constant 0 : i32
    %cond3A_33 = arith.cmpi ne, %convert_element_type3A_31, %cond3A_32 : i32
    scf.if %cond3A_33 {
      "tpu.region"() ({
        %run_scoped3A = tpu.sem_alloc : memref<!tpu.dma_semaphore, #tpu.memory_space<semaphore_mem>>
        %dma_start3A = arith.constant 0 : i32
        %dma_start3A_34 = tpu.memref_slice %arg7[%mul3A_0, %dma_start3A] : memref<10240x128xf32, #tpu.memory_space<hbm>> -> memref<640x128xf32, #tpu.memory_space<hbm>>
        %dma_start3A_35 = arith.constant 0 : i32
        %dma_start3A_36 = tpu.memref_slice %arg12[%mul3A_0, %dma_start3A_35] : memref<10240x128xf32, #tpu.memory_space<vmem_shared>> -> memref<640x128xf32, #tpu.memory_space<vmem_shared>>
        tpu.enqueue_dma source(%dma_start3A_36 : memref<640x128xf32, #tpu.memory_space<vmem_shared>>) target(%dma_start3A_34 : memref<640x128xf32, #tpu.memory_space<hbm>>) target_semaphore(%run_scoped3A : memref<!tpu.dma_semaphore, #tpu.memory_space<semaphore_mem>>)
        %dma_wait3A = arith.constant 0 : i32
        %dma_wait3A_37 = tpu.memref_slice %arg7[%mul3A_0, %dma_wait3A] : memref<10240x128xf32, #tpu.memory_space<hbm>> -> memref<640x128xf32, #tpu.memory_space<hbm>>
        %dma_wait3A_38 = arith.constant 0 : i32
        %dma_wait3A_39 = tpu.memref_slice %arg12[%mul3A_0, %dma_wait3A_38] : memref<10240x128xf32, #tpu.memory_space<vmem_shared>> -> memref<640x128xf32, #tpu.memory_space<vmem_shared>>
        tpu.wait_dma2 semaphore(%run_scoped3A : memref<!tpu.dma_semaphore, #tpu.memory_space<semaphore_mem>>) src(%dma_wait3A_39 : memref<640x128xf32, #tpu.memory_space<vmem_shared>>) dst(%dma_wait3A_37 : memref<640x128xf32, #tpu.memory_space<hbm>>)
        tpu.yield
      }) : () -> ()
    } else {
    }
    return
  }
}

module attributes {stable_mosaic.version = 14 : i64} {
  func.func @body(%arg0: i32, %arg1: memref<1024x128xf32, #tpu.memory_space<vmem>>, %arg2: memref<1024x128xf32, #tpu.memory_space<vmem>>, %arg3: memref<1024x128xf32, #tpu.memory_space<vmem>>, %arg4: memref<1024x128xf32, #tpu.memory_space<vmem>>, %arg5: memref<1024x256xf32, #tpu.memory_space<vmem>>, %arg6: memref<128x256xf32, #tpu.memory_space<vmem>>, %arg7: memref<128x256xf32, #tpu.memory_space<vmem>>, %arg8: memref<1x256xf32, #tpu.memory_space<vmem>>, %arg9: memref<1024x128xf32, #tpu.memory_space<vmem>>, %arg10: memref<1024x128xf32, #tpu.memory_space<vmem>>, %arg11: memref<1024x128xf32, #tpu.memory_space<vmem>>, %arg12: memref<1024x128xf32, #tpu.memory_space<vmem>>) attributes {dimension_semantics = [#tpu.dimension_semantics<arbitrary>], iteration_bounds = array<i64: 10>, scalar_prefetch = 0 : i64, scratch_operands = 0 : i64, tpu.core_type = #tpu.core_type<tc>, window_params = [{transform_indices = @transform_0, window_bounds = array<i64: 1024, 128>}, {transform_indices = @transform_1, window_bounds = array<i64: 1024, 128>}, {transform_indices = @transform_2, window_bounds = array<i64: 1024, 128>}, {transform_indices = @transform_3, window_bounds = array<i64: 1024, 128>}, {transform_indices = @transform_4, window_bounds = array<i64: 1024, 256>}, {pipeline_mode = #tpu.pipeline_mode<synchronous>, transform_indices = @transform_5, window_bounds = array<i64: 128, 256>}, {pipeline_mode = #tpu.pipeline_mode<synchronous>, transform_indices = @transform_6, window_bounds = array<i64: 128, 256>}, {pipeline_mode = #tpu.pipeline_mode<synchronous>, transform_indices = @transform_7, window_bounds = array<i64: 1, 256>}, {transform_indices = @transform_8, window_bounds = array<i64: 1024, 128>}, {transform_indices = @transform_9, window_bounds = array<i64: 1024, 128>}, {transform_indices = @transform_10, window_bounds = array<i64: 1024, 128>}, {transform_indices = @transform_11, window_bounds = array<i64: 1024, 128>}]} {
    %get3A = arith.constant 0 : index
    %get3A_0 = arith.constant 0 : index
    %get3A_1 = vector.load %arg3[%get3A, %get3A_0] : memref<1024x128xf32, #tpu.memory_space<vmem>>, vector<1024x1xf32>
    %max3A = arith.constant 1.000000e+00 : f32
    %max3A_2 = vector.broadcast %max3A : f32 to vector<1024x1xf32>
    %max3A_3 = arith.maximumf %get3A_1, %max3A_2 : vector<1024x1xf32>
    %get3A_4 = arith.constant 0 : index
    %get3A_5 = arith.constant 0 : index
    %get3A_6 = vector.load %arg1[%get3A_4, %get3A_5] : memref<1024x128xf32, #tpu.memory_space<vmem>>, vector<1024x128xf32>
    %get3A_7 = arith.constant 0 : index
    %get3A_8 = arith.constant 0 : index
    %get3A_9 = vector.load %arg2[%get3A_7, %get3A_8] : memref<1024x128xf32, #tpu.memory_space<vmem>>, vector<1024x128xf32>
    %add3A = arith.addf %get3A_6, %get3A_9 : vector<1024x128xf32>
    %div3A = vector.broadcast %max3A_3 : vector<1024x1xf32> to vector<1024x128xf32>
    %div3A_10 = arith.divf %add3A, %div3A : vector<1024x128xf32>
    %get3A_11 = arith.constant 0 : index
    %get3A_12 = arith.constant 0 : index
    %get3A_13 = vector.load %arg6[%get3A_11, %get3A_12] : memref<128x256xf32, #tpu.memory_space<vmem>>, vector<128x256xf32>
    %dot_general3A = arith.constant dense<0.000000e+00> : vector<1024x256xf32>
    %dot_general3A_14 = tpu.matmul %div3A_10, %get3A_13, %dot_general3A {dimension_numbers = #tpu.dot_dimension_numbers<[1], [0], [0], [1], [0, 0, 1, 1], [], []>, transpose_lhs_hint = false} : vector<1024x128xf32>, vector<128x256xf32>, vector<1024x256xf32> -> vector<1024x256xf32>
    %get3A_15 = arith.constant 0 : index
    %get3A_16 = arith.constant 0 : index
    %get3A_17 = vector.load %arg4[%get3A_15, %get3A_16] : memref<1024x128xf32, #tpu.memory_space<vmem>>, vector<1024x128xf32>
    %get3A_18 = arith.constant 0 : index
    %get3A_19 = arith.constant 0 : index
    %get3A_20 = vector.load %arg7[%get3A_18, %get3A_19] : memref<128x256xf32, #tpu.memory_space<vmem>>, vector<128x256xf32>
    %dot_general3A_21 = arith.constant dense<0.000000e+00> : vector<1024x256xf32>
    %dot_general3A_22 = tpu.matmul %get3A_17, %get3A_20, %dot_general3A_21 {dimension_numbers = #tpu.dot_dimension_numbers<[1], [0], [0], [1], [0, 0, 1, 1], [], []>, transpose_lhs_hint = false} : vector<1024x128xf32>, vector<128x256xf32>, vector<1024x256xf32> -> vector<1024x256xf32>
    %add3A_23 = arith.addf %dot_general3A_14, %dot_general3A_22 : vector<1024x256xf32>
    %get3A_24 = arith.constant 0 : index
    %get3A_25 = arith.constant 0 : index
    %get3A_26 = vector.load %arg8[%get3A_24, %get3A_25] : memref<1x256xf32, #tpu.memory_space<vmem>>, vector<1x256xf32>
    %add3A_27 = vector.broadcast %get3A_26 : vector<1x256xf32> to vector<1024x256xf32>
    %add3A_28 = arith.addf %add3A_23, %add3A_27 : vector<1024x256xf32>
    %max3A_29 = arith.constant 0.000000e+00 : f32
    %max3A_30 = vector.broadcast %max3A_29 : f32 to vector<1024x256xf32>
    %max3A_31 = arith.maximumf %add3A_28, %max3A_30 : vector<1024x256xf32>
    %add3A_32 = arith.constant 1.000000e+00 : f32
    %add3A_33 = vector.broadcast %add3A_32 : f32 to vector<1024x1xf32>
    %add3A_34 = arith.addf %get3A_1, %add3A_33 : vector<1024x1xf32>
    %rsqrt3A = math.rsqrt %add3A_34 : vector<1024x1xf32>
    %get3A_35 = arith.constant 0 : index
    %get3A_36 = arith.constant 0 : index
    %get3A_37 = vector.load %arg5[%get3A_35, %get3A_36] : memref<1024x256xf32, #tpu.memory_space<vmem>>, vector<1024x256xf32>
    %mul3A = vector.broadcast %rsqrt3A : vector<1024x1xf32> to vector<1024x256xf32>
    %mul3A_38 = arith.mulf %get3A_37, %mul3A : vector<1024x256xf32>
    %slice3A = vector.extract_strided_slice %max3A_31 {offsets = [0, 0], sizes = [1024, 128], strides = [1, 1]} : vector<1024x256xf32> to vector<1024x128xf32>
    %swap3A = arith.constant 0 : index
    %swap3A_39 = arith.constant 0 : index
    %swap3A_40 = vector.load %arg9[%swap3A, %swap3A_39] : memref<1024x128xf32, #tpu.memory_space<vmem>>, vector<1024x128xf32>
    tpu.vector_store %arg9[%swap3A, %swap3A_39], %slice3A {strides = array<i32>} : memref<1024x128xf32, #tpu.memory_space<vmem>>, vector<1024x128xf32>,
    %slice3A_41 = vector.extract_strided_slice %max3A_31 {offsets = [0, 128], sizes = [1024, 128], strides = [1, 1]} : vector<1024x256xf32> to vector<1024x128xf32>
    %swap3A_42 = arith.constant 0 : index
    %swap3A_43 = arith.constant 0 : index
    %swap3A_44 = vector.load %arg10[%swap3A_42, %swap3A_43] : memref<1024x128xf32, #tpu.memory_space<vmem>>, vector<1024x128xf32>
    tpu.vector_store %arg10[%swap3A_42, %swap3A_43], %slice3A_41 {strides = array<i32>} : memref<1024x128xf32, #tpu.memory_space<vmem>>, vector<1024x128xf32>,
    %slice3A_45 = vector.extract_strided_slice %mul3A_38 {offsets = [0, 0], sizes = [1024, 128], strides = [1, 1]} : vector<1024x256xf32> to vector<1024x128xf32>
    %swap3A_46 = arith.constant 0 : index
    %swap3A_47 = arith.constant 0 : index
    %swap3A_48 = vector.load %arg11[%swap3A_46, %swap3A_47] : memref<1024x128xf32, #tpu.memory_space<vmem>>, vector<1024x128xf32>
    tpu.vector_store %arg11[%swap3A_46, %swap3A_47], %slice3A_45 {strides = array<i32>} : memref<1024x128xf32, #tpu.memory_space<vmem>>, vector<1024x128xf32>,
    %slice3A_49 = vector.extract_strided_slice %mul3A_38 {offsets = [0, 128], sizes = [1024, 128], strides = [1, 1]} : vector<1024x256xf32> to vector<1024x128xf32>
    %swap3A_50 = arith.constant 0 : index
    %swap3A_51 = arith.constant 0 : index
    %swap3A_52 = vector.load %arg12[%swap3A_50, %swap3A_51] : memref<1024x128xf32, #tpu.memory_space<vmem>>, vector<1024x128xf32>
    tpu.vector_store %arg12[%swap3A_50, %swap3A_51], %slice3A_49 {strides = array<i32>} : memref<1024x128xf32, #tpu.memory_space<vmem>>, vector<1024x128xf32>,
    return
  }
  func.func @transform_0(%arg0: i32) -> (i32, i32) {
    %c0_i32 = arith.constant 0 : i32
    %c0_i32_0 = arith.constant 0 : i32
    return %arg0, %c0_i32 : i32, i32
  }
  func.func @transform_1(%arg0: i32) -> (i32, i32) {
    %c0_i32 = arith.constant 0 : i32
    %c0_i32_0 = arith.constant 0 : i32
    return %arg0, %c0_i32 : i32, i32
  }
  func.func @transform_2(%arg0: i32) -> (i32, i32) {
    %c0_i32 = arith.constant 0 : i32
    %c0_i32_0 = arith.constant 0 : i32
    return %arg0, %c0_i32 : i32, i32
  }
  func.func @transform_3(%arg0: i32) -> (i32, i32) {
    %c0_i32 = arith.constant 0 : i32
    %c0_i32_0 = arith.constant 0 : i32
    return %arg0, %c0_i32 : i32, i32
  }
  func.func @transform_4(%arg0: i32) -> (i32, i32) {
    %c0_i32 = arith.constant 0 : i32
    %c0_i32_0 = arith.constant 0 : i32
    return %arg0, %c0_i32 : i32, i32
  }
  func.func @transform_5(%arg0: i32) -> (i32, i32) {
    %c0_i32 = arith.constant 0 : i32
    %c0_i32_0 = arith.constant 0 : i32
    %c0_i32_1 = arith.constant 0 : i32
    return %c0_i32, %c0_i32_0 : i32, i32
  }
  func.func @transform_6(%arg0: i32) -> (i32, i32) {
    %c0_i32 = arith.constant 0 : i32
    %c0_i32_0 = arith.constant 0 : i32
    %c0_i32_1 = arith.constant 0 : i32
    return %c0_i32, %c0_i32_0 : i32, i32
  }
  func.func @transform_7(%arg0: i32) -> (i32, i32) {
    %c0_i32 = arith.constant 0 : i32
    %c0_i32_0 = arith.constant 0 : i32
    %c0_i32_1 = arith.constant 0 : i32
    return %c0_i32, %c0_i32_0 : i32, i32
  }
  func.func @transform_8(%arg0: i32) -> (i32, i32) {
    %c0_i32 = arith.constant 0 : i32
    %c0_i32_0 = arith.constant 0 : i32
    return %arg0, %c0_i32 : i32, i32
  }
  func.func @transform_9(%arg0: i32) -> (i32, i32) {
    %c0_i32 = arith.constant 0 : i32
    %c0_i32_0 = arith.constant 0 : i32
    return %arg0, %c0_i32 : i32, i32
  }
  func.func @transform_10(%arg0: i32) -> (i32, i32) {
    %c0_i32 = arith.constant 0 : i32
    %c0_i32_0 = arith.constant 0 : i32
    return %arg0, %c0_i32 : i32, i32
  }
  func.func @transform_11(%arg0: i32) -> (i32, i32) {
    %c0_i32 = arith.constant 0 : i32
    %c0_i32_0 = arith.constant 0 : i32
    return %arg0, %c0_i32 : i32, i32
  }
}

module attributes {stable_mosaic.version = 14 : i64} {
  func.func @body(%arg0: i32, %arg1: memref<1024x128xf32, #tpu.memory_space<vmem>>, %arg2: memref<1024x128xf32, #tpu.memory_space<vmem>>, %arg3: memref<1024x128xf32, #tpu.memory_space<vmem>>, %arg4: memref<1024x128xf32, #tpu.memory_space<vmem>>, %arg5: memref<1024x128xf32, #tpu.memory_space<vmem>>, %arg6: memref<1024x128xf32, #tpu.memory_space<vmem>>, %arg7: memref<1024x128xf32, #tpu.memory_space<vmem>>, %arg8: memref<1024x128xf32, #tpu.memory_space<vmem>>, %arg9: memref<1024x128xf32, #tpu.memory_space<vmem>>, %arg10: memref<1024x1xi32, #tpu.memory_space<vmem>>, %arg11: memref<256x256xf32, #tpu.memory_space<vmem>>, %arg12: memref<256x256xf32, #tpu.memory_space<vmem>>, %arg13: memref<1x256xf32, #tpu.memory_space<vmem>>, %arg14: memref<256x256xf32, #tpu.memory_space<vmem>>, %arg15: memref<1x256xf32, #tpu.memory_space<vmem>>, %arg16: memref<1024x128xf32, #tpu.memory_space<vmem>>, %arg17: memref<1024x128xf32, #tpu.memory_space<vmem>>, %arg18: memref<128x256xf32, #tpu.memory_space<vmem>>) attributes {dimension_semantics = [#tpu.dimension_semantics<arbitrary>], iteration_bounds = array<i64: 10>, scalar_prefetch = 0 : i64, scratch_operands = 0 : i64, tpu.core_type = #tpu.core_type<tc>, window_params = [{transform_indices = @transform_0, window_bounds = array<i64: 1024, 128>}, {transform_indices = @transform_1, window_bounds = array<i64: 1024, 128>}, {transform_indices = @transform_2, window_bounds = array<i64: 1024, 128>}, {transform_indices = @transform_3, window_bounds = array<i64: 1024, 128>}, {transform_indices = @transform_4, window_bounds = array<i64: 1024, 128>}, {transform_indices = @transform_5, window_bounds = array<i64: 1024, 128>}, {transform_indices = @transform_6, window_bounds = array<i64: 1024, 128>}, {transform_indices = @transform_7, window_bounds = array<i64: 1024, 128>}, {transform_indices = @transform_8, window_bounds = array<i64: 1024, 128>}, {transform_indices = @transform_9, window_bounds = array<i64: 1024, 1>}, {pipeline_mode = #tpu.pipeline_mode<synchronous>, transform_indices = @transform_10, window_bounds = array<i64: 256, 256>}, {pipeline_mode = #tpu.pipeline_mode<synchronous>, transform_indices = @transform_11, window_bounds = array<i64: 256, 256>}, {pipeline_mode = #tpu.pipeline_mode<synchronous>, transform_indices = @transform_12, window_bounds = array<i64: 1, 256>}, {pipeline_mode = #tpu.pipeline_mode<synchronous>, transform_indices = @transform_13, window_bounds = array<i64: 256, 256>}, {pipeline_mode = #tpu.pipeline_mode<synchronous>, transform_indices = @transform_14, window_bounds = array<i64: 1, 256>}, {transform_indices = @transform_15, window_bounds = array<i64: 1024, 128>}, {transform_indices = @transform_16, window_bounds = array<i64: 1024, 128>}, {pipeline_mode = #tpu.pipeline_mode<synchronous>, transform_indices = @transform_17, window_bounds = array<i64: 128, 256>}]} {
    %get3A = arith.constant 0 : index
    %get3A_0 = arith.constant 0 : index
    %get3A_1 = vector.load %arg9[%get3A, %get3A_0] : memref<1024x128xf32, #tpu.memory_space<vmem>>, vector<1024x1xf32>
    %max3A = arith.constant 1.000000e+00 : f32
    %max3A_2 = vector.broadcast %max3A : f32 to vector<1024x1xf32>
    %max3A_3 = arith.maximumf %get3A_1, %max3A_2 : vector<1024x1xf32>
    %add3A = arith.constant 1.000000e+00 : f32
    %add3A_4 = vector.broadcast %add3A : f32 to vector<1024x1xf32>
    %add3A_5 = arith.addf %get3A_1, %add3A_4 : vector<1024x1xf32>
    %rsqrt3A = math.rsqrt %add3A_5 : vector<1024x1xf32>
    %get3A_6 = arith.constant 0 : index
    %get3A_7 = arith.constant 0 : index
    %get3A_8 = vector.load %arg1[%get3A_6, %get3A_7] : memref<1024x128xf32, #tpu.memory_space<vmem>>, vector<1024x128xf32>
    %get3A_9 = arith.constant 0 : index
    %get3A_10 = arith.constant 0 : index
    %get3A_11 = vector.load %arg2[%get3A_9, %get3A_10] : memref<1024x128xf32, #tpu.memory_space<vmem>>, vector<1024x128xf32>
    %concatenate3A = tpu.concatenate %get3A_8, %get3A_11 in 1 : vector<1024x128xf32>, vector<1024x128xf32> -> vector<1024x256xf32>
    %get3A_12 = arith.constant 0 : index
    %get3A_13 = arith.constant 0 : index
    %get3A_14 = vector.load %arg5[%get3A_12, %get3A_13] : memref<1024x128xf32, #tpu.memory_space<vmem>>, vector<1024x128xf32>
    %get3A_15 = arith.constant 0 : index
    %get3A_16 = arith.constant 0 : index
    %get3A_17 = vector.load %arg6[%get3A_15, %get3A_16] : memref<1024x128xf32, #tpu.memory_space<vmem>>, vector<1024x128xf32>
    %concatenate3A_18 = tpu.concatenate %get3A_14, %get3A_17 in 1 : vector<1024x128xf32>, vector<1024x128xf32> -> vector<1024x256xf32>
    %div3A = vector.broadcast %max3A_3 : vector<1024x1xf32> to vector<1024x256xf32>
    %div3A_19 = arith.divf %concatenate3A, %div3A : vector<1024x256xf32>
    %get3A_20 = arith.constant 0 : index
    %get3A_21 = arith.constant 0 : index
    %get3A_22 = vector.load %arg11[%get3A_20, %get3A_21] : memref<256x256xf32, #tpu.memory_space<vmem>>, vector<256x256xf32>
    %dot_general3A = arith.constant dense<0.000000e+00> : vector<1024x256xf32>
    %dot_general3A_23 = tpu.matmul %div3A_19, %get3A_22, %dot_general3A {dimension_numbers = #tpu.dot_dimension_numbers<[1], [0], [0], [1], [0, 0, 1, 1], [], []>, transpose_lhs_hint = false} : vector<1024x256xf32>, vector<256x256xf32>, vector<1024x256xf32> -> vector<1024x256xf32>
    %get3A_24 = arith.constant 0 : index
    %get3A_25 = arith.constant 0 : index
    %get3A_26 = vector.load %arg12[%get3A_24, %get3A_25] : memref<256x256xf32, #tpu.memory_space<vmem>>, vector<256x256xf32>
    %dot_general3A_27 = arith.constant dense<0.000000e+00> : vector<1024x256xf32>
    %dot_general3A_28 = tpu.matmul %concatenate3A_18, %get3A_26, %dot_general3A_27 {dimension_numbers = #tpu.dot_dimension_numbers<[1], [0], [0], [1], [0, 0, 1, 1], [], []>, transpose_lhs_hint = false} : vector<1024x256xf32>, vector<256x256xf32>, vector<1024x256xf32> -> vector<1024x256xf32>
    %add3A_29 = arith.addf %dot_general3A_23, %dot_general3A_28 : vector<1024x256xf32>
    %get3A_30 = arith.constant 0 : index
    %get3A_31 = arith.constant 0 : index
    %get3A_32 = vector.load %arg13[%get3A_30, %get3A_31] : memref<1x256xf32, #tpu.memory_space<vmem>>, vector<1x256xf32>
    %add3A_33 = vector.broadcast %get3A_32 : vector<1x256xf32> to vector<1024x256xf32>
    %add3A_34 = arith.addf %add3A_29, %add3A_33 : vector<1024x256xf32>
    %get3A_35 = arith.constant 0 : index
    %get3A_36 = arith.constant 0 : index
    %get3A_37 = vector.load %arg3[%get3A_35, %get3A_36] : memref<1024x128xf32, #tpu.memory_space<vmem>>, vector<1024x128xf32>
    %get3A_38 = arith.constant 0 : index
    %get3A_39 = arith.constant 0 : index
    %get3A_40 = vector.load %arg7[%get3A_38, %get3A_39] : memref<1024x128xf32, #tpu.memory_space<vmem>>, vector<1024x128xf32>
    %add3A_41 = arith.addf %get3A_37, %get3A_40 : vector<1024x128xf32>
    %get3A_42 = arith.constant 0 : index
    %get3A_43 = arith.constant 0 : index
    %get3A_44 = vector.load %arg4[%get3A_42, %get3A_43] : memref<1024x128xf32, #tpu.memory_space<vmem>>, vector<1024x128xf32>
    %get3A_45 = arith.constant 0 : index
    %get3A_46 = arith.constant 0 : index
    %get3A_47 = vector.load %arg8[%get3A_45, %get3A_46] : memref<1024x128xf32, #tpu.memory_space<vmem>>, vector<1024x128xf32>
    %add3A_48 = arith.addf %get3A_44, %get3A_47 : vector<1024x128xf32>
    %concatenate3A_49 = tpu.concatenate %add3A_41, %add3A_48 in 1 : vector<1024x128xf32>, vector<1024x128xf32> -> vector<1024x256xf32>
    %mul3A = vector.broadcast %rsqrt3A : vector<1024x1xf32> to vector<1024x256xf32>
    %mul3A_50 = arith.mulf %mul3A, %concatenate3A_49 : vector<1024x256xf32>
    %get3A_51 = arith.constant 0 : index
    %get3A_52 = arith.constant 0 : index
    %get3A_53 = vector.load %arg14[%get3A_51, %get3A_52] : memref<256x256xf32, #tpu.memory_space<vmem>>, vector<256x256xf32>
    %dot_general3A_54 = arith.constant dense<0.000000e+00> : vector<1024x256xf32>
    %dot_general3A_55 = tpu.matmul %mul3A_50, %get3A_53, %dot_general3A_54 {dimension_numbers = #tpu.dot_dimension_numbers<[1], [0], [0], [1], [0, 0, 1, 1], [], []>, transpose_lhs_hint = false} : vector<1024x256xf32>, vector<256x256xf32>, vector<1024x256xf32> -> vector<1024x256xf32>
    %get3A_56 = arith.constant 0 : index
    %get3A_57 = arith.constant 0 : index
    %get3A_58 = vector.load %arg15[%get3A_56, %get3A_57] : memref<1x256xf32, #tpu.memory_space<vmem>>, vector<1x256xf32>
    %add3A_59 = vector.broadcast %get3A_58 : vector<1x256xf32> to vector<1024x256xf32>
    %add3A_60 = arith.addf %dot_general3A_55, %add3A_59 : vector<1024x256xf32>
    %max3A_61 = arith.constant 0.000000e+00 : f32
    %max3A_62 = vector.broadcast %max3A_61 : f32 to vector<1024x256xf32>
    %max3A_63 = arith.maximumf %add3A_60, %max3A_62 : vector<1024x256xf32>
    %mul3A_64 = vector.broadcast %rsqrt3A : vector<1024x1xf32> to vector<1024x256xf32>
    %mul3A_65 = arith.mulf %max3A_63, %mul3A_64 : vector<1024x256xf32>
    %slice3A = vector.extract_strided_slice %mul3A_65 {offsets = [0, 0], sizes = [1024, 128], strides = [1, 1]} : vector<1024x256xf32> to vector<1024x128xf32>
    %swap3A = arith.constant 0 : index
    %swap3A_66 = arith.constant 0 : index
    %swap3A_67 = vector.load %arg16[%swap3A, %swap3A_66] : memref<1024x128xf32, #tpu.memory_space<vmem>>, vector<1024x128xf32>
    tpu.vector_store %arg16[%swap3A, %swap3A_66], %slice3A {strides = array<i32>} : memref<1024x128xf32, #tpu.memory_space<vmem>>, vector<1024x128xf32>,
    %slice3A_68 = vector.extract_strided_slice %mul3A_65 {offsets = [0, 128], sizes = [1024, 128], strides = [1, 1]} : vector<1024x256xf32> to vector<1024x128xf32>
    %swap3A_69 = arith.constant 0 : index
    %swap3A_70 = arith.constant 0 : index
    %swap3A_71 = vector.load %arg17[%swap3A_69, %swap3A_70] : memref<1024x128xf32, #tpu.memory_space<vmem>>, vector<1024x128xf32>
    tpu.vector_store %arg17[%swap3A_69, %swap3A_70], %slice3A_68 {strides = array<i32>} : memref<1024x128xf32, #tpu.memory_space<vmem>>, vector<1024x128xf32>,
    %get3A_72 = arith.constant 0 : index
    %get3A_73 = arith.constant 0 : index
    %get3A_74 = vector.load %arg10[%get3A_72, %get3A_73] : memref<1024x1xi32, #tpu.memory_space<vmem>>, vector<1024x1xi32>
    %iota3A = tpu.iota {dimensions = array<i32: 1>} : vector<1024x128xi32>
    %eq3A = vector.broadcast %get3A_74 : vector<1024x1xi32> to vector<1024x128xi32>
    %eq3A_75 = arith.cmpi eq, %eq3A, %iota3A : vector<1024x128xi32>
    %convert_element_type3A = arith.extui %eq3A_75 : vector<1024x128xi1> to vector<1024x128xi32>
    %convert_element_type3A_76 = arith.sitofp %convert_element_type3A : vector<1024x128xi32> to vector<1024x128xf32>
    %dot_general3A_77 = arith.constant dense<0.000000e+00> : vector<128x256xf32>
    %dot_general3A_78 = tpu.matmul %convert_element_type3A_76, %add3A_34, %dot_general3A_77 {dimension_numbers = #tpu.dot_dimension_numbers<[0], [0], [1], [1], [0, 1, 1, 1], [], []>, transpose_lhs_hint = false} : vector<1024x128xf32>, vector<1024x256xf32>, vector<128x256xf32> -> vector<128x256xf32>
    %eq3A_79 = arith.constant 0 : i32
    %eq3A_80 = arith.cmpi eq, %arg0, %eq3A_79 : i32
    %convert_element_type3A_81 = arith.extui %eq3A_80 : i1 to i32
    %cond3A = arith.constant 0 : i32
    %cond3A_82 = arith.cmpi ne, %convert_element_type3A_81, %cond3A : i32
    scf.if %cond3A_82 {
      %broadcast_in_dim3A = arith.constant 0.000000e+00 : f32
      %broadcast_in_dim3A_90 = vector.broadcast %broadcast_in_dim3A : f32 to vector<128x256xf32>
      %swap3A_91 = arith.constant 0 : index
      %swap3A_92 = arith.constant 0 : index
      %swap3A_93 = vector.load %arg18[%swap3A_91, %swap3A_92] : memref<128x256xf32, #tpu.memory_space<vmem>>, vector<128x256xf32>
      tpu.vector_store %arg18[%swap3A_91, %swap3A_92], %broadcast_in_dim3A_90 {strides = array<i32>} : memref<128x256xf32, #tpu.memory_space<vmem>>, vector<128x256xf32>,
    } else {
    }
    %get3A_83 = arith.constant 0 : index
    %get3A_84 = arith.constant 0 : index
    %get3A_85 = vector.load %arg18[%get3A_83, %get3A_84] : memref<128x256xf32, #tpu.memory_space<vmem>>, vector<128x256xf32>
    %add3A_86 = arith.addf %get3A_85, %dot_general3A_78 : vector<128x256xf32>
    %swap3A_87 = arith.constant 0 : index
    %swap3A_88 = arith.constant 0 : index
    %swap3A_89 = vector.load %arg18[%swap3A_87, %swap3A_88] : memref<128x256xf32, #tpu.memory_space<vmem>>, vector<128x256xf32>
    tpu.vector_store %arg18[%swap3A_87, %swap3A_88], %add3A_86 {strides = array<i32>} : memref<128x256xf32, #tpu.memory_space<vmem>>, vector<128x256xf32>,
    return
  }
  func.func @transform_0(%arg0: i32) -> (i32, i32) {
    %c0_i32 = arith.constant 0 : i32
    %c0_i32_0 = arith.constant 0 : i32
    return %arg0, %c0_i32 : i32, i32
  }
  func.func @transform_1(%arg0: i32) -> (i32, i32) {
    %c0_i32 = arith.constant 0 : i32
    %c0_i32_0 = arith.constant 0 : i32
    return %arg0, %c0_i32 : i32, i32
  }
  func.func @transform_2(%arg0: i32) -> (i32, i32) {
    %c0_i32 = arith.constant 0 : i32
    %c0_i32_0 = arith.constant 0 : i32
    return %arg0, %c0_i32 : i32, i32
  }
  func.func @transform_3(%arg0: i32) -> (i32, i32) {
    %c0_i32 = arith.constant 0 : i32
    %c0_i32_0 = arith.constant 0 : i32
    return %arg0, %c0_i32 : i32, i32
  }
  func.func @transform_4(%arg0: i32) -> (i32, i32) {
    %c0_i32 = arith.constant 0 : i32
    %c0_i32_0 = arith.constant 0 : i32
    return %arg0, %c0_i32 : i32, i32
  }
  func.func @transform_5(%arg0: i32) -> (i32, i32) {
    %c0_i32 = arith.constant 0 : i32
    %c0_i32_0 = arith.constant 0 : i32
    return %arg0, %c0_i32 : i32, i32
  }
  func.func @transform_6(%arg0: i32) -> (i32, i32) {
    %c0_i32 = arith.constant 0 : i32
    %c0_i32_0 = arith.constant 0 : i32
    return %arg0, %c0_i32 : i32, i32
  }
  func.func @transform_7(%arg0: i32) -> (i32, i32) {
    %c0_i32 = arith.constant 0 : i32
    %c0_i32_0 = arith.constant 0 : i32
    return %arg0, %c0_i32 : i32, i32
  }
  func.func @transform_8(%arg0: i32) -> (i32, i32) {
    %c0_i32 = arith.constant 0 : i32
    %c0_i32_0 = arith.constant 0 : i32
    return %arg0, %c0_i32 : i32, i32
  }
  func.func @transform_9(%arg0: i32) -> (i32, i32) {
    %c0_i32 = arith.constant 0 : i32
    %c0_i32_0 = arith.constant 0 : i32
    return %arg0, %c0_i32 : i32, i32
  }
  func.func @transform_10(%arg0: i32) -> (i32, i32) {
    %c0_i32 = arith.constant 0 : i32
    %c0_i32_0 = arith.constant 0 : i32
    %c0_i32_1 = arith.constant 0 : i32
    return %c0_i32, %c0_i32_0 : i32, i32
  }
  func.func @transform_11(%arg0: i32) -> (i32, i32) {
    %c0_i32 = arith.constant 0 : i32
    %c0_i32_0 = arith.constant 0 : i32
    %c0_i32_1 = arith.constant 0 : i32
    return %c0_i32, %c0_i32_0 : i32, i32
  }
  func.func @transform_12(%arg0: i32) -> (i32, i32) {
    %c0_i32 = arith.constant 0 : i32
    %c0_i32_0 = arith.constant 0 : i32
    %c0_i32_1 = arith.constant 0 : i32
    return %c0_i32, %c0_i32_0 : i32, i32
  }
  func.func @transform_13(%arg0: i32) -> (i32, i32) {
    %c0_i32 = arith.constant 0 : i32
    %c0_i32_0 = arith.constant 0 : i32
    %c0_i32_1 = arith.constant 0 : i32
    return %c0_i32, %c0_i32_0 : i32, i32
  }
  func.func @transform_14(%arg0: i32) -> (i32, i32) {
    %c0_i32 = arith.constant 0 : i32
    %c0_i32_0 = arith.constant 0 : i32
    %c0_i32_1 = arith.constant 0 : i32
    return %c0_i32, %c0_i32_0 : i32, i32
  }
  func.func @transform_15(%arg0: i32) -> (i32, i32) {
    %c0_i32 = arith.constant 0 : i32
    %c0_i32_0 = arith.constant 0 : i32
    return %arg0, %c0_i32 : i32, i32
  }
  func.func @transform_16(%arg0: i32) -> (i32, i32) {
    %c0_i32 = arith.constant 0 : i32
    %c0_i32_0 = arith.constant 0 : i32
    return %arg0, %c0_i32 : i32, i32
  }
  func.func @transform_17(%arg0: i32) -> (i32, i32) {
    %c0_i32 = arith.constant 0 : i32
    %c0_i32_0 = arith.constant 0 : i32
    %c0_i32_1 = arith.constant 0 : i32
    return %c0_i32, %c0_i32_0 : i32, i32
  }
}

module attributes {stable_mosaic.version = 14 : i64} {
  func.func @body(%arg0: i32, %arg1: memref<1024x128xf32, #tpu.memory_space<vmem>>, %arg2: memref<1024x128xf32, #tpu.memory_space<vmem>>, %arg3: memref<1024x128xf32, #tpu.memory_space<vmem>>, %arg4: memref<1024x128xf32, #tpu.memory_space<vmem>>, %arg5: memref<1024x128xf32, #tpu.memory_space<vmem>>, %arg6: memref<1024x1xi32, #tpu.memory_space<vmem>>, %arg7: memref<256x256xf32, #tpu.memory_space<vmem>>, %arg8: memref<1x256xf32, #tpu.memory_space<vmem>>, %arg9: memref<128x256xf32, #tpu.memory_space<vmem>>, %arg10: memref<256x32xf32, #tpu.memory_space<vmem>>, %arg11: memref<1x32xf32, #tpu.memory_space<vmem>>, %arg12: memref<256x32xf32, #tpu.memory_space<vmem>>, %arg13: memref<1x32xf32, #tpu.memory_space<vmem>>, %arg14: memref<32x1xf32, #tpu.memory_space<vmem>>, %arg15: memref<1x1xf32, #tpu.memory_space<vmem>>, %arg16: memref<256x32xf32, #tpu.memory_space<vmem>>, %arg17: memref<1x32xf32, #tpu.memory_space<vmem>>, %arg18: memref<32x10xf32, #tpu.memory_space<vmem>>, %arg19: memref<1x10xf32, #tpu.memory_space<vmem>>, %arg20: memref<128x10xf32, #tpu.memory_space<vmem>>, %arg21: memref<128x256xf32, #tpu.memory_space<vmem>>) attributes {dimension_semantics = [#tpu.dimension_semantics<arbitrary>], iteration_bounds = array<i64: 11>, scalar_prefetch = 0 : i64, scratch_operands = 1 : i64, tpu.core_type = #tpu.core_type<tc>, window_params = [{transform_indices = @transform_0, window_bounds = array<i64: 1024, 128>}, {transform_indices = @transform_1, window_bounds = array<i64: 1024, 128>}, {transform_indices = @transform_2, window_bounds = array<i64: 1024, 128>}, {transform_indices = @transform_3, window_bounds = array<i64: 1024, 128>}, {transform_indices = @transform_4, window_bounds = array<i64: 1024, 128>}, {transform_indices = @transform_5, window_bounds = array<i64: 1024, 1>}, {pipeline_mode = #tpu.pipeline_mode<synchronous>, transform_indices = @transform_6, window_bounds = array<i64: 256, 256>}, {pipeline_mode = #tpu.pipeline_mode<synchronous>, transform_indices = @transform_7, window_bounds = array<i64: 1, 256>}, {pipeline_mode = #tpu.pipeline_mode<synchronous>, transform_indices = @transform_8, window_bounds = array<i64: 128, 256>}, {pipeline_mode = #tpu.pipeline_mode<synchronous>, transform_indices = @transform_9, window_bounds = array<i64: 256, 32>}, {pipeline_mode = #tpu.pipeline_mode<synchronous>, transform_indices = @transform_10, window_bounds = array<i64: 1, 32>}, {pipeline_mode = #tpu.pipeline_mode<synchronous>, transform_indices = @transform_11, window_bounds = array<i64: 256, 32>}, {pipeline_mode = #tpu.pipeline_mode<synchronous>, transform_indices = @transform_12, window_bounds = array<i64: 1, 32>}, {pipeline_mode = #tpu.pipeline_mode<synchronous>, transform_indices = @transform_13, window_bounds = array<i64: 32, 1>}, {pipeline_mode = #tpu.pipeline_mode<synchronous>, transform_indices = @transform_14, window_bounds = array<i64: 1, 1>}, {pipeline_mode = #tpu.pipeline_mode<synchronous>, transform_indices = @transform_15, window_bounds = array<i64: 256, 32>}, {pipeline_mode = #tpu.pipeline_mode<synchronous>, transform_indices = @transform_16, window_bounds = array<i64: 1, 32>}, {pipeline_mode = #tpu.pipeline_mode<synchronous>, transform_indices = @transform_17, window_bounds = array<i64: 32, 10>}, {pipeline_mode = #tpu.pipeline_mode<synchronous>, transform_indices = @transform_18, window_bounds = array<i64: 1, 10>}, {pipeline_mode = #tpu.pipeline_mode<synchronous>, transform_indices = @transform_19, window_bounds = array<i64: 128, 10>}]} {
    %eq3A = arith.constant 0 : i32
    %eq3A_0 = arith.cmpi eq, %arg0, %eq3A : i32
    %convert_element_type3A = arith.extui %eq3A_0 : i1 to i32
    %cond3A = arith.constant 0 : i32
    %cond3A_1 = arith.cmpi ne, %convert_element_type3A, %cond3A : i32
    scf.if %cond3A_1 {
      %broadcast_in_dim3A = arith.constant 0.000000e+00 : f32
      %broadcast_in_dim3A_11 = vector.broadcast %broadcast_in_dim3A : f32 to vector<128x256xf32>
      %swap3A = arith.constant 0 : index
      %swap3A_12 = arith.constant 0 : index
      %swap3A_13 = vector.load %arg21[%swap3A, %swap3A_12] : memref<128x256xf32, #tpu.memory_space<vmem>>, vector<128x256xf32>
      tpu.vector_store %arg21[%swap3A, %swap3A_12], %broadcast_in_dim3A_11 {strides = array<i32>} : memref<128x256xf32, #tpu.memory_space<vmem>>, vector<128x256xf32>,
    } else {
    }
    %lt3A = arith.constant 10 : i32
    %lt3A_2 = arith.cmpi slt, %arg0, %lt3A : i32
    %convert_element_type3A_3 = arith.extui %lt3A_2 : i1 to i32
    %cond3A_4 = arith.constant 0 : i32
    %cond3A_5 = arith.cmpi ne, %convert_element_type3A_3, %cond3A_4 : i32
    scf.if %cond3A_5 {
      %get3A = arith.constant 0 : index
      %get3A_11 = arith.constant 0 : index
      %get3A_12 = vector.load %arg5[%get3A, %get3A_11] : memref<1024x128xf32, #tpu.memory_space<vmem>>, vector<1024x1xf32>
      %add3A = arith.constant 1.000000e+00 : f32
      %add3A_13 = vector.broadcast %add3A : f32 to vector<1024x1xf32>
      %add3A_14 = arith.addf %get3A_12, %add3A_13 : vector<1024x1xf32>
      %rsqrt3A = math.rsqrt %add3A_14 : vector<1024x1xf32>
      %get3A_15 = arith.constant 0 : index
      %get3A_16 = arith.constant 0 : index
      %get3A_17 = vector.load %arg1[%get3A_15, %get3A_16] : memref<1024x128xf32, #tpu.memory_space<vmem>>, vector<1024x128xf32>
      %get3A_18 = arith.constant 0 : index
      %get3A_19 = arith.constant 0 : index
      %get3A_20 = vector.load %arg3[%get3A_18, %get3A_19] : memref<1024x128xf32, #tpu.memory_space<vmem>>, vector<1024x128xf32>
      %add3A_21 = arith.addf %get3A_17, %get3A_20 : vector<1024x128xf32>
      %get3A_22 = arith.constant 0 : index
      %get3A_23 = arith.constant 0 : index
      %get3A_24 = vector.load %arg2[%get3A_22, %get3A_23] : memref<1024x128xf32, #tpu.memory_space<vmem>>, vector<1024x128xf32>
      %get3A_25 = arith.constant 0 : index
      %get3A_26 = arith.constant 0 : index
      %get3A_27 = vector.load %arg4[%get3A_25, %get3A_26] : memref<1024x128xf32, #tpu.memory_space<vmem>>, vector<1024x128xf32>
      %add3A_28 = arith.addf %get3A_24, %get3A_27 : vector<1024x128xf32>
      %concatenate3A = tpu.concatenate %add3A_21, %add3A_28 in 1 : vector<1024x128xf32>, vector<1024x128xf32> -> vector<1024x256xf32>
      %mul3A = vector.broadcast %rsqrt3A : vector<1024x1xf32> to vector<1024x256xf32>
      %mul3A_29 = arith.mulf %mul3A, %concatenate3A : vector<1024x256xf32>
      %get3A_30 = arith.constant 0 : index
      %get3A_31 = arith.constant 0 : index
      %get3A_32 = vector.load %arg7[%get3A_30, %get3A_31] : memref<256x256xf32, #tpu.memory_space<vmem>>, vector<256x256xf32>
      %dot_general3A = arith.constant dense<0.000000e+00> : vector<1024x256xf32>
      %dot_general3A_33 = tpu.matmul %mul3A_29, %get3A_32, %dot_general3A {dimension_numbers = #tpu.dot_dimension_numbers<[1], [0], [0], [1], [0, 0, 1, 1], [], []>, transpose_lhs_hint = false} : vector<1024x256xf32>, vector<256x256xf32>, vector<1024x256xf32> -> vector<1024x256xf32>
      %get3A_34 = arith.constant 0 : index
      %get3A_35 = arith.constant 0 : index
      %get3A_36 = vector.load %arg8[%get3A_34, %get3A_35] : memref<1x256xf32, #tpu.memory_space<vmem>>, vector<1x256xf32>
      %add3A_37 = vector.broadcast %get3A_36 : vector<1x256xf32> to vector<1024x256xf32>
      %add3A_38 = arith.addf %dot_general3A_33, %add3A_37 : vector<1024x256xf32>
      %get3A_39 = arith.constant 0 : index
      %get3A_40 = arith.constant 0 : index
      %get3A_41 = vector.load %arg6[%get3A_39, %get3A_40] : memref<1024x1xi32, #tpu.memory_space<vmem>>, vector<1024x1xi32>
      %iota3A = tpu.iota {dimensions = array<i32: 1>} : vector<1024x128xi32>
      %eq3A_42 = vector.broadcast %get3A_41 : vector<1024x1xi32> to vector<1024x128xi32>
      %eq3A_43 = arith.cmpi eq, %eq3A_42, %iota3A : vector<1024x128xi32>
      %get3A_44 = arith.constant 0 : index
      %get3A_45 = arith.constant 0 : index
      %get3A_46 = vector.load %arg21[%get3A_44, %get3A_45] : memref<128x256xf32, #tpu.memory_space<vmem>>, vector<128x256xf32>
      %convert_element_type3A_47 = arith.extui %eq3A_43 : vector<1024x128xi1> to vector<1024x128xi32>
      %convert_element_type3A_48 = arith.sitofp %convert_element_type3A_47 : vector<1024x128xi32> to vector<1024x128xf32>
      %dot_general3A_49 = arith.constant dense<0.000000e+00> : vector<128x256xf32>
      %dot_general3A_50 = tpu.matmul %convert_element_type3A_48, %add3A_38, %dot_general3A_49 {dimension_numbers = #tpu.dot_dimension_numbers<[0], [0], [1], [1], [0, 1, 1, 1], [], []>, transpose_lhs_hint = false} : vector<1024x128xf32>, vector<1024x256xf32>, vector<128x256xf32> -> vector<128x256xf32>
      %add3A_51 = arith.addf %get3A_46, %dot_general3A_50 : vector<128x256xf32>
      %swap3A = arith.constant 0 : index
      %swap3A_52 = arith.constant 0 : index
      %swap3A_53 = vector.load %arg21[%swap3A, %swap3A_52] : memref<128x256xf32, #tpu.memory_space<vmem>>, vector<128x256xf32>
      tpu.vector_store %arg21[%swap3A, %swap3A_52], %add3A_51 {strides = array<i32>} : memref<128x256xf32, #tpu.memory_space<vmem>>, vector<128x256xf32>,
    } else {
    }
    %eq3A_6 = arith.constant 10 : i32
    %eq3A_7 = arith.cmpi eq, %arg0, %eq3A_6 : i32
    %convert_element_type3A_8 = arith.extui %eq3A_7 : i1 to i32
    %cond3A_9 = arith.constant 0 : i32
    %cond3A_10 = arith.cmpi ne, %convert_element_type3A_8, %cond3A_9 : i32
    scf.if %cond3A_10 {
      %get3A = arith.constant 0 : index
      %get3A_11 = arith.constant 0 : index
      %get3A_12 = vector.load %arg9[%get3A, %get3A_11] : memref<128x256xf32, #tpu.memory_space<vmem>>, vector<128x256xf32>
      %get3A_13 = arith.constant 0 : index
      %get3A_14 = arith.constant 0 : index
      %get3A_15 = vector.load %arg21[%get3A_13, %get3A_14] : memref<128x256xf32, #tpu.memory_space<vmem>>, vector<128x256xf32>
      %get3A_16 = arith.constant 0 : index
      %get3A_17 = arith.constant 0 : index
      %get3A_18 = vector.load %arg10[%get3A_16, %get3A_17] : memref<256x32xf32, #tpu.memory_space<vmem>>, vector<256x32xf32>
      %dot_general3A = arith.constant dense<0.000000e+00> : vector<128x32xf32>
      %dot_general3A_19 = tpu.matmul %get3A_12, %get3A_18, %dot_general3A {dimension_numbers = #tpu.dot_dimension_numbers<[1], [0], [0], [1], [0, 0, 1, 1], [], []>, transpose_lhs_hint = false} : vector<128x256xf32>, vector<256x32xf32>, vector<128x32xf32> -> vector<128x32xf32>
      %get3A_20 = arith.constant 0 : index
      %get3A_21 = arith.constant 0 : index
      %get3A_22 = vector.load %arg11[%get3A_20, %get3A_21] : memref<1x32xf32, #tpu.memory_space<vmem>>, vector<1x32xf32>
      %add3A = vector.broadcast %get3A_22 : vector<1x32xf32> to vector<128x32xf32>
      %add3A_23 = arith.addf %dot_general3A_19, %add3A : vector<128x32xf32>
      %tanh3A = math.tanh %add3A_23 : vector<128x32xf32>
      %get3A_24 = arith.constant 0 : index
      %get3A_25 = arith.constant 0 : index
      %get3A_26 = vector.load %arg14[%get3A_24, %get3A_25] : memref<32x1xf32, #tpu.memory_space<vmem>>, vector<32x1xf32>
      %dot_general3A_27 = arith.constant dense<0.000000e+00> : vector<128x1xf32>
      %dot_general3A_28 = tpu.matmul %tanh3A, %get3A_26, %dot_general3A_27 {dimension_numbers = #tpu.dot_dimension_numbers<[1], [0], [0], [1], [0, 0, 1, 1], [], []>, transpose_lhs_hint = false} : vector<128x32xf32>, vector<32x1xf32>, vector<128x1xf32> -> vector<128x1xf32>
      %get3A_29 = arith.constant 0 : index
      %get3A_30 = arith.constant 0 : index
      %get3A_31 = vector.load %arg15[%get3A_29, %get3A_30] : memref<1x1xf32, #tpu.memory_space<vmem>>, vector<1x1xf32>
      %add3A_32 = vector.broadcast %get3A_31 : vector<1x1xf32> to vector<128x1xf32>
      %add3A_33 = arith.addf %dot_general3A_28, %add3A_32 : vector<128x1xf32>
      %get3A_34 = arith.constant 0 : index
      %get3A_35 = arith.constant 0 : index
      %get3A_36 = vector.load %arg12[%get3A_34, %get3A_35] : memref<256x32xf32, #tpu.memory_space<vmem>>, vector<256x32xf32>
      %dot_general3A_37 = arith.constant dense<0.000000e+00> : vector<128x32xf32>
      %dot_general3A_38 = tpu.matmul %get3A_15, %get3A_36, %dot_general3A_37 {dimension_numbers = #tpu.dot_dimension_numbers<[1], [0], [0], [1], [0, 0, 1, 1], [], []>, transpose_lhs_hint = false} : vector<128x256xf32>, vector<256x32xf32>, vector<128x32xf32> -> vector<128x32xf32>
      %get3A_39 = arith.constant 0 : index
      %get3A_40 = arith.constant 0 : index
      %get3A_41 = vector.load %arg13[%get3A_39, %get3A_40] : memref<1x32xf32, #tpu.memory_space<vmem>>, vector<1x32xf32>
      %add3A_42 = vector.broadcast %get3A_41 : vector<1x32xf32> to vector<128x32xf32>
      %add3A_43 = arith.addf %dot_general3A_38, %add3A_42 : vector<128x32xf32>
      %tanh3A_44 = math.tanh %add3A_43 : vector<128x32xf32>
      %get3A_45 = arith.constant 0 : index
      %get3A_46 = arith.constant 0 : index
      %get3A_47 = vector.load %arg14[%get3A_45, %get3A_46] : memref<32x1xf32, #tpu.memory_space<vmem>>, vector<32x1xf32>
      %dot_general3A_48 = arith.constant dense<0.000000e+00> : vector<128x1xf32>
      %dot_general3A_49 = tpu.matmul %tanh3A_44, %get3A_47, %dot_general3A_48 {dimension_numbers = #tpu.dot_dimension_numbers<[1], [0], [0], [1], [0, 0, 1, 1], [], []>, transpose_lhs_hint = false} : vector<128x32xf32>, vector<32x1xf32>, vector<128x1xf32> -> vector<128x1xf32>
      %get3A_50 = arith.constant 0 : index
      %get3A_51 = arith.constant 0 : index
      %get3A_52 = vector.load %arg15[%get3A_50, %get3A_51] : memref<1x1xf32, #tpu.memory_space<vmem>>, vector<1x1xf32>
      %add3A_53 = vector.broadcast %get3A_52 : vector<1x1xf32> to vector<128x1xf32>
      %add3A_54 = arith.addf %dot_general3A_49, %add3A_53 : vector<128x1xf32>
      %exp3A = math.exp %add3A_33 : vector<128x1xf32>
      %exp3A_55 = math.exp %add3A_54 : vector<128x1xf32>
      %mul3A = vector.broadcast %exp3A : vector<128x1xf32> to vector<128x256xf32>
      %mul3A_56 = arith.mulf %mul3A, %get3A_12 : vector<128x256xf32>
      %mul3A_57 = vector.broadcast %exp3A_55 : vector<128x1xf32> to vector<128x256xf32>
      %mul3A_58 = arith.mulf %mul3A_57, %get3A_15 : vector<128x256xf32>
      %add3A_59 = arith.addf %mul3A_56, %mul3A_58 : vector<128x256xf32>
      %add3A_60 = arith.addf %exp3A, %exp3A_55 : vector<128x1xf32>
      %div3A = vector.broadcast %add3A_60 : vector<128x1xf32> to vector<128x256xf32>
      %div3A_61 = arith.divf %add3A_59, %div3A : vector<128x256xf32>
      %get3A_62 = arith.constant 0 : index
      %get3A_63 = arith.constant 0 : index
      %get3A_64 = vector.load %arg16[%get3A_62, %get3A_63] : memref<256x32xf32, #tpu.memory_space<vmem>>, vector<256x32xf32>
      %dot_general3A_65 = arith.constant dense<0.000000e+00> : vector<128x32xf32>
      %dot_general3A_66 = tpu.matmul %div3A_61, %get3A_64, %dot_general3A_65 {dimension_numbers = #tpu.dot_dimension_numbers<[1], [0], [0], [1], [0, 0, 1, 1], [], []>, transpose_lhs_hint = false} : vector<128x256xf32>, vector<256x32xf32>, vector<128x32xf32> -> vector<128x32xf32>
      %get3A_67 = arith.constant 0 : index
      %get3A_68 = arith.constant 0 : index
      %get3A_69 = vector.load %arg17[%get3A_67, %get3A_68] : memref<1x32xf32, #tpu.memory_space<vmem>>, vector<1x32xf32>
      %add3A_70 = vector.broadcast %get3A_69 : vector<1x32xf32> to vector<128x32xf32>
      %add3A_71 = arith.addf %dot_general3A_66, %add3A_70 : vector<128x32xf32>
      %max3A = arith.constant 0.000000e+00 : f32
      %max3A_72 = vector.broadcast %max3A : f32 to vector<128x32xf32>
      %max3A_73 = arith.maximumf %add3A_71, %max3A_72 : vector<128x32xf32>
      %get3A_74 = arith.constant 0 : index
      %get3A_75 = arith.constant 0 : index
      %get3A_76 = vector.load %arg18[%get3A_74, %get3A_75] : memref<32x10xf32, #tpu.memory_space<vmem>>, vector<32x10xf32>
      %dot_general3A_77 = arith.constant dense<0.000000e+00> : vector<128x10xf32>
      %dot_general3A_78 = tpu.matmul %max3A_73, %get3A_76, %dot_general3A_77 {dimension_numbers = #tpu.dot_dimension_numbers<[1], [0], [0], [1], [0, 0, 1, 1], [], []>, transpose_lhs_hint = false} : vector<128x32xf32>, vector<32x10xf32>, vector<128x10xf32> -> vector<128x10xf32>
      %get3A_79 = arith.constant 0 : index
      %get3A_80 = arith.constant 0 : index
      %get3A_81 = vector.load %arg19[%get3A_79, %get3A_80] : memref<1x10xf32, #tpu.memory_space<vmem>>, vector<1x10xf32>
      %add3A_82 = vector.broadcast %get3A_81 : vector<1x10xf32> to vector<128x10xf32>
      %add3A_83 = arith.addf %dot_general3A_78, %add3A_82 : vector<128x10xf32>
      %swap3A = arith.constant 0 : index
      %swap3A_84 = arith.constant 0 : index
      %swap3A_85 = vector.load %arg20[%swap3A, %swap3A_84] : memref<128x10xf32, #tpu.memory_space<vmem>>, vector<128x10xf32>
      tpu.vector_store %arg20[%swap3A, %swap3A_84], %add3A_83 {strides = array<i32>} : memref<128x10xf32, #tpu.memory_space<vmem>>, vector<128x10xf32>,
    } else {
    }
    return
  }
  func.func @transform_0(%arg0: i32) -> (i32, i32) {
    %min3A = arith.constant 9 : i32
    %min3A_0 = arith.minsi %arg0, %min3A : i32
    %c0_i32 = arith.constant 0 : i32
    %c0_i32_1 = arith.constant 0 : i32
    return %min3A_0, %c0_i32 : i32, i32
  }
  func.func @transform_1(%arg0: i32) -> (i32, i32) {
    %min3A = arith.constant 9 : i32
    %min3A_0 = arith.minsi %arg0, %min3A : i32
    %c0_i32 = arith.constant 0 : i32
    %c0_i32_1 = arith.constant 0 : i32
    return %min3A_0, %c0_i32 : i32, i32
  }
  func.func @transform_2(%arg0: i32) -> (i32, i32) {
    %min3A = arith.constant 9 : i32
    %min3A_0 = arith.minsi %arg0, %min3A : i32
    %c0_i32 = arith.constant 0 : i32
    %c0_i32_1 = arith.constant 0 : i32
    return %min3A_0, %c0_i32 : i32, i32
  }
  func.func @transform_3(%arg0: i32) -> (i32, i32) {
    %min3A = arith.constant 9 : i32
    %min3A_0 = arith.minsi %arg0, %min3A : i32
    %c0_i32 = arith.constant 0 : i32
    %c0_i32_1 = arith.constant 0 : i32
    return %min3A_0, %c0_i32 : i32, i32
  }
  func.func @transform_4(%arg0: i32) -> (i32, i32) {
    %min3A = arith.constant 9 : i32
    %min3A_0 = arith.minsi %arg0, %min3A : i32
    %c0_i32 = arith.constant 0 : i32
    %c0_i32_1 = arith.constant 0 : i32
    return %min3A_0, %c0_i32 : i32, i32
  }
  func.func @transform_5(%arg0: i32) -> (i32, i32) {
    %min3A = arith.constant 9 : i32
    %min3A_0 = arith.minsi %arg0, %min3A : i32
    %c0_i32 = arith.constant 0 : i32
    %c0_i32_1 = arith.constant 0 : i32
    return %min3A_0, %c0_i32 : i32, i32
  }
  func.func @transform_6(%arg0: i32) -> (i32, i32) {
    %c0_i32 = arith.constant 0 : i32
    %c0_i32_0 = arith.constant 0 : i32
    %c0_i32_1 = arith.constant 0 : i32
    return %c0_i32, %c0_i32_0 : i32, i32
  }
  func.func @transform_7(%arg0: i32) -> (i32, i32) {
    %c0_i32 = arith.constant 0 : i32
    %c0_i32_0 = arith.constant 0 : i32
    %c0_i32_1 = arith.constant 0 : i32
    return %c0_i32, %c0_i32_0 : i32, i32
  }
  func.func @transform_8(%arg0: i32) -> (i32, i32) {
    %c0_i32 = arith.constant 0 : i32
    %c0_i32_0 = arith.constant 0 : i32
    %c0_i32_1 = arith.constant 0 : i32
    return %c0_i32, %c0_i32_0 : i32, i32
  }
  func.func @transform_9(%arg0: i32) -> (i32, i32) {
    %c0_i32 = arith.constant 0 : i32
    %c0_i32_0 = arith.constant 0 : i32
    %c0_i32_1 = arith.constant 0 : i32
    return %c0_i32, %c0_i32_0 : i32, i32
  }
  func.func @transform_10(%arg0: i32) -> (i32, i32) {
    %c0_i32 = arith.constant 0 : i32
    %c0_i32_0 = arith.constant 0 : i32
    %c0_i32_1 = arith.constant 0 : i32
    return %c0_i32, %c0_i32_0 : i32, i32
  }
  func.func @transform_11(%arg0: i32) -> (i32, i32) {
    %c0_i32 = arith.constant 0 : i32
    %c0_i32_0 = arith.constant 0 : i32
    %c0_i32_1 = arith.constant 0 : i32
    return %c0_i32, %c0_i32_0 : i32, i32
  }
  func.func @transform_12(%arg0: i32) -> (i32, i32) {
    %c0_i32 = arith.constant 0 : i32
    %c0_i32_0 = arith.constant 0 : i32
    %c0_i32_1 = arith.constant 0 : i32
    return %c0_i32, %c0_i32_0 : i32, i32
  }
  func.func @transform_13(%arg0: i32) -> (i32, i32) {
    %c0_i32 = arith.constant 0 : i32
    %c0_i32_0 = arith.constant 0 : i32
    %c0_i32_1 = arith.constant 0 : i32
    return %c0_i32, %c0_i32_0 : i32, i32
  }
  func.func @transform_14(%arg0: i32) -> (i32, i32) {
    %c0_i32 = arith.constant 0 : i32
    %c0_i32_0 = arith.constant 0 : i32
    %c0_i32_1 = arith.constant 0 : i32
    return %c0_i32, %c0_i32_0 : i32, i32
  }
  func.func @transform_15(%arg0: i32) -> (i32, i32) {
    %c0_i32 = arith.constant 0 : i32
    %c0_i32_0 = arith.constant 0 : i32
    %c0_i32_1 = arith.constant 0 : i32
    return %c0_i32, %c0_i32_0 : i32, i32
  }
  func.func @transform_16(%arg0: i32) -> (i32, i32) {
    %c0_i32 = arith.constant 0 : i32
    %c0_i32_0 = arith.constant 0 : i32
    %c0_i32_1 = arith.constant 0 : i32
    return %c0_i32, %c0_i32_0 : i32, i32
  }
  func.func @transform_17(%arg0: i32) -> (i32, i32) {
    %c0_i32 = arith.constant 0 : i32
    %c0_i32_0 = arith.constant 0 : i32
    %c0_i32_1 = arith.constant 0 : i32
    return %c0_i32, %c0_i32_0 : i32, i32
  }
  func.func @transform_18(%arg0: i32) -> (i32, i32) {
    %c0_i32 = arith.constant 0 : i32
    %c0_i32_0 = arith.constant 0 : i32
    %c0_i32_1 = arith.constant 0 : i32
    return %c0_i32, %c0_i32_0 : i32, i32
  }
  func.func @transform_19(%arg0: i32) -> (i32, i32) {
    %c0_i32 = arith.constant 0 : i32
    %c0_i32_0 = arith.constant 0 : i32
    %c0_i32_1 = arith.constant 0 : i32
    return %c0_i32, %c0_i32_0 : i32, i32
  }
}

</mosaic_0001>

<sc_bundles>
// kernel: kernel.11.cloned.1.call-start
scs
__scs_entry_jumppad:
0x0: {  	(pc) =	sbr.rel $0x88, $3  }
0x1: {  	(tag) =	ssettag $0x0;
	lr =	simm.s32 $0x1  }
0x2: {  	[smem:$0x3F89] =	sst lr;
	_ =	strace $0xD0000000  }
0x3: {  	_ = 	snop  }
0x4: {  	_ = 	snop  }
0x5: {  	_ = 	snop  }
0x6: {  	_ = 	snop  }
0x7: {  	_ = 	snop  }
__scs_overlays_trampoline_lowered:
0x8: {  	[smem:$0x3F98] =	sst s0  }
0x9: {  	[smem:$0x3F99] =	sst s1  }
0xa: {  	[smem:$0x3F9A] =	sst s2  }
0xb: {  	[smem:$0x3F9B] =	sst s3  }
0xc: {  	[smem:$0x3F9C] =	sst s4  }
0xd: {  	[smem:$0x3F9D] =	sst s5  }
0xe: {  	[smem:$0x3F9E] =	sst s6  }
0xf: {  	[smem:$0x3F9F] =	sst s7  }
0x10: {  	[smem:$0x3FA0] =	sst s8  }
0x11: {  	[smem:$0x3FA1] =	sst s9;
	s0 =	simm.s32 @!p0 $0x0  }
0x12: {  	s1 =	sld [smem:$0x3F87];
	s0 =	simm.s32 @p0 $0x1  }
0x13: {  	[smem:$0x3FA2] =	sst s0;
	s0 =	simm.s32 @!p1 $0x0  }
0x14: {  	s2 =	sld [smem:$0x3F86];
	s0 =	simm.s32 @p1 $0x1  }
0x15: {  	[smem:$0x3FA3] =	sst s0;
	s0 =	simm.s32 @!p2 $0x0  }
0x16: {  	s3 =	sld [smem:$0x3FDB];
	s0 =	simm.s32 @p2 $0x1  }
0x17: {  	s4 =	simm.s32 $0x1BF5;
	[smem:$0x3FA5] =	sst s0  }
0x18: {  	s0 =	sld [smem:$0x3F88];
	_ =	swait.ge [sflag:s4], $0x0  }
0x19: {  	s7 =	sld [smem:$0x3F89]  }
0x1a: {  	s8 =	sadd.s32 $0xFFFFE003, lr  }
0x1b: {  	s9 =	sadd.s32 $0xFFFFFEF7, lr;
	s5 =	simm.s32 $0xFFFFFFFF;
	p2 =	slt.u32 s8, $0xFFFFF086  }
0x1c: {  	p1 =	slt.u32 s9, $0xF7A;
	s5 =	simm.s32 @!p2 $0x0  }
0x1d: {  	s5 =	simm.s32 @p1 $0x1;
	p0 =	seq.s32 s7, s2  }
0x1e: {  	s7 =	smul.u32 @!p0 $0xF7A, s2;
	p2 =	seq.s32 @!p0 s5, $0x0  }
0x1f: {  	s9 =	smul.u32 $0xF7A, s1;
	s8 =	simm.s32 @!p0 $0x1BF5;
	p2 =	por !p2, p0  }
0x20: {  	[sflag:s8] =	ssyncset.s32 @!p0 $0xFFFFF086;
	s6 =	sadd.s32 @!p0 s3, s7;
	s7 =	simm.s32 @!p0 $0x108  }
0x21: {  	s3 =	sadd.s32 s3, s9;
	s6 =	sadd.s32 @!p0 $0x88, s6;
	s7 =	simm.s32 @p2 $0x1082  }
0x22: {  	[simem:s7], [sflag:s8] =	dma.local @!p0 [hbm:s6], $0xF7A  }
0x23: {  	s9 =	sor.u32 $0xD0000000, s2;
	s6 =	simm.s32 $0x108;
	_ =	swait.ge @!p0 [sflag:s8], $0x0  }
0x24: {  	s3 =	sadd.s32 $0x88, s3;
	s6 =	simm.s32 @!p1 $0x1082;
	[sflag:s4] =	ssyncset.s32 $0xFFFFF086  }
0x25: {  	[simem:s6], [sflag:s4] =	dma.local [hbm:s3], $0xF7A  }
0x26: {  	[smem:$0x3F89] =	sst s1;
	(tag) =	ssettag s2;
	_ =	strace s9  }
0x27: {  	s1 =	sld [smem:$0x3F99]  }
0x28: {  	s2 =	sld [smem:$0x3F9A]  }
0x29: {  	s4 =	sld [smem:$0x3F9C]  }
0x2a: {  	p0 =	seq.s32 s5, $0x0;
	s5 =	sld [smem:$0x3F9D]  }
0x2b: {  	s6 =	sld [smem:$0x3F9E]  }
0x2c: {  	s7 =	sld [smem:$0x3F9F]  }
0x2d: {  	s3 =	simm.s32 $0x108;
	s8 =	sld [smem:$0x3FA0]  }
0x2e: {  	s3 =	simm.s32 @!p0 $0x1082;
	s9 =	sld [smem:$0x3FA1]  }
0x2f: {  	lr =	sadd.s32 s0, s3;
	s0 =	sld [smem:$0x3F98]  }
0x30: {  	s3 =	sld [smem:$0x3F9B]  }
0x31: {  	[smem:$0x3FA4] =	sst s10  }
0x32: {  	s10 =	sld [smem:$0x3FA2];
	_ =	sdelay $0x3  }
0x33: {  	p0 =	seq.s32 s10, $0x1;
	s10 =	sld [smem:$0x3FA4];
	_ =	sdelay $0x3  }
0x34: {  	[smem:$0x3FA4] =	sst s10  }
0x35: {  	s10 =	sld [smem:$0x3FA3];
	_ =	sdelay $0x3  }
0x36: {  	p1 =	seq.s32 s10, $0x1;
	s10 =	sld [smem:$0x3FA4];
	_ =	sdelay $0x3  }
0x37: {  	[smem:$0x3FA4] =	sst s10  }
0x38: {  	s10 =	sld [smem:$0x3FA5]  }
0x39: {  	_ = 	snop;
	(pc) =	sbr.ind lr, $3  }
0x3a: {  	_ = 	snop  }
0x3b: {  	_ = 	snop  }
0x3c: {  	p2 =	seq.s32 s10, $0x1;
	s10 =	sld [smem:$0x3FA4]  }
0x3d: {  	_ =	shalt  }
0x3e: {  	_ =	shalt  }
0x3f: {  	_ =	shalt  }
0x40: {  	_ =	shalt  }
0x41: {  	_ =	shalt  }
0x42: {  	_ =	shalt  }
0x43: {  	_ =	shalt  }
0x44: {  	_ =	shalt  }
0x45: {  	_ =	shalt  }
0x46: {  	_ =	shalt  }
0x47: {  	_ =	shalt  }
0x48: {  	_ =	shalt  }
0x49: {  	_ =	shalt  }
0x4a: {  	_ =	shalt  }
0x4b: {  	_ =	shalt  }
0x4c: {  	_ =	shalt  }
0x4d: {  	_ =	shalt  }
0x4e: {  	_ =	shalt  }
0x4f: {  	_ =	shalt  }
0x50: {  	_ =	shalt  }
0x51: {  	_ =	shalt  }
0x52: {  	_ =	shalt  }
0x53: {  	_ =	shalt  }
0x54: {  	_ =	shalt  }
0x55: {  	_ =	shalt  }
0x56: {  	_ =	shalt  }
0x57: {  	_ =	shalt  }
0x58: {  	_ =	shalt  }
0x59: {  	_ =	shalt  }
0x5a: {  	_ =	shalt  }
0x5b: {  	_ =	shalt  }
0x5c: {  	_ =	shalt  }
0x5d: {  	_ =	shalt  }
0x5e: {  	_ =	shalt  }
0x5f: {  	_ =	shalt  }
0x60: {  	_ =	shalt  }
0x61: {  	_ =	shalt  }
0x62: {  	_ =	shalt  }
0x63: {  	_ =	shalt  }
0x64: {  	_ =	shalt  }
0x65: {  	_ =	shalt  }
0x66: {  	_ =	shalt  }
0x67: {  	_ =	shalt  }
0x68: {  	_ =	shalt  }
0x69: {  	_ =	shalt  }
0x6a: {  	_ =	shalt  }
0x6b: {  	_ =	shalt  }
0x6c: {  	_ =	shalt  }
0x6d: {  	_ =	shalt  }
0x6e: {  	_ =	shalt  }
0x6f: {  	_ =	shalt  }
0x70: {  	_ =	shalt  }
0x71: {  	_ =	shalt  }
0x72: {  	_ =	shalt  }
0x73: {  	_ =	shalt  }
0x74: {  	_ =	shalt  }
0x75: {  	_ =	shalt  }
0x76: {  	_ =	shalt  }
0x77: {  	_ =	shalt  }
0x78: {  	_ =	shalt  }
0x79: {  	_ =	shalt  }
0x7a: {  	_ =	shalt  }
0x7b: {  	_ =	shalt  }
0x7c: {  	_ =	shalt  }
0x7d: {  	_ =	shalt  }
0x7e: {  	_ =	shalt  }
0x7f: {  	_ =	shalt  }
0x80: {  	_ =	shalt  }
0x81: {  	_ =	shalt  }
0x82: {  	_ =	shalt  }
0x83: {  	_ =	shalt  }
0x84: {  	_ =	shalt  }
0x85: {  	_ =	shalt  }
0x86: {  	_ =	shalt  }
0x87: {  	_ =	shalt  }
.Lfunc_end0:
.L_simem_size_0:
called_computation.1_lowered:
.L_overlay_start_0:
0x88: {  	s2 =	sld [smem:$0x3FD9]  }
0x89: {  	s3 =	sld [smem:$0x3FFE];
	_ =	sdelay $0x1  }
0x8a: {  	s1 =	srdreg.scid  }
0x8b: {  	s0 =	sand.u32 $0x1, s1  }
0x8c: {  	s16 =	sshll.u32 s0, $0xA;
	s2 =	sadd.s32 s3, s2  }
0x8d: {  	s2 =	sadd.s32 s2, s16  }
0x8e: {  	[smem:$0x3FB0] =	sst s2  }
0x8f: {  	_ = 	snop  }
0x90: {  	(tm) =	ssettm $0x1  }
0x91: {  	s17 =	sld [smem:$0x3FFB];
	_ =	sdelay $0x3  }
0x92: {  	_ =	strace s17  }
0x93: {  	s2 =	sld [smem:$0x3FFC];
	_ =	sdelay $0x3  }
0x94: {  	_ =	strace s2  }
0x95: {  	s2 =	sld [smem:$0x3FFD];
	_ =	sdelay $0x3  }
0x96: {  	_ =	strace s2  }
0x97: {  	_ =	strace $0x8FFFFFFF  }
0x98: {  	s18 =	sld [smem:$0x3FDB];
	_ =	sdelay $0x1  }
0x99: {  	s19 =	simm.s32 $_scs_section_size  }
0x9a: {  	s4 =	simm.s32 $_size__tile_overlayer_lowered;
	s5 =	simm.s32 $_tile_overlayer_lowered  }
0x9b: {  	s22 =	simm.s32 $0x1BFF;
	s21 =	sshll.u32 s5, $0x1;
	s2 =	sadd.s32 s19, s18  }
0x9c: {  	s6 =	simm.s32 $0x0;
	s20 =	sshll.u32 s4, $0x1;
	s4 =	sadd.s32 s21, s2  }
0x9d: {  	[timem:s6], [sflag:s22] =	dma.local [hbm:s4], s20  }
0x9e: {  	_ =	swait.ge [sflag:s22], s20  }
0x9f: {  	s3 =	ssub.s32 $0x0, s20;
	[sflag:s22] =	ssyncset.done $0x0  }
0xa0: {  	[sflag:s22] =	ssyncadd.s32 s3;
	_ =	sdelay $0x1  }
0xa1: {  	s23 =	simm.s32 $0x1B8B  }
0xa2: {  	_ =	swait.ge [sflag:s23], $0x1  }
0xa3: {  	[sflag:s23] =	ssyncset.done $0x0  }
0xa4: {  	s25 =	simm.s32 $0x1B8E;
	s24 =	sld [smem:$0x3FFE];
	[sflag:s23] =	ssyncadd.s32 $0xFFFFFFFF  }
0xa5: {  	s26 =	simm.s32 $execute0_lowered;
	[smem:$0x3FD2] =	sst s25  }
0xa6: {  	s4 =	sshll.u32 s26, $0x1;
	_ =	strace $0x80000049;
	[dreg:$0x1] =	wrdreg $0xFFFFFFFF  }
0xa7: {  	s28 =	simm.s32 $_size_execute0_lowered;
	s2 =	sadd.s32 s2, s4;
	[dreg:$0x0] =	wrdreg $0x0  }
0xa8: {  	s4 =	sshll.u32 s28, $0x1;
	[dreg:$0x2] =	wrdreg s2  }
0xa9: {  	[dreg:$0x3] =	wrdreg s4  }
0xaa: {  	[dreg:$0x4] =	wrdreg $0xC0  }
0xab: {  	_ =	task [dreg:s6], $0x5FFFF  }
0xac: {  	[dreg:$0x1] =	wrdreg $0xFFFFFFFF  }
0xad: {  	[dreg:$0x0] =	wrdreg $0x60  }
0xae: {  	[dreg:$0x2] =	wrdreg s24  }
0xaf: {  	[dreg:$0x3] =	wrdreg $0xA8000  }
0xb0: {  	[dreg:$0x4] =	wrdreg $0x9  }
0xb1: {  	_ =	task.clear_ibuf [dreg:s6], $0x5FFFF;
	_ =	strace $0x90000049  }
0xb2: {  	s29 =	simm.s32 $0x9;
	_ =	strace $0x8000004B  }
0xb3: {  	_ =	swait.ge [sflag:s29], $0x1  }
0xb4: {  	[sflag:s29] =	ssyncadd.s32 $0xFFFFFFFF  }
0xb5: {  	_ =	strace $0x9000004B  }
0xb6: {  	_ =	sfence  }
0xb7: {  	s30 =	sld [smem:$0x0];
	_ =	sdelay $0x2  }
0xb8: {  	s31 =	sshll.u32 s1, $0xD;
	s1 =	sshrl.u32 s1, $0x2  }
0xb9: {  	s3 =	sand.u32 $0x4000, s31;
	s1 =	sadd.s32 s1, s30  }
0xba: {  	s0 =	sor.u32 s3, s0;
	s1 =	sshll.u32 s1, $0x11  }
0xbb: {  	s0 =	sor.u32 s1, s0  }
0xbc: {  	s0 =	sadd.s32 $0x8F2B, s0  }
0xbd: {  	[sflag:s0] =	ssyncadd.remote.s32 $0x1  }
0xbe: {  	_ =	sfence.sel $0xFFFF  }
0xbf: {  	[dreg:$0x0] =	wrdreg $0xFFFFFFFF;
	(pc) =	sbr.abs _section_cstart, $3  }
0xc0: {  	[dreg:$0x1] =	wrdreg $0xFFFFFFFF  }
0xc1: {  	_ =	task.clear_ibuf [dreg:s6], $0x2FFFF;
	_ =	strace $0x9FFFFFFF  }
0xc2: {  	(tm) =	ssettm $0x7FFFFFFF  }
0xc3: {  	_ =	shalt  }
tec
execute0_lowered:
.L_overlay_start_1:
0x0: {  	(tag) =	ssettag $0x1  }
0x1: {  	s0 =	rddreg [dreg:$0x0]  }
0x2: {  	s1 =	rddreg [dreg:$0x1];
	s2 =	simm.s32 $0x0  }
0x3: {  	s13 =	stileid.u32;
	s22 =	srdreg.scid;
	s28 =	simm.s32 $0x1  }
0x4: {  	s29 =	simm.s32 $0x6800;
	s30 =	simm.s32 $0x2;
	s31 =	simm.s32 $0x1380  }
0x5: {  	[smem:$0x7FF] =	sst s2;
	s3 =	sadd.s32 $0x10A00, s0;
	s4 =	sadd.s32 $0x38A00, s0  }
0x6: {  	s6 =	sadd.s32 $0x60A00, s0;
	s7 =	sadd.s32 $0xB0A00, s0;
	s5 =	sadd.s32 $0xBA00, s0  }
0x7: {  	s8 =	sadd.s32 $0x6A00, s0;
	s9 =	sadd.s32 $0xD8A00, s0;
	s10 =	smul.u32 $0x50000, s13  }
0x8: {  	s11 =	sadd.s32 $0x100A00, s0;
	_ =	strace $0x8000004A;
	[dreg:$0x3] =	wrdreg s9  }
0x9: {  	s23 =	sadd.s32 $0x128A00, s0;
	s0 =	sadd.s32 $0x150A00, s0;
	[dreg:$0x4] =	wrdreg s11  }
0xa: {  	s13 =	smul.u32 $0x2800, s13;
	[dreg:$0x5] =	wrdreg s23;
	s9 =	sand.u32 $0x1, s22  }
0xb: {  	[dreg:$0x6] =	wrdreg s0;
	s23 =	simm.s32 $0x2800;
	s24 =	ssub.s32 $0x2, s9  }
0xc: {  	s10 =	sshrl.u32 s10, $0x2;
	s26 =	sshrl.u32 s13, $0x3;
	p0 =	sne.s32 s9, $0x0  }
0xd: {  	s9 =	simm.s32 $0x0;
	s25 =	sshrl.u32 s24, $0x1;
	s12 =	sadd.s32 s10, s1  }
0xe: {  	s18 =	sadd.s32 s5, s26;
	s19 =	sadd.s32 s8, s26;
	s10 =	sadd.s32 $0x280, s26  }
.Ltmp0:
0xf: {  	s26 =	simm.s32 $0x80;
	s0 =	ssub.s32 s24, s25;
	(pc) =	sbr.rel .LBB2_1-.Ltmp0, $4  }
0x10: {  	s14 =	sadd.s32 $0x4000, s12;
	s15 =	sadd.s32 $0x8000, s12;
	s16 =	sadd.s32 $0xC000, s12  }
0x11: {  	s17 =	sadd.s32 $0x10000, s12;
	s20 =	sadd.s32 s5, s10;
	s21 =	sadd.s32 s8, s10  }
0x12: {  	s24 =	simm.s32 $0x3;
	s25 =	simm.s32 $0x1400;
	s0 =	smax.u32 s0, $0x1  }
0x13: {  	v0 =	vimm.f32 $0.0e+00;
	s8 =	simm.s32 $0x2780;
	[dreg:$0x7] =	wrdreg s0;
	s0 =	simm.s32 $0x2700  }
.LBB2_26:
0x14: {  	[sflag:s24] =	ssyncadd.s32 $0xFFFFC000  }
0x15: {  	_ =	swait.ge [sflag:s28], $0x4000  }
0x16: {  	[sflag:s28] =	ssyncset.done $0x0  }
0x17: {  	s5 =	rddreg [dreg:$0x6];
	[sflag:s28] =	ssyncadd.s32 $0xFFFFC000  }
0x18: {  	[tilespmem:s29], [sflag:$0x2] =	stream.indirect.gather [hbm4b:s7+s26], $0x80, s31, s26, $0xb8;
	[tilespmem:$0x1E800] =	vst v63  }
.LBB2_27:
0x19: {  	[spmem:s1] =	stream.indirect.scatter.add.f32 [tilespmem:s23], [sflag:$0x3], $0x80, s0, s26, $0xb8;
	[tilespmem:$0x1E800] =	vst v63  }
0x1a: {  	_ =	swait.ge [sflag:s24], $0x4000  }
0x1b: {  	[sflag:s24] =	ssyncset.done $0x0  }
0x1c: {  	[sflag:s24] =	ssyncadd.s32 $0xFFFFC000  }
0x1d: {  	_ =	swait.ge [sflag:s30], $0x4000  }
0x1e: {  	[sflag:s30] =	ssyncset.done $0x0  }
0x1f: {  	[sflag:s30] =	ssyncadd.s32 $0xFFFFC000  }
0x20: {  	[spmem:s1] =	stream.indirect.scatter.add.f32 [tilespmem:s29], [sflag:$0x3], $0x80, s8, s26, $0xb8;
	[tilespmem:$0x1E800] =	vst v63  }
0x21: {  	_ =	swait.ge [sflag:s24], $0x4000  }
0x22: {  	[sflag:s24] =	ssyncset.done $0x0  }
0x23: {  	[sflag:s24] =	ssyncadd.s32 $0xFFFFC000  }
0x24: {  	s2 =	sadd.s32 s5, s13;
	[bflag:$0x0] =	sbarrier.arrive $0xFFFF  }
0x25: {  	[hbm:s2], [sflag:s10] =	dma.local [spmem:s11], $0x2800  }
0x26: {  	_ =	swait.ge [sflag:s24], $0x2800  }
0x27: {  	s9 =	sadd.s32 $0x1, s9;
	s22 =	rddreg [dreg:$0x7]  }
0x28: {  	p1 =	sne.s32 s9, s22  }
.Ltmp1:
0x29: {  	_ = 	snop;
	(pc) =	sbr.rel @!p1 .LBB2_28-.Ltmp1, $3  }
0x2a: {  	_ =	sdelay $0x1  }
0x2b: {  	[sflag:s24] =	ssyncset.done $0x0  }
0x2c: {  	s2 =	simm.s32 $0x0;
	[sflag:s24] =	ssyncadd.s32 $0xFFFFD800  }
.LBB2_1:
0x2d: {  	s5 =	simm.s32 $0x0;
	s10 =	simm.s32 $0x200  }
.LBB2_2:
0x2e: {  	p1 =	sne.s32 s10, $0xFE00;
	[tilespmem:s5+$0x2870] =	vst v0  }
0x2f: {  	[tilespmem:s5+$0x2800] =	vst v0  }
0x30: {  	[tilespmem:s5+$0x2810] =	vst v0  }
.Ltmp2:
0x31: {  	[tilespmem:s5+$0x2820] =	vst v0;
	(pc) =	sbr.rel @p1 .LBB2_2-.Ltmp2, $4  }
0x32: {  	[tilespmem:s5+$0x2830] =	vst v0  }
0x33: {  	[tilespmem:s5+$0x2840] =	vst v0  }
0x34: {  	[tilespmem:s5+$0x2850] =	vst v0  }
0x35: {  	[tilespmem:s5+$0x2860] =	vst v0;
	s5 =	sshra.s32 s10, $0x2;
	s10 =	sadd.s32 $0x200, s10  }
0x36: {  	[tilespmem:s5+$0x2870] =	vst v0  }
0x37: {  	[tilespmem:s5+$0x2800] =	vst v0  }
0x38: {  	[tilespmem:s5+$0x2810] =	vst v0  }
0x39: {  	[tilespmem:s5+$0x2820] =	vst v0  }
0x3a: {  	[tilespmem:s5+$0x2830] =	vst v0  }
0x3b: {  	[tilespmem:s5+$0x2840] =	vst v0  }
0x3c: {  	[tilespmem:s5+$0x2850] =	vst v0  }
0x3d: {  	[tilespmem:s5+$0x2860] =	vst v0  }
0x3e: {  	[spmem:s12] =	stream.linear.scatter [tilespmem:s23], [sflag:$0x3], $0x4000, $0x38;
	[tilespmem:$0x1E800] =	vst v63  }
0x3f: {  	_ =	swait.ge [sflag:s24], $0x4000  }
0x40: {  	[sflag:s24] =	ssyncset.done $0x0  }
0x41: {  	[sflag:s24] =	ssyncadd.s32 $0xFFFFC000  }
0x42: {  	[spmem:s14] =	stream.linear.scatter [tilespmem:s23], [sflag:$0x3], $0x4000, $0x38;
	[tilespmem:$0x1E800] =	vst v63  }
0x43: {  	_ =	swait.ge [sflag:s24], $0x4000  }
0x44: {  	[sflag:s24] =	ssyncset.done $0x0  }
0x45: {  	[sflag:s24] =	ssyncadd.s32 $0xFFFFC000  }
0x46: {  	[spmem:s15] =	stream.linear.scatter [tilespmem:s23], [sflag:$0x3], $0x4000, $0x38;
	[tilespmem:$0x1E800] =	vst v63  }
0x47: {  	_ =	swait.ge [sflag:s24], $0x4000  }
0x48: {  	[sflag:s24] =	ssyncset.done $0x0  }
0x49: {  	[sflag:s24] =	ssyncadd.s32 $0xFFFFC000  }
0x4a: {  	[spmem:s16] =	stream.linear.scatter [tilespmem:s23], [sflag:$0x3], $0x4000, $0x38;
	[tilespmem:$0x1E800] =	vst v63  }
0x4b: {  	_ =	swait.ge [sflag:s24], $0x4000  }
0x4c: {  	[sflag:s24] =	ssyncset.done $0x0  }
0x4d: {  	[sflag:s24] =	ssyncadd.s32 $0xFFFFC000  }
0x4e: {  	[spmem:s17] =	stream.linear.scatter [tilespmem:s23], [sflag:$0x3], $0x4000, $0x38;
	[tilespmem:$0x1E800] =	vst v63  }
0x4f: {  	_ =	swait.ge [sflag:s24], $0x4000  }
0x50: {  	[sflag:s24] =	ssyncset.done $0x0  }
0x51: {  	[sflag:s24] =	ssyncadd.s32 $0xFFFFC000  }
0x52: {  	[bflag:$0x0] =	sbarrier.arrive $0xFFFF  }
0x53: {  	[tilespmem:s2], [sflag:$0x3] =	stream.linear.gather [hbm4b:s18+s2], $0x1400, $0x38;
	[tilespmem:$0x1E800] =	vst v63  }
0x54: {  	_ =	swait.ge [sflag:s24], $0x1400  }
0x55: {  	[sflag:s24] =	ssyncset.done $0x0  }
.Ltmp3:
0x56: {  	[sflag:s24] =	ssyncadd.s32 $0xFFFFEC00;
	(pc) =	sbr.rel @p0 .LBB2_9-.Ltmp3, $4  }
0x57: {  	[tilespmem:s25], [sflag:$0x3] =	stream.linear.gather [hbm4b:s19+s2], $0x1400, $0x38;
	[tilespmem:$0x1E800] =	vst v63  }
0x58: {  	_ =	swait.ge [sflag:s24], $0x1400  }
0x59: {  	[sflag:s24] =	ssyncset.done $0x0  }
0x5a: {  	s5 =	simm.s32 $0x0;
	[sflag:s24] =	ssyncadd.s32 $0xFFFFEC00  }
0x5b: {  	[tilespmem:s23], [sflag:$0x1] =	stream.indirect.gather [hbm4b:s3+s26], $0x80, s5, s26, $0xb8;
	[tilespmem:$0x1E800] =	vst v63  }
0x5c: {  	_ =	swait.ge [sflag:s28], $0x4000  }
0x5d: {  	[sflag:s28] =	ssyncset.done $0x0  }
0x5e: {  	s22 =	simm.s32 $0x80;
	[sflag:s28] =	ssyncadd.s32 $0xFFFFC000  }
0x5f: {  	[tilespmem:s29], [sflag:$0x2] =	stream.indirect.gather [hbm4b:s3+s26], $0x80, s22, s26, $0xb8;
	[tilespmem:$0x1E800] =	vst v63  }
0x60: {  	s10 =	simm.s32 $0x1400  }
0x61: {  	[spmem:s1] =	stream.indirect.scatter.add.f32 [tilespmem:s23], [sflag:$0x3], $0x80, s10, s26, $0xb8;
	[tilespmem:$0x1E800] =	vst v63  }
0x62: {  	_ =	swait.ge [sflag:s24], $0x4000  }
0x63: {  	[sflag:s24] =	ssyncset.done $0x0  }
0x64: {  	[sflag:s24] =	ssyncadd.s32 $0xFFFFC000  }
0x65: {  	_ =	swait.ge [sflag:s30], $0x4000  }
0x66: {  	[sflag:s30] =	ssyncset.done $0x0  }
0x67: {  	s11 =	simm.s32 $0x100;
	[sflag:s30] =	ssyncadd.s32 $0xFFFFC000  }
0x68: {  	[tilespmem:s23], [sflag:$0x1] =	stream.indirect.gather [hbm4b:s3+s26], $0x80, s11, s26, $0xb8;
	[tilespmem:$0x1E800] =	vst v63  }
0x69: {  	s22 =	simm.s32 $0x1480  }
0x6a: {  	[spmem:s1] =	stream.indirect.scatter.add.f32 [tilespmem:s29], [sflag:$0x3], $0x80, s22, s26, $0xb8;
	[tilespmem:$0x1E800] =	vst v63  }
0x6b: {  	_ =	swait.ge [sflag:s24], $0x4000  }
0x6c: {  	s10 =	simm.s32 $0x400;
	[sflag:s24] =	ssyncset.done $0x0  }
.LBB2_5:
0x6d: {  	p1 =	sne.s32 s10, $0x4800  }
0x6e: {  	[sflag:s24] =	ssyncadd.s32 $0xFFFFC000;
	s5 =	smov.u32 s10;
	s10 =	sadd.s32 $0x400, s10  }
0x6f: {  	_ = 	snop  }
0x70: {  	_ =	swait.ge [sflag:s28], $0x4000  }
0x71: {  	s5 =	sshra.s32 s5, $0x2;
	[sflag:s28] =	ssyncset.done $0x0  }
0x72: {  	s11 =	sadd.s32 $0x80, s5;
	[sflag:s28] =	ssyncadd.s32 $0xFFFFC000  }
0x73: {  	[tilespmem:s29], [sflag:$0x2] =	stream.indirect.gather [hbm4b:s3+s26], $0x80, s11, s26, $0xb8;
	[tilespmem:$0x1E800] =	vst v63  }
0x74: {  	s11 =	sadd.s32 $0x1400, s5  }
0x75: {  	[spmem:s1] =	stream.indirect.scatter.add.f32 [tilespmem:s23], [sflag:$0x3], $0x80, s11, s26, $0xb8;
	[tilespmem:$0x1E800] =	vst v63  }
0x76: {  	_ =	swait.ge [sflag:s24], $0x4000  }
0x77: {  	[sflag:s24] =	ssyncset.done $0x0  }
0x78: {  	[sflag:s24] =	ssyncadd.s32 $0xFFFFC000  }
0x79: {  	_ =	swait.ge [sflag:s30], $0x4000  }
0x7a: {  	[sflag:s30] =	ssyncset.done $0x0  }
0x7b: {  	s11 =	sadd.s32 $0x100, s5;
	[sflag:s30] =	ssyncadd.s32 $0xFFFFC000  }
0x7c: {  	[tilespmem:s23], [sflag:$0x1] =	stream.indirect.gather [hbm4b:s3+s26], $0x80, s11, s26, $0xb8;
	[tilespmem:$0x1E800] =	vst v63  }
.Ltmp4:
0x7d: {  	_ = 	snop;
	(pc) =	sbr.rel @p1 .LBB2_5-.Ltmp4, $4  }
0x7e: {  	s5 =	sadd.s32 $0x1480, s5  }
0x7f: {  	[spmem:s1] =	stream.indirect.scatter.add.f32 [tilespmem:s29], [sflag:$0x3], $0x80, s5, s26, $0xb8;
	[tilespmem:$0x1E800] =	vst v63  }
0x80: {  	_ =	swait.ge [sflag:s24], $0x4000  }
0x81: {  	[sflag:s24] =	ssyncset.done $0x0  }
0x82: {  	[sflag:s24] =	ssyncadd.s32 $0xFFFFC000  }
0x83: {  	_ =	swait.ge [sflag:s28], $0x4000  }
0x84: {  	[sflag:s28] =	ssyncset.done $0x0  }
0x85: {  	[sflag:s28] =	ssyncadd.s32 $0xFFFFC000  }
0x86: {  	[tilespmem:s29], [sflag:$0x2] =	stream.indirect.gather [hbm4b:s3+s26], $0x80, s31, s26, $0xb8;
	[tilespmem:$0x1E800] =	vst v63  }
0x87: {  	_ = 	snop  }
0x88: {  	[spmem:s1] =	stream.indirect.scatter.add.f32 [tilespmem:s23], [sflag:$0x3], $0x80, s0, s26, $0xb8;
	[tilespmem:$0x1E800] =	vst v63  }
0x89: {  	_ =	swait.ge [sflag:s24], $0x4000  }
0x8a: {  	[sflag:s24] =	ssyncset.done $0x0  }
0x8b: {  	[sflag:s24] =	ssyncadd.s32 $0xFFFFC000  }
0x8c: {  	_ =	swait.ge [sflag:s30], $0x4000  }
0x8d: {  	[sflag:s30] =	ssyncset.done $0x0  }
0x8e: {  	[sflag:s30] =	ssyncadd.s32 $0xFFFFC000  }
0x8f: {  	[spmem:s1] =	stream.indirect.scatter.add.f32 [tilespmem:s29], [sflag:$0x3], $0x80, s8, s26, $0xb8;
	[tilespmem:$0x1E800] =	vst v63  }
0x90: {  	_ =	swait.ge [sflag:s24], $0x4000  }
0x91: {  	[sflag:s24] =	ssyncset.done $0x0  }
0x92: {  	s5 =	simm.s32 $0x0;
	[sflag:s24] =	ssyncadd.s32 $0xFFFFC000  }
0x93: {  	[tilespmem:s5], [sflag:$0x3] =	stream.linear.gather [hbm4b:s20+s5], $0x1400, $0x38;
	[tilespmem:$0x1E800] =	vst v63  }
0x94: {  	_ =	swait.ge [sflag:s24], $0x1400  }
0x95: {  	[sflag:s24] =	ssyncset.done $0x0  }
0x96: {  	[sflag:s24] =	ssyncadd.s32 $0xFFFFEC00  }
0x97: {  	[tilespmem:s25], [sflag:$0x3] =	stream.linear.gather [hbm4b:s21+s5], $0x1400, $0x38;
	[tilespmem:$0x1E800] =	vst v63  }
0x98: {  	_ =	swait.ge [sflag:s24], $0x1400  }
0x99: {  	[sflag:s24] =	ssyncset.done $0x0  }
0x9a: {  	[sflag:s24] =	ssyncadd.s32 $0xFFFFEC00  }
0x9b: {  	[tilespmem:s23], [sflag:$0x1] =	stream.indirect.gather [hbm4b:s3+s26], $0x80, s5, s26, $0xb8;
	[tilespmem:$0x1E800] =	vst v63  }
0x9c: {  	_ =	swait.ge [sflag:s28], $0x4000  }
0x9d: {  	[sflag:s28] =	ssyncset.done $0x0  }
0x9e: {  	s22 =	simm.s32 $0x80;
	[sflag:s28] =	ssyncadd.s32 $0xFFFFC000  }
0x9f: {  	[tilespmem:s29], [sflag:$0x2] =	stream.indirect.gather [hbm4b:s3+s26], $0x80, s22, s26, $0xb8;
	[tilespmem:$0x1E800] =	vst v63  }
0xa0: {  	s10 =	simm.s32 $0x1400  }
0xa1: {  	[spmem:s1] =	stream.indirect.scatter.add.f32 [tilespmem:s23], [sflag:$0x3], $0x80, s10, s26, $0xb8;
	[tilespmem:$0x1E800] =	vst v63  }
0xa2: {  	_ =	swait.ge [sflag:s24], $0x4000  }
0xa3: {  	[sflag:s24] =	ssyncset.done $0x0  }
0xa4: {  	[sflag:s24] =	ssyncadd.s32 $0xFFFFC000  }
0xa5: {  	_ =	swait.ge [sflag:s30], $0x4000  }
0xa6: {  	[sflag:s30] =	ssyncset.done $0x0  }
0xa7: {  	s11 =	simm.s32 $0x100;
	[sflag:s30] =	ssyncadd.s32 $0xFFFFC000  }
0xa8: {  	[tilespmem:s23], [sflag:$0x1] =	stream.indirect.gather [hbm4b:s3+s26], $0x80, s11, s26, $0xb8;
	[tilespmem:$0x1E800] =	vst v63  }
0xa9: {  	s22 =	simm.s32 $0x1480  }
0xaa: {  	[spmem:s1] =	stream.indirect.scatter.add.f32 [tilespmem:s29], [sflag:$0x3], $0x80, s22, s26, $0xb8;
	[tilespmem:$0x1E800] =	vst v63  }
0xab: {  	_ =	swait.ge [sflag:s24], $0x4000  }
0xac: {  	s10 =	simm.s32 $0x400;
	[sflag:s24] =	ssyncset.done $0x0  }
.LBB2_7:
0xad: {  	p1 =	sne.s32 s10, $0x4800  }
0xae: {  	[sflag:s24] =	ssyncadd.s32 $0xFFFFC000;
	s5 =	smov.u32 s10;
	s10 =	sadd.s32 $0x400, s10  }
0xaf: {  	_ = 	snop  }
0xb0: {  	_ =	swait.ge [sflag:s28], $0x4000  }
0xb1: {  	s5 =	sshra.s32 s5, $0x2;
	[sflag:s28] =	ssyncset.done $0x0  }
0xb2: {  	s11 =	sadd.s32 $0x80, s5;
	[sflag:s28] =	ssyncadd.s32 $0xFFFFC000  }
0xb3: {  	[tilespmem:s29], [sflag:$0x2] =	stream.indirect.gather [hbm4b:s3+s26], $0x80, s11, s26, $0xb8;
	[tilespmem:$0x1E800] =	vst v63  }
0xb4: {  	s11 =	sadd.s32 $0x1400, s5  }
0xb5: {  	[spmem:s1] =	stream.indirect.scatter.add.f32 [tilespmem:s23], [sflag:$0x3], $0x80, s11, s26, $0xb8;
	[tilespmem:$0x1E800] =	vst v63  }
0xb6: {  	_ =	swait.ge [sflag:s24], $0x4000  }
0xb7: {  	[sflag:s24] =	ssyncset.done $0x0  }
0xb8: {  	[sflag:s24] =	ssyncadd.s32 $0xFFFFC000  }
0xb9: {  	_ =	swait.ge [sflag:s30], $0x4000  }
0xba: {  	[sflag:s30] =	ssyncset.done $0x0  }
0xbb: {  	s11 =	sadd.s32 $0x100, s5;
	[sflag:s30] =	ssyncadd.s32 $0xFFFFC000  }
0xbc: {  	[tilespmem:s23], [sflag:$0x1] =	stream.indirect.gather [hbm4b:s3+s26], $0x80, s11, s26, $0xb8;
	[tilespmem:$0x1E800] =	vst v63  }
.Ltmp5:
0xbd: {  	_ = 	snop;
	(pc) =	sbr.rel @p1 .LBB2_7-.Ltmp5, $4  }
0xbe: {  	s5 =	sadd.s32 $0x1480, s5  }
0xbf: {  	[spmem:s1] =	stream.indirect.scatter.add.f32 [tilespmem:s29], [sflag:$0x3], $0x80, s5, s26, $0xb8;
	[tilespmem:$0x1E800] =	vst v63  }
0xc0: {  	_ =	swait.ge [sflag:s24], $0x4000  }
0xc1: {  	[sflag:s24] =	ssyncset.done $0x0  }
.Ltmp6:
0xc2: {  	[sflag:s24] =	ssyncadd.s32 $0xFFFFC000;
	(pc) =	sbr.rel .LBB2_14-.Ltmp6, $4  }
0xc3: {  	_ =	swait.ge [sflag:s28], $0x4000  }
0xc4: {  	[sflag:s28] =	ssyncset.done $0x0  }
0xc5: {  	s5 =	rddreg [dreg:$0x3];
	[sflag:s28] =	ssyncadd.s32 $0xFFFFC000  }
0xc6: {  	[tilespmem:s29], [sflag:$0x2] =	stream.indirect.gather [hbm4b:s3+s26], $0x80, s31, s26, $0xb8;
	[tilespmem:$0x1E800] =	vst v63  }
.LBB2_9:
0xc7: {  	[tilespmem:s23], [sflag:$0x1] =	stream.indirect.gather [hbm4b:s4+s26], $0x80, s5, s26, $0xb8;
	[tilespmem:$0x1E800] =	vst v63  }
0xc8: {  	_ =	swait.ge [sflag:s28], $0x4000  }
0xc9: {  	[sflag:s28] =	ssyncset.done $0x0  }
0xca: {  	s22 =	simm.s32 $0x80;
	[sflag:s28] =	ssyncadd.s32 $0xFFFFC000  }
0xcb: {  	[tilespmem:s29], [sflag:$0x2] =	stream.indirect.gather [hbm4b:s4+s26], $0x80, s22, s26, $0xb8;
	[tilespmem:$0x1E800] =	vst v63  }
0xcc: {  	s10 =	simm.s32 $0x1400  }
0xcd: {  	[spmem:s1] =	stream.indirect.scatter.add.f32 [tilespmem:s23], [sflag:$0x3], $0x80, s10, s26, $0xb8;
	[tilespmem:$0x1E800] =	vst v63  }
0xce: {  	_ =	swait.ge [sflag:s24], $0x4000  }
0xcf: {  	[sflag:s24] =	ssyncset.done $0x0  }
0xd0: {  	[sflag:s24] =	ssyncadd.s32 $0xFFFFC000  }
0xd1: {  	_ =	swait.ge [sflag:s30], $0x4000  }
0xd2: {  	[sflag:s30] =	ssyncset.done $0x0  }
0xd3: {  	s11 =	simm.s32 $0x100;
	[sflag:s30] =	ssyncadd.s32 $0xFFFFC000  }
0xd4: {  	[tilespmem:s23], [sflag:$0x1] =	stream.indirect.gather [hbm4b:s4+s26], $0x80, s11, s26, $0xb8;
	[tilespmem:$0x1E800] =	vst v63  }
0xd5: {  	s22 =	simm.s32 $0x1480  }
0xd6: {  	[spmem:s1] =	stream.indirect.scatter.add.f32 [tilespmem:s29], [sflag:$0x3], $0x80, s22, s26, $0xb8;
	[tilespmem:$0x1E800] =	vst v63  }
0xd7: {  	_ =	swait.ge [sflag:s24], $0x4000  }
0xd8: {  	s10 =	simm.s32 $0x400;
	[sflag:s24] =	ssyncset.done $0x0  }
.LBB2_10:
0xd9: {  	p1 =	sne.s32 s10, $0x4800  }
0xda: {  	[sflag:s24] =	ssyncadd.s32 $0xFFFFC000;
	s5 =	smov.u32 s10;
	s10 =	sadd.s32 $0x400, s10  }
0xdb: {  	_ = 	snop  }
0xdc: {  	_ =	swait.ge [sflag:s28], $0x4000  }
0xdd: {  	s5 =	sshra.s32 s5, $0x2;
	[sflag:s28] =	ssyncset.done $0x0  }
0xde: {  	s11 =	sadd.s32 $0x80, s5;
	[sflag:s28] =	ssyncadd.s32 $0xFFFFC000  }
0xdf: {  	[tilespmem:s29], [sflag:$0x2] =	stream.indirect.gather [hbm4b:s4+s26], $0x80, s11, s26, $0xb8;
	[tilespmem:$0x1E800] =	vst v63  }
0xe0: {  	s11 =	sadd.s32 $0x1400, s5  }
0xe1: {  	[spmem:s1] =	stream.indirect.scatter.add.f32 [tilespmem:s23], [sflag:$0x3], $0x80, s11, s26, $0xb8;
	[tilespmem:$0x1E800] =	vst v63  }
0xe2: {  	_ =	swait.ge [sflag:s24], $0x4000  }
0xe3: {  	[sflag:s24] =	ssyncset.done $0x0  }
0xe4: {  	[sflag:s24] =	ssyncadd.s32 $0xFFFFC000  }
0xe5: {  	_ =	swait.ge [sflag:s30], $0x4000  }
0xe6: {  	[sflag:s30] =	ssyncset.done $0x0  }
0xe7: {  	s11 =	sadd.s32 $0x100, s5;
	[sflag:s30] =	ssyncadd.s32 $0xFFFFC000  }
0xe8: {  	[tilespmem:s23], [sflag:$0x1] =	stream.indirect.gather [hbm4b:s4+s26], $0x80, s11, s26, $0xb8;
	[tilespmem:$0x1E800] =	vst v63  }
.Ltmp7:
0xe9: {  	_ = 	snop;
	(pc) =	sbr.rel @p1 .LBB2_10-.Ltmp7, $4  }
0xea: {  	s5 =	sadd.s32 $0x1480, s5  }
0xeb: {  	[spmem:s1] =	stream.indirect.scatter.add.f32 [tilespmem:s29], [sflag:$0x3], $0x80, s5, s26, $0xb8;
	[tilespmem:$0x1E800] =	vst v63  }
0xec: {  	_ =	swait.ge [sflag:s24], $0x4000  }
0xed: {  	[sflag:s24] =	ssyncset.done $0x0  }
0xee: {  	[sflag:s24] =	ssyncadd.s32 $0xFFFFC000  }
0xef: {  	_ =	swait.ge [sflag:s28], $0x4000  }
0xf0: {  	[sflag:s28] =	ssyncset.done $0x0  }
0xf1: {  	[sflag:s28] =	ssyncadd.s32 $0xFFFFC000  }
0xf2: {  	[tilespmem:s29], [sflag:$0x2] =	stream.indirect.gather [hbm4b:s4+s26], $0x80, s31, s26, $0xb8;
	[tilespmem:$0x1E800] =	vst v63  }
0xf3: {  	_ = 	snop  }
0xf4: {  	[spmem:s1] =	stream.indirect.scatter.add.f32 [tilespmem:s23], [sflag:$0x3], $0x80, s0, s26, $0xb8;
	[tilespmem:$0x1E800] =	vst v63  }
0xf5: {  	_ =	swait.ge [sflag:s24], $0x4000  }
0xf6: {  	[sflag:s24] =	ssyncset.done $0x0  }
0xf7: {  	[sflag:s24] =	ssyncadd.s32 $0xFFFFC000  }
0xf8: {  	_ =	swait.ge [sflag:s30], $0x4000  }
0xf9: {  	[sflag:s30] =	ssyncset.done $0x0  }
0xfa: {  	[sflag:s30] =	ssyncadd.s32 $0xFFFFC000  }
0xfb: {  	[spmem:s1] =	stream.indirect.scatter.add.f32 [tilespmem:s29], [sflag:$0x3], $0x80, s8, s26, $0xb8;
	[tilespmem:$0x1E800] =	vst v63  }
0xfc: {  	_ =	swait.ge [sflag:s24], $0x4000  }
0xfd: {  	[sflag:s24] =	ssyncset.done $0x0  }
0xfe: {  	s5 =	simm.s32 $0x0;
	[sflag:s24] =	ssyncadd.s32 $0xFFFFC000  }
0xff: {  	[tilespmem:s5], [sflag:$0x3] =	stream.linear.gather [hbm4b:s20+s5], $0x1400, $0x38;
	[tilespmem:$0x1E800] =	vst v63  }
0x100: {  	_ =	swait.ge [sflag:s24], $0x1400  }
0x101: {  	[sflag:s24] =	ssyncset.done $0x0  }
0x102: {  	[sflag:s24] =	ssyncadd.s32 $0xFFFFEC00  }
0x103: {  	[tilespmem:s25], [sflag:$0x3] =	stream.linear.gather [hbm4b:s21+s5], $0x1400, $0x38;
	[tilespmem:$0x1E800] =	vst v63  }
0x104: {  	_ =	swait.ge [sflag:s24], $0x1400  }
0x105: {  	[sflag:s24] =	ssyncset.done $0x0  }
0x106: {  	[sflag:s24] =	ssyncadd.s32 $0xFFFFEC00  }
0x107: {  	[tilespmem:s23], [sflag:$0x1] =	stream.indirect.gather [hbm4b:s4+s26], $0x80, s5, s26, $0xb8;
	[tilespmem:$0x1E800] =	vst v63  }
0x108: {  	_ =	swait.ge [sflag:s28], $0x4000  }
0x109: {  	[sflag:s28] =	ssyncset.done $0x0  }
0x10a: {  	s22 =	simm.s32 $0x80;
	[sflag:s28] =	ssyncadd.s32 $0xFFFFC000  }
0x10b: {  	[tilespmem:s29], [sflag:$0x2] =	stream.indirect.gather [hbm4b:s4+s26], $0x80, s22, s26, $0xb8;
	[tilespmem:$0x1E800] =	vst v63  }
0x10c: {  	s10 =	simm.s32 $0x1400  }
0x10d: {  	[spmem:s1] =	stream.indirect.scatter.add.f32 [tilespmem:s23], [sflag:$0x3], $0x80, s10, s26, $0xb8;
	[tilespmem:$0x1E800] =	vst v63  }
0x10e: {  	_ =	swait.ge [sflag:s24], $0x4000  }
0x10f: {  	[sflag:s24] =	ssyncset.done $0x0  }
0x110: {  	[sflag:s24] =	ssyncadd.s32 $0xFFFFC000  }
0x111: {  	_ =	swait.ge [sflag:s30], $0x4000  }
0x112: {  	[sflag:s30] =	ssyncset.done $0x0  }
0x113: {  	s11 =	simm.s32 $0x100;
	[sflag:s30] =	ssyncadd.s32 $0xFFFFC000  }
0x114: {  	[tilespmem:s23], [sflag:$0x1] =	stream.indirect.gather [hbm4b:s4+s26], $0x80, s11, s26, $0xb8;
	[tilespmem:$0x1E800] =	vst v63  }
0x115: {  	s22 =	simm.s32 $0x1480  }
0x116: {  	[spmem:s1] =	stream.indirect.scatter.add.f32 [tilespmem:s29], [sflag:$0x3], $0x80, s22, s26, $0xb8;
	[tilespmem:$0x1E800] =	vst v63  }
0x117: {  	_ =	swait.ge [sflag:s24], $0x4000  }
0x118: {  	s10 =	simm.s32 $0x400;
	[sflag:s24] =	ssyncset.done $0x0  }
.LBB2_12:
0x119: {  	p1 =	sne.s32 s10, $0x4800  }
0x11a: {  	[sflag:s24] =	ssyncadd.s32 $0xFFFFC000;
	s5 =	smov.u32 s10;
	s10 =	sadd.s32 $0x400, s10  }
0x11b: {  	_ = 	snop  }
0x11c: {  	_ =	swait.ge [sflag:s28], $0x4000  }
0x11d: {  	s5 =	sshra.s32 s5, $0x2;
	[sflag:s28] =	ssyncset.done $0x0  }
0x11e: {  	s11 =	sadd.s32 $0x80, s5;
	[sflag:s28] =	ssyncadd.s32 $0xFFFFC000  }
0x11f: {  	[tilespmem:s29], [sflag:$0x2] =	stream.indirect.gather [hbm4b:s4+s26], $0x80, s11, s26, $0xb8;
	[tilespmem:$0x1E800] =	vst v63  }
0x120: {  	s11 =	sadd.s32 $0x1400, s5  }
0x121: {  	[spmem:s1] =	stream.indirect.scatter.add.f32 [tilespmem:s23], [sflag:$0x3], $0x80, s11, s26, $0xb8;
	[tilespmem:$0x1E800] =	vst v63  }
0x122: {  	_ =	swait.ge [sflag:s24], $0x4000  }
0x123: {  	[sflag:s24] =	ssyncset.done $0x0  }
0x124: {  	[sflag:s24] =	ssyncadd.s32 $0xFFFFC000  }
0x125: {  	_ =	swait.ge [sflag:s30], $0x4000  }
0x126: {  	[sflag:s30] =	ssyncset.done $0x0  }
0x127: {  	s11 =	sadd.s32 $0x100, s5;
	[sflag:s30] =	ssyncadd.s32 $0xFFFFC000  }
0x128: {  	[tilespmem:s23], [sflag:$0x1] =	stream.indirect.gather [hbm4b:s4+s26], $0x80, s11, s26, $0xb8;
	[tilespmem:$0x1E800] =	vst v63  }
.Ltmp8:
0x129: {  	_ = 	snop;
	(pc) =	sbr.rel @p1 .LBB2_12-.Ltmp8, $4  }
0x12a: {  	s5 =	sadd.s32 $0x1480, s5  }
0x12b: {  	[spmem:s1] =	stream.indirect.scatter.add.f32 [tilespmem:s29], [sflag:$0x3], $0x80, s5, s26, $0xb8;
	[tilespmem:$0x1E800] =	vst v63  }
0x12c: {  	_ =	swait.ge [sflag:s24], $0x4000  }
0x12d: {  	[sflag:s24] =	ssyncset.done $0x0  }
0x12e: {  	[sflag:s24] =	ssyncadd.s32 $0xFFFFC000  }
0x12f: {  	_ =	swait.ge [sflag:s28], $0x4000  }
0x130: {  	[sflag:s28] =	ssyncset.done $0x0  }
0x131: {  	s5 =	rddreg [dreg:$0x4];
	[sflag:s28] =	ssyncadd.s32 $0xFFFFC000  }
0x132: {  	[tilespmem:s29], [sflag:$0x2] =	stream.indirect.gather [hbm4b:s4+s26], $0x80, s31, s26, $0xb8;
	[tilespmem:$0x1E800] =	vst v63  }
.LBB2_14:
0x133: {  	[spmem:s1] =	stream.indirect.scatter.add.f32 [tilespmem:s23], [sflag:$0x3], $0x80, s0, s26, $0xb8;
	[tilespmem:$0x1E800] =	vst v63  }
0x134: {  	_ =	swait.ge [sflag:s24], $0x4000  }
0x135: {  	[sflag:s24] =	ssyncset.done $0x0  }
0x136: {  	[sflag:s24] =	ssyncadd.s32 $0xFFFFC000  }
0x137: {  	_ =	swait.ge [sflag:s30], $0x4000  }
0x138: {  	[sflag:s30] =	ssyncset.done $0x0  }
0x139: {  	[sflag:s30] =	ssyncadd.s32 $0xFFFFC000  }
0x13a: {  	[spmem:s1] =	stream.indirect.scatter.add.f32 [tilespmem:s29], [sflag:$0x3], $0x80, s8, s26, $0xb8;
	[tilespmem:$0x1E800] =	vst v63  }
0x13b: {  	_ =	swait.ge [sflag:s24], $0x4000  }
0x13c: {  	s10 =	stileid.u32;
	[sflag:s24] =	ssyncset.done $0x0  }
0x13d: {  	s5 =	sadd.s32 s5, s13;
	s10 =	sshll.u32 s10, $0x6;
	[sflag:s24] =	ssyncadd.s32 $0xFFFFC000  }
0x13e: {  	s11 =	sshrl.u32 s12, $0x3;
	s10 =	sor.u32 $0x1C03, s10;
	[bflag:$0x0] =	sbarrier.arrive $0xFFFF  }
0x13f: {  	[hbm:s5], [sflag:s10] =	dma.local [spmem:s11], $0x2800  }
0x140: {  	_ =	swait.ge [sflag:s24], $0x2800  }
0x141: {  	[sflag:s24] =	ssyncset.done $0x0  }
0x142: {  	[sflag:s24] =	ssyncadd.s32 $0xFFFFD800  }
0x143: {  	s22 =	simm.s32 $0x200;
	s5 =	simm.s32 $0x0;
	[bflag:$0x0] =	sbarrier.arrive $0xFFFF  }
.LBB2_15:
0x144: {  	p1 =	sne.s32 s22, $0xFE00;
	[tilespmem:s5+$0x2870] =	vst v0  }
0x145: {  	[tilespmem:s5+$0x2800] =	vst v0  }
0x146: {  	[tilespmem:s5+$0x2810] =	vst v0  }
.Ltmp9:
0x147: {  	[tilespmem:s5+$0x2820] =	vst v0;
	(pc) =	sbr.rel @p1 .LBB2_15-.Ltmp9, $4  }
0x148: {  	[tilespmem:s5+$0x2830] =	vst v0  }
0x149: {  	[tilespmem:s5+$0x2840] =	vst v0  }
0x14a: {  	[tilespmem:s5+$0x2850] =	vst v0  }
0x14b: {  	[tilespmem:s5+$0x2860] =	vst v0;
	s5 =	sshra.s32 s22, $0x2;
	s22 =	sadd.s32 $0x200, s22  }
0x14c: {  	[tilespmem:s5+$0x2870] =	vst v0  }
0x14d: {  	[tilespmem:s5+$0x2800] =	vst v0  }
0x14e: {  	[tilespmem:s5+$0x2810] =	vst v0  }
0x14f: {  	[tilespmem:s5+$0x2820] =	vst v0  }
0x150: {  	[tilespmem:s5+$0x2830] =	vst v0  }
0x151: {  	[tilespmem:s5+$0x2840] =	vst v0  }
0x152: {  	[tilespmem:s5+$0x2850] =	vst v0  }
0x153: {  	[tilespmem:s5+$0x2860] =	vst v0  }
0x154: {  	[spmem:s12] =	stream.linear.scatter [tilespmem:s23], [sflag:$0x3], $0x4000, $0x38;
	[tilespmem:$0x1E800] =	vst v63  }
0x155: {  	_ =	swait.ge [sflag:s24], $0x4000  }
0x156: {  	[sflag:s24] =	ssyncset.done $0x0  }
0x157: {  	[sflag:s24] =	ssyncadd.s32 $0xFFFFC000  }
0x158: {  	[spmem:s14] =	stream.linear.scatter [tilespmem:s23], [sflag:$0x3], $0x4000, $0x38;
	[tilespmem:$0x1E800] =	vst v63  }
0x159: {  	_ =	swait.ge [sflag:s24], $0x4000  }
0x15a: {  	[sflag:s24] =	ssyncset.done $0x0  }
0x15b: {  	[sflag:s24] =	ssyncadd.s32 $0xFFFFC000  }
0x15c: {  	[spmem:s15] =	stream.linear.scatter [tilespmem:s23], [sflag:$0x3], $0x4000, $0x38;
	[tilespmem:$0x1E800] =	vst v63  }
0x15d: {  	_ =	swait.ge [sflag:s24], $0x4000  }
0x15e: {  	[sflag:s24] =	ssyncset.done $0x0  }
0x15f: {  	[sflag:s24] =	ssyncadd.s32 $0xFFFFC000  }
0x160: {  	[spmem:s16] =	stream.linear.scatter [tilespmem:s23], [sflag:$0x3], $0x4000, $0x38;
	[tilespmem:$0x1E800] =	vst v63  }
0x161: {  	_ =	swait.ge [sflag:s24], $0x4000  }
0x162: {  	[sflag:s24] =	ssyncset.done $0x0  }
0x163: {  	[sflag:s24] =	ssyncadd.s32 $0xFFFFC000  }
0x164: {  	[spmem:s17] =	stream.linear.scatter [tilespmem:s23], [sflag:$0x3], $0x4000, $0x38;
	[tilespmem:$0x1E800] =	vst v63  }
0x165: {  	_ =	swait.ge [sflag:s24], $0x4000  }
0x166: {  	[sflag:s24] =	ssyncset.done $0x0  }
0x167: {  	[sflag:s24] =	ssyncadd.s32 $0xFFFFC000  }
0x168: {  	[bflag:$0x0] =	sbarrier.arrive $0xFFFF  }
0x169: {  	[tilespmem:s2], [sflag:$0x3] =	stream.linear.gather [hbm4b:s18+s2], $0x1400, $0x38;
	[tilespmem:$0x1E800] =	vst v63  }
0x16a: {  	_ =	swait.ge [sflag:s24], $0x1400  }
0x16b: {  	[sflag:s24] =	ssyncset.done $0x0  }
.Ltmp10:
0x16c: {  	[sflag:s24] =	ssyncadd.s32 $0xFFFFEC00;
	(pc) =	sbr.rel @p0 .LBB2_22-.Ltmp10, $4  }
0x16d: {  	[tilespmem:s25], [sflag:$0x3] =	stream.linear.gather [hbm4b:s19+s2], $0x1400, $0x38;
	[tilespmem:$0x1E800] =	vst v63  }
0x16e: {  	_ =	swait.ge [sflag:s24], $0x1400  }
0x16f: {  	[sflag:s24] =	ssyncset.done $0x0  }
0x170: {  	[sflag:s24] =	ssyncadd.s32 $0xFFFFEC00  }
0x171: {  	s5 =	simm.s32 $0x0  }
0x172: {  	[tilespmem:s23], [sflag:$0x1] =	stream.indirect.gather [hbm4b:s6+s26], $0x80, s5, s26, $0xb8;
	[tilespmem:$0x1E800] =	vst v63  }
0x173: {  	_ =	swait.ge [sflag:s28], $0x4000  }
0x174: {  	[sflag:s28] =	ssyncset.done $0x0  }
0x175: {  	s2 =	simm.s32 $0x80;
	[sflag:s28] =	ssyncadd.s32 $0xFFFFC000  }
0x176: {  	[tilespmem:s29], [sflag:$0x2] =	stream.indirect.gather [hbm4b:s6+s26], $0x80, s2, s26, $0xb8;
	[tilespmem:$0x1E800] =	vst v63  }
0x177: {  	s22 =	simm.s32 $0x1400  }
0x178: {  	[spmem:s1] =	stream.indirect.scatter.add.f32 [tilespmem:s23], [sflag:$0x3], $0x80, s22, s26, $0xb8;
	[tilespmem:$0x1E800] =	vst v63  }
0x179: {  	_ =	swait.ge [sflag:s24], $0x4000  }
0x17a: {  	[sflag:s24] =	ssyncset.done $0x0  }
0x17b: {  	[sflag:s24] =	ssyncadd.s32 $0xFFFFC000  }
0x17c: {  	_ =	swait.ge [sflag:s30], $0x4000  }
0x17d: {  	[sflag:s30] =	ssyncset.done $0x0  }
0x17e: {  	s2 =	simm.s32 $0x100;
	[sflag:s30] =	ssyncadd.s32 $0xFFFFC000  }
0x17f: {  	[tilespmem:s23], [sflag:$0x1] =	stream.indirect.gather [hbm4b:s6+s26], $0x80, s2, s26, $0xb8;
	[tilespmem:$0x1E800] =	vst v63  }
0x180: {  	s22 =	simm.s32 $0x1480  }
0x181: {  	[spmem:s1] =	stream.indirect.scatter.add.f32 [tilespmem:s29], [sflag:$0x3], $0x80, s22, s26, $0xb8;
	[tilespmem:$0x1E800] =	vst v63  }
0x182: {  	_ =	swait.ge [sflag:s24], $0x4000  }
0x183: {  	s5 =	simm.s32 $0x400;
	[sflag:s24] =	ssyncset.done $0x0  }
.LBB2_18:
0x184: {  	p1 =	sne.s32 s5, $0x4800  }
0x185: {  	[sflag:s24] =	ssyncadd.s32 $0xFFFFC000;
	s22 =	smov.u32 s5;
	s5 =	sadd.s32 $0x400, s5  }
0x186: {  	_ = 	snop  }
0x187: {  	_ =	swait.ge [sflag:s28], $0x4000  }
0x188: {  	s22 =	sshra.s32 s22, $0x2;
	[sflag:s28] =	ssyncset.done $0x0  }
0x189: {  	s2 =	sadd.s32 $0x80, s22;
	[sflag:s28] =	ssyncadd.s32 $0xFFFFC000  }
0x18a: {  	[tilespmem:s29], [sflag:$0x2] =	stream.indirect.gather [hbm4b:s6+s26], $0x80, s2, s26, $0xb8;
	[tilespmem:$0x1E800] =	vst v63  }
0x18b: {  	s2 =	sadd.s32 $0x1400, s22  }
0x18c: {  	[spmem:s1] =	stream.indirect.scatter.add.f32 [tilespmem:s23], [sflag:$0x3], $0x80, s2, s26, $0xb8;
	[tilespmem:$0x1E800] =	vst v63  }
0x18d: {  	_ =	swait.ge [sflag:s24], $0x4000  }
0x18e: {  	[sflag:s24] =	ssyncset.done $0x0  }
0x18f: {  	[sflag:s24] =	ssyncadd.s32 $0xFFFFC000  }
0x190: {  	_ =	swait.ge [sflag:s30], $0x4000  }
0x191: {  	[sflag:s30] =	ssyncset.done $0x0  }
0x192: {  	s2 =	sadd.s32 $0x100, s22;
	[sflag:s30] =	ssyncadd.s32 $0xFFFFC000  }
0x193: {  	[tilespmem:s23], [sflag:$0x1] =	stream.indirect.gather [hbm4b:s6+s26], $0x80, s2, s26, $0xb8;
	[tilespmem:$0x1E800] =	vst v63  }
.Ltmp11:
0x194: {  	_ = 	snop;
	(pc) =	sbr.rel @p1 .LBB2_18-.Ltmp11, $4  }
0x195: {  	s2 =	sadd.s32 $0x1480, s22  }
0x196: {  	[spmem:s1] =	stream.indirect.scatter.add.f32 [tilespmem:s29], [sflag:$0x3], $0x80, s2, s26, $0xb8;
	[tilespmem:$0x1E800] =	vst v63  }
0x197: {  	_ =	swait.ge [sflag:s24], $0x4000  }
0x198: {  	[sflag:s24] =	ssyncset.done $0x0  }
0x199: {  	[sflag:s24] =	ssyncadd.s32 $0xFFFFC000  }
0x19a: {  	_ =	swait.ge [sflag:s28], $0x4000  }
0x19b: {  	[sflag:s28] =	ssyncset.done $0x0  }
0x19c: {  	[sflag:s28] =	ssyncadd.s32 $0xFFFFC000  }
0x19d: {  	[tilespmem:s29], [sflag:$0x2] =	stream.indirect.gather [hbm4b:s6+s26], $0x80, s31, s26, $0xb8;
	[tilespmem:$0x1E800] =	vst v63  }
0x19e: {  	_ = 	snop  }
0x19f: {  	[spmem:s1] =	stream.indirect.scatter.add.f32 [tilespmem:s23], [sflag:$0x3], $0x80, s0, s26, $0xb8;
	[tilespmem:$0x1E800] =	vst v63  }
0x1a0: {  	_ =	swait.ge [sflag:s24], $0x4000  }
0x1a1: {  	[sflag:s24] =	ssyncset.done $0x0  }
0x1a2: {  	[sflag:s24] =	ssyncadd.s32 $0xFFFFC000  }
0x1a3: {  	_ =	swait.ge [sflag:s30], $0x4000  }
0x1a4: {  	[sflag:s30] =	ssyncset.done $0x0  }
0x1a5: {  	[sflag:s30] =	ssyncadd.s32 $0xFFFFC000  }
0x1a6: {  	[spmem:s1] =	stream.indirect.scatter.add.f32 [tilespmem:s29], [sflag:$0x3], $0x80, s8, s26, $0xb8;
	[tilespmem:$0x1E800] =	vst v63  }
0x1a7: {  	_ =	swait.ge [sflag:s24], $0x4000  }
0x1a8: {  	[sflag:s24] =	ssyncset.done $0x0  }
0x1a9: {  	s2 =	simm.s32 $0x0;
	[sflag:s24] =	ssyncadd.s32 $0xFFFFC000  }
0x1aa: {  	[tilespmem:s2], [sflag:$0x3] =	stream.linear.gather [hbm4b:s20+s2], $0x1400, $0x38;
	[tilespmem:$0x1E800] =	vst v63  }
0x1ab: {  	_ =	swait.ge [sflag:s24], $0x1400  }
0x1ac: {  	[sflag:s24] =	ssyncset.done $0x0  }
0x1ad: {  	[sflag:s24] =	ssyncadd.s32 $0xFFFFEC00  }
0x1ae: {  	[tilespmem:s25], [sflag:$0x3] =	stream.linear.gather [hbm4b:s21+s2], $0x1400, $0x38;
	[tilespmem:$0x1E800] =	vst v63  }
0x1af: {  	_ =	swait.ge [sflag:s24], $0x1400  }
0x1b0: {  	[sflag:s24] =	ssyncset.done $0x0  }
0x1b1: {  	[sflag:s24] =	ssyncadd.s32 $0xFFFFEC00  }
0x1b2: {  	[tilespmem:s23], [sflag:$0x1] =	stream.indirect.gather [hbm4b:s6+s26], $0x80, s2, s26, $0xb8;
	[tilespmem:$0x1E800] =	vst v63  }
0x1b3: {  	_ =	swait.ge [sflag:s28], $0x4000  }
0x1b4: {  	[sflag:s28] =	ssyncset.done $0x0  }
0x1b5: {  	s5 =	simm.s32 $0x80;
	[sflag:s28] =	ssyncadd.s32 $0xFFFFC000  }
0x1b6: {  	[tilespmem:s29], [sflag:$0x2] =	stream.indirect.gather [hbm4b:s6+s26], $0x80, s5, s26, $0xb8;
	[tilespmem:$0x1E800] =	vst v63  }
0x1b7: {  	s22 =	simm.s32 $0x1400  }
0x1b8: {  	[spmem:s1] =	stream.indirect.scatter.add.f32 [tilespmem:s23], [sflag:$0x3], $0x80, s22, s26, $0xb8;
	[tilespmem:$0x1E800] =	vst v63  }
0x1b9: {  	_ =	swait.ge [sflag:s24], $0x4000  }
0x1ba: {  	[sflag:s24] =	ssyncset.done $0x0  }
0x1bb: {  	[sflag:s24] =	ssyncadd.s32 $0xFFFFC000  }
0x1bc: {  	_ =	swait.ge [sflag:s30], $0x4000  }
0x1bd: {  	[sflag:s30] =	ssyncset.done $0x0  }
0x1be: {  	s5 =	simm.s32 $0x100;
	[sflag:s30] =	ssyncadd.s32 $0xFFFFC000  }
0x1bf: {  	[tilespmem:s23], [sflag:$0x1] =	stream.indirect.gather [hbm4b:s6+s26], $0x80, s5, s26, $0xb8;
	[tilespmem:$0x1E800] =	vst v63  }
0x1c0: {  	s22 =	simm.s32 $0x1480  }
0x1c1: {  	[spmem:s1] =	stream.indirect.scatter.add.f32 [tilespmem:s29], [sflag:$0x3], $0x80, s22, s26, $0xb8;
	[tilespmem:$0x1E800] =	vst v63  }
0x1c2: {  	_ =	swait.ge [sflag:s24], $0x4000  }
0x1c3: {  	s5 =	simm.s32 $0x400;
	[sflag:s24] =	ssyncset.done $0x0  }
.LBB2_20:
0x1c4: {  	p1 =	sne.s32 s5, $0x4800  }
0x1c5: {  	[sflag:s24] =	ssyncadd.s32 $0xFFFFC000;
	s2 =	smov.u32 s5;
	s5 =	sadd.s32 $0x400, s5  }
0x1c6: {  	_ = 	snop  }
0x1c7: {  	_ =	swait.ge [sflag:s28], $0x4000  }
0x1c8: {  	s2 =	sshra.s32 s2, $0x2;
	[sflag:s28] =	ssyncset.done $0x0  }
0x1c9: {  	s22 =	sadd.s32 $0x80, s2;
	[sflag:s28] =	ssyncadd.s32 $0xFFFFC000  }
0x1ca: {  	[tilespmem:s29], [sflag:$0x2] =	stream.indirect.gather [hbm4b:s6+s26], $0x80, s22, s26, $0xb8;
	[tilespmem:$0x1E800] =	vst v63  }
0x1cb: {  	s22 =	sadd.s32 $0x1400, s2  }
0x1cc: {  	[spmem:s1] =	stream.indirect.scatter.add.f32 [tilespmem:s23], [sflag:$0x3], $0x80, s22, s26, $0xb8;
	[tilespmem:$0x1E800] =	vst v63  }
0x1cd: {  	_ =	swait.ge [sflag:s24], $0x4000  }
0x1ce: {  	[sflag:s24] =	ssyncset.done $0x0  }
0x1cf: {  	[sflag:s24] =	ssyncadd.s32 $0xFFFFC000  }
0x1d0: {  	_ =	swait.ge [sflag:s30], $0x4000  }
0x1d1: {  	[sflag:s30] =	ssyncset.done $0x0  }
0x1d2: {  	s22 =	sadd.s32 $0x100, s2;
	[sflag:s30] =	ssyncadd.s32 $0xFFFFC000  }
0x1d3: {  	[tilespmem:s23], [sflag:$0x1] =	stream.indirect.gather [hbm4b:s6+s26], $0x80, s22, s26, $0xb8;
	[tilespmem:$0x1E800] =	vst v63  }
.Ltmp12:
0x1d4: {  	_ = 	snop;
	(pc) =	sbr.rel @p1 .LBB2_20-.Ltmp12, $4  }
0x1d5: {  	s2 =	sadd.s32 $0x1480, s2  }
0x1d6: {  	[spmem:s1] =	stream.indirect.scatter.add.f32 [tilespmem:s29], [sflag:$0x3], $0x80, s2, s26, $0xb8;
	[tilespmem:$0x1E800] =	vst v63  }
0x1d7: {  	_ =	swait.ge [sflag:s24], $0x4000  }
0x1d8: {  	[sflag:s24] =	ssyncset.done $0x0  }
.Ltmp13:
0x1d9: {  	[sflag:s24] =	ssyncadd.s32 $0xFFFFC000;
	(pc) =	sbr.rel .LBB2_27-.Ltmp13, $4  }
0x1da: {  	_ =	swait.ge [sflag:s28], $0x4000  }
0x1db: {  	[sflag:s28] =	ssyncset.done $0x0  }
0x1dc: {  	s5 =	rddreg [dreg:$0x5];
	[sflag:s28] =	ssyncadd.s32 $0xFFFFC000  }
0x1dd: {  	[tilespmem:s29], [sflag:$0x2] =	stream.indirect.gather [hbm4b:s6+s26], $0x80, s31, s26, $0xb8;
	[tilespmem:$0x1E800] =	vst v63  }
.LBB2_22:
0x1de: {  	s2 =	simm.s32 $0x0  }
0x1df: {  	[tilespmem:s23], [sflag:$0x1] =	stream.indirect.gather [hbm4b:s7+s26], $0x80, s2, s26, $0xb8;
	[tilespmem:$0x1E800] =	vst v63  }
0x1e0: {  	_ =	swait.ge [sflag:s28], $0x4000  }
0x1e1: {  	[sflag:s28] =	ssyncset.done $0x0  }
0x1e2: {  	s5 =	simm.s32 $0x80;
	[sflag:s28] =	ssyncadd.s32 $0xFFFFC000  }
0x1e3: {  	[tilespmem:s29], [sflag:$0x2] =	stream.indirect.gather [hbm4b:s7+s26], $0x80, s5, s26, $0xb8;
	[tilespmem:$0x1E800] =	vst v63  }
0x1e4: {  	s22 =	simm.s32 $0x1400  }
0x1e5: {  	[spmem:s1] =	stream.indirect.scatter.add.f32 [tilespmem:s23], [sflag:$0x3], $0x80, s22, s26, $0xb8;
	[tilespmem:$0x1E800] =	vst v63  }
0x1e6: {  	_ =	swait.ge [sflag:s24], $0x4000  }
0x1e7: {  	[sflag:s24] =	ssyncset.done $0x0  }
0x1e8: {  	[sflag:s24] =	ssyncadd.s32 $0xFFFFC000  }
0x1e9: {  	_ =	swait.ge [sflag:s30], $0x4000  }
0x1ea: {  	[sflag:s30] =	ssyncset.done $0x0  }
0x1eb: {  	s5 =	simm.s32 $0x100;
	[sflag:s30] =	ssyncadd.s32 $0xFFFFC000  }
0x1ec: {  	[tilespmem:s23], [sflag:$0x1] =	stream.indirect.gather [hbm4b:s7+s26], $0x80, s5, s26, $0xb8;
	[tilespmem:$0x1E800] =	vst v63  }
0x1ed: {  	s22 =	simm.s32 $0x1480  }
0x1ee: {  	[spmem:s1] =	stream.indirect.scatter.add.f32 [tilespmem:s29], [sflag:$0x3], $0x80, s22, s26, $0xb8;
	[tilespmem:$0x1E800] =	vst v63  }
0x1ef: {  	_ =	swait.ge [sflag:s24], $0x4000  }
0x1f0: {  	s5 =	simm.s32 $0x400;
	[sflag:s24] =	ssyncset.done $0x0  }
.LBB2_23:
0x1f1: {  	p1 =	sne.s32 s5, $0x4800  }
0x1f2: {  	[sflag:s24] =	ssyncadd.s32 $0xFFFFC000;
	s2 =	smov.u32 s5;
	s5 =	sadd.s32 $0x400, s5  }
0x1f3: {  	_ = 	snop  }
0x1f4: {  	_ =	swait.ge [sflag:s28], $0x4000  }
0x1f5: {  	s2 =	sshra.s32 s2, $0x2;
	[sflag:s28] =	ssyncset.done $0x0  }
0x1f6: {  	s22 =	sadd.s32 $0x80, s2;
	[sflag:s28] =	ssyncadd.s32 $0xFFFFC000  }
0x1f7: {  	[tilespmem:s29], [sflag:$0x2] =	stream.indirect.gather [hbm4b:s7+s26], $0x80, s22, s26, $0xb8;
	[tilespmem:$0x1E800] =	vst v63  }
0x1f8: {  	s22 =	sadd.s32 $0x1400, s2  }
0x1f9: {  	[spmem:s1] =	stream.indirect.scatter.add.f32 [tilespmem:s23], [sflag:$0x3], $0x80, s22, s26, $0xb8;
	[tilespmem:$0x1E800] =	vst v63  }
0x1fa: {  	_ =	swait.ge [sflag:s24], $0x4000  }
0x1fb: {  	[sflag:s24] =	ssyncset.done $0x0  }
0x1fc: {  	[sflag:s24] =	ssyncadd.s32 $0xFFFFC000  }
0x1fd: {  	_ =	swait.ge [sflag:s30], $0x4000  }
0x1fe: {  	[sflag:s30] =	ssyncset.done $0x0  }
0x1ff: {  	s22 =	sadd.s32 $0x100, s2;
	[sflag:s30] =	ssyncadd.s32 $0xFFFFC000  }
0x200: {  	[tilespmem:s23], [sflag:$0x1] =	stream.indirect.gather [hbm4b:s7+s26], $0x80, s22, s26, $0xb8;
	[tilespmem:$0x1E800] =	vst v63  }
.Ltmp14:
0x201: {  	_ = 	snop;
	(pc) =	sbr.rel @p1 .LBB2_23-.Ltmp14, $4  }
0x202: {  	s2 =	sadd.s32 $0x1480, s2  }
0x203: {  	[spmem:s1] =	stream.indirect.scatter.add.f32 [tilespmem:s29], [sflag:$0x3], $0x80, s2, s26, $0xb8;
	[tilespmem:$0x1E800] =	vst v63  }
0x204: {  	_ =	swait.ge [sflag:s24], $0x4000  }
0x205: {  	[sflag:s24] =	ssyncset.done $0x0  }
0x206: {  	[sflag:s24] =	ssyncadd.s32 $0xFFFFC000  }
0x207: {  	_ =	swait.ge [sflag:s28], $0x4000  }
0x208: {  	[sflag:s28] =	ssyncset.done $0x0  }
0x209: {  	[sflag:s28] =	ssyncadd.s32 $0xFFFFC000  }
0x20a: {  	[tilespmem:s29], [sflag:$0x2] =	stream.indirect.gather [hbm4b:s7+s26], $0x80, s31, s26, $0xb8;
	[tilespmem:$0x1E800] =	vst v63  }
0x20b: {  	_ = 	snop  }
0x20c: {  	[spmem:s1] =	stream.indirect.scatter.add.f32 [tilespmem:s23], [sflag:$0x3], $0x80, s0, s26, $0xb8;
	[tilespmem:$0x1E800] =	vst v63  }
0x20d: {  	_ =	swait.ge [sflag:s24], $0x4000  }
0x20e: {  	[sflag:s24] =	ssyncset.done $0x0  }
0x20f: {  	[sflag:s24] =	ssyncadd.s32 $0xFFFFC000  }
0x210: {  	_ =	swait.ge [sflag:s30], $0x4000  }
0x211: {  	[sflag:s30] =	ssyncset.done $0x0  }
0x212: {  	[sflag:s30] =	ssyncadd.s32 $0xFFFFC000  }
0x213: {  	[spmem:s1] =	stream.indirect.scatter.add.f32 [tilespmem:s29], [sflag:$0x3], $0x80, s8, s26, $0xb8;
	[tilespmem:$0x1E800] =	vst v63  }
0x214: {  	_ =	swait.ge [sflag:s24], $0x4000  }
0x215: {  	[sflag:s24] =	ssyncset.done $0x0  }
0x216: {  	s2 =	simm.s32 $0x0;
	[sflag:s24] =	ssyncadd.s32 $0xFFFFC000  }
0x217: {  	[tilespmem:s2], [sflag:$0x3] =	stream.linear.gather [hbm4b:s20+s2], $0x1400, $0x38;
	[tilespmem:$0x1E800] =	vst v63  }
0x218: {  	_ =	swait.ge [sflag:s24], $0x1400  }
0x219: {  	[sflag:s24] =	ssyncset.done $0x0  }
0x21a: {  	[sflag:s24] =	ssyncadd.s32 $0xFFFFEC00  }
0x21b: {  	[tilespmem:s25], [sflag:$0x3] =	stream.linear.gather [hbm4b:s21+s2], $0x1400, $0x38;
	[tilespmem:$0x1E800] =	vst v63  }
0x21c: {  	_ =	swait.ge [sflag:s24], $0x1400  }
0x21d: {  	[sflag:s24] =	ssyncset.done $0x0  }
0x21e: {  	[sflag:s24] =	ssyncadd.s32 $0xFFFFEC00  }
0x21f: {  	[tilespmem:s23], [sflag:$0x1] =	stream.indirect.gather [hbm4b:s7+s26], $0x80, s2, s26, $0xb8;
	[tilespmem:$0x1E800] =	vst v63  }
0x220: {  	_ =	swait.ge [sflag:s28], $0x4000  }
0x221: {  	[sflag:s28] =	ssyncset.done $0x0  }
0x222: {  	s5 =	simm.s32 $0x80;
	[sflag:s28] =	ssyncadd.s32 $0xFFFFC000  }
0x223: {  	[tilespmem:s29], [sflag:$0x2] =	stream.indirect.gather [hbm4b:s7+s26], $0x80, s5, s26, $0xb8;
	[tilespmem:$0x1E800] =	vst v63  }
0x224: {  	s22 =	simm.s32 $0x1400  }
0x225: {  	[spmem:s1] =	stream.indirect.scatter.add.f32 [tilespmem:s23], [sflag:$0x3], $0x80, s22, s26, $0xb8;
	[tilespmem:$0x1E800] =	vst v63  }
0x226: {  	_ =	swait.ge [sflag:s24], $0x4000  }
0x227: {  	[sflag:s24] =	ssyncset.done $0x0  }
0x228: {  	[sflag:s24] =	ssyncadd.s32 $0xFFFFC000  }
0x229: {  	_ =	swait.ge [sflag:s30], $0x4000  }
0x22a: {  	[sflag:s30] =	ssyncset.done $0x0  }
0x22b: {  	s5 =	simm.s32 $0x100;
	[sflag:s30] =	ssyncadd.s32 $0xFFFFC000  }
0x22c: {  	[tilespmem:s23], [sflag:$0x1] =	stream.indirect.gather [hbm4b:s7+s26], $0x80, s5, s26, $0xb8;
	[tilespmem:$0x1E800] =	vst v63  }
0x22d: {  	s22 =	simm.s32 $0x1480  }
0x22e: {  	[spmem:s1] =	stream.indirect.scatter.add.f32 [tilespmem:s29], [sflag:$0x3], $0x80, s22, s26, $0xb8;
	[tilespmem:$0x1E800] =	vst v63  }
0x22f: {  	_ =	swait.ge [sflag:s24], $0x4000  }
0x230: {  	s5 =	simm.s32 $0x400;
	[sflag:s24] =	ssyncset.done $0x0  }
.LBB2_25:
0x231: {  	p1 =	sne.s32 s5, $0x4800  }
0x232: {  	[sflag:s24] =	ssyncadd.s32 $0xFFFFC000;
	s2 =	smov.u32 s5;
	s5 =	sadd.s32 $0x400, s5  }
0x233: {  	_ = 	snop  }
0x234: {  	_ =	swait.ge [sflag:s28], $0x4000  }
0x235: {  	s2 =	sshra.s32 s2, $0x2;
	[sflag:s28] =	ssyncset.done $0x0  }
0x236: {  	s22 =	sadd.s32 $0x80, s2;
	[sflag:s28] =	ssyncadd.s32 $0xFFFFC000  }
0x237: {  	[tilespmem:s29], [sflag:$0x2] =	stream.indirect.gather [hbm4b:s7+s26], $0x80, s22, s26, $0xb8;
	[tilespmem:$0x1E800] =	vst v63  }
0x238: {  	s22 =	sadd.s32 $0x1400, s2  }
0x239: {  	[spmem:s1] =	stream.indirect.scatter.add.f32 [tilespmem:s23], [sflag:$0x3], $0x80, s22, s26, $0xb8;
	[tilespmem:$0x1E800] =	vst v63  }
0x23a: {  	_ =	swait.ge [sflag:s24], $0x4000  }
0x23b: {  	[sflag:s24] =	ssyncset.done $0x0  }
0x23c: {  	[sflag:s24] =	ssyncadd.s32 $0xFFFFC000  }
0x23d: {  	_ =	swait.ge [sflag:s30], $0x4000  }
0x23e: {  	[sflag:s30] =	ssyncset.done $0x0  }
0x23f: {  	s22 =	sadd.s32 $0x100, s2;
	[sflag:s30] =	ssyncadd.s32 $0xFFFFC000  }
0x240: {  	[tilespmem:s23], [sflag:$0x1] =	stream.indirect.gather [hbm4b:s7+s26], $0x80, s22, s26, $0xb8;
	[tilespmem:$0x1E800] =	vst v63  }
.Ltmp15:
0x241: {  	_ = 	snop;
	(pc) =	sbr.rel @p1 .LBB2_25-.Ltmp15, $4  }
0x242: {  	s2 =	sadd.s32 $0x1480, s2  }
0x243: {  	[spmem:s1] =	stream.indirect.scatter.add.f32 [tilespmem:s29], [sflag:$0x3], $0x80, s2, s26, $0xb8;
	[tilespmem:$0x1E800] =	vst v63  }
0x244: {  	_ =	swait.ge [sflag:s24], $0x4000  }
0x245: {  	[sflag:s24] =	ssyncset.done $0x0  }
.Ltmp16:
0x246: {  	_ = 	snop;
	(pc) =	sbr.rel .LBB2_26-.Ltmp16, $1  }
0x247: {  	_ =	sdelay $0x3  }
.LBB2_28:
0x248: {  	_ =	sfence.sel $0x180000  }
0x249: {  	[bflag:$0x0] =	sbarrier.arrive $0xFFFF  }
0x24a: {  	_ =	strace $0x9000004A  }
0x24b: {  	s0 =	stileid.u32;
	[bflag:$0x2] =	sbarrier.arrive $0xFFFF  }
0x24c: {  	p0 =	sne.s32 s0, $0x0;
	s0 =	rddreg [dreg:$0x2]  }
0x24d: {  	s0 =	sadd.s32 @!p0 $0x100000, s0  }
0x24e: {  	[sflag:s0] =	ssyncadd.tile.s32 @!p0 $0x1;
	_ =	shalt  }
.Lfunc_end2:
_tile_overlayer_lowered:
.L_overlay_start_2:
0x24f: {  	(tag) =	ssettag $0x2  }
0x250: {  	s0 =	rddreg [dreg:$0x0];
	s2 =	stileid.u32  }
0x251: {  	s1 =	rddreg [dreg:$0x1];
	p0 =	sne.s32 s2, $0x0  }
0x252: {  	s3 =	rddreg [dreg:$0x2];
	[bflag:$0x3] =	sbarrier.arrive $0xFFFF;
	s2 =	simm.s32 @!p0 $0x1C03  }
0x253: {  	[timem:s3], [sflag:s2] =	dma.local @!p0 [hbm:s0], s1  }
0x254: {  	s0 =	simm.s32 @!p0 $0x3  }
0x255: {  	_ =	swait.ge @!p0 [sflag:s0], s1  }
0x256: {  	s1 =	ssub.s32 @!p0 $0x0, s1;
	[sflag:s0] =	ssyncset.done @!p0 $0x0  }
0x257: {  	[sflag:s0] =	ssyncadd.s32 @!p0 s1  }
0x258: {  	[bflag:$0x3] =	sbarrier.arrive $0xFFFF  }
0x259: {  	_ =	shalt  }

// kernel: kernel.14.cloned.1.call-start
scs
__scs_entry_jumppad:
0x0: {  	(pc) =	sbr.rel $0x88, $3  }
0x1: {  	(tag) =	ssettag $0x0;
	lr =	simm.s32 $0x1  }
0x2: {  	[smem:$0x3F89] =	sst lr;
	_ =	strace $0xD0000000  }
0x3: {  	_ = 	snop  }
0x4: {  	_ = 	snop  }
0x5: {  	_ = 	snop  }
0x6: {  	_ = 	snop  }
0x7: {  	_ = 	snop  }
__scs_overlays_trampoline_lowered:
0x8: {  	[smem:$0x3F98] =	sst s0  }
0x9: {  	[smem:$0x3F99] =	sst s1  }
0xa: {  	[smem:$0x3F9A] =	sst s2  }
0xb: {  	[smem:$0x3F9B] =	sst s3  }
0xc: {  	[smem:$0x3F9C] =	sst s4  }
0xd: {  	[smem:$0x3F9D] =	sst s5  }
0xe: {  	[smem:$0x3F9E] =	sst s6  }
0xf: {  	[smem:$0x3F9F] =	sst s7  }
0x10: {  	[smem:$0x3FA0] =	sst s8  }
0x11: {  	[smem:$0x3FA1] =	sst s9;
	s0 =	simm.s32 @!p0 $0x0  }
0x12: {  	s1 =	sld [smem:$0x3F87];
	s0 =	simm.s32 @p0 $0x1  }
0x13: {  	[smem:$0x3FA2] =	sst s0;
	s0 =	simm.s32 @!p1 $0x0  }
0x14: {  	s2 =	sld [smem:$0x3F86];
	s0 =	simm.s32 @p1 $0x1  }
0x15: {  	[smem:$0x3FA3] =	sst s0;
	s0 =	simm.s32 @!p2 $0x0  }
0x16: {  	s3 =	sld [smem:$0x3FDB];
	s0 =	simm.s32 @p2 $0x1  }
0x17: {  	s4 =	simm.s32 $0x1BF5;
	[smem:$0x3FA5] =	sst s0  }
0x18: {  	s0 =	sld [smem:$0x3F88];
	_ =	swait.ge [sflag:s4], $0x0  }
0x19: {  	s7 =	sld [smem:$0x3F89]  }
0x1a: {  	s8 =	sadd.s32 $0xFFFFE003, lr  }
0x1b: {  	s9 =	sadd.s32 $0xFFFFFEF7, lr;
	s5 =	simm.s32 $0xFFFFFFFF;
	p2 =	slt.u32 s8, $0xFFFFF086  }
0x1c: {  	p1 =	slt.u32 s9, $0xF7A;
	s5 =	simm.s32 @!p2 $0x0  }
0x1d: {  	s5 =	simm.s32 @p1 $0x1;
	p0 =	seq.s32 s7, s2  }
0x1e: {  	s7 =	smul.u32 @!p0 $0xF7A, s2;
	p2 =	seq.s32 @!p0 s5, $0x0  }
0x1f: {  	s9 =	smul.u32 $0xF7A, s1;
	s8 =	simm.s32 @!p0 $0x1BF5;
	p2 =	por !p2, p0  }
0x20: {  	[sflag:s8] =	ssyncset.s32 @!p0 $0xFFFFF086;
	s6 =	sadd.s32 @!p0 s3, s7;
	s7 =	simm.s32 @!p0 $0x108  }
0x21: {  	s3 =	sadd.s32 s3, s9;
	s6 =	sadd.s32 @!p0 $0x88, s6;
	s7 =	simm.s32 @p2 $0x1082  }
0x22: {  	[simem:s7], [sflag:s8] =	dma.local @!p0 [hbm:s6], $0xF7A  }
0x23: {  	s9 =	sor.u32 $0xD0000000, s2;
	s6 =	simm.s32 $0x108;
	_ =	swait.ge @!p0 [sflag:s8], $0x0  }
0x24: {  	s3 =	sadd.s32 $0x88, s3;
	s6 =	simm.s32 @!p1 $0x1082;
	[sflag:s4] =	ssyncset.s32 $0xFFFFF086  }
0x25: {  	[simem:s6], [sflag:s4] =	dma.local [hbm:s3], $0xF7A  }
0x26: {  	[smem:$0x3F89] =	sst s1;
	(tag) =	ssettag s2;
	_ =	strace s9  }
0x27: {  	s1 =	sld [smem:$0x3F99]  }
0x28: {  	s2 =	sld [smem:$0x3F9A]  }
0x29: {  	s4 =	sld [smem:$0x3F9C]  }
0x2a: {  	p0 =	seq.s32 s5, $0x0;
	s5 =	sld [smem:$0x3F9D]  }
0x2b: {  	s6 =	sld [smem:$0x3F9E]  }
0x2c: {  	s7 =	sld [smem:$0x3F9F]  }
0x2d: {  	s3 =	simm.s32 $0x108;
	s8 =	sld [smem:$0x3FA0]  }
0x2e: {  	s3 =	simm.s32 @!p0 $0x1082;
	s9 =	sld [smem:$0x3FA1]  }
0x2f: {  	lr =	sadd.s32 s0, s3;
	s0 =	sld [smem:$0x3F98]  }
0x30: {  	s3 =	sld [smem:$0x3F9B]  }
0x31: {  	[smem:$0x3FA4] =	sst s10  }
0x32: {  	s10 =	sld [smem:$0x3FA2];
	_ =	sdelay $0x3  }
0x33: {  	p0 =	seq.s32 s10, $0x1;
	s10 =	sld [smem:$0x3FA4];
	_ =	sdelay $0x3  }
0x34: {  	[smem:$0x3FA4] =	sst s10  }
0x35: {  	s10 =	sld [smem:$0x3FA3];
	_ =	sdelay $0x3  }
0x36: {  	p1 =	seq.s32 s10, $0x1;
	s10 =	sld [smem:$0x3FA4];
	_ =	sdelay $0x3  }
0x37: {  	[smem:$0x3FA4] =	sst s10  }
0x38: {  	s10 =	sld [smem:$0x3FA5]  }
0x39: {  	_ = 	snop;
	(pc) =	sbr.ind lr, $3  }
0x3a: {  	_ = 	snop  }
0x3b: {  	_ = 	snop  }
0x3c: {  	p2 =	seq.s32 s10, $0x1;
	s10 =	sld [smem:$0x3FA4]  }
0x3d: {  	_ =	shalt  }
0x3e: {  	_ =	shalt  }
0x3f: {  	_ =	shalt  }
0x40: {  	_ =	shalt  }
0x41: {  	_ =	shalt  }
0x42: {  	_ =	shalt  }
0x43: {  	_ =	shalt  }
0x44: {  	_ =	shalt  }
0x45: {  	_ =	shalt  }
0x46: {  	_ =	shalt  }
0x47: {  	_ =	shalt  }
0x48: {  	_ =	shalt  }
0x49: {  	_ =	shalt  }
0x4a: {  	_ =	shalt  }
0x4b: {  	_ =	shalt  }
0x4c: {  	_ =	shalt  }
0x4d: {  	_ =	shalt  }
0x4e: {  	_ =	shalt  }
0x4f: {  	_ =	shalt  }
0x50: {  	_ =	shalt  }
0x51: {  	_ =	shalt  }
0x52: {  	_ =	shalt  }
0x53: {  	_ =	shalt  }
0x54: {  	_ =	shalt  }
0x55: {  	_ =	shalt  }
0x56: {  	_ =	shalt  }
0x57: {  	_ =	shalt  }
0x58: {  	_ =	shalt  }
0x59: {  	_ =	shalt  }
0x5a: {  	_ =	shalt  }
0x5b: {  	_ =	shalt  }
0x5c: {  	_ =	shalt  }
0x5d: {  	_ =	shalt  }
0x5e: {  	_ =	shalt  }
0x5f: {  	_ =	shalt  }
0x60: {  	_ =	shalt  }
0x61: {  	_ =	shalt  }
0x62: {  	_ =	shalt  }
0x63: {  	_ =	shalt  }
0x64: {  	_ =	shalt  }
0x65: {  	_ =	shalt  }
0x66: {  	_ =	shalt  }
0x67: {  	_ =	shalt  }
0x68: {  	_ =	shalt  }
0x69: {  	_ =	shalt  }
0x6a: {  	_ =	shalt  }
0x6b: {  	_ =	shalt  }
0x6c: {  	_ =	shalt  }
0x6d: {  	_ =	shalt  }
0x6e: {  	_ =	shalt  }
0x6f: {  	_ =	shalt  }
0x70: {  	_ =	shalt  }
0x71: {  	_ =	shalt  }
0x72: {  	_ =	shalt  }
0x73: {  	_ =	shalt  }
0x74: {  	_ =	shalt  }
0x75: {  	_ =	shalt  }
0x76: {  	_ =	shalt  }
0x77: {  	_ =	shalt  }
0x78: {  	_ =	shalt  }
0x79: {  	_ =	shalt  }
0x7a: {  	_ =	shalt  }
0x7b: {  	_ =	shalt  }
0x7c: {  	_ =	shalt  }
0x7d: {  	_ =	shalt  }
0x7e: {  	_ =	shalt  }
0x7f: {  	_ =	shalt  }
0x80: {  	_ =	shalt  }
0x81: {  	_ =	shalt  }
0x82: {  	_ =	shalt  }
0x83: {  	_ =	shalt  }
0x84: {  	_ =	shalt  }
0x85: {  	_ =	shalt  }
0x86: {  	_ =	shalt  }
0x87: {  	_ =	shalt  }
.Lfunc_end0:
.L_simem_size_0:
called_computation.2_lowered:
.L_overlay_start_0:
0x88: {  	s2 =	sld [smem:$0x3FD9]  }
0x89: {  	s3 =	sld [smem:$0x3FFE];
	_ =	sdelay $0x1  }
0x8a: {  	s1 =	srdreg.scid  }
0x8b: {  	s0 =	sand.u32 $0x1, s1  }
0x8c: {  	s16 =	sshll.u32 s0, $0xA;
	s2 =	sadd.s32 s3, s2  }
0x8d: {  	s2 =	sadd.s32 s2, s16  }
0x8e: {  	[smem:$0x3FB0] =	sst s2  }
0x8f: {  	_ = 	snop  }
0x90: {  	(tm) =	ssettm $0x1  }
0x91: {  	s17 =	sld [smem:$0x3FFB];
	_ =	sdelay $0x3  }
0x92: {  	_ =	strace s17  }
0x93: {  	s2 =	sld [smem:$0x3FFC];
	_ =	sdelay $0x3  }
0x94: {  	_ =	strace s2  }
0x95: {  	s2 =	sld [smem:$0x3FFD];
	_ =	sdelay $0x3  }
0x96: {  	_ =	strace s2  }
0x97: {  	_ =	strace $0x8FFFFFFF  }
0x98: {  	s18 =	sld [smem:$0x3FDB];
	_ =	sdelay $0x1  }
0x99: {  	s19 =	simm.s32 $_scs_section_size  }
0x9a: {  	s4 =	simm.s32 $_size__tile_overlayer_lowered;
	s5 =	simm.s32 $_tile_overlayer_lowered  }
0x9b: {  	s22 =	simm.s32 $0x1BFF;
	s21 =	sshll.u32 s5, $0x1;
	s2 =	sadd.s32 s19, s18  }
0x9c: {  	s6 =	simm.s32 $0x0;
	s20 =	sshll.u32 s4, $0x1;
	s4 =	sadd.s32 s21, s2  }
0x9d: {  	[timem:s6], [sflag:s22] =	dma.local [hbm:s4], s20  }
0x9e: {  	_ =	swait.ge [sflag:s22], s20  }
0x9f: {  	s3 =	ssub.s32 $0x0, s20;
	[sflag:s22] =	ssyncset.done $0x0  }
0xa0: {  	[sflag:s22] =	ssyncadd.s32 s3;
	_ =	sdelay $0x1  }
0xa1: {  	s23 =	simm.s32 $0x1B8B  }
0xa2: {  	_ =	swait.ge [sflag:s23], $0x1  }
0xa3: {  	[sflag:s23] =	ssyncset.done $0x0  }
0xa4: {  	s25 =	simm.s32 $0x1B8E;
	s24 =	sld [smem:$0x3FFE];
	[sflag:s23] =	ssyncadd.s32 $0xFFFFFFFF  }
0xa5: {  	s26 =	simm.s32 $execute0_lowered;
	[smem:$0x3FD2] =	sst s25  }
0xa6: {  	s4 =	sshll.u32 s26, $0x1;
	_ =	strace $0x8000004C;
	[dreg:$0x1] =	wrdreg $0xFFFFFFFF  }
0xa7: {  	s28 =	simm.s32 $_size_execute0_lowered;
	s2 =	sadd.s32 s2, s4;
	[dreg:$0x0] =	wrdreg $0x0  }
0xa8: {  	s4 =	sshll.u32 s28, $0x1;
	[dreg:$0x2] =	wrdreg s2  }
0xa9: {  	[dreg:$0x3] =	wrdreg s4  }
0xaa: {  	[dreg:$0x4] =	wrdreg $0xC0  }
0xab: {  	_ =	task [dreg:s6], $0x5FFFF  }
0xac: {  	[dreg:$0x1] =	wrdreg $0xFFFFFFFF  }
0xad: {  	[dreg:$0x0] =	wrdreg $0x60  }
0xae: {  	[dreg:$0x2] =	wrdreg s24  }
0xaf: {  	[dreg:$0x3] =	wrdreg $0xA8000  }
0xb0: {  	[dreg:$0x4] =	wrdreg $0x9  }
0xb1: {  	_ =	task.clear_ibuf [dreg:s6], $0x5FFFF;
	_ =	strace $0x9000004C  }
0xb2: {  	s29 =	simm.s32 $0x9;
	_ =	strace $0x8000004E  }
0xb3: {  	_ =	swait.ge [sflag:s29], $0x1  }
0xb4: {  	[sflag:s29] =	ssyncadd.s32 $0xFFFFFFFF  }
0xb5: {  	_ =	strace $0x9000004E  }
0xb6: {  	_ =	sfence  }
0xb7: {  	s30 =	sld [smem:$0x0];
	_ =	sdelay $0x2  }
0xb8: {  	s31 =	sshll.u32 s1, $0xD;
	s1 =	sshrl.u32 s1, $0x2  }
0xb9: {  	s3 =	sand.u32 $0x4000, s31;
	s1 =	sadd.s32 s1, s30  }
0xba: {  	s0 =	sor.u32 s3, s0;
	s1 =	sshll.u32 s1, $0x11  }
0xbb: {  	s0 =	sor.u32 s1, s0  }
0xbc: {  	s0 =	sadd.s32 $0x8F2B, s0  }
0xbd: {  	[sflag:s0] =	ssyncadd.remote.s32 $0x1  }
0xbe: {  	_ =	sfence.sel $0xFFFF  }
0xbf: {  	[dreg:$0x0] =	wrdreg $0xFFFFFFFF;
	(pc) =	sbr.abs _section_cstart, $3  }
0xc0: {  	[dreg:$0x1] =	wrdreg $0xFFFFFFFF  }
0xc1: {  	_ =	task.clear_ibuf [dreg:s6], $0x2FFFF;
	_ =	strace $0x9FFFFFFF  }
0xc2: {  	(tm) =	ssettm $0x7FFFFFFF  }
0xc3: {  	_ =	shalt  }
tec
execute0_lowered:
.L_overlay_start_1:
0x0: {  	(tag) =	ssettag $0x1  }
0x1: {  	s0 =	rddreg [dreg:$0x0]  }
0x2: {  	s1 =	rddreg [dreg:$0x1];
	s2 =	simm.s32 $0x0;
	s3 =	stileid.u32  }
0x3: {  	s7 =	srdreg.scid;
	s20 =	simm.s32 $0x3;
	s21 =	simm.s32 $0x1400  }
0x4: {  	s22 =	simm.s32 $0x80;
	s23 =	simm.s32 $0x1;
	s24 =	simm.s32 $0x6800  }
0x5: {  	s25 =	simm.s32 $0x2;
	s26 =	simm.s32 $0x1380;
	s28 =	simm.s32 $0x2700  }
0x6: {  	s29 =	simm.s32 $0x2780;
	s30 =	simm.s32 $0x0;
	[smem:$0x7FF] =	sst s2  }
0x7: {  	s4 =	sadd.s32 $0x10A00, s0;
	s5 =	sadd.s32 $0x38A00, s0;
	s16 =	sadd.s32 $0xBA00, s0  }
0x8: {  	s8 =	smul.u32 $0x50000, s3;
	s17 =	sadd.s32 $0x6A00, s0;
	s6 =	sadd.s32 $0x60A00, s0  }
0x9: {  	s19 =	sand.u32 $0x1, s7;
	s7 =	sadd.s32 $0xB0A00, s0;
	s9 =	smul.u32 $0x2800, s3  }
0xa: {  	_ =	strace $0x8000004D;
	[dreg:$0x3] =	wrdreg s6;
	s31 =	ssub.s32 $0x2, s19  }
0xb: {  	p0 =	sne.s32 s19, $0x0;
	s19 =	simm.s32 $0x2800;
	s8 =	sshrl.u32 s8, $0x2  }
.Ltmp0:
0xc: {  	s10 =	sshrl.u32 s31, $0x1;
	s18 =	sshrl.u32 s9, $0x3;
	(pc) =	sbr.rel .LBB2_1-.Ltmp0, $4  }
0xd: {  	s8 =	sadd.s32 s8, s1;
	s0 =	ssub.s32 s31, s10;
	s14 =	sadd.s32 s16, s18  }
0xe: {  	s15 =	sadd.s32 s17, s18;
	s18 =	sadd.s32 $0x280, s18;
	s10 =	sadd.s32 $0x4000, s8  }
0xf: {  	s11 =	sadd.s32 $0x8000, s8;
	s12 =	sadd.s32 $0xC000, s8;
	s13 =	sadd.s32 $0x10000, s8  }
0x10: {  	v0 =	vimm.f32 $0.0e+00;
	s16 =	sadd.s32 s16, s18;
	s17 =	sadd.s32 s17, s18;
	s18 =	smax.u32 s0, $0x1  }
.LBB2_13:
0x11: {  	[sflag:s20] =	ssyncadd.s32 $0xFFFFC000  }
0x12: {  	_ =	swait.ge [sflag:s23], $0x4000  }
0x13: {  	[sflag:s23] =	ssyncset.done $0x0  }
0x14: {  	s0 =	smov.u32 s7;
	[sflag:s23] =	ssyncadd.s32 $0xFFFFC000  }
0x15: {  	[tilespmem:s24], [sflag:$0x2] =	stream.indirect.gather [hbm4b:s5+s22], $0x80, s26, s22, $0xb8;
	[tilespmem:$0x1E800] =	vst v63  }
.LBB2_14:
0x16: {  	[spmem:s1] =	stream.indirect.scatter.add.f32 [tilespmem:s19], [sflag:$0x3], $0x80, s28, s22, $0xb8;
	[tilespmem:$0x1E800] =	vst v63  }
0x17: {  	_ =	swait.ge [sflag:s20], $0x4000  }
0x18: {  	[sflag:s20] =	ssyncset.done $0x0  }
0x19: {  	[sflag:s20] =	ssyncadd.s32 $0xFFFFC000  }
0x1a: {  	_ =	swait.ge [sflag:s25], $0x4000  }
0x1b: {  	[sflag:s25] =	ssyncset.done $0x0  }
0x1c: {  	[sflag:s25] =	ssyncadd.s32 $0xFFFFC000  }
0x1d: {  	[spmem:s1] =	stream.indirect.scatter.add.f32 [tilespmem:s24], [sflag:$0x3], $0x80, s29, s22, $0xb8;
	[tilespmem:$0x1E800] =	vst v63  }
0x1e: {  	s0 =	sadd.s32 s0, s9;
	_ =	swait.ge [sflag:s20], $0x4000  }
0x1f: {  	s6 =	sshll.u32 s3, $0x6;
	s30 =	sadd.s32 $0x1, s30;
	[sflag:s20] =	ssyncset.done $0x0  }
0x20: {  	s31 =	sshrl.u32 s8, $0x3;
	p1 =	sne.s32 s30, s18;
	[sflag:s20] =	ssyncadd.s32 $0xFFFFC000  }
.Ltmp1:
0x21: {  	s6 =	sor.u32 $0x1C03, s6;
	[bflag:$0x0] =	sbarrier.arrive $0xFFFF;
	(pc) =	sbr.rel @!p1 .LBB2_15-.Ltmp1, $4  }
0x22: {  	[hbm:s0], [sflag:s6] =	dma.local [spmem:s31], $0x2800  }
0x23: {  	_ =	swait.ge [sflag:s20], $0x2800  }
0x24: {  	[sflag:s20] =	ssyncset.done $0x0  }
0x25: {  	[sflag:s20] =	ssyncadd.s32 $0xFFFFD800  }
.LBB2_1:
0x26: {  	s31 =	simm.s32 $0x0;
	s0 =	simm.s32 $0x200  }
.LBB2_2:
0x27: {  	p1 =	sne.s32 s0, $0xFE00;
	[tilespmem:s31+$0x2870] =	vst v0  }
0x28: {  	[tilespmem:s31+$0x2800] =	vst v0  }
0x29: {  	[tilespmem:s31+$0x2810] =	vst v0  }
.Ltmp2:
0x2a: {  	[tilespmem:s31+$0x2820] =	vst v0;
	(pc) =	sbr.rel @p1 .LBB2_2-.Ltmp2, $4  }
0x2b: {  	[tilespmem:s31+$0x2830] =	vst v0  }
0x2c: {  	[tilespmem:s31+$0x2840] =	vst v0  }
0x2d: {  	[tilespmem:s31+$0x2850] =	vst v0  }
0x2e: {  	[tilespmem:s31+$0x2860] =	vst v0;
	s31 =	sshra.s32 s0, $0x2;
	s0 =	sadd.s32 $0x200, s0  }
0x2f: {  	[tilespmem:s31+$0x2870] =	vst v0  }
0x30: {  	[tilespmem:s31+$0x2800] =	vst v0  }
0x31: {  	[tilespmem:s31+$0x2810] =	vst v0  }
0x32: {  	[tilespmem:s31+$0x2820] =	vst v0  }
0x33: {  	[tilespmem:s31+$0x2830] =	vst v0  }
0x34: {  	[tilespmem:s31+$0x2840] =	vst v0  }
0x35: {  	[tilespmem:s31+$0x2850] =	vst v0  }
0x36: {  	[tilespmem:s31+$0x2860] =	vst v0  }
0x37: {  	[spmem:s8] =	stream.linear.scatter [tilespmem:s19], [sflag:$0x3], $0x4000, $0x38;
	[tilespmem:$0x1E800] =	vst v63  }
0x38: {  	_ =	swait.ge [sflag:s20], $0x4000  }
0x39: {  	[sflag:s20] =	ssyncset.done $0x0  }
0x3a: {  	[sflag:s20] =	ssyncadd.s32 $0xFFFFC000  }
0x3b: {  	[spmem:s10] =	stream.linear.scatter [tilespmem:s19], [sflag:$0x3], $0x4000, $0x38;
	[tilespmem:$0x1E800] =	vst v63  }
0x3c: {  	_ =	swait.ge [sflag:s20], $0x4000  }
0x3d: {  	[sflag:s20] =	ssyncset.done $0x0  }
0x3e: {  	[sflag:s20] =	ssyncadd.s32 $0xFFFFC000  }
0x3f: {  	[spmem:s11] =	stream.linear.scatter [tilespmem:s19], [sflag:$0x3], $0x4000, $0x38;
	[tilespmem:$0x1E800] =	vst v63  }
0x40: {  	_ =	swait.ge [sflag:s20], $0x4000  }
0x41: {  	[sflag:s20] =	ssyncset.done $0x0  }
0x42: {  	[sflag:s20] =	ssyncadd.s32 $0xFFFFC000  }
0x43: {  	[spmem:s12] =	stream.linear.scatter [tilespmem:s19], [sflag:$0x3], $0x4000, $0x38;
	[tilespmem:$0x1E800] =	vst v63  }
0x44: {  	_ =	swait.ge [sflag:s20], $0x4000  }
0x45: {  	[sflag:s20] =	ssyncset.done $0x0  }
0x46: {  	[sflag:s20] =	ssyncadd.s32 $0xFFFFC000  }
0x47: {  	[spmem:s13] =	stream.linear.scatter [tilespmem:s19], [sflag:$0x3], $0x4000, $0x38;
	[tilespmem:$0x1E800] =	vst v63  }
0x48: {  	_ =	swait.ge [sflag:s20], $0x4000  }
0x49: {  	[sflag:s20] =	ssyncset.done $0x0  }
0x4a: {  	[sflag:s20] =	ssyncadd.s32 $0xFFFFC000  }
0x4b: {  	[bflag:$0x0] =	sbarrier.arrive $0xFFFF  }
0x4c: {  	[tilespmem:s2], [sflag:$0x3] =	stream.linear.gather [hbm4b:s14+s2], $0x1400, $0x38;
	[tilespmem:$0x1E800] =	vst v63  }
0x4d: {  	_ =	swait.ge [sflag:s20], $0x1400  }
0x4e: {  	[sflag:s20] =	ssyncset.done $0x0  }
.Ltmp3:
0x4f: {  	[sflag:s20] =	ssyncadd.s32 $0xFFFFEC00;
	(pc) =	sbr.rel @p0 .LBB2_9-.Ltmp3, $4  }
0x50: {  	[tilespmem:s21], [sflag:$0x3] =	stream.linear.gather [hbm4b:s15+s2], $0x1400, $0x38;
	[tilespmem:$0x1E800] =	vst v63  }
0x51: {  	_ =	swait.ge [sflag:s20], $0x1400  }
0x52: {  	[sflag:s20] =	ssyncset.done $0x0  }
0x53: {  	s0 =	simm.s32 $0x0;
	[sflag:s20] =	ssyncadd.s32 $0xFFFFEC00  }
0x54: {  	[tilespmem:s19], [sflag:$0x1] =	stream.indirect.gather [hbm4b:s4+s22], $0x80, s0, s22, $0xb8;
	[tilespmem:$0x1E800] =	vst v63  }
0x55: {  	_ =	swait.ge [sflag:s23], $0x4000  }
0x56: {  	[sflag:s23] =	ssyncset.done $0x0  }
0x57: {  	s6 =	simm.s32 $0x80;
	[sflag:s23] =	ssyncadd.s32 $0xFFFFC000  }
0x58: {  	[tilespmem:s24], [sflag:$0x2] =	stream.indirect.gather [hbm4b:s4+s22], $0x80, s6, s22, $0xb8;
	[tilespmem:$0x1E800] =	vst v63  }
0x59: {  	s6 =	simm.s32 $0x1400  }
0x5a: {  	[spmem:s1] =	stream.indirect.scatter.add.f32 [tilespmem:s19], [sflag:$0x3], $0x80, s6, s22, $0xb8;
	[tilespmem:$0x1E800] =	vst v63  }
0x5b: {  	_ =	swait.ge [sflag:s20], $0x4000  }
0x5c: {  	[sflag:s20] =	ssyncset.done $0x0  }
0x5d: {  	[sflag:s20] =	ssyncadd.s32 $0xFFFFC000  }
0x5e: {  	_ =	swait.ge [sflag:s25], $0x4000  }
0x5f: {  	[sflag:s25] =	ssyncset.done $0x0  }
0x60: {  	s6 =	simm.s32 $0x100;
	[sflag:s25] =	ssyncadd.s32 $0xFFFFC000  }
0x61: {  	[tilespmem:s19], [sflag:$0x1] =	stream.indirect.gather [hbm4b:s4+s22], $0x80, s6, s22, $0xb8;
	[tilespmem:$0x1E800] =	vst v63  }
0x62: {  	s6 =	simm.s32 $0x1480  }
0x63: {  	[spmem:s1] =	stream.indirect.scatter.add.f32 [tilespmem:s24], [sflag:$0x3], $0x80, s6, s22, $0xb8;
	[tilespmem:$0x1E800] =	vst v63  }
0x64: {  	_ =	swait.ge [sflag:s20], $0x4000  }
0x65: {  	s31 =	simm.s32 $0x400;
	[sflag:s20] =	ssyncset.done $0x0  }
.LBB2_5:
0x66: {  	p1 =	sne.s32 s31, $0x4800  }
0x67: {  	[sflag:s20] =	ssyncadd.s32 $0xFFFFC000;
	s0 =	smov.u32 s31;
	s31 =	sadd.s32 $0x400, s31  }
0x68: {  	_ = 	snop  }
0x69: {  	_ =	swait.ge [sflag:s23], $0x4000  }
0x6a: {  	s0 =	sshra.s32 s0, $0x2;
	[sflag:s23] =	ssyncset.done $0x0  }
0x6b: {  	s6 =	sadd.s32 $0x80, s0;
	[sflag:s23] =	ssyncadd.s32 $0xFFFFC000  }
0x6c: {  	[tilespmem:s24], [sflag:$0x2] =	stream.indirect.gather [hbm4b:s4+s22], $0x80, s6, s22, $0xb8;
	[tilespmem:$0x1E800] =	vst v63  }
0x6d: {  	s6 =	sadd.s32 $0x1400, s0  }
0x6e: {  	[spmem:s1] =	stream.indirect.scatter.add.f32 [tilespmem:s19], [sflag:$0x3], $0x80, s6, s22, $0xb8;
	[tilespmem:$0x1E800] =	vst v63  }
0x6f: {  	_ =	swait.ge [sflag:s20], $0x4000  }
0x70: {  	[sflag:s20] =	ssyncset.done $0x0  }
0x71: {  	[sflag:s20] =	ssyncadd.s32 $0xFFFFC000  }
0x72: {  	_ =	swait.ge [sflag:s25], $0x4000  }
0x73: {  	[sflag:s25] =	ssyncset.done $0x0  }
0x74: {  	s6 =	sadd.s32 $0x100, s0;
	[sflag:s25] =	ssyncadd.s32 $0xFFFFC000  }
0x75: {  	[tilespmem:s19], [sflag:$0x1] =	stream.indirect.gather [hbm4b:s4+s22], $0x80, s6, s22, $0xb8;
	[tilespmem:$0x1E800] =	vst v63  }
.Ltmp4:
0x76: {  	_ = 	snop;
	(pc) =	sbr.rel @p1 .LBB2_5-.Ltmp4, $4  }
0x77: {  	s0 =	sadd.s32 $0x1480, s0  }
0x78: {  	[spmem:s1] =	stream.indirect.scatter.add.f32 [tilespmem:s24], [sflag:$0x3], $0x80, s0, s22, $0xb8;
	[tilespmem:$0x1E800] =	vst v63  }
0x79: {  	_ =	swait.ge [sflag:s20], $0x4000  }
0x7a: {  	[sflag:s20] =	ssyncset.done $0x0  }
0x7b: {  	[sflag:s20] =	ssyncadd.s32 $0xFFFFC000  }
0x7c: {  	_ =	swait.ge [sflag:s23], $0x4000  }
0x7d: {  	[sflag:s23] =	ssyncset.done $0x0  }
0x7e: {  	[sflag:s23] =	ssyncadd.s32 $0xFFFFC000  }
0x7f: {  	[tilespmem:s24], [sflag:$0x2] =	stream.indirect.gather [hbm4b:s4+s22], $0x80, s26, s22, $0xb8;
	[tilespmem:$0x1E800] =	vst v63  }
0x80: {  	_ = 	snop  }
0x81: {  	[spmem:s1] =	stream.indirect.scatter.add.f32 [tilespmem:s19], [sflag:$0x3], $0x80, s28, s22, $0xb8;
	[tilespmem:$0x1E800] =	vst v63  }
0x82: {  	_ =	swait.ge [sflag:s20], $0x4000  }
0x83: {  	[sflag:s20] =	ssyncset.done $0x0  }
0x84: {  	[sflag:s20] =	ssyncadd.s32 $0xFFFFC000  }
0x85: {  	_ =	swait.ge [sflag:s25], $0x4000  }
0x86: {  	[sflag:s25] =	ssyncset.done $0x0  }
0x87: {  	[sflag:s25] =	ssyncadd.s32 $0xFFFFC000  }
0x88: {  	[spmem:s1] =	stream.indirect.scatter.add.f32 [tilespmem:s24], [sflag:$0x3], $0x80, s29, s22, $0xb8;
	[tilespmem:$0x1E800] =	vst v63  }
0x89: {  	_ =	swait.ge [sflag:s20], $0x4000  }
0x8a: {  	[sflag:s20] =	ssyncset.done $0x0  }
0x8b: {  	s0 =	simm.s32 $0x0;
	[sflag:s20] =	ssyncadd.s32 $0xFFFFC000  }
0x8c: {  	[tilespmem:s0], [sflag:$0x3] =	stream.linear.gather [hbm4b:s16+s0], $0x1400, $0x38;
	[tilespmem:$0x1E800] =	vst v63  }
0x8d: {  	_ =	swait.ge [sflag:s20], $0x1400  }
0x8e: {  	[sflag:s20] =	ssyncset.done $0x0  }
0x8f: {  	[sflag:s20] =	ssyncadd.s32 $0xFFFFEC00  }
0x90: {  	[tilespmem:s21], [sflag:$0x3] =	stream.linear.gather [hbm4b:s17+s0], $0x1400, $0x38;
	[tilespmem:$0x1E800] =	vst v63  }
0x91: {  	_ =	swait.ge [sflag:s20], $0x1400  }
0x92: {  	[sflag:s20] =	ssyncset.done $0x0  }
0x93: {  	[sflag:s20] =	ssyncadd.s32 $0xFFFFEC00  }
0x94: {  	[tilespmem:s19], [sflag:$0x1] =	stream.indirect.gather [hbm4b:s4+s22], $0x80, s0, s22, $0xb8;
	[tilespmem:$0x1E800] =	vst v63  }
0x95: {  	_ =	swait.ge [sflag:s23], $0x4000  }
0x96: {  	[sflag:s23] =	ssyncset.done $0x0  }
0x97: {  	s6 =	simm.s32 $0x80;
	[sflag:s23] =	ssyncadd.s32 $0xFFFFC000  }
0x98: {  	[tilespmem:s24], [sflag:$0x2] =	stream.indirect.gather [hbm4b:s4+s22], $0x80, s6, s22, $0xb8;
	[tilespmem:$0x1E800] =	vst v63  }
0x99: {  	s6 =	simm.s32 $0x1400  }
0x9a: {  	[spmem:s1] =	stream.indirect.scatter.add.f32 [tilespmem:s19], [sflag:$0x3], $0x80, s6, s22, $0xb8;
	[tilespmem:$0x1E800] =	vst v63  }
0x9b: {  	_ =	swait.ge [sflag:s20], $0x4000  }
0x9c: {  	[sflag:s20] =	ssyncset.done $0x0  }
0x9d: {  	[sflag:s20] =	ssyncadd.s32 $0xFFFFC000  }
0x9e: {  	_ =	swait.ge [sflag:s25], $0x4000  }
0x9f: {  	[sflag:s25] =	ssyncset.done $0x0  }
0xa0: {  	s6 =	simm.s32 $0x100;
	[sflag:s25] =	ssyncadd.s32 $0xFFFFC000  }
0xa1: {  	[tilespmem:s19], [sflag:$0x1] =	stream.indirect.gather [hbm4b:s4+s22], $0x80, s6, s22, $0xb8;
	[tilespmem:$0x1E800] =	vst v63  }
0xa2: {  	s6 =	simm.s32 $0x1480  }
0xa3: {  	[spmem:s1] =	stream.indirect.scatter.add.f32 [tilespmem:s24], [sflag:$0x3], $0x80, s6, s22, $0xb8;
	[tilespmem:$0x1E800] =	vst v63  }
0xa4: {  	_ =	swait.ge [sflag:s20], $0x4000  }
0xa5: {  	s31 =	simm.s32 $0x400;
	[sflag:s20] =	ssyncset.done $0x0  }
.LBB2_7:
0xa6: {  	p1 =	sne.s32 s31, $0x4800  }
0xa7: {  	[sflag:s20] =	ssyncadd.s32 $0xFFFFC000;
	s0 =	smov.u32 s31;
	s31 =	sadd.s32 $0x400, s31  }
0xa8: {  	_ = 	snop  }
0xa9: {  	_ =	swait.ge [sflag:s23], $0x4000  }
0xaa: {  	s0 =	sshra.s32 s0, $0x2;
	[sflag:s23] =	ssyncset.done $0x0  }
0xab: {  	s6 =	sadd.s32 $0x80, s0;
	[sflag:s23] =	ssyncadd.s32 $0xFFFFC000  }
0xac: {  	[tilespmem:s24], [sflag:$0x2] =	stream.indirect.gather [hbm4b:s4+s22], $0x80, s6, s22, $0xb8;
	[tilespmem:$0x1E800] =	vst v63  }
0xad: {  	s6 =	sadd.s32 $0x1400, s0  }
0xae: {  	[spmem:s1] =	stream.indirect.scatter.add.f32 [tilespmem:s19], [sflag:$0x3], $0x80, s6, s22, $0xb8;
	[tilespmem:$0x1E800] =	vst v63  }
0xaf: {  	_ =	swait.ge [sflag:s20], $0x4000  }
0xb0: {  	[sflag:s20] =	ssyncset.done $0x0  }
0xb1: {  	[sflag:s20] =	ssyncadd.s32 $0xFFFFC000  }
0xb2: {  	_ =	swait.ge [sflag:s25], $0x4000  }
0xb3: {  	[sflag:s25] =	ssyncset.done $0x0  }
0xb4: {  	s6 =	sadd.s32 $0x100, s0;
	[sflag:s25] =	ssyncadd.s32 $0xFFFFC000  }
0xb5: {  	[tilespmem:s19], [sflag:$0x1] =	stream.indirect.gather [hbm4b:s4+s22], $0x80, s6, s22, $0xb8;
	[tilespmem:$0x1E800] =	vst v63  }
.Ltmp5:
0xb6: {  	_ = 	snop;
	(pc) =	sbr.rel @p1 .LBB2_7-.Ltmp5, $4  }
0xb7: {  	s0 =	sadd.s32 $0x1480, s0  }
0xb8: {  	[spmem:s1] =	stream.indirect.scatter.add.f32 [tilespmem:s24], [sflag:$0x3], $0x80, s0, s22, $0xb8;
	[tilespmem:$0x1E800] =	vst v63  }
0xb9: {  	_ =	swait.ge [sflag:s20], $0x4000  }
0xba: {  	[sflag:s20] =	ssyncset.done $0x0  }
.Ltmp6:
0xbb: {  	[sflag:s20] =	ssyncadd.s32 $0xFFFFC000;
	(pc) =	sbr.rel .LBB2_14-.Ltmp6, $4  }
0xbc: {  	_ =	swait.ge [sflag:s23], $0x4000  }
0xbd: {  	[sflag:s23] =	ssyncset.done $0x0  }
0xbe: {  	s0 =	rddreg [dreg:$0x3];
	[sflag:s23] =	ssyncadd.s32 $0xFFFFC000  }
0xbf: {  	[tilespmem:s24], [sflag:$0x2] =	stream.indirect.gather [hbm4b:s4+s22], $0x80, s26, s22, $0xb8;
	[tilespmem:$0x1E800] =	vst v63  }
.LBB2_9:
0xc0: {  	[tilespmem:s19], [sflag:$0x1] =	stream.indirect.gather [hbm4b:s5+s22], $0x80, s0, s22, $0xb8;
	[tilespmem:$0x1E800] =	vst v63  }
0xc1: {  	_ =	swait.ge [sflag:s23], $0x4000  }
0xc2: {  	[sflag:s23] =	ssyncset.done $0x0  }
0xc3: {  	s6 =	simm.s32 $0x80;
	[sflag:s23] =	ssyncadd.s32 $0xFFFFC000  }
0xc4: {  	[tilespmem:s24], [sflag:$0x2] =	stream.indirect.gather [hbm4b:s5+s22], $0x80, s6, s22, $0xb8;
	[tilespmem:$0x1E800] =	vst v63  }
0xc5: {  	s6 =	simm.s32 $0x1400  }
0xc6: {  	[spmem:s1] =	stream.indirect.scatter.add.f32 [tilespmem:s19], [sflag:$0x3], $0x80, s6, s22, $0xb8;
	[tilespmem:$0x1E800] =	vst v63  }
0xc7: {  	_ =	swait.ge [sflag:s20], $0x4000  }
0xc8: {  	[sflag:s20] =	ssyncset.done $0x0  }
0xc9: {  	[sflag:s20] =	ssyncadd.s32 $0xFFFFC000  }
0xca: {  	_ =	swait.ge [sflag:s25], $0x4000  }
0xcb: {  	[sflag:s25] =	ssyncset.done $0x0  }
0xcc: {  	s6 =	simm.s32 $0x100;
	[sflag:s25] =	ssyncadd.s32 $0xFFFFC000  }
0xcd: {  	[tilespmem:s19], [sflag:$0x1] =	stream.indirect.gather [hbm4b:s5+s22], $0x80, s6, s22, $0xb8;
	[tilespmem:$0x1E800] =	vst v63  }
0xce: {  	s6 =	simm.s32 $0x1480  }
0xcf: {  	[spmem:s1] =	stream.indirect.scatter.add.f32 [tilespmem:s24], [sflag:$0x3], $0x80, s6, s22, $0xb8;
	[tilespmem:$0x1E800] =	vst v63  }
0xd0: {  	_ =	swait.ge [sflag:s20], $0x4000  }
0xd1: {  	s31 =	simm.s32 $0x400;
	[sflag:s20] =	ssyncset.done $0x0  }
.LBB2_10:
0xd2: {  	p1 =	sne.s32 s31, $0x4800  }
0xd3: {  	[sflag:s20] =	ssyncadd.s32 $0xFFFFC000;
	s0 =	smov.u32 s31;
	s31 =	sadd.s32 $0x400, s31  }
0xd4: {  	_ = 	snop  }
0xd5: {  	_ =	swait.ge [sflag:s23], $0x4000  }
0xd6: {  	s0 =	sshra.s32 s0, $0x2;
	[sflag:s23] =	ssyncset.done $0x0  }
0xd7: {  	s6 =	sadd.s32 $0x80, s0;
	[sflag:s23] =	ssyncadd.s32 $0xFFFFC000  }
0xd8: {  	[tilespmem:s24], [sflag:$0x2] =	stream.indirect.gather [hbm4b:s5+s22], $0x80, s6, s22, $0xb8;
	[tilespmem:$0x1E800] =	vst v63  }
0xd9: {  	s6 =	sadd.s32 $0x1400, s0  }
0xda: {  	[spmem:s1] =	stream.indirect.scatter.add.f32 [tilespmem:s19], [sflag:$0x3], $0x80, s6, s22, $0xb8;
	[tilespmem:$0x1E800] =	vst v63  }
0xdb: {  	_ =	swait.ge [sflag:s20], $0x4000  }
0xdc: {  	[sflag:s20] =	ssyncset.done $0x0  }
0xdd: {  	[sflag:s20] =	ssyncadd.s32 $0xFFFFC000  }
0xde: {  	_ =	swait.ge [sflag:s25], $0x4000  }
0xdf: {  	[sflag:s25] =	ssyncset.done $0x0  }
0xe0: {  	s6 =	sadd.s32 $0x100, s0;
	[sflag:s25] =	ssyncadd.s32 $0xFFFFC000  }
0xe1: {  	[tilespmem:s19], [sflag:$0x1] =	stream.indirect.gather [hbm4b:s5+s22], $0x80, s6, s22, $0xb8;
	[tilespmem:$0x1E800] =	vst v63  }
.Ltmp7:
0xe2: {  	_ = 	snop;
	(pc) =	sbr.rel @p1 .LBB2_10-.Ltmp7, $4  }
0xe3: {  	s0 =	sadd.s32 $0x1480, s0  }
0xe4: {  	[spmem:s1] =	stream.indirect.scatter.add.f32 [tilespmem:s24], [sflag:$0x3], $0x80, s0, s22, $0xb8;
	[tilespmem:$0x1E800] =	vst v63  }
0xe5: {  	_ =	swait.ge [sflag:s20], $0x4000  }
0xe6: {  	[sflag:s20] =	ssyncset.done $0x0  }
0xe7: {  	[sflag:s20] =	ssyncadd.s32 $0xFFFFC000  }
0xe8: {  	_ =	swait.ge [sflag:s23], $0x4000  }
0xe9: {  	[sflag:s23] =	ssyncset.done $0x0  }
0xea: {  	[sflag:s23] =	ssyncadd.s32 $0xFFFFC000  }
0xeb: {  	[tilespmem:s24], [sflag:$0x2] =	stream.indirect.gather [hbm4b:s5+s22], $0x80, s26, s22, $0xb8;
	[tilespmem:$0x1E800] =	vst v63  }
0xec: {  	_ = 	snop  }
0xed: {  	[spmem:s1] =	stream.indirect.scatter.add.f32 [tilespmem:s19], [sflag:$0x3], $0x80, s28, s22, $0xb8;
	[tilespmem:$0x1E800] =	vst v63  }
0xee: {  	_ =	swait.ge [sflag:s20], $0x4000  }
0xef: {  	[sflag:s20] =	ssyncset.done $0x0  }
0xf0: {  	[sflag:s20] =	ssyncadd.s32 $0xFFFFC000  }
0xf1: {  	_ =	swait.ge [sflag:s25], $0x4000  }
0xf2: {  	[sflag:s25] =	ssyncset.done $0x0  }
0xf3: {  	[sflag:s25] =	ssyncadd.s32 $0xFFFFC000  }
0xf4: {  	[spmem:s1] =	stream.indirect.scatter.add.f32 [tilespmem:s24], [sflag:$0x3], $0x80, s29, s22, $0xb8;
	[tilespmem:$0x1E800] =	vst v63  }
0xf5: {  	_ =	swait.ge [sflag:s20], $0x4000  }
0xf6: {  	[sflag:s20] =	ssyncset.done $0x0  }
0xf7: {  	s0 =	simm.s32 $0x0;
	[sflag:s20] =	ssyncadd.s32 $0xFFFFC000  }
0xf8: {  	[tilespmem:s0], [sflag:$0x3] =	stream.linear.gather [hbm4b:s16+s0], $0x1400, $0x38;
	[tilespmem:$0x1E800] =	vst v63  }
0xf9: {  	_ =	swait.ge [sflag:s20], $0x1400  }
0xfa: {  	[sflag:s20] =	ssyncset.done $0x0  }
0xfb: {  	[sflag:s20] =	ssyncadd.s32 $0xFFFFEC00  }
0xfc: {  	[tilespmem:s21], [sflag:$0x3] =	stream.linear.gather [hbm4b:s17+s0], $0x1400, $0x38;
	[tilespmem:$0x1E800] =	vst v63  }
0xfd: {  	_ =	swait.ge [sflag:s20], $0x1400  }
0xfe: {  	[sflag:s20] =	ssyncset.done $0x0  }
0xff: {  	[sflag:s20] =	ssyncadd.s32 $0xFFFFEC00  }
0x100: {  	[tilespmem:s19], [sflag:$0x1] =	stream.indirect.gather [hbm4b:s5+s22], $0x80, s0, s22, $0xb8;
	[tilespmem:$0x1E800] =	vst v63  }
0x101: {  	_ =	swait.ge [sflag:s23], $0x4000  }
0x102: {  	[sflag:s23] =	ssyncset.done $0x0  }
0x103: {  	s6 =	simm.s32 $0x80;
	[sflag:s23] =	ssyncadd.s32 $0xFFFFC000  }
0x104: {  	[tilespmem:s24], [sflag:$0x2] =	stream.indirect.gather [hbm4b:s5+s22], $0x80, s6, s22, $0xb8;
	[tilespmem:$0x1E800] =	vst v63  }
0x105: {  	s6 =	simm.s32 $0x1400  }
0x106: {  	[spmem:s1] =	stream.indirect.scatter.add.f32 [tilespmem:s19], [sflag:$0x3], $0x80, s6, s22, $0xb8;
	[tilespmem:$0x1E800] =	vst v63  }
0x107: {  	_ =	swait.ge [sflag:s20], $0x4000  }
0x108: {  	[sflag:s20] =	ssyncset.done $0x0  }
0x109: {  	[sflag:s20] =	ssyncadd.s32 $0xFFFFC000  }
0x10a: {  	_ =	swait.ge [sflag:s25], $0x4000  }
0x10b: {  	[sflag:s25] =	ssyncset.done $0x0  }
0x10c: {  	s6 =	simm.s32 $0x100;
	[sflag:s25] =	ssyncadd.s32 $0xFFFFC000  }
0x10d: {  	[tilespmem:s19], [sflag:$0x1] =	stream.indirect.gather [hbm4b:s5+s22], $0x80, s6, s22, $0xb8;
	[tilespmem:$0x1E800] =	vst v63  }
0x10e: {  	s6 =	simm.s32 $0x1480  }
0x10f: {  	[spmem:s1] =	stream.indirect.scatter.add.f32 [tilespmem:s24], [sflag:$0x3], $0x80, s6, s22, $0xb8;
	[tilespmem:$0x1E800] =	vst v63  }
0x110: {  	_ =	swait.ge [sflag:s20], $0x4000  }
0x111: {  	s31 =	simm.s32 $0x400;
	[sflag:s20] =	ssyncset.done $0x0  }
.LBB2_12:
0x112: {  	p1 =	sne.s32 s31, $0x4800  }
0x113: {  	[sflag:s20] =	ssyncadd.s32 $0xFFFFC000;
	s0 =	smov.u32 s31;
	s31 =	sadd.s32 $0x400, s31  }
0x114: {  	_ = 	snop  }
0x115: {  	_ =	swait.ge [sflag:s23], $0x4000  }
0x116: {  	s0 =	sshra.s32 s0, $0x2;
	[sflag:s23] =	ssyncset.done $0x0  }
0x117: {  	s6 =	sadd.s32 $0x80, s0;
	[sflag:s23] =	ssyncadd.s32 $0xFFFFC000  }
0x118: {  	[tilespmem:s24], [sflag:$0x2] =	stream.indirect.gather [hbm4b:s5+s22], $0x80, s6, s22, $0xb8;
	[tilespmem:$0x1E800] =	vst v63  }
0x119: {  	s6 =	sadd.s32 $0x1400, s0  }
0x11a: {  	[spmem:s1] =	stream.indirect.scatter.add.f32 [tilespmem:s19], [sflag:$0x3], $0x80, s6, s22, $0xb8;
	[tilespmem:$0x1E800] =	vst v63  }
0x11b: {  	_ =	swait.ge [sflag:s20], $0x4000  }
0x11c: {  	[sflag:s20] =	ssyncset.done $0x0  }
0x11d: {  	[sflag:s20] =	ssyncadd.s32 $0xFFFFC000  }
0x11e: {  	_ =	swait.ge [sflag:s25], $0x4000  }
0x11f: {  	[sflag:s25] =	ssyncset.done $0x0  }
0x120: {  	s6 =	sadd.s32 $0x100, s0;
	[sflag:s25] =	ssyncadd.s32 $0xFFFFC000  }
0x121: {  	[tilespmem:s19], [sflag:$0x1] =	stream.indirect.gather [hbm4b:s5+s22], $0x80, s6, s22, $0xb8;
	[tilespmem:$0x1E800] =	vst v63  }
.Ltmp8:
0x122: {  	_ = 	snop;
	(pc) =	sbr.rel @p1 .LBB2_12-.Ltmp8, $4  }
0x123: {  	s0 =	sadd.s32 $0x1480, s0  }
0x124: {  	[spmem:s1] =	stream.indirect.scatter.add.f32 [tilespmem:s24], [sflag:$0x3], $0x80, s0, s22, $0xb8;
	[tilespmem:$0x1E800] =	vst v63  }
0x125: {  	_ =	swait.ge [sflag:s20], $0x4000  }
0x126: {  	[sflag:s20] =	ssyncset.done $0x0  }
.Ltmp9:
0x127: {  	_ = 	snop;
	(pc) =	sbr.rel .LBB2_13-.Ltmp9, $1  }
0x128: {  	_ =	sdelay $0x3  }
.LBB2_15:
0x129: {  	_ =	sfence.sel $0x180000  }
0x12a: {  	[bflag:$0x0] =	sbarrier.arrive $0xFFFF  }
0x12b: {  	_ =	strace $0x9000004D  }
0x12c: {  	[bflag:$0x2] =	sbarrier.arrive $0xFFFF  }
0x12d: {  	p0 =	sne.s32 s3, $0x0;
	s0 =	rddreg [dreg:$0x2]  }
0x12e: {  	s0 =	sadd.s32 @!p0 $0x100000, s0  }
0x12f: {  	[sflag:s0] =	ssyncadd.tile.s32 @!p0 $0x1;
	_ =	shalt  }
.Lfunc_end2:
_tile_overlayer_lowered:
.L_overlay_start_2:
0x130: {  	(tag) =	ssettag $0x2  }
0x131: {  	s0 =	rddreg [dreg:$0x0];
	s2 =	stileid.u32  }
0x132: {  	s1 =	rddreg [dreg:$0x1];
	p0 =	sne.s32 s2, $0x0  }
0x133: {  	s3 =	rddreg [dreg:$0x2];
	[bflag:$0x3] =	sbarrier.arrive $0xFFFF;
	s2 =	simm.s32 @!p0 $0x1C03  }
0x134: {  	[timem:s3], [sflag:s2] =	dma.local @!p0 [hbm:s0], s1  }
0x135: {  	s0 =	simm.s32 @!p0 $0x3  }
0x136: {  	_ =	swait.ge @!p0 [sflag:s0], s1  }
0x137: {  	s1 =	ssub.s32 @!p0 $0x0, s1;
	[sflag:s0] =	ssyncset.done @!p0 $0x0  }
0x138: {  	[sflag:s0] =	ssyncadd.s32 @!p0 s1  }
0x139: {  	[bflag:$0x3] =	sbarrier.arrive $0xFFFF  }
0x13a: {  	_ =	shalt  }

// kernel: kernel.8.cloned.1.call-start
scs
__scs_entry_jumppad:
0x0: {  	(pc) =	sbr.rel $0x88, $3  }
0x1: {  	(tag) =	ssettag $0x0;
	lr =	simm.s32 $0x1  }
0x2: {  	[smem:$0x3F89] =	sst lr;
	_ =	strace $0xD0000000  }
0x3: {  	_ = 	snop  }
0x4: {  	_ = 	snop  }
0x5: {  	_ = 	snop  }
0x6: {  	_ = 	snop  }
0x7: {  	_ = 	snop  }
__scs_overlays_trampoline_lowered:
0x8: {  	[smem:$0x3F98] =	sst s0  }
0x9: {  	[smem:$0x3F99] =	sst s1  }
0xa: {  	[smem:$0x3F9A] =	sst s2  }
0xb: {  	[smem:$0x3F9B] =	sst s3  }
0xc: {  	[smem:$0x3F9C] =	sst s4  }
0xd: {  	[smem:$0x3F9D] =	sst s5  }
0xe: {  	[smem:$0x3F9E] =	sst s6  }
0xf: {  	[smem:$0x3F9F] =	sst s7  }
0x10: {  	[smem:$0x3FA0] =	sst s8  }
0x11: {  	[smem:$0x3FA1] =	sst s9;
	s0 =	simm.s32 @!p0 $0x0  }
0x12: {  	s1 =	sld [smem:$0x3F87];
	s0 =	simm.s32 @p0 $0x1  }
0x13: {  	[smem:$0x3FA2] =	sst s0;
	s0 =	simm.s32 @!p1 $0x0  }
0x14: {  	s2 =	sld [smem:$0x3F86];
	s0 =	simm.s32 @p1 $0x1  }
0x15: {  	[smem:$0x3FA3] =	sst s0;
	s0 =	simm.s32 @!p2 $0x0  }
0x16: {  	s3 =	sld [smem:$0x3FDB];
	s0 =	simm.s32 @p2 $0x1  }
0x17: {  	s4 =	simm.s32 $0x1BF5;
	[smem:$0x3FA5] =	sst s0  }
0x18: {  	s0 =	sld [smem:$0x3F88];
	_ =	swait.ge [sflag:s4], $0x0  }
0x19: {  	s7 =	sld [smem:$0x3F89]  }
0x1a: {  	s8 =	sadd.s32 $0xFFFFE003, lr  }
0x1b: {  	s9 =	sadd.s32 $0xFFFFFEF7, lr;
	s5 =	simm.s32 $0xFFFFFFFF;
	p2 =	slt.u32 s8, $0xFFFFF086  }
0x1c: {  	p1 =	slt.u32 s9, $0xF7A;
	s5 =	simm.s32 @!p2 $0x0  }
0x1d: {  	s5 =	simm.s32 @p1 $0x1;
	p0 =	seq.s32 s7, s2  }
0x1e: {  	s7 =	smul.u32 @!p0 $0xF7A, s2;
	p2 =	seq.s32 @!p0 s5, $0x0  }
0x1f: {  	s9 =	smul.u32 $0xF7A, s1;
	s8 =	simm.s32 @!p0 $0x1BF5;
	p2 =	por !p2, p0  }
0x20: {  	[sflag:s8] =	ssyncset.s32 @!p0 $0xFFFFF086;
	s6 =	sadd.s32 @!p0 s3, s7;
	s7 =	simm.s32 @!p0 $0x108  }
0x21: {  	s3 =	sadd.s32 s3, s9;
	s6 =	sadd.s32 @!p0 $0x88, s6;
	s7 =	simm.s32 @p2 $0x1082  }
0x22: {  	[simem:s7], [sflag:s8] =	dma.local @!p0 [hbm:s6], $0xF7A  }
0x23: {  	s9 =	sor.u32 $0xD0000000, s2;
	s6 =	simm.s32 $0x108;
	_ =	swait.ge @!p0 [sflag:s8], $0x0  }
0x24: {  	s3 =	sadd.s32 $0x88, s3;
	s6 =	simm.s32 @!p1 $0x1082;
	[sflag:s4] =	ssyncset.s32 $0xFFFFF086  }
0x25: {  	[simem:s6], [sflag:s4] =	dma.local [hbm:s3], $0xF7A  }
0x26: {  	[smem:$0x3F89] =	sst s1;
	(tag) =	ssettag s2;
	_ =	strace s9  }
0x27: {  	s1 =	sld [smem:$0x3F99]  }
0x28: {  	s2 =	sld [smem:$0x3F9A]  }
0x29: {  	s4 =	sld [smem:$0x3F9C]  }
0x2a: {  	p0 =	seq.s32 s5, $0x0;
	s5 =	sld [smem:$0x3F9D]  }
0x2b: {  	s6 =	sld [smem:$0x3F9E]  }
0x2c: {  	s7 =	sld [smem:$0x3F9F]  }
0x2d: {  	s3 =	simm.s32 $0x108;
	s8 =	sld [smem:$0x3FA0]  }
0x2e: {  	s3 =	simm.s32 @!p0 $0x1082;
	s9 =	sld [smem:$0x3FA1]  }
0x2f: {  	lr =	sadd.s32 s0, s3;
	s0 =	sld [smem:$0x3F98]  }
0x30: {  	s3 =	sld [smem:$0x3F9B]  }
0x31: {  	[smem:$0x3FA4] =	sst s10  }
0x32: {  	s10 =	sld [smem:$0x3FA2];
	_ =	sdelay $0x3  }
0x33: {  	p0 =	seq.s32 s10, $0x1;
	s10 =	sld [smem:$0x3FA4];
	_ =	sdelay $0x3  }
0x34: {  	[smem:$0x3FA4] =	sst s10  }
0x35: {  	s10 =	sld [smem:$0x3FA3];
	_ =	sdelay $0x3  }
0x36: {  	p1 =	seq.s32 s10, $0x1;
	s10 =	sld [smem:$0x3FA4];
	_ =	sdelay $0x3  }
0x37: {  	[smem:$0x3FA4] =	sst s10  }
0x38: {  	s10 =	sld [smem:$0x3FA5]  }
0x39: {  	_ = 	snop;
	(pc) =	sbr.ind lr, $3  }
0x3a: {  	_ = 	snop  }
0x3b: {  	_ = 	snop  }
0x3c: {  	p2 =	seq.s32 s10, $0x1;
	s10 =	sld [smem:$0x3FA4]  }
0x3d: {  	_ =	shalt  }
0x3e: {  	_ =	shalt  }
0x3f: {  	_ =	shalt  }
0x40: {  	_ =	shalt  }
0x41: {  	_ =	shalt  }
0x42: {  	_ =	shalt  }
0x43: {  	_ =	shalt  }
0x44: {  	_ =	shalt  }
0x45: {  	_ =	shalt  }
0x46: {  	_ =	shalt  }
0x47: {  	_ =	shalt  }
0x48: {  	_ =	shalt  }
0x49: {  	_ =	shalt  }
0x4a: {  	_ =	shalt  }
0x4b: {  	_ =	shalt  }
0x4c: {  	_ =	shalt  }
0x4d: {  	_ =	shalt  }
0x4e: {  	_ =	shalt  }
0x4f: {  	_ =	shalt  }
0x50: {  	_ =	shalt  }
0x51: {  	_ =	shalt  }
0x52: {  	_ =	shalt  }
0x53: {  	_ =	shalt  }
0x54: {  	_ =	shalt  }
0x55: {  	_ =	shalt  }
0x56: {  	_ =	shalt  }
0x57: {  	_ =	shalt  }
0x58: {  	_ =	shalt  }
0x59: {  	_ =	shalt  }
0x5a: {  	_ =	shalt  }
0x5b: {  	_ =	shalt  }
0x5c: {  	_ =	shalt  }
0x5d: {  	_ =	shalt  }
0x5e: {  	_ =	shalt  }
0x5f: {  	_ =	shalt  }
0x60: {  	_ =	shalt  }
0x61: {  	_ =	shalt  }
0x62: {  	_ =	shalt  }
0x63: {  	_ =	shalt  }
0x64: {  	_ =	shalt  }
0x65: {  	_ =	shalt  }
0x66: {  	_ =	shalt  }
0x67: {  	_ =	shalt  }
0x68: {  	_ =	shalt  }
0x69: {  	_ =	shalt  }
0x6a: {  	_ =	shalt  }
0x6b: {  	_ =	shalt  }
0x6c: {  	_ =	shalt  }
0x6d: {  	_ =	shalt  }
0x6e: {  	_ =	shalt  }
0x6f: {  	_ =	shalt  }
0x70: {  	_ =	shalt  }
0x71: {  	_ =	shalt  }
0x72: {  	_ =	shalt  }
0x73: {  	_ =	shalt  }
0x74: {  	_ =	shalt  }
0x75: {  	_ =	shalt  }
0x76: {  	_ =	shalt  }
0x77: {  	_ =	shalt  }
0x78: {  	_ =	shalt  }
0x79: {  	_ =	shalt  }
0x7a: {  	_ =	shalt  }
0x7b: {  	_ =	shalt  }
0x7c: {  	_ =	shalt  }
0x7d: {  	_ =	shalt  }
0x7e: {  	_ =	shalt  }
0x7f: {  	_ =	shalt  }
0x80: {  	_ =	shalt  }
0x81: {  	_ =	shalt  }
0x82: {  	_ =	shalt  }
0x83: {  	_ =	shalt  }
0x84: {  	_ =	shalt  }
0x85: {  	_ =	shalt  }
0x86: {  	_ =	shalt  }
0x87: {  	_ =	shalt  }
.Lfunc_end0:
.L_simem_size_0:
called_computation_lowered:
.L_overlay_start_0:
0x88: {  	s2 =	sld [smem:$0x3FD9]  }
0x89: {  	s3 =	sld [smem:$0x3FFE];
	_ =	sdelay $0x1  }
0x8a: {  	s1 =	srdreg.scid  }
0x8b: {  	s0 =	sand.u32 $0x1, s1  }
0x8c: {  	s16 =	sshll.u32 s0, $0xA;
	s2 =	sadd.s32 s3, s2  }
0x8d: {  	s2 =	sadd.s32 s2, s16  }
0x8e: {  	[smem:$0x3FB0] =	sst s2  }
0x8f: {  	_ = 	snop  }
0x90: {  	(tm) =	ssettm $0x1  }
0x91: {  	s17 =	sld [smem:$0x3FFB];
	_ =	sdelay $0x3  }
0x92: {  	_ =	strace s17  }
0x93: {  	s2 =	sld [smem:$0x3FFC];
	_ =	sdelay $0x3  }
0x94: {  	_ =	strace s2  }
0x95: {  	s2 =	sld [smem:$0x3FFD];
	_ =	sdelay $0x3  }
0x96: {  	_ =	strace s2  }
0x97: {  	_ =	strace $0x8FFFFFFF  }
0x98: {  	s18 =	sld [smem:$0x3FDB];
	_ =	sdelay $0x1  }
0x99: {  	s19 =	simm.s32 $_scs_section_size  }
0x9a: {  	s4 =	simm.s32 $_size__tile_overlayer_lowered;
	s5 =	simm.s32 $_tile_overlayer_lowered  }
0x9b: {  	s22 =	simm.s32 $0x1BFF;
	s21 =	sshll.u32 s5, $0x1;
	s2 =	sadd.s32 s19, s18  }
0x9c: {  	s6 =	simm.s32 $0x0;
	s20 =	sshll.u32 s4, $0x1;
	s4 =	sadd.s32 s21, s2  }
0x9d: {  	[timem:s6], [sflag:s22] =	dma.local [hbm:s4], s20  }
0x9e: {  	_ =	swait.ge [sflag:s22], s20  }
0x9f: {  	s3 =	ssub.s32 $0x0, s20;
	[sflag:s22] =	ssyncset.done $0x0  }
0xa0: {  	[sflag:s22] =	ssyncadd.s32 s3;
	_ =	sdelay $0x1  }
0xa1: {  	s23 =	simm.s32 $0x1B8B  }
0xa2: {  	_ =	swait.ge [sflag:s23], $0x1  }
0xa3: {  	[sflag:s23] =	ssyncset.done $0x0  }
0xa4: {  	s25 =	simm.s32 $0x1B8E;
	s24 =	sld [smem:$0x3FFE];
	[sflag:s23] =	ssyncadd.s32 $0xFFFFFFFF  }
0xa5: {  	s26 =	simm.s32 $execute0_lowered;
	[smem:$0x3FD2] =	sst s25  }
0xa6: {  	s4 =	sshll.u32 s26, $0x1;
	_ =	strace $0x80000046;
	[dreg:$0x1] =	wrdreg $0xFFFFFFFF  }
0xa7: {  	s28 =	simm.s32 $_size_execute0_lowered;
	s2 =	sadd.s32 s2, s4;
	[dreg:$0x0] =	wrdreg $0x0  }
0xa8: {  	s4 =	sshll.u32 s28, $0x1;
	[dreg:$0x2] =	wrdreg s2  }
0xa9: {  	[dreg:$0x3] =	wrdreg s4  }
0xaa: {  	[dreg:$0x4] =	wrdreg $0xC0  }
0xab: {  	_ =	task [dreg:s6], $0x5FFFF  }
0xac: {  	[dreg:$0x1] =	wrdreg $0xFFFFFFFF  }
0xad: {  	[dreg:$0x0] =	wrdreg $0x60  }
0xae: {  	[dreg:$0x2] =	wrdreg s24  }
0xaf: {  	[dreg:$0x3] =	wrdreg $0xA8000  }
0xb0: {  	[dreg:$0x4] =	wrdreg $0x9  }
0xb1: {  	_ =	task.clear_ibuf [dreg:s6], $0x5FFFF;
	_ =	strace $0x90000046  }
0xb2: {  	s29 =	simm.s32 $0x9;
	_ =	strace $0x80000048  }
0xb3: {  	_ =	swait.ge [sflag:s29], $0x1  }
0xb4: {  	[sflag:s29] =	ssyncadd.s32 $0xFFFFFFFF  }
0xb5: {  	_ =	strace $0x90000048  }
0xb6: {  	_ =	sfence  }
0xb7: {  	s30 =	sld [smem:$0x0];
	_ =	sdelay $0x2  }
0xb8: {  	s31 =	sshll.u32 s1, $0xD;
	s1 =	sshrl.u32 s1, $0x2  }
0xb9: {  	s3 =	sand.u32 $0x4000, s31;
	s1 =	sadd.s32 s1, s30  }
0xba: {  	s0 =	sor.u32 s3, s0;
	s1 =	sshll.u32 s1, $0x11  }
0xbb: {  	s0 =	sor.u32 s1, s0  }
0xbc: {  	s0 =	sadd.s32 $0x8F2B, s0  }
0xbd: {  	[sflag:s0] =	ssyncadd.remote.s32 $0x1  }
0xbe: {  	_ =	sfence.sel $0xFFFF  }
0xbf: {  	[dreg:$0x0] =	wrdreg $0xFFFFFFFF;
	(pc) =	sbr.abs _section_cstart, $3  }
0xc0: {  	[dreg:$0x1] =	wrdreg $0xFFFFFFFF  }
0xc1: {  	_ =	task.clear_ibuf [dreg:s6], $0x2FFFF;
	_ =	strace $0x9FFFFFFF  }
0xc2: {  	(tm) =	ssettm $0x7FFFFFFF  }
0xc3: {  	_ =	shalt  }
tec
execute0_lowered:
.L_overlay_start_1:
0x0: {  	(tag) =	ssettag $0x1  }
0x1: {  	s5 =	rddreg [dreg:$0x0]  }
0x2: {  	s1 =	rddreg [dreg:$0x1];
	s3 =	simm.s32 $0x0;
	s2 =	stileid.u32  }
0x3: {  	s6 =	srdreg.scid;
	s18 =	simm.s32 $0x2800;
	s19 =	simm.s32 $0x3  }
0x4: {  	s20 =	simm.s32 $0x1400;
	s21 =	simm.s32 $0x80;
	s22 =	simm.s32 $0x6800  }
0x5: {  	s23 =	simm.s32 $0x1;
	s24 =	simm.s32 $0x2;
	s25 =	simm.s32 $0x1380  }
0x6: {  	s26 =	simm.s32 $0x2700;
	s28 =	simm.s32 $0x2780;
	s29 =	simm.s32 $0x0  }
0x7: {  	[smem:$0x7FF] =	sst s3;
	s4 =	sadd.s32 $0x10A00, s5;
	s7 =	smul.u32 $0x50000, s2  }
0x8: {  	s12 =	sadd.s32 $0xBA00, s5;
	s9 =	smul.u32 $0x2800, s2;
	s6 =	sand.u32 $0x1, s6  }
0x9: {  	s13 =	sadd.s32 $0x6A00, s5;
	_ =	strace $0x80000047;
	s8 =	ssub.s32 $0x2, s6  }
0xa: {  	p0 =	seq.s32 s6, $0x1;
	s7 =	sshrl.u32 s7, $0x2;
	s16 =	sadd.s32 s9, s5  }
0xb: {  	s10 =	sshrl.u32 s8, $0x1;
	s11 =	sshrl.u32 s9, $0x3;
	s5 =	sadd.s32 s7, s1  }
.Ltmp0:
0xc: {  	s17 =	ssub.s32 s8, s10;
	s10 =	sadd.s32 s12, s11;
	(pc) =	sbr.rel .LBB2_1-.Ltmp0, $4  }
0xd: {  	s14 =	sadd.s32 $0x280, s11;
	s11 =	sadd.s32 s13, s11;
	s15 =	sadd.s32 $0x88A00, s16  }
0xe: {  	s6 =	sadd.s32 $0x4000, s5;
	s7 =	sadd.s32 $0x8000, s5;
	s8 =	sadd.s32 $0xC000, s5  }
0xf: {  	s9 =	sadd.s32 $0x10000, s5;
	s12 =	sadd.s32 s12, s14;
	s13 =	sadd.s32 s13, s14  }
0x10: {  	v0 =	vimm.f32 $0.0e+00;
	v1 =	vimm.f32 $1.000000000e+00;
	s14 =	sadd.s32 $0x38A00, s16;
	s16 =	sadd.s32 $0x60A00, s16;
	s17 =	smax.u32 s17, $0x1  }
.LBB2_15:
0x11: {  	[sflag:s19] =	ssyncset.done $0x0  }
0x12: {  	s0 =	sshll.u32 s2, $0x6;
	[sflag:s19] =	ssyncadd.s32 $0xFFFFC000  }
0x13: {  	s30 =	sshrl.u32 s5, $0x3;
	s0 =	sor.u32 $0x1C03, s0;
	[bflag:$0x0] =	sbarrier.arrive $0xFFFF  }
0x14: {  	[hbm:s15], [sflag:s0] =	dma.local [spmem:s30], $0x2800  }
0x15: {  	_ =	swait.ge [sflag:s19], $0x2800  }
0x16: {  	[sflag:s19] =	ssyncset.done $0x0  }
0x17: {  	[sflag:s19] =	ssyncadd.s32 $0xFFFFD800  }
0x18: {  	[spmem:s5] =	stream.linear.scatter [tilespmem:s18], [sflag:$0x3], $0x4000, $0x38;
	[tilespmem:$0x1E800] =	vst v63  }
0x19: {  	_ =	swait.ge [sflag:s19], $0x4000  }
0x1a: {  	[sflag:s19] =	ssyncset.done $0x0  }
0x1b: {  	[sflag:s19] =	ssyncadd.s32 $0xFFFFC000  }
0x1c: {  	[spmem:s6] =	stream.linear.scatter [tilespmem:s18], [sflag:$0x3], $0x4000, $0x38;
	[tilespmem:$0x1E800] =	vst v63  }
0x1d: {  	_ =	swait.ge [sflag:s19], $0x4000  }
0x1e: {  	[sflag:s19] =	ssyncset.done $0x0  }
0x1f: {  	[sflag:s19] =	ssyncadd.s32 $0xFFFFC000  }
0x20: {  	[spmem:s7] =	stream.linear.scatter [tilespmem:s18], [sflag:$0x3], $0x4000, $0x38;
	[tilespmem:$0x1E800] =	vst v63  }
0x21: {  	_ =	swait.ge [sflag:s19], $0x4000  }
0x22: {  	[sflag:s19] =	ssyncset.done $0x0  }
0x23: {  	[sflag:s19] =	ssyncadd.s32 $0xFFFFC000  }
0x24: {  	[spmem:s8] =	stream.linear.scatter [tilespmem:s18], [sflag:$0x3], $0x4000, $0x38;
	[tilespmem:$0x1E800] =	vst v63  }
0x25: {  	_ =	swait.ge [sflag:s19], $0x4000  }
0x26: {  	[sflag:s19] =	ssyncset.done $0x0  }
0x27: {  	[sflag:s19] =	ssyncadd.s32 $0xFFFFC000  }
0x28: {  	[spmem:s9] =	stream.linear.scatter [tilespmem:s18], [sflag:$0x3], $0x4000, $0x38;
	[tilespmem:$0x1E800] =	vst v63  }
0x29: {  	_ =	swait.ge [sflag:s19], $0x4000  }
0x2a: {  	[sflag:s19] =	ssyncset.done $0x0  }
0x2b: {  	[sflag:s19] =	ssyncadd.s32 $0xFFFFC000  }
0x2c: {  	[bflag:$0x0] =	sbarrier.arrive $0xFFFF  }
0x2d: {  	[bflag:$0x0] =	sbarrier.arrive $0xFFFF  }
0x2e: {  	[hbm:s16], [sflag:s0] =	dma.local [spmem:s30], $0x2800  }
.LBB2_16:
0x2f: {  	s29 =	sadd.s32 $0x1, s29  }
0x30: {  	p1 =	sne.s32 s29, s17  }
.Ltmp1:
0x31: {  	_ = 	snop;
	(pc) =	sbr.rel @!p1 .LBB2_17-.Ltmp1, $4  }
0x32: {  	_ = 	snop  }
0x33: {  	_ =	swait.ge [sflag:s19], $0x2800  }
0x34: {  	[sflag:s19] =	ssyncset.done $0x0  }
0x35: {  	[sflag:s19] =	ssyncadd.s32 $0xFFFFD800  }
.LBB2_1:
.Ltmp2:
0x36: {  	(pc) =	sbr.rel @!p0 .LBB2_2-.Ltmp2, $2  }
0x37: {  	_ =	sdelay $0x2  }
0x38: {  	s30 =	sshra.s32 s3, $0x2;
	s31 =	sadd.s32 $0x200, s3  }
.LBB2_8:
0x39: {  	p1 =	sne.s32 s31, $0xFE00;
	[tilespmem:s30+$0x2870] =	vst v0  }
0x3a: {  	[tilespmem:s30+$0x2800] =	vst v0  }
0x3b: {  	[tilespmem:s30+$0x2810] =	vst v0  }
.Ltmp3:
0x3c: {  	[tilespmem:s30+$0x2820] =	vst v0;
	(pc) =	sbr.rel @p1 .LBB2_8-.Ltmp3, $4  }
0x3d: {  	[tilespmem:s30+$0x2830] =	vst v0  }
0x3e: {  	[tilespmem:s30+$0x2840] =	vst v0  }
0x3f: {  	[tilespmem:s30+$0x2850] =	vst v0  }
0x40: {  	[tilespmem:s30+$0x2860] =	vst v0;
	s30 =	sshra.s32 s31, $0x2;
	s31 =	sadd.s32 $0x200, s31  }
0x41: {  	[tilespmem:s30+$0x2870] =	vst v0  }
0x42: {  	[tilespmem:s30+$0x2800] =	vst v0  }
0x43: {  	[tilespmem:s30+$0x2810] =	vst v0  }
0x44: {  	[tilespmem:s30+$0x2820] =	vst v0  }
0x45: {  	[tilespmem:s30+$0x2830] =	vst v0  }
0x46: {  	[tilespmem:s30+$0x2840] =	vst v0  }
0x47: {  	[tilespmem:s30+$0x2850] =	vst v0  }
0x48: {  	[tilespmem:s30+$0x2860] =	vst v0;
	s30 =	simm.s32 $0x0;
	s31 =	simm.s32 $0x200  }
.LBB2_10:
0x49: {  	p1 =	sne.s32 s31, $0xFE00;
	[tilespmem:s30+$0x6870] =	vst v1  }
0x4a: {  	[tilespmem:s30+$0x6800] =	vst v1  }
0x4b: {  	[tilespmem:s30+$0x6810] =	vst v1  }
.Ltmp4:
0x4c: {  	[tilespmem:s30+$0x6820] =	vst v1;
	(pc) =	sbr.rel @p1 .LBB2_10-.Ltmp4, $4  }
0x4d: {  	[tilespmem:s30+$0x6830] =	vst v1  }
0x4e: {  	[tilespmem:s30+$0x6840] =	vst v1  }
0x4f: {  	[tilespmem:s30+$0x6850] =	vst v1  }
0x50: {  	[tilespmem:s30+$0x6860] =	vst v1;
	s30 =	sshra.s32 s31, $0x2;
	s31 =	sadd.s32 $0x200, s31  }
0x51: {  	[tilespmem:s30+$0x6870] =	vst v1  }
0x52: {  	[tilespmem:s30+$0x6800] =	vst v1  }
0x53: {  	[tilespmem:s30+$0x6810] =	vst v1  }
0x54: {  	[tilespmem:s30+$0x6820] =	vst v1  }
0x55: {  	[tilespmem:s30+$0x6830] =	vst v1  }
0x56: {  	[tilespmem:s30+$0x6840] =	vst v1  }
0x57: {  	[tilespmem:s30+$0x6850] =	vst v1  }
0x58: {  	[tilespmem:s30+$0x6860] =	vst v1  }
0x59: {  	[spmem:s5] =	stream.linear.scatter [tilespmem:s18], [sflag:$0x3], $0x4000, $0x38;
	[tilespmem:$0x1E800] =	vst v63  }
0x5a: {  	_ =	swait.ge [sflag:s19], $0x4000  }
0x5b: {  	[sflag:s19] =	ssyncset.done $0x0  }
0x5c: {  	[sflag:s19] =	ssyncadd.s32 $0xFFFFC000  }
0x5d: {  	[spmem:s6] =	stream.linear.scatter [tilespmem:s18], [sflag:$0x3], $0x4000, $0x38;
	[tilespmem:$0x1E800] =	vst v63  }
0x5e: {  	_ =	swait.ge [sflag:s19], $0x4000  }
0x5f: {  	[sflag:s19] =	ssyncset.done $0x0  }
0x60: {  	[sflag:s19] =	ssyncadd.s32 $0xFFFFC000  }
0x61: {  	[spmem:s7] =	stream.linear.scatter [tilespmem:s18], [sflag:$0x3], $0x4000, $0x38;
	[tilespmem:$0x1E800] =	vst v63  }
0x62: {  	_ =	swait.ge [sflag:s19], $0x4000  }
0x63: {  	[sflag:s19] =	ssyncset.done $0x0  }
0x64: {  	[sflag:s19] =	ssyncadd.s32 $0xFFFFC000  }
0x65: {  	[spmem:s8] =	stream.linear.scatter [tilespmem:s18], [sflag:$0x3], $0x4000, $0x38;
	[tilespmem:$0x1E800] =	vst v63  }
0x66: {  	_ =	swait.ge [sflag:s19], $0x4000  }
0x67: {  	[sflag:s19] =	ssyncset.done $0x0  }
0x68: {  	[sflag:s19] =	ssyncadd.s32 $0xFFFFC000  }
0x69: {  	[spmem:s9] =	stream.linear.scatter [tilespmem:s18], [sflag:$0x3], $0x4000, $0x38;
	[tilespmem:$0x1E800] =	vst v63  }
0x6a: {  	_ =	swait.ge [sflag:s19], $0x4000  }
0x6b: {  	[sflag:s19] =	ssyncset.done $0x0  }
0x6c: {  	[sflag:s19] =	ssyncadd.s32 $0xFFFFC000  }
0x6d: {  	s0 =	simm.s32 $0x0;
	[bflag:$0x0] =	sbarrier.arrive $0xFFFF  }
0x6e: {  	[tilespmem:s20], [sflag:$0x3] =	stream.linear.gather [hbm4b:s11+s0], $0x1400, $0x38;
	[tilespmem:$0x1E800] =	vst v63  }
0x6f: {  	_ =	swait.ge [sflag:s19], $0x1400  }
0x70: {  	[sflag:s19] =	ssyncset.done $0x0  }
0x71: {  	s31 =	simm.s32 $0x1400;
	[sflag:s19] =	ssyncadd.s32 $0xFFFFEC00  }
0x72: {  	[spmem:s1] =	stream.indirect.scatter.add.f32 [tilespmem:s22], [sflag:$0x3], $0x80, s31, s21, $0xb8;
	[tilespmem:$0x1E800] =	vst v63  }
0x73: {  	s30 =	simm.s32 $0x200;
	_ =	swait.ge [sflag:s19], $0x4000  }
.LBB2_12:
0x74: {  	s0 =	sshra.s32 s30, $0x2;
	[sflag:s19] =	ssyncset.done $0x0;
	p1 =	sne.s32 s30, $0x4E00  }
.Ltmp5:
0x75: {  	s0 =	sadd.s32 $0x1400, s0;
	[sflag:s19] =	ssyncadd.s32 $0xFFFFC000;
	(pc) =	sbr.rel @p1 .LBB2_12-.Ltmp5, $3  }
0x76: {  	[spmem:s1] =	stream.indirect.scatter.add.f32 [tilespmem:s22], [sflag:$0x3], $0x80, s0, s21, $0xb8;
	[tilespmem:$0x1E800] =	vst v63  }
0x77: {  	s30 =	sadd.s32 $0x200, s30;
	_ =	sdelay $0x1  }
0x78: {  	_ =	swait.ge [sflag:s19], $0x4000  }
0x79: {  	[sflag:s19] =	ssyncset.done $0x0  }
0x7a: {  	s0 =	simm.s32 $0x0;
	[sflag:s19] =	ssyncadd.s32 $0xFFFFC000  }
0x7b: {  	[tilespmem:s20], [sflag:$0x3] =	stream.linear.gather [hbm4b:s13+s0], $0x1400, $0x38;
	[tilespmem:$0x1E800] =	vst v63  }
0x7c: {  	_ =	swait.ge [sflag:s19], $0x1400  }
0x7d: {  	[sflag:s19] =	ssyncset.done $0x0  }
0x7e: {  	s31 =	simm.s32 $0x1400;
	[sflag:s19] =	ssyncadd.s32 $0xFFFFEC00  }
0x7f: {  	[spmem:s1] =	stream.indirect.scatter.add.f32 [tilespmem:s22], [sflag:$0x3], $0x80, s31, s21, $0xb8;
	[tilespmem:$0x1E800] =	vst v63  }
0x80: {  	s30 =	simm.s32 $0x200;
	_ =	swait.ge [sflag:s19], $0x4000  }
.LBB2_14:
0x81: {  	s0 =	sshra.s32 s30, $0x2;
	[sflag:s19] =	ssyncset.done $0x0;
	p1 =	sne.s32 s30, $0x4E00  }
.Ltmp6:
0x82: {  	s0 =	sadd.s32 $0x1400, s0;
	[sflag:s19] =	ssyncadd.s32 $0xFFFFC000;
	(pc) =	sbr.rel @p1 .LBB2_14-.Ltmp6, $3  }
0x83: {  	[spmem:s1] =	stream.indirect.scatter.add.f32 [tilespmem:s22], [sflag:$0x3], $0x80, s0, s21, $0xb8;
	[tilespmem:$0x1E800] =	vst v63  }
0x84: {  	s30 =	sadd.s32 $0x200, s30;
	_ =	sdelay $0x1  }
0x85: {  	_ =	swait.ge [sflag:s19], $0x4000  }
.Ltmp7:
0x86: {  	_ = 	snop;
	(pc) =	sbr.rel .LBB2_15-.Ltmp7, $1  }
0x87: {  	_ =	sdelay $0x3  }
.LBB2_2:
0x88: {  	p1 =	sne.s32 s31, $0xFE00;
	[tilespmem:s30+$0x2870] =	vst v0  }
0x89: {  	[tilespmem:s30+$0x2800] =	vst v0  }
0x8a: {  	[tilespmem:s30+$0x2810] =	vst v0  }
.Ltmp8:
0x8b: {  	[tilespmem:s30+$0x2820] =	vst v0;
	(pc) =	sbr.rel @p1 .LBB2_2-.Ltmp8, $4  }
0x8c: {  	[tilespmem:s30+$0x2830] =	vst v0  }
0x8d: {  	[tilespmem:s30+$0x2840] =	vst v0  }
0x8e: {  	[tilespmem:s30+$0x2850] =	vst v0  }
0x8f: {  	[tilespmem:s30+$0x2860] =	vst v0;
	s30 =	sshra.s32 s31, $0x2;
	s31 =	sadd.s32 $0x200, s31  }
0x90: {  	[tilespmem:s30+$0x2870] =	vst v0  }
0x91: {  	[tilespmem:s30+$0x2800] =	vst v0  }
0x92: {  	[tilespmem:s30+$0x2810] =	vst v0  }
0x93: {  	[tilespmem:s30+$0x2820] =	vst v0  }
0x94: {  	[tilespmem:s30+$0x2830] =	vst v0  }
0x95: {  	[tilespmem:s30+$0x2840] =	vst v0  }
0x96: {  	[tilespmem:s30+$0x2850] =	vst v0  }
0x97: {  	[tilespmem:s30+$0x2860] =	vst v0  }
0x98: {  	[spmem:s5] =	stream.linear.scatter [tilespmem:s18], [sflag:$0x3], $0x4000, $0x38;
	[tilespmem:$0x1E800] =	vst v63  }
0x99: {  	_ =	swait.ge [sflag:s19], $0x4000  }
0x9a: {  	[sflag:s19] =	ssyncset.done $0x0  }
0x9b: {  	[sflag:s19] =	ssyncadd.s32 $0xFFFFC000  }
0x9c: {  	[spmem:s6] =	stream.linear.scatter [tilespmem:s18], [sflag:$0x3], $0x4000, $0x38;
	[tilespmem:$0x1E800] =	vst v63  }
0x9d: {  	_ =	swait.ge [sflag:s19], $0x4000  }
0x9e: {  	[sflag:s19] =	ssyncset.done $0x0  }
0x9f: {  	[sflag:s19] =	ssyncadd.s32 $0xFFFFC000  }
0xa0: {  	[spmem:s7] =	stream.linear.scatter [tilespmem:s18], [sflag:$0x3], $0x4000, $0x38;
	[tilespmem:$0x1E800] =	vst v63  }
0xa1: {  	_ =	swait.ge [sflag:s19], $0x4000  }
0xa2: {  	[sflag:s19] =	ssyncset.done $0x0  }
0xa3: {  	[sflag:s19] =	ssyncadd.s32 $0xFFFFC000  }
0xa4: {  	[spmem:s8] =	stream.linear.scatter [tilespmem:s18], [sflag:$0x3], $0x4000, $0x38;
	[tilespmem:$0x1E800] =	vst v63  }
0xa5: {  	_ =	swait.ge [sflag:s19], $0x4000  }
0xa6: {  	[sflag:s19] =	ssyncset.done $0x0  }
0xa7: {  	[sflag:s19] =	ssyncadd.s32 $0xFFFFC000  }
0xa8: {  	[spmem:s9] =	stream.linear.scatter [tilespmem:s18], [sflag:$0x3], $0x4000, $0x38;
	[tilespmem:$0x1E800] =	vst v63  }
0xa9: {  	_ =	swait.ge [sflag:s19], $0x4000  }
0xaa: {  	[sflag:s19] =	ssyncset.done $0x0  }
0xab: {  	[sflag:s19] =	ssyncadd.s32 $0xFFFFC000  }
0xac: {  	s30 =	simm.s32 $0x0;
	[bflag:$0x0] =	sbarrier.arrive $0xFFFF  }
0xad: {  	[tilespmem:s30], [sflag:$0x3] =	stream.linear.gather [hbm4b:s10+s30], $0x1400, $0x38;
	[tilespmem:$0x1E800] =	vst v63  }
0xae: {  	_ =	swait.ge [sflag:s19], $0x1400  }
0xaf: {  	[sflag:s19] =	ssyncset.done $0x0  }
0xb0: {  	[sflag:s19] =	ssyncadd.s32 $0xFFFFEC00  }
0xb1: {  	[tilespmem:s20], [sflag:$0x3] =	stream.linear.gather [hbm4b:s11+s30], $0x1400, $0x38;
	[tilespmem:$0x1E800] =	vst v63  }
0xb2: {  	_ =	swait.ge [sflag:s19], $0x1400  }
0xb3: {  	[sflag:s19] =	ssyncset.done $0x0  }
0xb4: {  	[sflag:s19] =	ssyncadd.s32 $0xFFFFEC00  }
0xb5: {  	[tilespmem:s18], [sflag:$0x1] =	stream.indirect.gather [hbm4b:s4+s21], $0x80, s30, s21, $0xb8;
	[tilespmem:$0x1E800] =	vst v63  }
0xb6: {  	_ =	swait.ge [sflag:s23], $0x4000  }
0xb7: {  	[sflag:s23] =	ssyncset.done $0x0  }
0xb8: {  	s30 =	simm.s32 $0x80;
	[sflag:s23] =	ssyncadd.s32 $0xFFFFC000  }
0xb9: {  	[tilespmem:s22], [sflag:$0x2] =	stream.indirect.gather [hbm4b:s4+s21], $0x80, s30, s21, $0xb8;
	[tilespmem:$0x1E800] =	vst v63  }
0xba: {  	s30 =	simm.s32 $0x1400  }
0xbb: {  	[spmem:s1] =	stream.indirect.scatter.add.f32 [tilespmem:s18], [sflag:$0x3], $0x80, s30, s21, $0xb8;
	[tilespmem:$0x1E800] =	vst v63  }
0xbc: {  	_ =	swait.ge [sflag:s19], $0x4000  }
0xbd: {  	[sflag:s19] =	ssyncset.done $0x0  }
0xbe: {  	[sflag:s19] =	ssyncadd.s32 $0xFFFFC000  }
0xbf: {  	_ =	swait.ge [sflag:s24], $0x4000  }
0xc0: {  	[sflag:s24] =	ssyncset.done $0x0  }
0xc1: {  	s30 =	simm.s32 $0x100;
	[sflag:s24] =	ssyncadd.s32 $0xFFFFC000  }
0xc2: {  	[tilespmem:s18], [sflag:$0x1] =	stream.indirect.gather [hbm4b:s4+s21], $0x80, s30, s21, $0xb8;
	[tilespmem:$0x1E800] =	vst v63  }
0xc3: {  	s30 =	simm.s32 $0x1480  }
0xc4: {  	[spmem:s1] =	stream.indirect.scatter.add.f32 [tilespmem:s22], [sflag:$0x3], $0x80, s30, s21, $0xb8;
	[tilespmem:$0x1E800] =	vst v63  }
0xc5: {  	_ =	swait.ge [sflag:s19], $0x4000  }
0xc6: {  	s30 =	simm.s32 $0x400;
	[sflag:s19] =	ssyncset.done $0x0  }
.LBB2_4:
0xc7: {  	p1 =	sne.s32 s30, $0x4800  }
0xc8: {  	[sflag:s19] =	ssyncadd.s32 $0xFFFFC000;
	s31 =	smov.u32 s30;
	s30 =	sadd.s32 $0x400, s30  }
0xc9: {  	_ = 	snop  }
0xca: {  	_ =	swait.ge [sflag:s23], $0x4000  }
0xcb: {  	s31 =	sshra.s32 s31, $0x2;
	[sflag:s23] =	ssyncset.done $0x0  }
0xcc: {  	s0 =	sadd.s32 $0x80, s31;
	[sflag:s23] =	ssyncadd.s32 $0xFFFFC000  }
0xcd: {  	[tilespmem:s22], [sflag:$0x2] =	stream.indirect.gather [hbm4b:s4+s21], $0x80, s0, s21, $0xb8;
	[tilespmem:$0x1E800] =	vst v63  }
0xce: {  	s0 =	sadd.s32 $0x1400, s31  }
0xcf: {  	[spmem:s1] =	stream.indirect.scatter.add.f32 [tilespmem:s18], [sflag:$0x3], $0x80, s0, s21, $0xb8;
	[tilespmem:$0x1E800] =	vst v63  }
0xd0: {  	_ =	swait.ge [sflag:s19], $0x4000  }
0xd1: {  	[sflag:s19] =	ssyncset.done $0x0  }
0xd2: {  	[sflag:s19] =	ssyncadd.s32 $0xFFFFC000  }
0xd3: {  	_ =	swait.ge [sflag:s24], $0x4000  }
0xd4: {  	[sflag:s24] =	ssyncset.done $0x0  }
0xd5: {  	s0 =	sadd.s32 $0x100, s31;
	[sflag:s24] =	ssyncadd.s32 $0xFFFFC000  }
0xd6: {  	[tilespmem:s18], [sflag:$0x1] =	stream.indirect.gather [hbm4b:s4+s21], $0x80, s0, s21, $0xb8;
	[tilespmem:$0x1E800] =	vst v63  }
.Ltmp9:
0xd7: {  	_ = 	snop;
	(pc) =	sbr.rel @p1 .LBB2_4-.Ltmp9, $4  }
0xd8: {  	s0 =	sadd.s32 $0x1480, s31  }
0xd9: {  	[spmem:s1] =	stream.indirect.scatter.add.f32 [tilespmem:s22], [sflag:$0x3], $0x80, s0, s21, $0xb8;
	[tilespmem:$0x1E800] =	vst v63  }
0xda: {  	_ =	swait.ge [sflag:s19], $0x4000  }
0xdb: {  	[sflag:s19] =	ssyncset.done $0x0  }
0xdc: {  	[sflag:s19] =	ssyncadd.s32 $0xFFFFC000  }
0xdd: {  	_ =	swait.ge [sflag:s23], $0x4000  }
0xde: {  	[sflag:s23] =	ssyncset.done $0x0  }
0xdf: {  	[sflag:s23] =	ssyncadd.s32 $0xFFFFC000  }
0xe0: {  	[tilespmem:s22], [sflag:$0x2] =	stream.indirect.gather [hbm4b:s4+s21], $0x80, s25, s21, $0xb8;
	[tilespmem:$0x1E800] =	vst v63  }
0xe1: {  	_ = 	snop  }
0xe2: {  	[spmem:s1] =	stream.indirect.scatter.add.f32 [tilespmem:s18], [sflag:$0x3], $0x80, s26, s21, $0xb8;
	[tilespmem:$0x1E800] =	vst v63  }
0xe3: {  	_ =	swait.ge [sflag:s19], $0x4000  }
0xe4: {  	[sflag:s19] =	ssyncset.done $0x0  }
0xe5: {  	[sflag:s19] =	ssyncadd.s32 $0xFFFFC000  }
0xe6: {  	_ =	swait.ge [sflag:s24], $0x4000  }
0xe7: {  	[sflag:s24] =	ssyncset.done $0x0  }
0xe8: {  	[sflag:s24] =	ssyncadd.s32 $0xFFFFC000  }
0xe9: {  	[spmem:s1] =	stream.indirect.scatter.add.f32 [tilespmem:s22], [sflag:$0x3], $0x80, s28, s21, $0xb8;
	[tilespmem:$0x1E800] =	vst v63  }
0xea: {  	_ =	swait.ge [sflag:s19], $0x4000  }
0xeb: {  	[sflag:s19] =	ssyncset.done $0x0  }
0xec: {  	s0 =	simm.s32 $0x0;
	[sflag:s19] =	ssyncadd.s32 $0xFFFFC000  }
0xed: {  	[tilespmem:s0], [sflag:$0x3] =	stream.linear.gather [hbm4b:s12+s0], $0x1400, $0x38;
	[tilespmem:$0x1E800] =	vst v63  }
0xee: {  	_ =	swait.ge [sflag:s19], $0x1400  }
0xef: {  	[sflag:s19] =	ssyncset.done $0x0  }
0xf0: {  	[sflag:s19] =	ssyncadd.s32 $0xFFFFEC00  }
0xf1: {  	[tilespmem:s20], [sflag:$0x3] =	stream.linear.gather [hbm4b:s13+s0], $0x1400, $0x38;
	[tilespmem:$0x1E800] =	vst v63  }
0xf2: {  	_ =	swait.ge [sflag:s19], $0x1400  }
0xf3: {  	[sflag:s19] =	ssyncset.done $0x0  }
0xf4: {  	[sflag:s19] =	ssyncadd.s32 $0xFFFFEC00  }
0xf5: {  	[tilespmem:s18], [sflag:$0x1] =	stream.indirect.gather [hbm4b:s4+s21], $0x80, s0, s21, $0xb8;
	[tilespmem:$0x1E800] =	vst v63  }
0xf6: {  	_ =	swait.ge [sflag:s23], $0x4000  }
0xf7: {  	[sflag:s23] =	ssyncset.done $0x0  }
0xf8: {  	s31 =	simm.s32 $0x80;
	[sflag:s23] =	ssyncadd.s32 $0xFFFFC000  }
0xf9: {  	[tilespmem:s22], [sflag:$0x2] =	stream.indirect.gather [hbm4b:s4+s21], $0x80, s31, s21, $0xb8;
	[tilespmem:$0x1E800] =	vst v63  }
0xfa: {  	s31 =	simm.s32 $0x1400  }
0xfb: {  	[spmem:s1] =	stream.indirect.scatter.add.f32 [tilespmem:s18], [sflag:$0x3], $0x80, s31, s21, $0xb8;
	[tilespmem:$0x1E800] =	vst v63  }
0xfc: {  	_ =	swait.ge [sflag:s19], $0x4000  }
0xfd: {  	[sflag:s19] =	ssyncset.done $0x0  }
0xfe: {  	[sflag:s19] =	ssyncadd.s32 $0xFFFFC000  }
0xff: {  	_ =	swait.ge [sflag:s24], $0x4000  }
0x100: {  	[sflag:s24] =	ssyncset.done $0x0  }
0x101: {  	s31 =	simm.s32 $0x100;
	[sflag:s24] =	ssyncadd.s32 $0xFFFFC000  }
0x102: {  	[tilespmem:s18], [sflag:$0x1] =	stream.indirect.gather [hbm4b:s4+s21], $0x80, s31, s21, $0xb8;
	[tilespmem:$0x1E800] =	vst v63  }
0x103: {  	s31 =	simm.s32 $0x1480  }
0x104: {  	[spmem:s1] =	stream.indirect.scatter.add.f32 [tilespmem:s22], [sflag:$0x3], $0x80, s31, s21, $0xb8;
	[tilespmem:$0x1E800] =	vst v63  }
0x105: {  	_ =	swait.ge [sflag:s19], $0x4000  }
0x106: {  	s30 =	simm.s32 $0x400;
	[sflag:s19] =	ssyncset.done $0x0  }
.LBB2_6:
0x107: {  	p1 =	sne.s32 s30, $0x4800  }
0x108: {  	[sflag:s19] =	ssyncadd.s32 $0xFFFFC000;
	s0 =	smov.u32 s30;
	s30 =	sadd.s32 $0x400, s30  }
0x109: {  	_ = 	snop  }
0x10a: {  	_ =	swait.ge [sflag:s23], $0x4000  }
0x10b: {  	s0 =	sshra.s32 s0, $0x2;
	[sflag:s23] =	ssyncset.done $0x0  }
0x10c: {  	s31 =	sadd.s32 $0x80, s0;
	[sflag:s23] =	ssyncadd.s32 $0xFFFFC000  }
0x10d: {  	[tilespmem:s22], [sflag:$0x2] =	stream.indirect.gather [hbm4b:s4+s21], $0x80, s31, s21, $0xb8;
	[tilespmem:$0x1E800] =	vst v63  }
0x10e: {  	s31 =	sadd.s32 $0x1400, s0  }
0x10f: {  	[spmem:s1] =	stream.indirect.scatter.add.f32 [tilespmem:s18], [sflag:$0x3], $0x80, s31, s21, $0xb8;
	[tilespmem:$0x1E800] =	vst v63  }
0x110: {  	_ =	swait.ge [sflag:s19], $0x4000  }
0x111: {  	[sflag:s19] =	ssyncset.done $0x0  }
0x112: {  	[sflag:s19] =	ssyncadd.s32 $0xFFFFC000  }
0x113: {  	_ =	swait.ge [sflag:s24], $0x4000  }
0x114: {  	[sflag:s24] =	ssyncset.done $0x0  }
0x115: {  	s31 =	sadd.s32 $0x100, s0;
	[sflag:s24] =	ssyncadd.s32 $0xFFFFC000  }
0x116: {  	[tilespmem:s18], [sflag:$0x1] =	stream.indirect.gather [hbm4b:s4+s21], $0x80, s31, s21, $0xb8;
	[tilespmem:$0x1E800] =	vst v63  }
.Ltmp10:
0x117: {  	_ = 	snop;
	(pc) =	sbr.rel @p1 .LBB2_6-.Ltmp10, $4  }
0x118: {  	s0 =	sadd.s32 $0x1480, s0  }
0x119: {  	[spmem:s1] =	stream.indirect.scatter.add.f32 [tilespmem:s22], [sflag:$0x3], $0x80, s0, s21, $0xb8;
	[tilespmem:$0x1E800] =	vst v63  }
0x11a: {  	_ =	swait.ge [sflag:s19], $0x4000  }
0x11b: {  	[sflag:s19] =	ssyncset.done $0x0  }
0x11c: {  	[sflag:s19] =	ssyncadd.s32 $0xFFFFC000  }
0x11d: {  	_ =	swait.ge [sflag:s23], $0x4000  }
0x11e: {  	[sflag:s23] =	ssyncset.done $0x0  }
0x11f: {  	[sflag:s23] =	ssyncadd.s32 $0xFFFFC000  }
0x120: {  	[tilespmem:s22], [sflag:$0x2] =	stream.indirect.gather [hbm4b:s4+s21], $0x80, s25, s21, $0xb8;
	[tilespmem:$0x1E800] =	vst v63  }
0x121: {  	_ = 	snop  }
0x122: {  	[spmem:s1] =	stream.indirect.scatter.add.f32 [tilespmem:s18], [sflag:$0x3], $0x80, s26, s21, $0xb8;
	[tilespmem:$0x1E800] =	vst v63  }
0x123: {  	_ =	swait.ge [sflag:s19], $0x4000  }
0x124: {  	[sflag:s19] =	ssyncset.done $0x0  }
0x125: {  	[sflag:s19] =	ssyncadd.s32 $0xFFFFC000  }
0x126: {  	_ =	swait.ge [sflag:s24], $0x4000  }
0x127: {  	[sflag:s24] =	ssyncset.done $0x0  }
0x128: {  	[sflag:s24] =	ssyncadd.s32 $0xFFFFC000  }
0x129: {  	[spmem:s1] =	stream.indirect.scatter.add.f32 [tilespmem:s22], [sflag:$0x3], $0x80, s28, s21, $0xb8;
	[tilespmem:$0x1E800] =	vst v63  }
.Ltmp11:
0x12a: {  	_ =	swait.ge [sflag:s19], $0x4000;
	(pc) =	sbr.rel .LBB2_16-.Ltmp11, $4  }
0x12b: {  	[sflag:s19] =	ssyncset.done $0x0  }
0x12c: {  	s0 =	sshll.u32 s2, $0x6;
	[sflag:s19] =	ssyncadd.s32 $0xFFFFC000  }
0x12d: {  	s30 =	sshrl.u32 s5, $0x3;
	s0 =	sor.u32 $0x1C03, s0;
	[bflag:$0x0] =	sbarrier.arrive $0xFFFF  }
0x12e: {  	[hbm:s14], [sflag:s0] =	dma.local [spmem:s30], $0x2800  }
.LBB2_17:
0x12f: {  	_ =	sfence.sel $0x180000  }
0x130: {  	[bflag:$0x0] =	sbarrier.arrive $0xFFFF  }
0x131: {  	_ =	strace $0x90000047  }
0x132: {  	[bflag:$0x2] =	sbarrier.arrive $0xFFFF  }
0x133: {  	p0 =	sne.s32 s2, $0x0;
	s0 =	rddreg [dreg:$0x2]  }
0x134: {  	s0 =	sadd.s32 @!p0 $0x100000, s0  }
0x135: {  	[sflag:s0] =	ssyncadd.tile.s32 @!p0 $0x1;
	_ =	shalt  }
.Lfunc_end2:
_tile_overlayer_lowered:
.L_overlay_start_2:
0x136: {  	(tag) =	ssettag $0x2  }
0x137: {  	s0 =	rddreg [dreg:$0x0];
	s2 =	stileid.u32  }
0x138: {  	s1 =	rddreg [dreg:$0x1];
	p0 =	sne.s32 s2, $0x0  }
0x139: {  	s3 =	rddreg [dreg:$0x2];
	[bflag:$0x3] =	sbarrier.arrive $0xFFFF;
	s2 =	simm.s32 @!p0 $0x1C03  }
0x13a: {  	[timem:s3], [sflag:s2] =	dma.local @!p0 [hbm:s0], s1  }
0x13b: {  	s0 =	simm.s32 @!p0 $0x3  }
0x13c: {  	_ =	swait.ge @!p0 [sflag:s0], s1  }
0x13d: {  	s1 =	ssub.s32 @!p0 $0x0, s1;
	[sflag:s0] =	ssyncset.done @!p0 $0x0  }
0x13e: {  	[sflag:s0] =	ssyncadd.s32 @!p0 s1  }
0x13f: {  	[bflag:$0x3] =	sbarrier.arrive $0xFFFF  }
0x140: {  	_ =	shalt  }

</sc_bundles>
